<compile_context>
chip_gen: v7x
topology: tpu7x:2x2x1
jax: 0.10.2.dev20260603
libtpu: 0.0.44.dev20260713+nightly
codegen_flags: <defaults>
</compile_context>

<pallas_src>
import functools

import jax
import jax.numpy as jnp
from jax import lax
from jax.experimental import pallas as pl
from jax.experimental.pallas import tpu as pltpu
from jax.experimental.pallas import tpu_sc as plsc

_N = 10000
_E = 160000
_DIM = 256
_H = 8
_C = 32
_ROW = 144
_K = 80
_NT = 16
_EPT = _E // (2 * _NT) * 2
_NPAD = 10240
_NPT = _NPAD // _NT
_BLK = 1000


def _pre_body(x_ref, w_ref, a_ref, h_ref, asd_ref, hp_ref, ad_ref):
    h = jnp.dot(x_ref[...], w_ref[...], preferred_element_type=jnp.float32)
    asd = jnp.dot(h, a_ref[...], preferred_element_type=jnp.float32)
    h_ref[...] = h
    asd_ref[...] = asd
    hp_ref[0] = jnp.concatenate([h[:, :128], asd], axis=1)
    hp_ref[1] = jnp.concatenate([h[:, 128:], asd], axis=1)
    ad_ref[...] = jnp.concatenate(
        [asd[:, 8:16], jnp.zeros((_BLK, 8), jnp.float32)], axis=1)


def _pre_call(x, W, A):
    grid = (_N // _BLK,)
    return pl.pallas_call(
        _pre_body,
        grid=grid,
        in_specs=[
            pl.BlockSpec((_BLK, _DIM), lambda i: (i, 0)),
            pl.BlockSpec((_DIM, _DIM), lambda i: (0, 0)),
            pl.BlockSpec((_DIM, 16), lambda i: (0, 0)),
        ],
        out_specs=[
            pl.BlockSpec((_BLK, _DIM), lambda i: (i, 0)),
            pl.BlockSpec((_BLK, 16), lambda i: (i, 0)),
            pl.BlockSpec((2, _BLK, _ROW), lambda i: (0, i, 0)),
            pl.BlockSpec((_BLK, 16), lambda i: (i, 0)),
        ],
        out_shape=[
            jax.ShapeDtypeStruct((_N, _DIM), jnp.float32),
            jax.ShapeDtypeStruct((_N, 16), jnp.float32),
            jax.ShapeDtypeStruct((2, _N, _ROW), jnp.float32),
            jax.ShapeDtypeStruct((_N, 16), jnp.float32),
        ],
    )(x, W, A)


_NCH = _EPT // _K

_GD = lax.GatherDimensionNumbers(
    offset_dims=(), collapsed_slice_dims=(0,), start_index_map=(0,))


def _make_edge_kernel():
    mesh = plsc.VectorSubcoreMesh(core_axis_name="c", subcore_axis_name="s")

    @functools.partial(
        pl.kernel,
        mesh=mesh,
        out_type=jax.ShapeDtypeStruct((2 * _NPAD, _ROW), jnp.float32),
        compiler_params=pltpu.CompilerParams(use_tc_tiling_on_sc=False),
        scratch_types=[
            pltpu.VMEM_SHARED((_NPAD, _ROW), jnp.float32),
            pltpu.VMEM((3, _K), jnp.int32),
            pltpu.VMEM((3, _K), jnp.int32),
            pltpu.VMEM((3, _K, _ROW), jnp.float32),
            pltpu.VMEM((3, _K, 16), jnp.float32),
            pltpu.SemaphoreType.DMA((3,)),
            pltpu.SemaphoreType.DMA((3,)),
            pltpu.SemaphoreType.DMA((3,)),
            pltpu.SemaphoreType.DMA((3,)),
            pltpu.SemaphoreType.DMA((3,)),
        ],
    )
    def edge_kernel(hpack, adtab, src2_h, dst_h, out,
                    acc, srcidx, dstidx, rows, adrows,
                    isem_s, isem_d, gsem_r, gsem_a, ssem):
        c = lax.axis_index("c")
        s = lax.axis_index("s")
        zero16 = jnp.zeros((16,), jnp.float32)
        lane = lax.iota(jnp.int32, 16)
        ocoff = c * _NPAD
        ebase = s * _EPT

        def _ids_issue(ci, sl):
            pltpu.async_copy(src2_h.at[c, pl.ds(ebase + ci * _K, _K)],
                             srcidx.at[sl], isem_s.at[sl])
            pltpu.async_copy(dst_h.at[pl.ds(ebase + ci * _K, _K)],
                             dstidx.at[sl], isem_d.at[sl])

        def _ids_wait(ci, sl):
            pltpu.make_async_copy(src2_h.at[c, pl.ds(ebase + ci * _K, _K)],
                                  srcidx.at[sl], isem_s.at[sl]).wait()
            pltpu.make_async_copy(dst_h.at[pl.ds(ebase + ci * _K, _K)],
                                  dstidx.at[sl], isem_d.at[sl]).wait()

        def _gather_issue(sl):
            pltpu.async_copy(hpack.at[srcidx.at[sl]], rows.at[sl],
                             gsem_r.at[sl])
            pltpu.async_copy(adtab.at[dstidx.at[sl]], adrows.at[sl],
                             gsem_a.at[sl])

        def _gather_wait(sl):
            pltpu.make_async_copy(hpack.at[srcidx.at[sl]], rows.at[sl],
                                  gsem_r.at[sl]).wait()
            pltpu.make_async_copy(adtab.at[dstidx.at[sl]], adrows.at[sl],
                                  gsem_a.at[sl]).wait()

        def _scatter_issue(sl):
            pltpu.async_copy(rows.at[sl], acc.at[dstidx.at[sl]], ssem.at[sl],
                             add=True)

        def _scatter_wait(sl):
            pltpu.make_async_copy(rows.at[sl], acc.at[dstidx.at[sl]],
                                  ssem.at[sl]).wait()

        _ids_issue(0, 0)
        _ids_issue(1, 1)

        _CH = 32
        def _zrow(r, _):
            for j in range(_ROW // 16):
                rows[2, r, pl.ds(j * 16, 16)] = zero16
            return 0
        lax.fori_loop(0, _CH, _zrow, 0)

        _ids_wait(0, 0)
        _gather_issue(0)

        def _zcp(i, _):
            pltpu.sync_copy(rows.at[2, pl.ds(0, _CH)],
                            acc.at[pl.ds(s * _NPT + i * _CH, _CH)])
            return 0
        lax.fori_loop(0, _NPT // _CH, _zcp, 0)
        plsc.subcore_barrier()

        def _compute(sl):
            @plsc.parallel_loop(0, _K, 1, unroll=4)
            def _edge(e):
                va = rows[sl, e, pl.ds(128, 16)]
                vb = adrows[sl, e, :]
                t = va + vb
                t = jnp.where(t > 0, t, 0.2 * t)
                w = jnp.exp(t)
                rows[sl, e, pl.ds(128, 16)] = jnp.where(lane < 8, w, 0.0)
                for jj in range(4):
                    hidx = jnp.full((16,), c * 4 + jj, jnp.int32)
                    wj = lax.gather(
                        w, hidx[:, None], _GD, slice_sizes=(1,),
                        mode=lax.GatherScatterMode.PROMISE_IN_BOUNDS)
                    rows[sl, e, pl.ds(jj * 32, 16)] = (
                        rows[sl, e, pl.ds(jj * 32, 16)] * wj)
                    rows[sl, e, pl.ds(jj * 32 + 16, 16)] = (
                        rows[sl, e, pl.ds(jj * 32 + 16, 16)] * wj)

        def _step(ci, sl, s1, s2, guard_first):
            _gather_wait(sl)
            _ids_wait(ci + 1, s1)
            _gather_issue(s1)
            _compute(sl)
            _scatter_issue(sl)
            if guard_first:
                @pl.when(ci >= 1)
                def _():
                    _scatter_wait(s2)
            else:
                _scatter_wait(s2)
            _ids_issue(ci + 2, s2)

        def _triple(it, _):
            ci0 = 3 * it
            _step(ci0, 0, 1, 2, guard_first=True)
            _step(ci0 + 1, 1, 2, 0, guard_first=False)
            _step(ci0 + 2, 2, 0, 1, guard_first=False)
            return 0
        lax.fori_loop(0, (_NCH - 2) // 3, _triple, 0)

        _gather_wait(0)
        _ids_wait(_NCH - 1, 1)
        _gather_issue(1)
        _compute(0)
        _scatter_issue(0)
        _scatter_wait(2)

        _gather_wait(1)
        _compute(1)
        _scatter_issue(1)
        _scatter_wait(0)
        _scatter_wait(1)
        plsc.subcore_barrier()

        def _ocp(i, _):
            r0 = s * _NPT + i * _CH
            pltpu.sync_copy(acc.at[pl.ds(r0, _CH)],
                            out.at[pl.ds(ocoff + r0, _CH)])
            return 0
        lax.fori_loop(0, _NPT // _CH, _ocp, 0)

    return edge_kernel


_edge_call = _make_edge_kernel()


def _post_body(x_ref, h_ref, asd_ref, s0_ref, s1_ref, r_ref,
               bias_ref, lng_ref, lnb_ref, w1_ref, b1_ref, w2_ref, b2_ref,
               out_ref):
    aS = asd_ref[:, 0:8]
    aD = asd_ref[:, 8:16]
    t = aS + aD
    t = jnp.where(t > 0, t, 0.2 * t)
    ws = jnp.exp(t)
    wb = jnp.dot(ws, r_ref[...], preferred_element_type=jnp.float32)
    enum = jnp.concatenate([s0_ref[0, :, 0:128], s1_ref[0, :, 0:128]], axis=1)
    num = enum + wb * h_ref[...]
    den = s0_ref[0, :, 128:136] + ws
    denb = jnp.dot(den, r_ref[...], preferred_element_type=jnp.float32)
    gat = num / denb + bias_ref[...]

    v = x_ref[...] + gat
    mu = jnp.mean(v, axis=-1, keepdims=True)
    var = jnp.mean((v - mu) * (v - mu), axis=-1, keepdims=True)
    h1 = (v - mu) * lax.rsqrt(var + 1e-5) * lng_ref[...] + lnb_ref[...]

    u = jnp.dot(h1, w1_ref[...], preferred_element_type=jnp.float32) + b1_ref[...]
    g = 0.5 * u * (1.0 + lax.erf(u * 0.7071067811865476))
    f = jnp.dot(g, w2_ref[...], preferred_element_type=jnp.float32) + b2_ref[...]

    v2 = h1 + f
    mu2 = jnp.mean(v2, axis=-1, keepdims=True)
    var2 = jnp.mean((v2 - mu2) * (v2 - mu2), axis=-1, keepdims=True)
    out_ref[...] = ((v2 - mu2) * lax.rsqrt(var2 + 1e-5) * lng_ref[...]
                    + lnb_ref[...])


def _post_call(x, h, asd, slab, Rmat, gat_bias, ln_g, ln_b, W1, b1, W2, b2):
    grid = (_N // _BLK,)
    blk = lambda rows, cols: pl.BlockSpec((rows, cols), lambda i: (i, 0))
    full = lambda rows, cols: pl.BlockSpec((rows, cols), lambda i: (0, 0))
    return pl.pallas_call(
        _post_body,
        grid=grid,
        in_specs=[
            blk(_BLK, _DIM),
            blk(_BLK, _DIM),
            blk(_BLK, 16),
            pl.BlockSpec((1, _BLK, _ROW), lambda i: (0, i, 0)),
            pl.BlockSpec((1, _BLK, _ROW), lambda i: (1, i, 0)),
            full(8, _DIM),
            full(1, _DIM),
            full(1, _DIM),
            full(1, _DIM),
            full(_DIM, 4 * _DIM),
            full(1, 4 * _DIM),
            full(4 * _DIM, _DIM),
            full(1, _DIM),
        ],
        out_specs=pl.BlockSpec((_BLK, _DIM), lambda i: (i, 0)),
        out_shape=jax.ShapeDtypeStruct((_N, _DIM), jnp.float32),
    )(x, h, asd, slab, slab, Rmat, gat_bias, ln_g, ln_b, W1, b1, W2, b2)


def kernel(x, edge_index, W, att_src, att_dst, gat_bias, ln_g, ln_b,
           W1, b1, W2, b2):
    eye8 = jnp.eye(_H, dtype=jnp.float32)
    A_src = (eye8[:, None, :] * att_src[:, :, None]).reshape(_DIM, _H)
    A_dst = (eye8[:, None, :] * att_dst[:, :, None]).reshape(_DIM, _H)
    A = jnp.concatenate([A_src, A_dst], axis=1)

    h, asd, hpack2, adtab = _pre_call(x, W, A)
    hpack = hpack2.reshape(2 * _N, _ROW)

    src2 = jnp.stack([edge_index[0], edge_index[0] + _N])
    slab = _edge_call(hpack, adtab, src2, edge_index[1])

    Rmat = jnp.repeat(eye8, _C, axis=1)
    out = _post_call(x, h, asd, slab.reshape(2, _NPAD, _ROW), Rmat,
                     gat_bias.reshape(1, _DIM), ln_g.reshape(1, _DIM),
                     ln_b.reshape(1, _DIM), W1, b1.reshape(1, 4 * _DIM),
                     W2, b2.reshape(1, _DIM))
    return out

# --- scband reference (transcript-rebuilt; emitter-appended) ---
"""Pipeline reference for scband-graph-attention-aggregator-6614249636059 (READ-ONLY COPY).

The authoritative reference and input builder live on the scoring server;
editing this copy changes nothing except your own understanding.
"""

import jax, jax.numpy as jnp
import numpy as np

N = 10000
E = 160000
DIM = 256
H = 8
C = DIM // H  # 32, per-head out channels


def setup_inputs(seed: int = 0) -> dict:
    key = jax.random.key(seed)
    ks = jax.random.split(key, 12)
    x = jax.random.normal(ks[0], (N, DIM), dtype=jnp.float32)
    edge_index = jax.random.randint(ks[1], (2, E), 0, N).astype(jnp.int32)
    # GATConv params: lin weight [DIM, H*C], attention vectors a_src/a_dst [H, C], bias [H*C]
    W = jax.random.normal(ks[2], (DIM, H * C), dtype=jnp.float32) * (1.0 / np.sqrt(DIM))
    att_src = jax.random.normal(ks[3], (H, C), dtype=jnp.float32) * 0.1
    att_dst = jax.random.normal(ks[4], (H, C), dtype=jnp.float32) * 0.1
    gat_bias = jnp.zeros((H * C,), dtype=jnp.float32)
    # shared LayerNorm (same instance applied twice in the torch module)
    ln_g = jnp.ones((DIM,), dtype=jnp.float32)
    ln_b = jnp.zeros((DIM,), dtype=jnp.float32)
    # FFN
    W1 = jax.random.normal(ks[5], (DIM, 4 * DIM), dtype=jnp.float32) * (1.0 / np.sqrt(DIM))
    b1 = jnp.zeros((4 * DIM,), dtype=jnp.float32)
    W2 = jax.random.normal(ks[6], (4 * DIM, DIM), dtype=jnp.float32) * (1.0 / np.sqrt(4 * DIM))
    b2 = jnp.zeros((DIM,), dtype=jnp.float32)
    return {"x": x, "edge_index": edge_index, "W": W, "att_src": att_src,
            "att_dst": att_dst, "gat_bias": gat_bias, "ln_g": ln_g, "ln_b": ln_b,
            "W1": W1, "b1": b1, "W2": W2, "b2": b2}


def reference(x, edge_index, W, att_src, att_dst, gat_bias, ln_g, ln_b, W1, b1, W2, b2):
    # Dropout layers are identity (eval mode).
    n = x.shape[0]
    # PyG GATConv default: add self loops
    loops = jnp.arange(n, dtype=edge_index.dtype)
    src = jnp.concatenate([edge_index[0], loops])
    dst = jnp.concatenate([edge_index[1], loops])
    h = (x @ W).reshape(n, H, C)
    alpha_s = jnp.sum(h * att_src[None, :, :], axis=-1)  # [N, H]
    alpha_d = jnp.sum(h * att_dst[None, :, :], axis=-1)  # [N, H]
    e = alpha_s[src] + alpha_d[dst]                       # [Etot, H]
    e = jnp.where(e > 0, e, 0.2 * e)                      # LeakyReLU(0.2)
    m = jax.ops.segment_max(e, dst, num_segments=n)
    e = jnp.exp(e - m[dst])
    denom = jax.ops.segment_sum(e, dst, num_segments=n)
    alpha = e / denom[dst]                                # softmax over incoming edges
    msg = h[src] * alpha[:, :, None]                      # [Etot, H, C]
    out = jax.ops.segment_sum(msg, dst, num_segments=n)   # [N, H, C]
    gat_out = out.reshape(n, H * C) + gat_bias

    def ln(v):
        mu = jnp.mean(v, axis=-1, keepdims=True)
        var = jnp.var(v, axis=-1, keepdims=True)
        return (v - mu) / jnp.sqrt(var + 1e-5) * ln_g + ln_b

    h1 = ln(x + gat_out)
    ffn = jax.nn.gelu(h1 @ W1 + b1, approximate=False) @ W2 + b2
    return ln(h1 + ffn)

if __name__ == "__main__":
    import jax
    _d = setup_inputs()
    print(jax.jit(kernel)(*tuple(_d.values())))

</pallas_src>

<mosaic_0001>
#map = affine_map<(d0, d1) -> (0, 0)>
#map1 = affine_map<(d0, d1) -> (0)>
module attributes {stable_mosaic.version = 14 : i64} {
  func.func @edge_kernel(%arg0: i32, %arg1: i32, %arg2: memref<20000x144xf32, #tpu.memory_space<hbm>>, %arg3: memref<10000x16xf32, #tpu.memory_space<hbm>>, %arg4: memref<2x160000xi32, #tpu.memory_space<hbm>>, %arg5: memref<160000xi32, #tpu.memory_space<hbm>>, %arg6: memref<20480x144xf32, #tpu.memory_space<hbm>>, %arg7: memref<10240x144xf32, #tpu.memory_space<vmem_shared>>, %arg8: memref<3x80xi32, #tpu.memory_space<vmem>>, %arg9: memref<3x80xi32, #tpu.memory_space<vmem>>, %arg10: memref<3x80x144xf32, #tpu.memory_space<vmem>>, %arg11: memref<3x80x16xf32, #tpu.memory_space<vmem>>, %arg12: memref<3x!tpu.dma_semaphore, #tpu.memory_space<semaphore_mem>>, %arg13: memref<3x!tpu.dma_semaphore, #tpu.memory_space<semaphore_mem>>, %arg14: memref<3x!tpu.dma_semaphore, #tpu.memory_space<semaphore_mem>>, %arg15: memref<3x!tpu.dma_semaphore, #tpu.memory_space<semaphore_mem>>, %arg16: memref<3x!tpu.dma_semaphore, #tpu.memory_space<semaphore_mem>>) attributes {dimension_semantics = [#tpu.dimension_semantics<core_parallel>, #tpu.dimension_semantics<subcore_parallel>], iteration_bounds = array<i64: 2, 16>, scalar_prefetch = 0 : i64, scratch_operands = 10 : i64, tpu.core_type = #tpu.core_type<sc_vector_subcore>, window_params = [{transform_indices = #map}, {transform_indices = #map}, {transform_indices = #map}, {transform_indices = #map1}, {transform_indices = #map}]} {
    %broadcast_in_dim3A = arith.constant 0.000000e+00 : f32
    %broadcast_in_dim3A_0 = vector.broadcast %broadcast_in_dim3A : f32 to vector<16xf32>
    %iota3A = tpu.iota {dimensions = array<i32: 0>} : vector<16xi32>
    %mul3A = arith.constant 10240 : i32
    %mul3A_1 = arith.muli %arg0, %mul3A : i32
    %mul3A_2 = arith.constant 10000 : i32
    %mul3A_3 = arith.muli %arg1, %mul3A_2 : i32
    %add3A = arith.constant 0 : i32
    %add3A_4 = arith.addi %mul3A_3, %add3A : i32
    %dma_start3A = arith.constant 0 : i32
    %dma_start3A_5 = arith.constant 0 : i32
    %dma_start3A_6 = arith.constant 0 : i32
    %dma_start3A_7 = tpu.memref_slice %arg8[%dma_start3A, %dma_start3A_6] : memref<3x80xi32, #tpu.memory_space<vmem>> -> memref<1x80xi32, #tpu.memory_space<vmem>>
    %dma_start3A_8 = tpu.memref_squeeze %dma_start3A_7 : memref<1x80xi32, #tpu.memory_space<vmem>> -> memref<80xi32, #tpu.memory_space<vmem>>
    %dma_start3A_9 = tpu.memref_slice %arg4[%arg0, %add3A_4] : memref<2x160000xi32, #tpu.memory_space<hbm>> -> memref<1x80xi32, #tpu.memory_space<hbm>>
    %dma_start3A_10 = tpu.memref_squeeze %dma_start3A_9 : memref<1x80xi32, #tpu.memory_space<hbm>> -> memref<80xi32, #tpu.memory_space<hbm>>
    %dma_start3A_11 = tpu.memref_slice %arg12[%dma_start3A_5] : memref<3x!tpu.dma_semaphore, #tpu.memory_space<semaphore_mem>> -> memref<1x!tpu.dma_semaphore, #tpu.memory_space<semaphore_mem>>
    %dma_start3A_12 = tpu.memref_squeeze %dma_start3A_11 : memref<1x!tpu.dma_semaphore, #tpu.memory_space<semaphore_mem>> -> memref<!tpu.dma_semaphore, #tpu.memory_space<semaphore_mem>>
    %dma_start3A_13 = arith.constant 0 : i32
    %dma_start3A_14 = tpu.memref_slice %arg8[%dma_start3A, %dma_start3A_13] : memref<3x80xi32, #tpu.memory_space<vmem>> -> memref<1x80xi32, #tpu.memory_space<vmem>>
    %dma_start3A_15 = tpu.memref_squeeze %dma_start3A_14 : memref<1x80xi32, #tpu.memory_space<vmem>> -> memref<80xi32, #tpu.memory_space<vmem>>
    %dma_start3A_16 = tpu.memref_slice %arg4[%arg0, %add3A_4] : memref<2x160000xi32, #tpu.memory_space<hbm>> -> memref<1x80xi32, #tpu.memory_space<hbm>>
    %dma_start3A_17 = tpu.memref_squeeze %dma_start3A_16 : memref<1x80xi32, #tpu.memory_space<hbm>> -> memref<80xi32, #tpu.memory_space<hbm>>
    tpu.enqueue_dma source(%dma_start3A_17 : memref<80xi32, #tpu.memory_space<hbm>>) target(%dma_start3A_15 : memref<80xi32, #tpu.memory_space<vmem>>) target_semaphore(%dma_start3A_12 : memref<!tpu.dma_semaphore, #tpu.memory_space<semaphore_mem>>)
    %add3A_18 = arith.constant 0 : i32
    %add3A_19 = arith.addi %mul3A_3, %add3A_18 : i32
    %dma_start3A_20 = arith.constant 0 : i32
    %dma_start3A_21 = arith.constant 0 : i32
    %dma_start3A_22 = arith.constant 0 : i32
    %dma_start3A_23 = tpu.memref_slice %arg9[%dma_start3A_20, %dma_start3A_22] : memref<3x80xi32, #tpu.memory_space<vmem>> -> memref<1x80xi32, #tpu.memory_space<vmem>>
    %dma_start3A_24 = tpu.memref_squeeze %dma_start3A_23 : memref<1x80xi32, #tpu.memory_space<vmem>> -> memref<80xi32, #tpu.memory_space<vmem>>
    %dma_start3A_25 = tpu.memref_slice %arg5[%add3A_19] : memref<160000xi32, #tpu.memory_space<hbm>> -> memref<80xi32, #tpu.memory_space<hbm>>
    %dma_start3A_26 = tpu.memref_slice %arg13[%dma_start3A_21] : memref<3x!tpu.dma_semaphore, #tpu.memory_space<semaphore_mem>> -> memref<1x!tpu.dma_semaphore, #tpu.memory_space<semaphore_mem>>
    %dma_start3A_27 = tpu.memref_squeeze %dma_start3A_26 : memref<1x!tpu.dma_semaphore, #tpu.memory_space<semaphore_mem>> -> memref<!tpu.dma_semaphore, #tpu.memory_space<semaphore_mem>>
    %dma_start3A_28 = arith.constant 0 : i32
    %dma_start3A_29 = tpu.memref_slice %arg9[%dma_start3A_20, %dma_start3A_28] : memref<3x80xi32, #tpu.memory_space<vmem>> -> memref<1x80xi32, #tpu.memory_space<vmem>>
    %dma_start3A_30 = tpu.memref_squeeze %dma_start3A_29 : memref<1x80xi32, #tpu.memory_space<vmem>> -> memref<80xi32, #tpu.memory_space<vmem>>
    %dma_start3A_31 = tpu.memref_slice %arg5[%add3A_19] : memref<160000xi32, #tpu.memory_space<hbm>> -> memref<80xi32, #tpu.memory_space<hbm>>
    tpu.enqueue_dma source(%dma_start3A_31 : memref<80xi32, #tpu.memory_space<hbm>>) target(%dma_start3A_30 : memref<80xi32, #tpu.memory_space<vmem>>) target_semaphore(%dma_start3A_27 : memref<!tpu.dma_semaphore, #tpu.memory_space<semaphore_mem>>)
    %add3A_32 = arith.constant 80 : i32
    %add3A_33 = arith.addi %mul3A_3, %add3A_32 : i32
    %dma_start3A_34 = arith.constant 1 : i32
    %dma_start3A_35 = arith.constant 1 : i32
    %dma_start3A_36 = arith.constant 0 : i32
    %dma_start3A_37 = tpu.memref_slice %arg8[%dma_start3A_34, %dma_start3A_36] : memref<3x80xi32, #tpu.memory_space<vmem>> -> memref<1x80xi32, #tpu.memory_space<vmem>>
    %dma_start3A_38 = tpu.memref_squeeze %dma_start3A_37 : memref<1x80xi32, #tpu.memory_space<vmem>> -> memref<80xi32, #tpu.memory_space<vmem>>
    %dma_start3A_39 = tpu.memref_slice %arg4[%arg0, %add3A_33] : memref<2x160000xi32, #tpu.memory_space<hbm>> -> memref<1x80xi32, #tpu.memory_space<hbm>>
    %dma_start3A_40 = tpu.memref_squeeze %dma_start3A_39 : memref<1x80xi32, #tpu.memory_space<hbm>> -> memref<80xi32, #tpu.memory_space<hbm>>
    %dma_start3A_41 = tpu.memref_slice %arg12[%dma_start3A_35] : memref<3x!tpu.dma_semaphore, #tpu.memory_space<semaphore_mem>> -> memref<1x!tpu.dma_semaphore, #tpu.memory_space<semaphore_mem>>
    %dma_start3A_42 = tpu.memref_squeeze %dma_start3A_41 : memref<1x!tpu.dma_semaphore, #tpu.memory_space<semaphore_mem>> -> memref<!tpu.dma_semaphore, #tpu.memory_space<semaphore_mem>>
    %dma_start3A_43 = arith.constant 0 : i32
    %dma_start3A_44 = tpu.memref_slice %arg8[%dma_start3A_34, %dma_start3A_43] : memref<3x80xi32, #tpu.memory_space<vmem>> -> memref<1x80xi32, #tpu.memory_space<vmem>>
    %dma_start3A_45 = tpu.memref_squeeze %dma_start3A_44 : memref<1x80xi32, #tpu.memory_space<vmem>> -> memref<80xi32, #tpu.memory_space<vmem>>
    %dma_start3A_46 = tpu.memref_slice %arg4[%arg0, %add3A_33] : memref<2x160000xi32, #tpu.memory_space<hbm>> -> memref<1x80xi32, #tpu.memory_space<hbm>>
    %dma_start3A_47 = tpu.memref_squeeze %dma_start3A_46 : memref<1x80xi32, #tpu.memory_space<hbm>> -> memref<80xi32, #tpu.memory_space<hbm>>
    tpu.enqueue_dma source(%dma_start3A_47 : memref<80xi32, #tpu.memory_space<hbm>>) target(%dma_start3A_45 : memref<80xi32, #tpu.memory_space<vmem>>) target_semaphore(%dma_start3A_42 : memref<!tpu.dma_semaphore, #tpu.memory_space<semaphore_mem>>)
    %add3A_48 = arith.constant 80 : i32
    %add3A_49 = arith.addi %mul3A_3, %add3A_48 : i32
    %dma_start3A_50 = arith.constant 1 : i32
    %dma_start3A_51 = arith.constant 1 : i32
    %dma_start3A_52 = arith.constant 0 : i32
    %dma_start3A_53 = tpu.memref_slice %arg9[%dma_start3A_50, %dma_start3A_52] : memref<3x80xi32, #tpu.memory_space<vmem>> -> memref<1x80xi32, #tpu.memory_space<vmem>>
    %dma_start3A_54 = tpu.memref_squeeze %dma_start3A_53 : memref<1x80xi32, #tpu.memory_space<vmem>> -> memref<80xi32, #tpu.memory_space<vmem>>
    %dma_start3A_55 = tpu.memref_slice %arg5[%add3A_49] : memref<160000xi32, #tpu.memory_space<hbm>> -> memref<80xi32, #tpu.memory_space<hbm>>
    %dma_start3A_56 = tpu.memref_slice %arg13[%dma_start3A_51] : memref<3x!tpu.dma_semaphore, #tpu.memory_space<semaphore_mem>> -> memref<1x!tpu.dma_semaphore, #tpu.memory_space<semaphore_mem>>
    %dma_start3A_57 = tpu.memref_squeeze %dma_start3A_56 : memref<1x!tpu.dma_semaphore, #tpu.memory_space<semaphore_mem>> -> memref<!tpu.dma_semaphore, #tpu.memory_space<semaphore_mem>>
    %dma_start3A_58 = arith.constant 0 : i32
    %dma_start3A_59 = tpu.memref_slice %arg9[%dma_start3A_50, %dma_start3A_58] : memref<3x80xi32, #tpu.memory_space<vmem>> -> memref<1x80xi32, #tpu.memory_space<vmem>>
    %dma_start3A_60 = tpu.memref_squeeze %dma_start3A_59 : memref<1x80xi32, #tpu.memory_space<vmem>> -> memref<80xi32, #tpu.memory_space<vmem>>
    %dma_start3A_61 = tpu.memref_slice %arg5[%add3A_49] : memref<160000xi32, #tpu.memory_space<hbm>> -> memref<80xi32, #tpu.memory_space<hbm>>
    tpu.enqueue_dma source(%dma_start3A_61 : memref<80xi32, #tpu.memory_space<hbm>>) target(%dma_start3A_60 : memref<80xi32, #tpu.memory_space<vmem>>) target_semaphore(%dma_start3A_57 : memref<!tpu.dma_semaphore, #tpu.memory_space<semaphore_mem>>)
    %scan3A = arith.constant 0 : i32
    %scan3A_62 = arith.constant 0 : i32
    %scan3A_63 = arith.constant 32 : i32
    %scan3A_64 = arith.addi %scan3A_62, %scan3A_63 : i32
    %scan3A_65 = arith.constant 1 : i32
    %scan3A_66 = scf.for %scan3A_349 = %scan3A_62 to %scan3A_64 step %scan3A_65 iter_args(%scan3A_350 = %scan3A) -> (i32)  : i32 {
      %swap3A = arith.constant 2 : i32
      %swap3A_351 = arith.index_cast %swap3A : i32 to index
      %swap3A_352 = arith.index_cast %scan3A_349 : i32 to index
      %swap3A_353 = arith.constant 0 : index
      %swap3A_354 = tpu.vector_load %arg10[%swap3A_351, %swap3A_352, %swap3A_353] {strides = array<i32>} : memref<3x80x144xf32, #tpu.memory_space<vmem>>, vector<1x1x16xf32>,
      %swap3A_355 = vector.shape_cast %swap3A_354 : vector<1x1x16xf32> to vector<16xf32>
      %swap3A_356 = vector.shape_cast %broadcast_in_dim3A_0 : vector<16xf32> to vector<1x1x16xf32>
      tpu.vector_store %arg10[%swap3A_351, %swap3A_352, %swap3A_353], %swap3A_356 {strides = array<i32>} : memref<3x80x144xf32, #tpu.memory_space<vmem>>, vector<1x1x16xf32>,
      %swap3A_357 = arith.constant 2 : i32
      %swap3A_358 = arith.index_cast %swap3A_357 : i32 to index
      %swap3A_359 = arith.index_cast %scan3A_349 : i32 to index
      %swap3A_360 = arith.constant 16 : index
      %swap3A_361 = tpu.vector_load %arg10[%swap3A_358, %swap3A_359, %swap3A_360] {strides = array<i32>} : memref<3x80x144xf32, #tpu.memory_space<vmem>>, vector<1x1x16xf32>,
      %swap3A_362 = vector.shape_cast %swap3A_361 : vector<1x1x16xf32> to vector<16xf32>
      %swap3A_363 = vector.shape_cast %broadcast_in_dim3A_0 : vector<16xf32> to vector<1x1x16xf32>
      tpu.vector_store %arg10[%swap3A_358, %swap3A_359, %swap3A_360], %swap3A_363 {strides = array<i32>} : memref<3x80x144xf32, #tpu.memory_space<vmem>>, vector<1x1x16xf32>,
      %swap3A_364 = arith.constant 2 : i32
      %swap3A_365 = arith.index_cast %swap3A_364 : i32 to index
      %swap3A_366 = arith.index_cast %scan3A_349 : i32 to index
      %swap3A_367 = arith.constant 32 : index
      %swap3A_368 = tpu.vector_load %arg10[%swap3A_365, %swap3A_366, %swap3A_367] {strides = array<i32>} : memref<3x80x144xf32, #tpu.memory_space<vmem>>, vector<1x1x16xf32>,
      %swap3A_369 = vector.shape_cast %swap3A_368 : vector<1x1x16xf32> to vector<16xf32>
      %swap3A_370 = vector.shape_cast %broadcast_in_dim3A_0 : vector<16xf32> to vector<1x1x16xf32>
      tpu.vector_store %arg10[%swap3A_365, %swap3A_366, %swap3A_367], %swap3A_370 {strides = array<i32>} : memref<3x80x144xf32, #tpu.memory_space<vmem>>, vector<1x1x16xf32>,
      %swap3A_371 = arith.constant 2 : i32
      %swap3A_372 = arith.index_cast %swap3A_371 : i32 to index
      %swap3A_373 = arith.index_cast %scan3A_349 : i32 to index
      %swap3A_374 = arith.constant 48 : index
      %swap3A_375 = tpu.vector_load %arg10[%swap3A_372, %swap3A_373, %swap3A_374] {strides = array<i32>} : memref<3x80x144xf32, #tpu.memory_space<vmem>>, vector<1x1x16xf32>,
      %swap3A_376 = vector.shape_cast %swap3A_375 : vector<1x1x16xf32> to vector<16xf32>
      %swap3A_377 = vector.shape_cast %broadcast_in_dim3A_0 : vector<16xf32> to vector<1x1x16xf32>
      tpu.vector_store %arg10[%swap3A_372, %swap3A_373, %swap3A_374], %swap3A_377 {strides = array<i32>} : memref<3x80x144xf32, #tpu.memory_space<vmem>>, vector<1x1x16xf32>,
      %swap3A_378 = arith.constant 2 : i32
      %swap3A_379 = arith.index_cast %swap3A_378 : i32 to index
      %swap3A_380 = arith.index_cast %scan3A_349 : i32 to index
      %swap3A_381 = arith.constant 64 : index
      %swap3A_382 = tpu.vector_load %arg10[%swap3A_379, %swap3A_380, %swap3A_381] {strides = array<i32>} : memref<3x80x144xf32, #tpu.memory_space<vmem>>, vector<1x1x16xf32>,
      %swap3A_383 = vector.shape_cast %swap3A_382 : vector<1x1x16xf32> to vector<16xf32>
      %swap3A_384 = vector.shape_cast %broadcast_in_dim3A_0 : vector<16xf32> to vector<1x1x16xf32>
      tpu.vector_store %arg10[%swap3A_379, %swap3A_380, %swap3A_381], %swap3A_384 {strides = array<i32>} : memref<3x80x144xf32, #tpu.memory_space<vmem>>, vector<1x1x16xf32>,
      %swap3A_385 = arith.constant 2 : i32
      %swap3A_386 = arith.index_cast %swap3A_385 : i32 to index
      %swap3A_387 = arith.index_cast %scan3A_349 : i32 to index
      %swap3A_388 = arith.constant 80 : index
      %swap3A_389 = tpu.vector_load %arg10[%swap3A_386, %swap3A_387, %swap3A_388] {strides = array<i32>} : memref<3x80x144xf32, #tpu.memory_space<vmem>>, vector<1x1x16xf32>,
      %swap3A_390 = vector.shape_cast %swap3A_389 : vector<1x1x16xf32> to vector<16xf32>
      %swap3A_391 = vector.shape_cast %broadcast_in_dim3A_0 : vector<16xf32> to vector<1x1x16xf32>
      tpu.vector_store %arg10[%swap3A_386, %swap3A_387, %swap3A_388], %swap3A_391 {strides = array<i32>} : memref<3x80x144xf32, #tpu.memory_space<vmem>>, vector<1x1x16xf32>,
      %swap3A_392 = arith.constant 2 : i32
      %swap3A_393 = arith.index_cast %swap3A_392 : i32 to index
      %swap3A_394 = arith.index_cast %scan3A_349 : i32 to index
      %swap3A_395 = arith.constant 96 : index
      %swap3A_396 = tpu.vector_load %arg10[%swap3A_393, %swap3A_394, %swap3A_395] {strides = array<i32>} : memref<3x80x144xf32, #tpu.memory_space<vmem>>, vector<1x1x16xf32>,
      %swap3A_397 = vector.shape_cast %swap3A_396 : vector<1x1x16xf32> to vector<16xf32>
      %swap3A_398 = vector.shape_cast %broadcast_in_dim3A_0 : vector<16xf32> to vector<1x1x16xf32>
      tpu.vector_store %arg10[%swap3A_393, %swap3A_394, %swap3A_395], %swap3A_398 {strides = array<i32>} : memref<3x80x144xf32, #tpu.memory_space<vmem>>, vector<1x1x16xf32>,
      %swap3A_399 = arith.constant 2 : i32
      %swap3A_400 = arith.index_cast %swap3A_399 : i32 to index
      %swap3A_401 = arith.index_cast %scan3A_349 : i32 to index
      %swap3A_402 = arith.constant 112 : index
      %swap3A_403 = tpu.vector_load %arg10[%swap3A_400, %swap3A_401, %swap3A_402] {strides = array<i32>} : memref<3x80x144xf32, #tpu.memory_space<vmem>>, vector<1x1x16xf32>,
      %swap3A_404 = vector.shape_cast %swap3A_403 : vector<1x1x16xf32> to vector<16xf32>
      %swap3A_405 = vector.shape_cast %broadcast_in_dim3A_0 : vector<16xf32> to vector<1x1x16xf32>
      tpu.vector_store %arg10[%swap3A_400, %swap3A_401, %swap3A_402], %swap3A_405 {strides = array<i32>} : memref<3x80x144xf32, #tpu.memory_space<vmem>>, vector<1x1x16xf32>,
      %swap3A_406 = arith.constant 2 : i32
      %swap3A_407 = arith.index_cast %swap3A_406 : i32 to index
      %swap3A_408 = arith.index_cast %scan3A_349 : i32 to index
      %swap3A_409 = arith.constant 128 : index
      %swap3A_410 = tpu.vector_load %arg10[%swap3A_407, %swap3A_408, %swap3A_409] {strides = array<i32>} : memref<3x80x144xf32, #tpu.memory_space<vmem>>, vector<1x1x16xf32>,
      %swap3A_411 = vector.shape_cast %swap3A_410 : vector<1x1x16xf32> to vector<16xf32>
      %swap3A_412 = vector.shape_cast %broadcast_in_dim3A_0 : vector<16xf32> to vector<1x1x16xf32>
      tpu.vector_store %arg10[%swap3A_407, %swap3A_408, %swap3A_409], %swap3A_412 {strides = array<i32>} : memref<3x80x144xf32, #tpu.memory_space<vmem>>, vector<1x1x16xf32>,
      %scan3A_413 = arith.constant 0 : i32
      scf.yield %scan3A_413 : i32
    }
    %scan3A_67 = arith.constant 32 : i32
    %add3A_68 = arith.constant 0 : i32
    %add3A_69 = arith.addi %mul3A_3, %add3A_68 : i32
    %dma_wait3A = arith.constant 0 : i32
    %dma_wait3A_70 = arith.constant 0 : i32
    %dma_wait3A_71 = arith.constant 0 : i32
    %dma_wait3A_72 = tpu.memref_slice %arg8[%dma_wait3A, %dma_wait3A_71] : memref<3x80xi32, #tpu.memory_space<vmem>> -> memref<1x80xi32, #tpu.memory_space<vmem>>
    %dma_wait3A_73 = tpu.memref_squeeze %dma_wait3A_72 : memref<1x80xi32, #tpu.memory_space<vmem>> -> memref<80xi32, #tpu.memory_space<vmem>>
    %dma_wait3A_74 = tpu.memref_slice %arg4[%arg0, %add3A_69] : memref<2x160000xi32, #tpu.memory_space<hbm>> -> memref<1x80xi32, #tpu.memory_space<hbm>>
    %dma_wait3A_75 = tpu.memref_squeeze %dma_wait3A_74 : memref<1x80xi32, #tpu.memory_space<hbm>> -> memref<80xi32, #tpu.memory_space<hbm>>
    %dma_wait3A_76 = tpu.memref_slice %arg12[%dma_wait3A_70] : memref<3x!tpu.dma_semaphore, #tpu.memory_space<semaphore_mem>> -> memref<1x!tpu.dma_semaphore, #tpu.memory_space<semaphore_mem>>
    %dma_wait3A_77 = tpu.memref_squeeze %dma_wait3A_76 : memref<1x!tpu.dma_semaphore, #tpu.memory_space<semaphore_mem>> -> memref<!tpu.dma_semaphore, #tpu.memory_space<semaphore_mem>>
    %dma_wait3A_78 = arith.constant 0 : i32
    %dma_wait3A_79 = tpu.memref_slice %arg8[%dma_wait3A, %dma_wait3A_78] : memref<3x80xi32, #tpu.memory_space<vmem>> -> memref<1x80xi32, #tpu.memory_space<vmem>>
    %dma_wait3A_80 = tpu.memref_squeeze %dma_wait3A_79 : memref<1x80xi32, #tpu.memory_space<vmem>> -> memref<80xi32, #tpu.memory_space<vmem>>
    %dma_wait3A_81 = tpu.memref_slice %arg4[%arg0, %add3A_69] : memref<2x160000xi32, #tpu.memory_space<hbm>> -> memref<1x80xi32, #tpu.memory_space<hbm>>
    %dma_wait3A_82 = tpu.memref_squeeze %dma_wait3A_81 : memref<1x80xi32, #tpu.memory_space<hbm>> -> memref<80xi32, #tpu.memory_space<hbm>>
    tpu.wait_dma2 semaphore(%dma_wait3A_77 : memref<!tpu.dma_semaphore, #tpu.memory_space<semaphore_mem>>) src(%dma_wait3A_82 : memref<80xi32, #tpu.memory_space<hbm>>) dst(%dma_wait3A_80 : memref<80xi32, #tpu.memory_space<vmem>>)
    %add3A_83 = arith.constant 0 : i32
    %add3A_84 = arith.addi %mul3A_3, %add3A_83 : i32
    %dma_wait3A_85 = arith.constant 0 : i32
    %dma_wait3A_86 = arith.constant 0 : i32
    %dma_wait3A_87 = arith.constant 0 : i32
    %dma_wait3A_88 = tpu.memref_slice %arg9[%dma_wait3A_85, %dma_wait3A_87] : memref<3x80xi32, #tpu.memory_space<vmem>> -> memref<1x80xi32, #tpu.memory_space<vmem>>
    %dma_wait3A_89 = tpu.memref_squeeze %dma_wait3A_88 : memref<1x80xi32, #tpu.memory_space<vmem>> -> memref<80xi32, #tpu.memory_space<vmem>>
    %dma_wait3A_90 = tpu.memref_slice %arg5[%add3A_84] : memref<160000xi32, #tpu.memory_space<hbm>> -> memref<80xi32, #tpu.memory_space<hbm>>
    %dma_wait3A_91 = tpu.memref_slice %arg13[%dma_wait3A_86] : memref<3x!tpu.dma_semaphore, #tpu.memory_space<semaphore_mem>> -> memref<1x!tpu.dma_semaphore, #tpu.memory_space<semaphore_mem>>
    %dma_wait3A_92 = tpu.memref_squeeze %dma_wait3A_91 : memref<1x!tpu.dma_semaphore, #tpu.memory_space<semaphore_mem>> -> memref<!tpu.dma_semaphore, #tpu.memory_space<semaphore_mem>>
    %dma_wait3A_93 = arith.constant 0 : i32
    %dma_wait3A_94 = tpu.memref_slice %arg9[%dma_wait3A_85, %dma_wait3A_93] : memref<3x80xi32, #tpu.memory_space<vmem>> -> memref<1x80xi32, #tpu.memory_space<vmem>>
    %dma_wait3A_95 = tpu.memref_squeeze %dma_wait3A_94 : memref<1x80xi32, #tpu.memory_space<vmem>> -> memref<80xi32, #tpu.memory_space<vmem>>
    %dma_wait3A_96 = tpu.memref_slice %arg5[%add3A_84] : memref<160000xi32, #tpu.memory_space<hbm>> -> memref<80xi32, #tpu.memory_space<hbm>>
    tpu.wait_dma2 semaphore(%dma_wait3A_92 : memref<!tpu.dma_semaphore, #tpu.memory_space<semaphore_mem>>) src(%dma_wait3A_96 : memref<80xi32, #tpu.memory_space<hbm>>) dst(%dma_wait3A_95 : memref<80xi32, #tpu.memory_space<vmem>>)
    %dma_start3A_97 = arith.constant 0 : i32
    %dma_start3A_98 = arith.constant 0 : i32
    %dma_start3A_99 = arith.constant 0 : i32
    %dma_start3A_100 = arith.constant 0 : i32
    %dma_start3A_101 = arith.constant 0 : i32
    %dma_start3A_102 = tpu.memref_slice %arg10[%dma_start3A_98, %dma_start3A_100, %dma_start3A_101] : memref<3x80x144xf32, #tpu.memory_space<vmem>> -> memref<1x80x144xf32, #tpu.memory_space<vmem>>
    %dma_start3A_103 = tpu.memref_squeeze %dma_start3A_102 : memref<1x80x144xf32, #tpu.memory_space<vmem>> -> memref<80x144xf32, #tpu.memory_space<vmem>>
    %dma_start3A_104 = arith.constant 0 : i32
    %dma_start3A_105 = tpu.memref_slice %arg8[%dma_start3A_97, %dma_start3A_104] : memref<3x80xi32, #tpu.memory_space<vmem>> -> memref<1x80xi32, #tpu.memory_space<vmem>>
    %dma_start3A_106 = tpu.memref_squeeze %dma_start3A_105 : memref<1x80xi32, #tpu.memory_space<vmem>> -> memref<80xi32, #tpu.memory_space<vmem>>
    %dma_start3A_107 = arith.constant 0 : i32
    %dma_start3A_108 = arith.constant 0 : i32
    %dma_start3A_109 = tpu.memref_slice %arg2[%dma_start3A_107, %dma_start3A_108] : memref<20000x144xf32, #tpu.memory_space<hbm>> -> memref<20000x144xf32, #tpu.memory_space<hbm>>
    %dma_start3A_110 = tpu.memref_slice %arg14[%dma_start3A_99] : memref<3x!tpu.dma_semaphore, #tpu.memory_space<semaphore_mem>> -> memref<1x!tpu.dma_semaphore, #tpu.memory_space<semaphore_mem>>
    %dma_start3A_111 = tpu.memref_squeeze %dma_start3A_110 : memref<1x!tpu.dma_semaphore, #tpu.memory_space<semaphore_mem>> -> memref<!tpu.dma_semaphore, #tpu.memory_space<semaphore_mem>>
    tpu.enqueue_indirect_dma source(%dma_start3A_109 : memref<20000x144xf32, #tpu.memory_space<hbm>>) target(%dma_start3A_103 : memref<80x144xf32, #tpu.memory_space<vmem>>) offsets(%dma_start3A_106 : memref<80xi32, #tpu.memory_space<vmem>>) semaphore(%dma_start3A_111 : memref<!tpu.dma_semaphore, #tpu.memory_space<semaphore_mem>>)
    %dma_start3A_112 = arith.constant 0 : i32
    %dma_start3A_113 = arith.constant 0 : i32
    %dma_start3A_114 = arith.constant 0 : i32
    %dma_start3A_115 = arith.constant 0 : i32
    %dma_start3A_116 = arith.constant 0 : i32
    %dma_start3A_117 = tpu.memref_slice %arg11[%dma_start3A_113, %dma_start3A_115, %dma_start3A_116] : memref<3x80x16xf32, #tpu.memory_space<vmem>> -> memref<1x80x16xf32, #tpu.memory_space<vmem>>
    %dma_start3A_118 = tpu.memref_squeeze %dma_start3A_117 : memref<1x80x16xf32, #tpu.memory_space<vmem>> -> memref<80x16xf32, #tpu.memory_space<vmem>>
    %dma_start3A_119 = arith.constant 0 : i32
    %dma_start3A_120 = tpu.memref_slice %arg9[%dma_start3A_112, %dma_start3A_119] : memref<3x80xi32, #tpu.memory_space<vmem>> -> memref<1x80xi32, #tpu.memory_space<vmem>>
    %dma_start3A_121 = tpu.memref_squeeze %dma_start3A_120 : memref<1x80xi32, #tpu.memory_space<vmem>> -> memref<80xi32, #tpu.memory_space<vmem>>
    %dma_start3A_122 = arith.constant 0 : i32
    %dma_start3A_123 = arith.constant 0 : i32
    %dma_start3A_124 = tpu.memref_slice %arg3[%dma_start3A_122, %dma_start3A_123] : memref<10000x16xf32, #tpu.memory_space<hbm>> -> memref<10000x16xf32, #tpu.memory_space<hbm>>
    %dma_start3A_125 = tpu.memref_slice %arg15[%dma_start3A_114] : memref<3x!tpu.dma_semaphore, #tpu.memory_space<semaphore_mem>> -> memref<1x!tpu.dma_semaphore, #tpu.memory_space<semaphore_mem>>
    %dma_start3A_126 = tpu.memref_squeeze %dma_start3A_125 : memref<1x!tpu.dma_semaphore, #tpu.memory_space<semaphore_mem>> -> memref<!tpu.dma_semaphore, #tpu.memory_space<semaphore_mem>>
    tpu.enqueue_indirect_dma source(%dma_start3A_124 : memref<10000x16xf32, #tpu.memory_space<hbm>>) target(%dma_start3A_118 : memref<80x16xf32, #tpu.memory_space<vmem>>) offsets(%dma_start3A_121 : memref<80xi32, #tpu.memory_space<vmem>>) semaphore(%dma_start3A_126 : memref<!tpu.dma_semaphore, #tpu.memory_space<semaphore_mem>>)
    %scan3A_127 = arith.constant 0 : i32
    %scan3A_128 = arith.constant 0 : i32
    %scan3A_129 = arith.constant 20 : i32
    %scan3A_130 = arith.addi %scan3A_128, %scan3A_129 : i32
    %scan3A_131 = arith.constant 1 : i32
    %scan3A_132 = scf.for %scan3A_349 = %scan3A_128 to %scan3A_130 step %scan3A_131 iter_args(%scan3A_350 = %scan3A_127) -> (i32)  : i32 {
      %mul3A_351 = arith.constant 640 : i32
      %mul3A_352 = arith.muli %arg1, %mul3A_351 : i32
      %mul3A_353 = arith.constant 32 : i32
      %mul3A_354 = arith.muli %scan3A_349, %mul3A_353 : i32
      %add3A_355 = arith.addi %mul3A_352, %mul3A_354 : i32
      %run_scoped3A = arith.constant 2 : i32
      "tpu.region"() ({
        %run_scoped3A_357 = tpu.sem_alloc : memref<!tpu.dma_semaphore, #tpu.memory_space<semaphore_mem>>
        %dma_start3A_358 = arith.constant 0 : i32
        %dma_start3A_359 = arith.constant 0 : i32
        %dma_start3A_360 = tpu.memref_slice %arg10[%run_scoped3A, %dma_start3A_358, %dma_start3A_359] : memref<3x80x144xf32, #tpu.memory_space<vmem>> -> memref<1x32x144xf32, #tpu.memory_space<vmem>>
        %dma_start3A_361 = tpu.memref_squeeze %dma_start3A_360 : memref<1x32x144xf32, #tpu.memory_space<vmem>> -> memref<32x144xf32, #tpu.memory_space<vmem>>
        %dma_start3A_362 = arith.constant 0 : i32
        %dma_start3A_363 = tpu.memref_slice %arg7[%add3A_355, %dma_start3A_362] : memref<10240x144xf32, #tpu.memory_space<vmem_shared>> -> memref<32x144xf32, #tpu.memory_space<vmem_shared>>
        %dma_start3A_364 = arith.constant 0 : i32
        %dma_start3A_365 = tpu.memref_slice %arg7[%add3A_355, %dma_start3A_364] : memref<10240x144xf32, #tpu.memory_space<vmem_shared>> -> memref<32x144xf32, #tpu.memory_space<vmem_shared>>
        %dma_start3A_366 = arith.constant 0 : i32
        %dma_start3A_367 = arith.constant 0 : i32
        %dma_start3A_368 = tpu.memref_slice %arg10[%run_scoped3A, %dma_start3A_366, %dma_start3A_367] : memref<3x80x144xf32, #tpu.memory_space<vmem>> -> memref<1x32x144xf32, #tpu.memory_space<vmem>>
        %dma_start3A_369 = tpu.memref_squeeze %dma_start3A_368 : memref<1x32x144xf32, #tpu.memory_space<vmem>> -> memref<32x144xf32, #tpu.memory_space<vmem>>
        tpu.enqueue_dma source(%dma_start3A_369 : memref<32x144xf32, #tpu.memory_space<vmem>>) target(%dma_start3A_365 : memref<32x144xf32, #tpu.memory_space<vmem_shared>>) target_semaphore(%run_scoped3A_357 : memref<!tpu.dma_semaphore, #tpu.memory_space<semaphore_mem>>)
        %dma_wait3A_370 = arith.constant 0 : i32
        %dma_wait3A_371 = arith.constant 0 : i32
        %dma_wait3A_372 = tpu.memref_slice %arg10[%run_scoped3A, %dma_wait3A_370, %dma_wait3A_371] : memref<3x80x144xf32, #tpu.memory_space<vmem>> -> memref<1x32x144xf32, #tpu.memory_space<vmem>>
        %dma_wait3A_373 = tpu.memref_squeeze %dma_wait3A_372 : memref<1x32x144xf32, #tpu.memory_space<vmem>> -> memref<32x144xf32, #tpu.memory_space<vmem>>
        %dma_wait3A_374 = arith.constant 0 : i32
        %dma_wait3A_375 = tpu.memref_slice %arg7[%add3A_355, %dma_wait3A_374] : memref<10240x144xf32, #tpu.memory_space<vmem_shared>> -> memref<32x144xf32, #tpu.memory_space<vmem_shared>>
        %dma_wait3A_376 = arith.constant 0 : i32
        %dma_wait3A_377 = tpu.memref_slice %arg7[%add3A_355, %dma_wait3A_376] : memref<10240x144xf32, #tpu.memory_space<vmem_shared>> -> memref<32x144xf32, #tpu.memory_space<vmem_shared>>
        %dma_wait3A_378 = arith.constant 0 : i32
        %dma_wait3A_379 = arith.constant 0 : i32
        %dma_wait3A_380 = tpu.memref_slice %arg10[%run_scoped3A, %dma_wait3A_378, %dma_wait3A_379] : memref<3x80x144xf32, #tpu.memory_space<vmem>> -> memref<1x32x144xf32, #tpu.memory_space<vmem>>
        %dma_wait3A_381 = tpu.memref_squeeze %dma_wait3A_380 : memref<1x32x144xf32, #tpu.memory_space<vmem>> -> memref<32x144xf32, #tpu.memory_space<vmem>>
        tpu.wait_dma2 semaphore(%run_scoped3A_357 : memref<!tpu.dma_semaphore, #tpu.memory_space<semaphore_mem>>) src(%dma_wait3A_381 : memref<32x144xf32, #tpu.memory_space<vmem>>) dst(%dma_wait3A_377 : memref<32x144xf32, #tpu.memory_space<vmem_shared>>)
        tpu.yield
      }) : () -> ()
      %scan3A_356 = arith.constant 0 : i32
      scf.yield %scan3A_356 : i32
    }
    %scan3A_133 = arith.constant 20 : i32
    %barrier3A = arith.constant 0 : index
    tpu.barrier barrier_id(%barrier3A)
    %scan3A_134 = arith.constant 0 : i32
    %scan3A_135 = arith.constant 0 : i32
    %scan3A_136 = arith.constant 41 : i32
    %scan3A_137 = arith.addi %scan3A_135, %scan3A_136 : i32
    %scan3A_138 = arith.constant 1 : i32
    %scan3A_139 = scf.for %scan3A_349 = %scan3A_135 to %scan3A_137 step %scan3A_138 iter_args(%scan3A_350 = %scan3A_134) -> (i32)  : i32 {
      %mul3A_351 = arith.constant 3 : i32
      %mul3A_352 = arith.muli %mul3A_351, %scan3A_349 : i32
      %dma_wait3A_353 = arith.constant 0 : i32
      %dma_wait3A_354 = arith.constant 0 : i32
      %dma_wait3A_355 = arith.constant 0 : i32
      %dma_wait3A_356 = arith.constant 0 : i32
      %dma_wait3A_357 = arith.constant 0 : i32
      %dma_wait3A_358 = tpu.memref_slice %arg10[%dma_wait3A_354, %dma_wait3A_356, %dma_wait3A_357] : memref<3x80x144xf32, #tpu.memory_space<vmem>> -> memref<1x80x144xf32, #tpu.memory_space<vmem>>
      %dma_wait3A_359 = tpu.memref_squeeze %dma_wait3A_358 : memref<1x80x144xf32, #tpu.memory_space<vmem>> -> memref<80x144xf32, #tpu.memory_space<vmem>>
      %dma_wait3A_360 = arith.constant 0 : i32
      %dma_wait3A_361 = tpu.memref_slice %arg8[%dma_wait3A_353, %dma_wait3A_360] : memref<3x80xi32, #tpu.memory_space<vmem>> -> memref<1x80xi32, #tpu.memory_space<vmem>>
      %dma_wait3A_362 = tpu.memref_squeeze %dma_wait3A_361 : memref<1x80xi32, #tpu.memory_space<vmem>> -> memref<80xi32, #tpu.memory_space<vmem>>
      %dma_wait3A_363 = arith.constant 0 : i32
      %dma_wait3A_364 = arith.constant 0 : i32
      %dma_wait3A_365 = tpu.memref_slice %arg2[%dma_wait3A_363, %dma_wait3A_364] : memref<20000x144xf32, #tpu.memory_space<hbm>> -> memref<20000x144xf32, #tpu.memory_space<hbm>>
      %dma_wait3A_366 = tpu.memref_slice %arg14[%dma_wait3A_355] : memref<3x!tpu.dma_semaphore, #tpu.memory_space<semaphore_mem>> -> memref<1x!tpu.dma_semaphore, #tpu.memory_space<semaphore_mem>>
      %dma_wait3A_367 = tpu.memref_squeeze %dma_wait3A_366 : memref<1x!tpu.dma_semaphore, #tpu.memory_space<semaphore_mem>> -> memref<!tpu.dma_semaphore, #tpu.memory_space<semaphore_mem>>
      tpu.wait_indirect_dma semaphore(%dma_wait3A_367 : memref<!tpu.dma_semaphore, #tpu.memory_space<semaphore_mem>>) src(%dma_wait3A_365 : memref<20000x144xf32, #tpu.memory_space<hbm>>) dst(%dma_wait3A_359 : memref<80x144xf32, #tpu.memory_space<vmem>>)
      %dma_wait3A_368 = arith.constant 0 : i32
      %dma_wait3A_369 = arith.constant 0 : i32
      %dma_wait3A_370 = arith.constant 0 : i32
      %dma_wait3A_371 = arith.constant 0 : i32
      %dma_wait3A_372 = arith.constant 0 : i32
      %dma_wait3A_373 = tpu.memref_slice %arg11[%dma_wait3A_369, %dma_wait3A_371, %dma_wait3A_372] : memref<3x80x16xf32, #tpu.memory_space<vmem>> -> memref<1x80x16xf32, #tpu.memory_space<vmem>>
      %dma_wait3A_374 = tpu.memref_squeeze %dma_wait3A_373 : memref<1x80x16xf32, #tpu.memory_space<vmem>> -> memref<80x16xf32, #tpu.memory_space<vmem>>
      %dma_wait3A_375 = arith.constant 0 : i32
      %dma_wait3A_376 = tpu.memref_slice %arg9[%dma_wait3A_368, %dma_wait3A_375] : memref<3x80xi32, #tpu.memory_space<vmem>> -> memref<1x80xi32, #tpu.memory_space<vmem>>
      %dma_wait3A_377 = tpu.memref_squeeze %dma_wait3A_376 : memref<1x80xi32, #tpu.memory_space<vmem>> -> memref<80xi32, #tpu.memory_space<vmem>>
      %dma_wait3A_378 = arith.constant 0 : i32
      %dma_wait3A_379 = arith.constant 0 : i32
      %dma_wait3A_380 = tpu.memref_slice %arg3[%dma_wait3A_378, %dma_wait3A_379] : memref<10000x16xf32, #tpu.memory_space<hbm>> -> memref<10000x16xf32, #tpu.memory_space<hbm>>
      %dma_wait3A_381 = tpu.memref_slice %arg15[%dma_wait3A_370] : memref<3x!tpu.dma_semaphore, #tpu.memory_space<semaphore_mem>> -> memref<1x!tpu.dma_semaphore, #tpu.memory_space<semaphore_mem>>
      %dma_wait3A_382 = tpu.memref_squeeze %dma_wait3A_381 : memref<1x!tpu.dma_semaphore, #tpu.memory_space<semaphore_mem>> -> memref<!tpu.dma_semaphore, #tpu.memory_space<semaphore_mem>>
      tpu.wait_indirect_dma semaphore(%dma_wait3A_382 : memref<!tpu.dma_semaphore, #tpu.memory_space<semaphore_mem>>) src(%dma_wait3A_380 : memref<10000x16xf32, #tpu.memory_space<hbm>>) dst(%dma_wait3A_374 : memref<80x16xf32, #tpu.memory_space<vmem>>)
      %add3A_383 = arith.constant 1 : i32
      %add3A_384 = arith.addi %mul3A_352, %add3A_383 : i32
      %mul3A_385 = arith.constant 80 : i32
      %mul3A_386 = arith.muli %add3A_384, %mul3A_385 : i32
      %add3A_387 = arith.addi %mul3A_3, %mul3A_386 : i32
      %dma_wait3A_388 = arith.constant 1 : i32
      %dma_wait3A_389 = arith.constant 1 : i32
      %dma_wait3A_390 = arith.constant 0 : i32
      %dma_wait3A_391 = tpu.memref_slice %arg8[%dma_wait3A_388, %dma_wait3A_390] : memref<3x80xi32, #tpu.memory_space<vmem>> -> memref<1x80xi32, #tpu.memory_space<vmem>>
      %dma_wait3A_392 = tpu.memref_squeeze %dma_wait3A_391 : memref<1x80xi32, #tpu.memory_space<vmem>> -> memref<80xi32, #tpu.memory_space<vmem>>
      %dma_wait3A_393 = tpu.memref_slice %arg4[%arg0, %add3A_387] : memref<2x160000xi32, #tpu.memory_space<hbm>> -> memref<1x80xi32, #tpu.memory_space<hbm>>
      %dma_wait3A_394 = tpu.memref_squeeze %dma_wait3A_393 : memref<1x80xi32, #tpu.memory_space<hbm>> -> memref<80xi32, #tpu.memory_space<hbm>>
      %dma_wait3A_395 = tpu.memref_slice %arg12[%dma_wait3A_389] : memref<3x!tpu.dma_semaphore, #tpu.memory_space<semaphore_mem>> -> memref<1x!tpu.dma_semaphore, #tpu.memory_space<semaphore_mem>>
      %dma_wait3A_396 = tpu.memref_squeeze %dma_wait3A_395 : memref<1x!tpu.dma_semaphore, #tpu.memory_space<semaphore_mem>> -> memref<!tpu.dma_semaphore, #tpu.memory_space<semaphore_mem>>
      %dma_wait3A_397 = arith.constant 0 : i32
      %dma_wait3A_398 = tpu.memref_slice %arg8[%dma_wait3A_388, %dma_wait3A_397] : memref<3x80xi32, #tpu.memory_space<vmem>> -> memref<1x80xi32, #tpu.memory_space<vmem>>
      %dma_wait3A_399 = tpu.memref_squeeze %dma_wait3A_398 : memref<1x80xi32, #tpu.memory_space<vmem>> -> memref<80xi32, #tpu.memory_space<vmem>>
      %dma_wait3A_400 = tpu.memref_slice %arg4[%arg0, %add3A_387] : memref<2x160000xi32, #tpu.memory_space<hbm>> -> memref<1x80xi32, #tpu.memory_space<hbm>>
      %dma_wait3A_401 = tpu.memref_squeeze %dma_wait3A_400 : memref<1x80xi32, #tpu.memory_space<hbm>> -> memref<80xi32, #tpu.memory_space<hbm>>
      tpu.wait_dma2 semaphore(%dma_wait3A_396 : memref<!tpu.dma_semaphore, #tpu.memory_space<semaphore_mem>>) src(%dma_wait3A_401 : memref<80xi32, #tpu.memory_space<hbm>>) dst(%dma_wait3A_399 : memref<80xi32, #tpu.memory_space<vmem>>)
      %mul3A_402 = arith.constant 80 : i32
      %mul3A_403 = arith.muli %add3A_384, %mul3A_402 : i32
      %add3A_404 = arith.addi %mul3A_3, %mul3A_403 : i32
      %dma_wait3A_405 = arith.constant 1 : i32
      %dma_wait3A_406 = arith.constant 1 : i32
      %dma_wait3A_407 = arith.constant 0 : i32
      %dma_wait3A_408 = tpu.memref_slice %arg9[%dma_wait3A_405, %dma_wait3A_407] : memref<3x80xi32, #tpu.memory_space<vmem>> -> memref<1x80xi32, #tpu.memory_space<vmem>>
      %dma_wait3A_409 = tpu.memref_squeeze %dma_wait3A_408 : memref<1x80xi32, #tpu.memory_space<vmem>> -> memref<80xi32, #tpu.memory_space<vmem>>
      %dma_wait3A_410 = tpu.memref_slice %arg5[%add3A_404] : memref<160000xi32, #tpu.memory_space<hbm>> -> memref<80xi32, #tpu.memory_space<hbm>>
      %dma_wait3A_411 = tpu.memref_slice %arg13[%dma_wait3A_406] : memref<3x!tpu.dma_semaphore, #tpu.memory_space<semaphore_mem>> -> memref<1x!tpu.dma_semaphore, #tpu.memory_space<semaphore_mem>>
      %dma_wait3A_412 = tpu.memref_squeeze %dma_wait3A_411 : memref<1x!tpu.dma_semaphore, #tpu.memory_space<semaphore_mem>> -> memref<!tpu.dma_semaphore, #tpu.memory_space<semaphore_mem>>
      %dma_wait3A_413 = arith.constant 0 : i32
      %dma_wait3A_414 = tpu.memref_slice %arg9[%dma_wait3A_405, %dma_wait3A_413] : memref<3x80xi32, #tpu.memory_space<vmem>> -> memref<1x80xi32, #tpu.memory_space<vmem>>
      %dma_wait3A_415 = tpu.memref_squeeze %dma_wait3A_414 : memref<1x80xi32, #tpu.memory_space<vmem>> -> memref<80xi32, #tpu.memory_space<vmem>>
      %dma_wait3A_416 = tpu.memref_slice %arg5[%add3A_404] : memref<160000xi32, #tpu.memory_space<hbm>> -> memref<80xi32, #tpu.memory_space<hbm>>
      tpu.wait_dma2 semaphore(%dma_wait3A_412 : memref<!tpu.dma_semaphore, #tpu.memory_space<semaphore_mem>>) src(%dma_wait3A_416 : memref<80xi32, #tpu.memory_space<hbm>>) dst(%dma_wait3A_415 : memref<80xi32, #tpu.memory_space<vmem>>)
      %dma_start3A_417 = arith.constant 1 : i32
      %dma_start3A_418 = arith.constant 1 : i32
      %dma_start3A_419 = arith.constant 1 : i32
      %dma_start3A_420 = arith.constant 0 : i32
      %dma_start3A_421 = arith.constant 0 : i32
      %dma_start3A_422 = tpu.memref_slice %arg10[%dma_start3A_418, %dma_start3A_420, %dma_start3A_421] : memref<3x80x144xf32, #tpu.memory_space<vmem>> -> memref<1x80x144xf32, #tpu.memory_space<vmem>>
      %dma_start3A_423 = tpu.memref_squeeze %dma_start3A_422 : memref<1x80x144xf32, #tpu.memory_space<vmem>> -> memref<80x144xf32, #tpu.memory_space<vmem>>
      %dma_start3A_424 = arith.constant 0 : i32
      %dma_start3A_425 = tpu.memref_slice %arg8[%dma_start3A_417, %dma_start3A_424] : memref<3x80xi32, #tpu.memory_space<vmem>> -> memref<1x80xi32, #tpu.memory_space<vmem>>
      %dma_start3A_426 = tpu.memref_squeeze %dma_start3A_425 : memref<1x80xi32, #tpu.memory_space<vmem>> -> memref<80xi32, #tpu.memory_space<vmem>>
      %dma_start3A_427 = arith.constant 0 : i32
      %dma_start3A_428 = arith.constant 0 : i32
      %dma_start3A_429 = tpu.memref_slice %arg2[%dma_start3A_427, %dma_start3A_428] : memref<20000x144xf32, #tpu.memory_space<hbm>> -> memref<20000x144xf32, #tpu.memory_space<hbm>>
      %dma_start3A_430 = tpu.memref_slice %arg14[%dma_start3A_419] : memref<3x!tpu.dma_semaphore, #tpu.memory_space<semaphore_mem>> -> memref<1x!tpu.dma_semaphore, #tpu.memory_space<semaphore_mem>>
      %dma_start3A_431 = tpu.memref_squeeze %dma_start3A_430 : memref<1x!tpu.dma_semaphore, #tpu.memory_space<semaphore_mem>> -> memref<!tpu.dma_semaphore, #tpu.memory_space<semaphore_mem>>
      tpu.enqueue_indirect_dma source(%dma_start3A_429 : memref<20000x144xf32, #tpu.memory_space<hbm>>) target(%dma_start3A_423 : memref<80x144xf32, #tpu.memory_space<vmem>>) offsets(%dma_start3A_426 : memref<80xi32, #tpu.memory_space<vmem>>) semaphore(%dma_start3A_431 : memref<!tpu.dma_semaphore, #tpu.memory_space<semaphore_mem>>)
      %dma_start3A_432 = arith.constant 1 : i32
      %dma_start3A_433 = arith.constant 1 : i32
      %dma_start3A_434 = arith.constant 1 : i32
      %dma_start3A_435 = arith.constant 0 : i32
      %dma_start3A_436 = arith.constant 0 : i32
      %dma_start3A_437 = tpu.memref_slice %arg11[%dma_start3A_433, %dma_start3A_435, %dma_start3A_436] : memref<3x80x16xf32, #tpu.memory_space<vmem>> -> memref<1x80x16xf32, #tpu.memory_space<vmem>>
      %dma_start3A_438 = tpu.memref_squeeze %dma_start3A_437 : memref<1x80x16xf32, #tpu.memory_space<vmem>> -> memref<80x16xf32, #tpu.memory_space<vmem>>
      %dma_start3A_439 = arith.constant 0 : i32
      %dma_start3A_440 = tpu.memref_slice %arg9[%dma_start3A_432, %dma_start3A_439] : memref<3x80xi32, #tpu.memory_space<vmem>> -> memref<1x80xi32, #tpu.memory_space<vmem>>
      %dma_start3A_441 = tpu.memref_squeeze %dma_start3A_440 : memref<1x80xi32, #tpu.memory_space<vmem>> -> memref<80xi32, #tpu.memory_space<vmem>>
      %dma_start3A_442 = arith.constant 0 : i32
      %dma_start3A_443 = arith.constant 0 : i32
      %dma_start3A_444 = tpu.memref_slice %arg3[%dma_start3A_442, %dma_start3A_443] : memref<10000x16xf32, #tpu.memory_space<hbm>> -> memref<10000x16xf32, #tpu.memory_space<hbm>>
      %dma_start3A_445 = tpu.memref_slice %arg15[%dma_start3A_434] : memref<3x!tpu.dma_semaphore, #tpu.memory_space<semaphore_mem>> -> memref<1x!tpu.dma_semaphore, #tpu.memory_space<semaphore_mem>>
      %dma_start3A_446 = tpu.memref_squeeze %dma_start3A_445 : memref<1x!tpu.dma_semaphore, #tpu.memory_space<semaphore_mem>> -> memref<!tpu.dma_semaphore, #tpu.memory_space<semaphore_mem>>
      tpu.enqueue_indirect_dma source(%dma_start3A_444 : memref<10000x16xf32, #tpu.memory_space<hbm>>) target(%dma_start3A_438 : memref<80x16xf32, #tpu.memory_space<vmem>>) offsets(%dma_start3A_441 : memref<80xi32, #tpu.memory_space<vmem>>) semaphore(%dma_start3A_446 : memref<!tpu.dma_semaphore, #tpu.memory_space<semaphore_mem>>)
      %parallel_loop3A_447 = arith.constant 0 : i32
      %parallel_loop3A_448 = arith.constant 80 : i32
      %parallel_loop3A_449 = arith.constant 1 : i32
      scf.for %parallel_loop3A_828 = %parallel_loop3A_447 to %parallel_loop3A_448 step %parallel_loop3A_449  : i32 {
        %parallel_loop3A_829 = arith.constant 0 : i32
        %parallel_loop3A_830 = arith.index_cast %parallel_loop3A_829 : i32 to index
        %parallel_loop3A_831 = arith.index_cast %parallel_loop3A_828 : i32 to index
        %parallel_loop3A_832 = arith.constant 128 : index
        %parallel_loop3A_833 = tpu.vector_load %arg10[%parallel_loop3A_830, %parallel_loop3A_831, %parallel_loop3A_832] {strides = array<i32>} : memref<3x80x144xf32, #tpu.memory_space<vmem>>, vector<1x1x16xf32>,
        %parallel_loop3A_834 = vector.shape_cast %parallel_loop3A_833 : vector<1x1x16xf32> to vector<16xf32>
        %parallel_loop3A_835 = arith.constant 0 : i32
        %parallel_loop3A_836 = arith.index_cast %parallel_loop3A_835 : i32 to index
        %parallel_loop3A_837 = arith.index_cast %parallel_loop3A_828 : i32 to index
        %parallel_loop3A_838 = arith.constant 0 : index
        %parallel_loop3A_839 = tpu.vector_load %arg11[%parallel_loop3A_836, %parallel_loop3A_837, %parallel_loop3A_838] {strides = array<i32>} : memref<3x80x16xf32, #tpu.memory_space<vmem>>, vector<1x1x16xf32>,
        %parallel_loop3A_840 = vector.shape_cast %parallel_loop3A_839 : vector<1x1x16xf32> to vector<16xf32>
        %parallel_loop3A_841 = arith.addf %parallel_loop3A_834, %parallel_loop3A_840 : vector<16xf32>
        %parallel_loop3A_842 = arith.constant 0.000000e+00 : f32
        %parallel_loop3A_843 = vector.broadcast %parallel_loop3A_842 : f32 to vector<16xf32>
        %parallel_loop3A_844 = arith.cmpf ogt, %parallel_loop3A_841, %parallel_loop3A_843 : vector<16xf32>
        %parallel_loop3A_845 = arith.constant 2.000000e-01 : f32
        %parallel_loop3A_846 = vector.broadcast %parallel_loop3A_845 : f32 to vector<16xf32>
        %parallel_loop3A_847 = arith.mulf %parallel_loop3A_846, %parallel_loop3A_841 : vector<16xf32>
        %parallel_loop3A_848 = arith.select %parallel_loop3A_844, %parallel_loop3A_841, %parallel_loop3A_847 : vector<16xi1>, vector<16xf32>
        %parallel_loop3A_849 = math.exp %parallel_loop3A_848 : vector<16xf32>
        %parallel_loop3A_850 = arith.constant 8 : i32
        %parallel_loop3A_851 = vector.broadcast %parallel_loop3A_850 : i32 to vector<16xi32>
        %parallel_loop3A_852 = arith.cmpi slt, %iota3A, %parallel_loop3A_851 : vector<16xi32>
        %parallel_loop3A_853 = arith.constant 0.000000e+00 : f32
        %parallel_loop3A_854 = vector.broadcast %parallel_loop3A_853 : f32 to vector<16xf32>
        %parallel_loop3A_855 = arith.select %parallel_loop3A_852, %parallel_loop3A_849, %parallel_loop3A_854 : vector<16xi1>, vector<16xf32>
        %parallel_loop3A_856 = arith.constant 0 : i32
        %parallel_loop3A_857 = arith.index_cast %parallel_loop3A_856 : i32 to index
        %parallel_loop3A_858 = arith.index_cast %parallel_loop3A_828 : i32 to index
        %parallel_loop3A_859 = arith.constant 128 : index
        %parallel_loop3A_860 = tpu.vector_load %arg10[%parallel_loop3A_857, %parallel_loop3A_858, %parallel_loop3A_859] {strides = array<i32>} : memref<3x80x144xf32, #tpu.memory_space<vmem>>, vector<1x1x16xf32>,
        %parallel_loop3A_861 = vector.shape_cast %parallel_loop3A_860 : vector<1x1x16xf32> to vector<16xf32>
        %parallel_loop3A_862 = vector.shape_cast %parallel_loop3A_855 : vector<16xf32> to vector<1x1x16xf32>
        tpu.vector_store %arg10[%parallel_loop3A_857, %parallel_loop3A_858, %parallel_loop3A_859], %parallel_loop3A_862 {strides = array<i32>} : memref<3x80x144xf32, #tpu.memory_space<vmem>>, vector<1x1x16xf32>,
        %parallel_loop3A_863 = arith.constant 4 : i32
        %parallel_loop3A_864 = arith.muli %arg0, %parallel_loop3A_863 : i32
        %parallel_loop3A_865 = arith.constant 0 : i32
        %parallel_loop3A_866 = arith.addi %parallel_loop3A_864, %parallel_loop3A_865 : i32
        %parallel_loop3A_867 = vector.broadcast %parallel_loop3A_866 : i32 to vector<16xi32>
        %parallel_loop3A_868 = vector.shape_cast %parallel_loop3A_867 : vector<16xi32> to vector<16x1xi32>
        %parallel_loop3A_869 = vector.shape_cast %parallel_loop3A_868 : vector<16x1xi32> to vector<16xi32>
        %parallel_loop3A_870 = tpu.dynamic_gather %parallel_loop3A_849[%parallel_loop3A_869] in [0] : vector<16xf32>, vector<16xi32> -> vector<16xf32>
        %parallel_loop3A_871 = arith.constant 0 : i32
        %parallel_loop3A_872 = arith.index_cast %parallel_loop3A_871 : i32 to index
        %parallel_loop3A_873 = arith.index_cast %parallel_loop3A_828 : i32 to index
        %parallel_loop3A_874 = arith.constant 0 : index
        %parallel_loop3A_875 = tpu.vector_load %arg10[%parallel_loop3A_872, %parallel_loop3A_873, %parallel_loop3A_874] {strides = array<i32>} : memref<3x80x144xf32, #tpu.memory_space<vmem>>, vector<1x1x16xf32>,
        %parallel_loop3A_876 = vector.shape_cast %parallel_loop3A_875 : vector<1x1x16xf32> to vector<16xf32>
        %parallel_loop3A_877 = arith.mulf %parallel_loop3A_876, %parallel_loop3A_870 : vector<16xf32>
        %parallel_loop3A_878 = arith.constant 0 : i32
        %parallel_loop3A_879 = arith.index_cast %parallel_loop3A_878 : i32 to index
        %parallel_loop3A_880 = arith.index_cast %parallel_loop3A_828 : i32 to index
        %parallel_loop3A_881 = arith.constant 0 : index
        %parallel_loop3A_882 = tpu.vector_load %arg10[%parallel_loop3A_879, %parallel_loop3A_880, %parallel_loop3A_881] {strides = array<i32>} : memref<3x80x144xf32, #tpu.memory_space<vmem>>, vector<1x1x16xf32>,
        %parallel_loop3A_883 = vector.shape_cast %parallel_loop3A_882 : vector<1x1x16xf32> to vector<16xf32>
        %parallel_loop3A_884 = vector.shape_cast %parallel_loop3A_877 : vector<16xf32> to vector<1x1x16xf32>
        tpu.vector_store %arg10[%parallel_loop3A_879, %parallel_loop3A_880, %parallel_loop3A_881], %parallel_loop3A_884 {strides = array<i32>} : memref<3x80x144xf32, #tpu.memory_space<vmem>>, vector<1x1x16xf32>,
        %parallel_loop3A_885 = arith.constant 0 : i32
        %parallel_loop3A_886 = arith.index_cast %parallel_loop3A_885 : i32 to index
        %parallel_loop3A_887 = arith.index_cast %parallel_loop3A_828 : i32 to index
        %parallel_loop3A_888 = arith.constant 16 : index
        %parallel_loop3A_889 = tpu.vector_load %arg10[%parallel_loop3A_886, %parallel_loop3A_887, %parallel_loop3A_888] {strides = array<i32>} : memref<3x80x144xf32, #tpu.memory_space<vmem>>, vector<1x1x16xf32>,
        %parallel_loop3A_890 = vector.shape_cast %parallel_loop3A_889 : vector<1x1x16xf32> to vector<16xf32>
        %parallel_loop3A_891 = arith.mulf %parallel_loop3A_890, %parallel_loop3A_870 : vector<16xf32>
        %parallel_loop3A_892 = arith.constant 0 : i32
        %parallel_loop3A_893 = arith.index_cast %parallel_loop3A_892 : i32 to index
        %parallel_loop3A_894 = arith.index_cast %parallel_loop3A_828 : i32 to index
        %parallel_loop3A_895 = arith.constant 16 : index
        %parallel_loop3A_896 = tpu.vector_load %arg10[%parallel_loop3A_893, %parallel_loop3A_894, %parallel_loop3A_895] {strides = array<i32>} : memref<3x80x144xf32, #tpu.memory_space<vmem>>, vector<1x1x16xf32>,
        %parallel_loop3A_897 = vector.shape_cast %parallel_loop3A_896 : vector<1x1x16xf32> to vector<16xf32>
        %parallel_loop3A_898 = vector.shape_cast %parallel_loop3A_891 : vector<16xf32> to vector<1x1x16xf32>
        tpu.vector_store %arg10[%parallel_loop3A_893, %parallel_loop3A_894, %parallel_loop3A_895], %parallel_loop3A_898 {strides = array<i32>} : memref<3x80x144xf32, #tpu.memory_space<vmem>>, vector<1x1x16xf32>,
        %parallel_loop3A_899 = arith.constant 4 : i32
        %parallel_loop3A_900 = arith.muli %arg0, %parallel_loop3A_899 : i32
        %parallel_loop3A_901 = arith.constant 1 : i32
        %parallel_loop3A_902 = arith.addi %parallel_loop3A_900, %parallel_loop3A_901 : i32
        %parallel_loop3A_903 = vector.broadcast %parallel_loop3A_902 : i32 to vector<16xi32>
        %parallel_loop3A_904 = vector.shape_cast %parallel_loop3A_903 : vector<16xi32> to vector<16x1xi32>
        %parallel_loop3A_905 = vector.shape_cast %parallel_loop3A_904 : vector<16x1xi32> to vector<16xi32>
        %parallel_loop3A_906 = tpu.dynamic_gather %parallel_loop3A_849[%parallel_loop3A_905] in [0] : vector<16xf32>, vector<16xi32> -> vector<16xf32>
        %parallel_loop3A_907 = arith.constant 0 : i32
        %parallel_loop3A_908 = arith.index_cast %parallel_loop3A_907 : i32 to index
        %parallel_loop3A_909 = arith.index_cast %parallel_loop3A_828 : i32 to index
        %parallel_loop3A_910 = arith.constant 32 : index
        %parallel_loop3A_911 = tpu.vector_load %arg10[%parallel_loop3A_908, %parallel_loop3A_909, %parallel_loop3A_910] {strides = array<i32>} : memref<3x80x144xf32, #tpu.memory_space<vmem>>, vector<1x1x16xf32>,
        %parallel_loop3A_912 = vector.shape_cast %parallel_loop3A_911 : vector<1x1x16xf32> to vector<16xf32>
        %parallel_loop3A_913 = arith.mulf %parallel_loop3A_912, %parallel_loop3A_906 : vector<16xf32>
        %parallel_loop3A_914 = arith.constant 0 : i32
        %parallel_loop3A_915 = arith.index_cast %parallel_loop3A_914 : i32 to index
        %parallel_loop3A_916 = arith.index_cast %parallel_loop3A_828 : i32 to index
        %parallel_loop3A_917 = arith.constant 32 : index
        %parallel_loop3A_918 = tpu.vector_load %arg10[%parallel_loop3A_915, %parallel_loop3A_916, %parallel_loop3A_917] {strides = array<i32>} : memref<3x80x144xf32, #tpu.memory_space<vmem>>, vector<1x1x16xf32>,
        %parallel_loop3A_919 = vector.shape_cast %parallel_loop3A_918 : vector<1x1x16xf32> to vector<16xf32>
        %parallel_loop3A_920 = vector.shape_cast %parallel_loop3A_913 : vector<16xf32> to vector<1x1x16xf32>
        tpu.vector_store %arg10[%parallel_loop3A_915, %parallel_loop3A_916, %parallel_loop3A_917], %parallel_loop3A_920 {strides = array<i32>} : memref<3x80x144xf32, #tpu.memory_space<vmem>>, vector<1x1x16xf32>,
        %parallel_loop3A_921 = arith.constant 0 : i32
        %parallel_loop3A_922 = arith.index_cast %parallel_loop3A_921 : i32 to index
        %parallel_loop3A_923 = arith.index_cast %parallel_loop3A_828 : i32 to index
        %parallel_loop3A_924 = arith.constant 48 : index
        %parallel_loop3A_925 = tpu.vector_load %arg10[%parallel_loop3A_922, %parallel_loop3A_923, %parallel_loop3A_924] {strides = array<i32>} : memref<3x80x144xf32, #tpu.memory_space<vmem>>, vector<1x1x16xf32>,
        %parallel_loop3A_926 = vector.shape_cast %parallel_loop3A_925 : vector<1x1x16xf32> to vector<16xf32>
        %parallel_loop3A_927 = arith.mulf %parallel_loop3A_926, %parallel_loop3A_906 : vector<16xf32>
        %parallel_loop3A_928 = arith.constant 0 : i32
        %parallel_loop3A_929 = arith.index_cast %parallel_loop3A_928 : i32 to index
        %parallel_loop3A_930 = arith.index_cast %parallel_loop3A_828 : i32 to index
        %parallel_loop3A_931 = arith.constant 48 : index
        %parallel_loop3A_932 = tpu.vector_load %arg10[%parallel_loop3A_929, %parallel_loop3A_930, %parallel_loop3A_931] {strides = array<i32>} : memref<3x80x144xf32, #tpu.memory_space<vmem>>, vector<1x1x16xf32>,
        %parallel_loop3A_933 = vector.shape_cast %parallel_loop3A_932 : vector<1x1x16xf32> to vector<16xf32>
        %parallel_loop3A_934 = vector.shape_cast %parallel_loop3A_927 : vector<16xf32> to vector<1x1x16xf32>
        tpu.vector_store %arg10[%parallel_loop3A_929, %parallel_loop3A_930, %parallel_loop3A_931], %parallel_loop3A_934 {strides = array<i32>} : memref<3x80x144xf32, #tpu.memory_space<vmem>>, vector<1x1x16xf32>,
        %parallel_loop3A_935 = arith.constant 4 : i32
        %parallel_loop3A_936 = arith.muli %arg0, %parallel_loop3A_935 : i32
        %parallel_loop3A_937 = arith.constant 2 : i32
        %parallel_loop3A_938 = arith.addi %parallel_loop3A_936, %parallel_loop3A_937 : i32
        %parallel_loop3A_939 = vector.broadcast %parallel_loop3A_938 : i32 to vector<16xi32>
        %parallel_loop3A_940 = vector.shape_cast %parallel_loop3A_939 : vector<16xi32> to vector<16x1xi32>
        %parallel_loop3A_941 = vector.shape_cast %parallel_loop3A_940 : vector<16x1xi32> to vector<16xi32>
        %parallel_loop3A_942 = tpu.dynamic_gather %parallel_loop3A_849[%parallel_loop3A_941] in [0] : vector<16xf32>, vector<16xi32> -> vector<16xf32>
        %parallel_loop3A_943 = arith.constant 0 : i32
        %parallel_loop3A_944 = arith.index_cast %parallel_loop3A_943 : i32 to index
        %parallel_loop3A_945 = arith.index_cast %parallel_loop3A_828 : i32 to index
        %parallel_loop3A_946 = arith.constant 64 : index
        %parallel_loop3A_947 = tpu.vector_load %arg10[%parallel_loop3A_944, %parallel_loop3A_945, %parallel_loop3A_946] {strides = array<i32>} : memref<3x80x144xf32, #tpu.memory_space<vmem>>, vector<1x1x16xf32>,
        %parallel_loop3A_948 = vector.shape_cast %parallel_loop3A_947 : vector<1x1x16xf32> to vector<16xf32>
        %parallel_loop3A_949 = arith.mulf %parallel_loop3A_948, %parallel_loop3A_942 : vector<16xf32>
        %parallel_loop3A_950 = arith.constant 0 : i32
        %parallel_loop3A_951 = arith.index_cast %parallel_loop3A_950 : i32 to index
        %parallel_loop3A_952 = arith.index_cast %parallel_loop3A_828 : i32 to index
        %parallel_loop3A_953 = arith.constant 64 : index
        %parallel_loop3A_954 = tpu.vector_load %arg10[%parallel_loop3A_951, %parallel_loop3A_952, %parallel_loop3A_953] {strides = array<i32>} : memref<3x80x144xf32, #tpu.memory_space<vmem>>, vector<1x1x16xf32>,
        %parallel_loop3A_955 = vector.shape_cast %parallel_loop3A_954 : vector<1x1x16xf32> to vector<16xf32>
        %parallel_loop3A_956 = vector.shape_cast %parallel_loop3A_949 : vector<16xf32> to vector<1x1x16xf32>
        tpu.vector_store %arg10[%parallel_loop3A_951, %parallel_loop3A_952, %parallel_loop3A_953], %parallel_loop3A_956 {strides = array<i32>} : memref<3x80x144xf32, #tpu.memory_space<vmem>>, vector<1x1x16xf32>,
        %parallel_loop3A_957 = arith.constant 0 : i32
        %parallel_loop3A_958 = arith.index_cast %parallel_loop3A_957 : i32 to index
        %parallel_loop3A_959 = arith.index_cast %parallel_loop3A_828 : i32 to index
        %parallel_loop3A_960 = arith.constant 80 : index
        %parallel_loop3A_961 = tpu.vector_load %arg10[%parallel_loop3A_958, %parallel_loop3A_959, %parallel_loop3A_960] {strides = array<i32>} : memref<3x80x144xf32, #tpu.memory_space<vmem>>, vector<1x1x16xf32>,
        %parallel_loop3A_962 = vector.shape_cast %parallel_loop3A_961 : vector<1x1x16xf32> to vector<16xf32>
        %parallel_loop3A_963 = arith.mulf %parallel_loop3A_962, %parallel_loop3A_942 : vector<16xf32>
        %parallel_loop3A_964 = arith.constant 0 : i32
        %parallel_loop3A_965 = arith.index_cast %parallel_loop3A_964 : i32 to index
        %parallel_loop3A_966 = arith.index_cast %parallel_loop3A_828 : i32 to index
        %parallel_loop3A_967 = arith.constant 80 : index
        %parallel_loop3A_968 = tpu.vector_load %arg10[%parallel_loop3A_965, %parallel_loop3A_966, %parallel_loop3A_967] {strides = array<i32>} : memref<3x80x144xf32, #tpu.memory_space<vmem>>, vector<1x1x16xf32>,
        %parallel_loop3A_969 = vector.shape_cast %parallel_loop3A_968 : vector<1x1x16xf32> to vector<16xf32>
        %parallel_loop3A_970 = vector.shape_cast %parallel_loop3A_963 : vector<16xf32> to vector<1x1x16xf32>
        tpu.vector_store %arg10[%parallel_loop3A_965, %parallel_loop3A_966, %parallel_loop3A_967], %parallel_loop3A_970 {strides = array<i32>} : memref<3x80x144xf32, #tpu.memory_space<vmem>>, vector<1x1x16xf32>,
        %parallel_loop3A_971 = arith.constant 4 : i32
        %parallel_loop3A_972 = arith.muli %arg0, %parallel_loop3A_971 : i32
        %parallel_loop3A_973 = arith.constant 3 : i32
        %parallel_loop3A_974 = arith.addi %parallel_loop3A_972, %parallel_loop3A_973 : i32
        %parallel_loop3A_975 = vector.broadcast %parallel_loop3A_974 : i32 to vector<16xi32>
        %parallel_loop3A_976 = vector.shape_cast %parallel_loop3A_975 : vector<16xi32> to vector<16x1xi32>
        %parallel_loop3A_977 = vector.shape_cast %parallel_loop3A_976 : vector<16x1xi32> to vector<16xi32>
        %parallel_loop3A_978 = tpu.dynamic_gather %parallel_loop3A_849[%parallel_loop3A_977] in [0] : vector<16xf32>, vector<16xi32> -> vector<16xf32>
        %parallel_loop3A_979 = arith.constant 0 : i32
        %parallel_loop3A_980 = arith.index_cast %parallel_loop3A_979 : i32 to index
        %parallel_loop3A_981 = arith.index_cast %parallel_loop3A_828 : i32 to index
        %parallel_loop3A_982 = arith.constant 96 : index
        %parallel_loop3A_983 = tpu.vector_load %arg10[%parallel_loop3A_980, %parallel_loop3A_981, %parallel_loop3A_982] {strides = array<i32>} : memref<3x80x144xf32, #tpu.memory_space<vmem>>, vector<1x1x16xf32>,
        %parallel_loop3A_984 = vector.shape_cast %parallel_loop3A_983 : vector<1x1x16xf32> to vector<16xf32>
        %parallel_loop3A_985 = arith.mulf %parallel_loop3A_984, %parallel_loop3A_978 : vector<16xf32>
        %parallel_loop3A_986 = arith.constant 0 : i32
        %parallel_loop3A_987 = arith.index_cast %parallel_loop3A_986 : i32 to index
        %parallel_loop3A_988 = arith.index_cast %parallel_loop3A_828 : i32 to index
        %parallel_loop3A_989 = arith.constant 96 : index
        %parallel_loop3A_990 = tpu.vector_load %arg10[%parallel_loop3A_987, %parallel_loop3A_988, %parallel_loop3A_989] {strides = array<i32>} : memref<3x80x144xf32, #tpu.memory_space<vmem>>, vector<1x1x16xf32>,
        %parallel_loop3A_991 = vector.shape_cast %parallel_loop3A_990 : vector<1x1x16xf32> to vector<16xf32>
        %parallel_loop3A_992 = vector.shape_cast %parallel_loop3A_985 : vector<16xf32> to vector<1x1x16xf32>
        tpu.vector_store %arg10[%parallel_loop3A_987, %parallel_loop3A_988, %parallel_loop3A_989], %parallel_loop3A_992 {strides = array<i32>} : memref<3x80x144xf32, #tpu.memory_space<vmem>>, vector<1x1x16xf32>,
        %parallel_loop3A_993 = arith.constant 0 : i32
        %parallel_loop3A_994 = arith.index_cast %parallel_loop3A_993 : i32 to index
        %parallel_loop3A_995 = arith.index_cast %parallel_loop3A_828 : i32 to index
        %parallel_loop3A_996 = arith.constant 112 : index
        %parallel_loop3A_997 = tpu.vector_load %arg10[%parallel_loop3A_994, %parallel_loop3A_995, %parallel_loop3A_996] {strides = array<i32>} : memref<3x80x144xf32, #tpu.memory_space<vmem>>, vector<1x1x16xf32>,
        %parallel_loop3A_998 = vector.shape_cast %parallel_loop3A_997 : vector<1x1x16xf32> to vector<16xf32>
        %parallel_loop3A_999 = arith.mulf %parallel_loop3A_998, %parallel_loop3A_978 : vector<16xf32>
        %parallel_loop3A_1000 = arith.constant 0 : i32
        %parallel_loop3A_1001 = arith.index_cast %parallel_loop3A_1000 : i32 to index
        %parallel_loop3A_1002 = arith.index_cast %parallel_loop3A_828 : i32 to index
        %parallel_loop3A_1003 = arith.constant 112 : index
        %parallel_loop3A_1004 = tpu.vector_load %arg10[%parallel_loop3A_1001, %parallel_loop3A_1002, %parallel_loop3A_1003] {strides = array<i32>} : memref<3x80x144xf32, #tpu.memory_space<vmem>>, vector<1x1x16xf32>,
        %parallel_loop3A_1005 = vector.shape_cast %parallel_loop3A_1004 : vector<1x1x16xf32> to vector<16xf32>
        %parallel_loop3A_1006 = vector.shape_cast %parallel_loop3A_999 : vector<16xf32> to vector<1x1x16xf32>
        tpu.vector_store %arg10[%parallel_loop3A_1001, %parallel_loop3A_1002, %parallel_loop3A_1003], %parallel_loop3A_1006 {strides = array<i32>} : memref<3x80x144xf32, #tpu.memory_space<vmem>>, vector<1x1x16xf32>,
      } {sc.loop_unroll_factor = 4 : i64, sc.parallel_access}
      %dma_start3A_450 = arith.constant 0 : i32
      %dma_start3A_451 = arith.constant 0 : i32
      %dma_start3A_452 = arith.constant 0 : i32
      %dma_start3A_453 = arith.constant 0 : i32
      %dma_start3A_454 = arith.constant 0 : i32
      %dma_start3A_455 = tpu.memref_slice %arg10[%dma_start3A_450, %dma_start3A_453, %dma_start3A_454] : memref<3x80x144xf32, #tpu.memory_space<vmem>> -> memref<1x80x144xf32, #tpu.memory_space<vmem>>
      %dma_start3A_456 = tpu.memref_squeeze %dma_start3A_455 : memref<1x80x144xf32, #tpu.memory_space<vmem>> -> memref<80x144xf32, #tpu.memory_space<vmem>>
      %dma_start3A_457 = arith.constant 0 : i32
      %dma_start3A_458 = tpu.memref_slice %arg9[%dma_start3A_451, %dma_start3A_457] : memref<3x80xi32, #tpu.memory_space<vmem>> -> memref<1x80xi32, #tpu.memory_space<vmem>>
      %dma_start3A_459 = tpu.memref_squeeze %dma_start3A_458 : memref<1x80xi32, #tpu.memory_space<vmem>> -> memref<80xi32, #tpu.memory_space<vmem>>
      %dma_start3A_460 = arith.constant 0 : i32
      %dma_start3A_461 = arith.constant 0 : i32
      %dma_start3A_462 = tpu.memref_slice %arg7[%dma_start3A_460, %dma_start3A_461] : memref<10240x144xf32, #tpu.memory_space<vmem_shared>> -> memref<10240x144xf32, #tpu.memory_space<vmem_shared>>
      %dma_start3A_463 = tpu.memref_slice %arg16[%dma_start3A_452] : memref<3x!tpu.dma_semaphore, #tpu.memory_space<semaphore_mem>> -> memref<1x!tpu.dma_semaphore, #tpu.memory_space<semaphore_mem>>
      %dma_start3A_464 = tpu.memref_squeeze %dma_start3A_463 : memref<1x!tpu.dma_semaphore, #tpu.memory_space<semaphore_mem>> -> memref<!tpu.dma_semaphore, #tpu.memory_space<semaphore_mem>>
      tpu.enqueue_indirect_dma source(%dma_start3A_456 : memref<80x144xf32, #tpu.memory_space<vmem>>) target(%dma_start3A_462 : memref<10240x144xf32, #tpu.memory_space<vmem_shared>>) offsets(%dma_start3A_459 : memref<80xi32, #tpu.memory_space<vmem>>) semaphore(%dma_start3A_464 : memref<!tpu.dma_semaphore, #tpu.memory_space<semaphore_mem>>) {add = true}
      %ge3A = arith.constant 1 : i32
      %ge3A_465 = arith.cmpi sge, %mul3A_352, %ge3A : i32
      %convert_element_type3A = arith.extui %ge3A_465 : i1 to i32
      %cond3A = arith.constant 0 : i32
      %cond3A_466 = arith.cmpi ne, %convert_element_type3A, %cond3A : i32
      scf.if %cond3A_466 {
        %dma_wait3A_828 = arith.constant 2 : i32
        %dma_wait3A_829 = arith.constant 2 : i32
        %dma_wait3A_830 = arith.constant 2 : i32
        %dma_wait3A_831 = arith.constant 0 : i32
        %dma_wait3A_832 = arith.constant 0 : i32
        %dma_wait3A_833 = tpu.memref_slice %arg10[%dma_wait3A_828, %dma_wait3A_831, %dma_wait3A_832] : memref<3x80x144xf32, #tpu.memory_space<vmem>> -> memref<1x80x144xf32, #tpu.memory_space<vmem>>
        %dma_wait3A_834 = tpu.memref_squeeze %dma_wait3A_833 : memref<1x80x144xf32, #tpu.memory_space<vmem>> -> memref<80x144xf32, #tpu.memory_space<vmem>>
        %dma_wait3A_835 = arith.constant 0 : i32
        %dma_wait3A_836 = tpu.memref_slice %arg9[%dma_wait3A_829, %dma_wait3A_835] : memref<3x80xi32, #tpu.memory_space<vmem>> -> memref<1x80xi32, #tpu.memory_space<vmem>>
        %dma_wait3A_837 = tpu.memref_squeeze %dma_wait3A_836 : memref<1x80xi32, #tpu.memory_space<vmem>> -> memref<80xi32, #tpu.memory_space<vmem>>
        %dma_wait3A_838 = arith.constant 0 : i32
        %dma_wait3A_839 = arith.constant 0 : i32
        %dma_wait3A_840 = tpu.memref_slice %arg7[%dma_wait3A_838, %dma_wait3A_839] : memref<10240x144xf32, #tpu.memory_space<vmem_shared>> -> memref<10240x144xf32, #tpu.memory_space<vmem_shared>>
        %dma_wait3A_841 = tpu.memref_slice %arg16[%dma_wait3A_830] : memref<3x!tpu.dma_semaphore, #tpu.memory_space<semaphore_mem>> -> memref<1x!tpu.dma_semaphore, #tpu.memory_space<semaphore_mem>>
        %dma_wait3A_842 = tpu.memref_squeeze %dma_wait3A_841 : memref<1x!tpu.dma_semaphore, #tpu.memory_space<semaphore_mem>> -> memref<!tpu.dma_semaphore, #tpu.memory_space<semaphore_mem>>
        tpu.wait_indirect_dma semaphore(%dma_wait3A_842 : memref<!tpu.dma_semaphore, #tpu.memory_space<semaphore_mem>>) src(%dma_wait3A_834 : memref<80x144xf32, #tpu.memory_space<vmem>>) dst(%dma_wait3A_840 : memref<10240x144xf32, #tpu.memory_space<vmem_shared>>)
      } else {
      }
      %add3A_467 = arith.constant 2 : i32
      %add3A_468 = arith.addi %mul3A_352, %add3A_467 : i32
      %mul3A_469 = arith.constant 80 : i32
      %mul3A_470 = arith.muli %add3A_468, %mul3A_469 : i32
      %add3A_471 = arith.addi %mul3A_3, %mul3A_470 : i32
      %dma_start3A_472 = arith.constant 2 : i32
      %dma_start3A_473 = arith.constant 2 : i32
      %dma_start3A_474 = arith.constant 0 : i32
      %dma_start3A_475 = tpu.memref_slice %arg8[%dma_start3A_472, %dma_start3A_474] : memref<3x80xi32, #tpu.memory_space<vmem>> -> memref<1x80xi32, #tpu.memory_space<vmem>>
      %dma_start3A_476 = tpu.memref_squeeze %dma_start3A_475 : memref<1x80xi32, #tpu.memory_space<vmem>> -> memref<80xi32, #tpu.memory_space<vmem>>
      %dma_start3A_477 = tpu.memref_slice %arg4[%arg0, %add3A_471] : memref<2x160000xi32, #tpu.memory_space<hbm>> -> memref<1x80xi32, #tpu.memory_space<hbm>>
      %dma_start3A_478 = tpu.memref_squeeze %dma_start3A_477 : memref<1x80xi32, #tpu.memory_space<hbm>> -> memref<80xi32, #tpu.memory_space<hbm>>
      %dma_start3A_479 = tpu.memref_slice %arg12[%dma_start3A_473] : memref<3x!tpu.dma_semaphore, #tpu.memory_space<semaphore_mem>> -> memref<1x!tpu.dma_semaphore, #tpu.memory_space<semaphore_mem>>
      %dma_start3A_480 = tpu.memref_squeeze %dma_start3A_479 : memref<1x!tpu.dma_semaphore, #tpu.memory_space<semaphore_mem>> -> memref<!tpu.dma_semaphore, #tpu.memory_space<semaphore_mem>>
      %dma_start3A_481 = arith.constant 0 : i32
      %dma_start3A_482 = tpu.memref_slice %arg8[%dma_start3A_472, %dma_start3A_481] : memref<3x80xi32, #tpu.memory_space<vmem>> -> memref<1x80xi32, #tpu.memory_space<vmem>>
      %dma_start3A_483 = tpu.memref_squeeze %dma_start3A_482 : memref<1x80xi32, #tpu.memory_space<vmem>> -> memref<80xi32, #tpu.memory_space<vmem>>
      %dma_start3A_484 = tpu.memref_slice %arg4[%arg0, %add3A_471] : memref<2x160000xi32, #tpu.memory_space<hbm>> -> memref<1x80xi32, #tpu.memory_space<hbm>>
      %dma_start3A_485 = tpu.memref_squeeze %dma_start3A_484 : memref<1x80xi32, #tpu.memory_space<hbm>> -> memref<80xi32, #tpu.memory_space<hbm>>
      tpu.enqueue_dma source(%dma_start3A_485 : memref<80xi32, #tpu.memory_space<hbm>>) target(%dma_start3A_483 : memref<80xi32, #tpu.memory_space<vmem>>) target_semaphore(%dma_start3A_480 : memref<!tpu.dma_semaphore, #tpu.memory_space<semaphore_mem>>)
      %mul3A_486 = arith.constant 80 : i32
      %mul3A_487 = arith.muli %add3A_468, %mul3A_486 : i32
      %add3A_488 = arith.addi %mul3A_3, %mul3A_487 : i32
      %dma_start3A_489 = arith.constant 2 : i32
      %dma_start3A_490 = arith.constant 2 : i32
      %dma_start3A_491 = arith.constant 0 : i32
      %dma_start3A_492 = tpu.memref_slice %arg9[%dma_start3A_489, %dma_start3A_491] : memref<3x80xi32, #tpu.memory_space<vmem>> -> memref<1x80xi32, #tpu.memory_space<vmem>>
      %dma_start3A_493 = tpu.memref_squeeze %dma_start3A_492 : memref<1x80xi32, #tpu.memory_space<vmem>> -> memref<80xi32, #tpu.memory_space<vmem>>
      %dma_start3A_494 = tpu.memref_slice %arg5[%add3A_488] : memref<160000xi32, #tpu.memory_space<hbm>> -> memref<80xi32, #tpu.memory_space<hbm>>
      %dma_start3A_495 = tpu.memref_slice %arg13[%dma_start3A_490] : memref<3x!tpu.dma_semaphore, #tpu.memory_space<semaphore_mem>> -> memref<1x!tpu.dma_semaphore, #tpu.memory_space<semaphore_mem>>
      %dma_start3A_496 = tpu.memref_squeeze %dma_start3A_495 : memref<1x!tpu.dma_semaphore, #tpu.memory_space<semaphore_mem>> -> memref<!tpu.dma_semaphore, #tpu.memory_space<semaphore_mem>>
      %dma_start3A_497 = arith.constant 0 : i32
      %dma_start3A_498 = tpu.memref_slice %arg9[%dma_start3A_489, %dma_start3A_497] : memref<3x80xi32, #tpu.memory_space<vmem>> -> memref<1x80xi32, #tpu.memory_space<vmem>>
      %dma_start3A_499 = tpu.memref_squeeze %dma_start3A_498 : memref<1x80xi32, #tpu.memory_space<vmem>> -> memref<80xi32, #tpu.memory_space<vmem>>
      %dma_start3A_500 = tpu.memref_slice %arg5[%add3A_488] : memref<160000xi32, #tpu.memory_space<hbm>> -> memref<80xi32, #tpu.memory_space<hbm>>
      tpu.enqueue_dma source(%dma_start3A_500 : memref<80xi32, #tpu.memory_space<hbm>>) target(%dma_start3A_499 : memref<80xi32, #tpu.memory_space<vmem>>) target_semaphore(%dma_start3A_496 : memref<!tpu.dma_semaphore, #tpu.memory_space<semaphore_mem>>)
      %add3A_501 = arith.constant 1 : i32
      %add3A_502 = arith.addi %mul3A_352, %add3A_501 : i32
      %dma_wait3A_503 = arith.constant 1 : i32
      %dma_wait3A_504 = arith.constant 1 : i32
      %dma_wait3A_505 = arith.constant 1 : i32
      %dma_wait3A_506 = arith.constant 0 : i32
      %dma_wait3A_507 = arith.constant 0 : i32
      %dma_wait3A_508 = tpu.memref_slice %arg10[%dma_wait3A_504, %dma_wait3A_506, %dma_wait3A_507] : memref<3x80x144xf32, #tpu.memory_space<vmem>> -> memref<1x80x144xf32, #tpu.memory_space<vmem>>
      %dma_wait3A_509 = tpu.memref_squeeze %dma_wait3A_508 : memref<1x80x144xf32, #tpu.memory_space<vmem>> -> memref<80x144xf32, #tpu.memory_space<vmem>>
      %dma_wait3A_510 = arith.constant 0 : i32
      %dma_wait3A_511 = tpu.memref_slice %arg8[%dma_wait3A_503, %dma_wait3A_510] : memref<3x80xi32, #tpu.memory_space<vmem>> -> memref<1x80xi32, #tpu.memory_space<vmem>>
      %dma_wait3A_512 = tpu.memref_squeeze %dma_wait3A_511 : memref<1x80xi32, #tpu.memory_space<vmem>> -> memref<80xi32, #tpu.memory_space<vmem>>
      %dma_wait3A_513 = arith.constant 0 : i32
      %dma_wait3A_514 = arith.constant 0 : i32
      %dma_wait3A_515 = tpu.memref_slice %arg2[%dma_wait3A_513, %dma_wait3A_514] : memref<20000x144xf32, #tpu.memory_space<hbm>> -> memref<20000x144xf32, #tpu.memory_space<hbm>>
      %dma_wait3A_516 = tpu.memref_slice %arg14[%dma_wait3A_505] : memref<3x!tpu.dma_semaphore, #tpu.memory_space<semaphore_mem>> -> memref<1x!tpu.dma_semaphore, #tpu.memory_space<semaphore_mem>>
      %dma_wait3A_517 = tpu.memref_squeeze %dma_wait3A_516 : memref<1x!tpu.dma_semaphore, #tpu.memory_space<semaphore_mem>> -> memref<!tpu.dma_semaphore, #tpu.memory_space<semaphore_mem>>
      tpu.wait_indirect_dma semaphore(%dma_wait3A_517 : memref<!tpu.dma_semaphore, #tpu.memory_space<semaphore_mem>>) src(%dma_wait3A_515 : memref<20000x144xf32, #tpu.memory_space<hbm>>) dst(%dma_wait3A_509 : memref<80x144xf32, #tpu.memory_space<vmem>>)
      %dma_wait3A_518 = arith.constant 1 : i32
      %dma_wait3A_519 = arith.constant 1 : i32
      %dma_wait3A_520 = arith.constant 1 : i32
      %dma_wait3A_521 = arith.constant 0 : i32
      %dma_wait3A_522 = arith.constant 0 : i32
      %dma_wait3A_523 = tpu.memref_slice %arg11[%dma_wait3A_519, %dma_wait3A_521, %dma_wait3A_522] : memref<3x80x16xf32, #tpu.memory_space<vmem>> -> memref<1x80x16xf32, #tpu.memory_space<vmem>>
      %dma_wait3A_524 = tpu.memref_squeeze %dma_wait3A_523 : memref<1x80x16xf32, #tpu.memory_space<vmem>> -> memref<80x16xf32, #tpu.memory_space<vmem>>
      %dma_wait3A_525 = arith.constant 0 : i32
      %dma_wait3A_526 = tpu.memref_slice %arg9[%dma_wait3A_518, %dma_wait3A_525] : memref<3x80xi32, #tpu.memory_space<vmem>> -> memref<1x80xi32, #tpu.memory_space<vmem>>
      %dma_wait3A_527 = tpu.memref_squeeze %dma_wait3A_526 : memref<1x80xi32, #tpu.memory_space<vmem>> -> memref<80xi32, #tpu.memory_space<vmem>>
      %dma_wait3A_528 = arith.constant 0 : i32
      %dma_wait3A_529 = arith.constant 0 : i32
      %dma_wait3A_530 = tpu.memref_slice %arg3[%dma_wait3A_528, %dma_wait3A_529] : memref<10000x16xf32, #tpu.memory_space<hbm>> -> memref<10000x16xf32, #tpu.memory_space<hbm>>
      %dma_wait3A_531 = tpu.memref_slice %arg15[%dma_wait3A_520] : memref<3x!tpu.dma_semaphore, #tpu.memory_space<semaphore_mem>> -> memref<1x!tpu.dma_semaphore, #tpu.memory_space<semaphore_mem>>
      %dma_wait3A_532 = tpu.memref_squeeze %dma_wait3A_531 : memref<1x!tpu.dma_semaphore, #tpu.memory_space<semaphore_mem>> -> memref<!tpu.dma_semaphore, #tpu.memory_space<semaphore_mem>>
      tpu.wait_indirect_dma semaphore(%dma_wait3A_532 : memref<!tpu.dma_semaphore, #tpu.memory_space<semaphore_mem>>) src(%dma_wait3A_530 : memref<10000x16xf32, #tpu.memory_space<hbm>>) dst(%dma_wait3A_524 : memref<80x16xf32, #tpu.memory_space<vmem>>)
      %add3A_533 = arith.constant 1 : i32
      %add3A_534 = arith.addi %add3A_502, %add3A_533 : i32
      %mul3A_535 = arith.constant 80 : i32
      %mul3A_536 = arith.muli %add3A_534, %mul3A_535 : i32
      %add3A_537 = arith.addi %mul3A_3, %mul3A_536 : i32
      %dma_wait3A_538 = arith.constant 2 : i32
      %dma_wait3A_539 = arith.constant 2 : i32
      %dma_wait3A_540 = arith.constant 0 : i32
      %dma_wait3A_541 = tpu.memref_slice %arg8[%dma_wait3A_538, %dma_wait3A_540] : memref<3x80xi32, #tpu.memory_space<vmem>> -> memref<1x80xi32, #tpu.memory_space<vmem>>
      %dma_wait3A_542 = tpu.memref_squeeze %dma_wait3A_541 : memref<1x80xi32, #tpu.memory_space<vmem>> -> memref<80xi32, #tpu.memory_space<vmem>>
      %dma_wait3A_543 = tpu.memref_slice %arg4[%arg0, %add3A_537] : memref<2x160000xi32, #tpu.memory_space<hbm>> -> memref<1x80xi32, #tpu.memory_space<hbm>>
      %dma_wait3A_544 = tpu.memref_squeeze %dma_wait3A_543 : memref<1x80xi32, #tpu.memory_space<hbm>> -> memref<80xi32, #tpu.memory_space<hbm>>
      %dma_wait3A_545 = tpu.memref_slice %arg12[%dma_wait3A_539] : memref<3x!tpu.dma_semaphore, #tpu.memory_space<semaphore_mem>> -> memref<1x!tpu.dma_semaphore, #tpu.memory_space<semaphore_mem>>
      %dma_wait3A_546 = tpu.memref_squeeze %dma_wait3A_545 : memref<1x!tpu.dma_semaphore, #tpu.memory_space<semaphore_mem>> -> memref<!tpu.dma_semaphore, #tpu.memory_space<semaphore_mem>>
      %dma_wait3A_547 = arith.constant 0 : i32
      %dma_wait3A_548 = tpu.memref_slice %arg8[%dma_wait3A_538, %dma_wait3A_547] : memref<3x80xi32, #tpu.memory_space<vmem>> -> memref<1x80xi32, #tpu.memory_space<vmem>>
      %dma_wait3A_549 = tpu.memref_squeeze %dma_wait3A_548 : memref<1x80xi32, #tpu.memory_space<vmem>> -> memref<80xi32, #tpu.memory_space<vmem>>
      %dma_wait3A_550 = tpu.memref_slice %arg4[%arg0, %add3A_537] : memref<2x160000xi32, #tpu.memory_space<hbm>> -> memref<1x80xi32, #tpu.memory_space<hbm>>
      %dma_wait3A_551 = tpu.memref_squeeze %dma_wait3A_550 : memref<1x80xi32, #tpu.memory_space<hbm>> -> memref<80xi32, #tpu.memory_space<hbm>>
      tpu.wait_dma2 semaphore(%dma_wait3A_546 : memref<!tpu.dma_semaphore, #tpu.memory_space<semaphore_mem>>) src(%dma_wait3A_551 : memref<80xi32, #tpu.memory_space<hbm>>) dst(%dma_wait3A_549 : memref<80xi32, #tpu.memory_space<vmem>>)
      %mul3A_552 = arith.constant 80 : i32
      %mul3A_553 = arith.muli %add3A_534, %mul3A_552 : i32
      %add3A_554 = arith.addi %mul3A_3, %mul3A_553 : i32
      %dma_wait3A_555 = arith.constant 2 : i32
      %dma_wait3A_556 = arith.constant 2 : i32
      %dma_wait3A_557 = arith.constant 0 : i32
      %dma_wait3A_558 = tpu.memref_slice %arg9[%dma_wait3A_555, %dma_wait3A_557] : memref<3x80xi32, #tpu.memory_space<vmem>> -> memref<1x80xi32, #tpu.memory_space<vmem>>
      %dma_wait3A_559 = tpu.memref_squeeze %dma_wait3A_558 : memref<1x80xi32, #tpu.memory_space<vmem>> -> memref<80xi32, #tpu.memory_space<vmem>>
      %dma_wait3A_560 = tpu.memref_slice %arg5[%add3A_554] : memref<160000xi32, #tpu.memory_space<hbm>> -> memref<80xi32, #tpu.memory_space<hbm>>
      %dma_wait3A_561 = tpu.memref_slice %arg13[%dma_wait3A_556] : memref<3x!tpu.dma_semaphore, #tpu.memory_space<semaphore_mem>> -> memref<1x!tpu.dma_semaphore, #tpu.memory_space<semaphore_mem>>
      %dma_wait3A_562 = tpu.memref_squeeze %dma_wait3A_561 : memref<1x!tpu.dma_semaphore, #tpu.memory_space<semaphore_mem>> -> memref<!tpu.dma_semaphore, #tpu.memory_space<semaphore_mem>>
      %dma_wait3A_563 = arith.constant 0 : i32
      %dma_wait3A_564 = tpu.memref_slice %arg9[%dma_wait3A_555, %dma_wait3A_563] : memref<3x80xi32, #tpu.memory_space<vmem>> -> memref<1x80xi32, #tpu.memory_space<vmem>>
      %dma_wait3A_565 = tpu.memref_squeeze %dma_wait3A_564 : memref<1x80xi32, #tpu.memory_space<vmem>> -> memref<80xi32, #tpu.memory_space<vmem>>
      %dma_wait3A_566 = tpu.memref_slice %arg5[%add3A_554] : memref<160000xi32, #tpu.memory_space<hbm>> -> memref<80xi32, #tpu.memory_space<hbm>>
      tpu.wait_dma2 semaphore(%dma_wait3A_562 : memref<!tpu.dma_semaphore, #tpu.memory_space<semaphore_mem>>) src(%dma_wait3A_566 : memref<80xi32, #tpu.memory_space<hbm>>) dst(%dma_wait3A_565 : memref<80xi32, #tpu.memory_space<vmem>>)
      %dma_start3A_567 = arith.constant 2 : i32
      %dma_start3A_568 = arith.constant 2 : i32
      %dma_start3A_569 = arith.constant 2 : i32
      %dma_start3A_570 = arith.constant 0 : i32
      %dma_start3A_571 = arith.constant 0 : i32
      %dma_start3A_572 = tpu.memref_slice %arg10[%dma_start3A_568, %dma_start3A_570, %dma_start3A_571] : memref<3x80x144xf32, #tpu.memory_space<vmem>> -> memref<1x80x144xf32, #tpu.memory_space<vmem>>
      %dma_start3A_573 = tpu.memref_squeeze %dma_start3A_572 : memref<1x80x144xf32, #tpu.memory_space<vmem>> -> memref<80x144xf32, #tpu.memory_space<vmem>>
      %dma_start3A_574 = arith.constant 0 : i32
      %dma_start3A_575 = tpu.memref_slice %arg8[%dma_start3A_567, %dma_start3A_574] : memref<3x80xi32, #tpu.memory_space<vmem>> -> memref<1x80xi32, #tpu.memory_space<vmem>>
      %dma_start3A_576 = tpu.memref_squeeze %dma_start3A_575 : memref<1x80xi32, #tpu.memory_space<vmem>> -> memref<80xi32, #tpu.memory_space<vmem>>
      %dma_start3A_577 = arith.constant 0 : i32
      %dma_start3A_578 = arith.constant 0 : i32
      %dma_start3A_579 = tpu.memref_slice %arg2[%dma_start3A_577, %dma_start3A_578] : memref<20000x144xf32, #tpu.memory_space<hbm>> -> memref<20000x144xf32, #tpu.memory_space<hbm>>
      %dma_start3A_580 = tpu.memref_slice %arg14[%dma_start3A_569] : memref<3x!tpu.dma_semaphore, #tpu.memory_space<semaphore_mem>> -> memref<1x!tpu.dma_semaphore, #tpu.memory_space<semaphore_mem>>
      %dma_start3A_581 = tpu.memref_squeeze %dma_start3A_580 : memref<1x!tpu.dma_semaphore, #tpu.memory_space<semaphore_mem>> -> memref<!tpu.dma_semaphore, #tpu.memory_space<semaphore_mem>>
      tpu.enqueue_indirect_dma source(%dma_start3A_579 : memref<20000x144xf32, #tpu.memory_space<hbm>>) target(%dma_start3A_573 : memref<80x144xf32, #tpu.memory_space<vmem>>) offsets(%dma_start3A_576 : memref<80xi32, #tpu.memory_space<vmem>>) semaphore(%dma_start3A_581 : memref<!tpu.dma_semaphore, #tpu.memory_space<semaphore_mem>>)
      %dma_start3A_582 = arith.constant 2 : i32
      %dma_start3A_583 = arith.constant 2 : i32
      %dma_start3A_584 = arith.constant 2 : i32
      %dma_start3A_585 = arith.constant 0 : i32
      %dma_start3A_586 = arith.constant 0 : i32
      %dma_start3A_587 = tpu.memref_slice %arg11[%dma_start3A_583, %dma_start3A_585, %dma_start3A_586] : memref<3x80x16xf32, #tpu.memory_space<vmem>> -> memref<1x80x16xf32, #tpu.memory_space<vmem>>
      %dma_start3A_588 = tpu.memref_squeeze %dma_start3A_587 : memref<1x80x16xf32, #tpu.memory_space<vmem>> -> memref<80x16xf32, #tpu.memory_space<vmem>>
      %dma_start3A_589 = arith.constant 0 : i32
      %dma_start3A_590 = tpu.memref_slice %arg9[%dma_start3A_582, %dma_start3A_589] : memref<3x80xi32, #tpu.memory_space<vmem>> -> memref<1x80xi32, #tpu.memory_space<vmem>>
      %dma_start3A_591 = tpu.memref_squeeze %dma_start3A_590 : memref<1x80xi32, #tpu.memory_space<vmem>> -> memref<80xi32, #tpu.memory_space<vmem>>
      %dma_start3A_592 = arith.constant 0 : i32
      %dma_start3A_593 = arith.constant 0 : i32
      %dma_start3A_594 = tpu.memref_slice %arg3[%dma_start3A_592, %dma_start3A_593] : memref<10000x16xf32, #tpu.memory_space<hbm>> -> memref<10000x16xf32, #tpu.memory_space<hbm>>
      %dma_start3A_595 = tpu.memref_slice %arg15[%dma_start3A_584] : memref<3x!tpu.dma_semaphore, #tpu.memory_space<semaphore_mem>> -> memref<1x!tpu.dma_semaphore, #tpu.memory_space<semaphore_mem>>
      %dma_start3A_596 = tpu.memref_squeeze %dma_start3A_595 : memref<1x!tpu.dma_semaphore, #tpu.memory_space<semaphore_mem>> -> memref<!tpu.dma_semaphore, #tpu.memory_space<semaphore_mem>>
      tpu.enqueue_indirect_dma source(%dma_start3A_594 : memref<10000x16xf32, #tpu.memory_space<hbm>>) target(%dma_start3A_588 : memref<80x16xf32, #tpu.memory_space<vmem>>) offsets(%dma_start3A_591 : memref<80xi32, #tpu.memory_space<vmem>>) semaphore(%dma_start3A_596 : memref<!tpu.dma_semaphore, #tpu.memory_space<semaphore_mem>>)
      %parallel_loop3A_597 = arith.constant 0 : i32
      %parallel_loop3A_598 = arith.constant 80 : i32
      %parallel_loop3A_599 = arith.constant 1 : i32
      scf.for %parallel_loop3A_828 = %parallel_loop3A_597 to %parallel_loop3A_598 step %parallel_loop3A_599  : i32 {
        %parallel_loop3A_829 = arith.constant 1 : i32
        %parallel_loop3A_830 = arith.index_cast %parallel_loop3A_829 : i32 to index
        %parallel_loop3A_831 = arith.index_cast %parallel_loop3A_828 : i32 to index
        %parallel_loop3A_832 = arith.constant 128 : index
        %parallel_loop3A_833 = tpu.vector_load %arg10[%parallel_loop3A_830, %parallel_loop3A_831, %parallel_loop3A_832] {strides = array<i32>} : memref<3x80x144xf32, #tpu.memory_space<vmem>>, vector<1x1x16xf32>,
        %parallel_loop3A_834 = vector.shape_cast %parallel_loop3A_833 : vector<1x1x16xf32> to vector<16xf32>
        %parallel_loop3A_835 = arith.constant 1 : i32
        %parallel_loop3A_836 = arith.index_cast %parallel_loop3A_835 : i32 to index
        %parallel_loop3A_837 = arith.index_cast %parallel_loop3A_828 : i32 to index
        %parallel_loop3A_838 = arith.constant 0 : index
        %parallel_loop3A_839 = tpu.vector_load %arg11[%parallel_loop3A_836, %parallel_loop3A_837, %parallel_loop3A_838] {strides = array<i32>} : memref<3x80x16xf32, #tpu.memory_space<vmem>>, vector<1x1x16xf32>,
        %parallel_loop3A_840 = vector.shape_cast %parallel_loop3A_839 : vector<1x1x16xf32> to vector<16xf32>
        %parallel_loop3A_841 = arith.addf %parallel_loop3A_834, %parallel_loop3A_840 : vector<16xf32>
        %parallel_loop3A_842 = arith.constant 0.000000e+00 : f32
        %parallel_loop3A_843 = vector.broadcast %parallel_loop3A_842 : f32 to vector<16xf32>
        %parallel_loop3A_844 = arith.cmpf ogt, %parallel_loop3A_841, %parallel_loop3A_843 : vector<16xf32>
        %parallel_loop3A_845 = arith.constant 2.000000e-01 : f32
        %parallel_loop3A_846 = vector.broadcast %parallel_loop3A_845 : f32 to vector<16xf32>
        %parallel_loop3A_847 = arith.mulf %parallel_loop3A_846, %parallel_loop3A_841 : vector<16xf32>
        %parallel_loop3A_848 = arith.select %parallel_loop3A_844, %parallel_loop3A_841, %parallel_loop3A_847 : vector<16xi1>, vector<16xf32>
        %parallel_loop3A_849 = math.exp %parallel_loop3A_848 : vector<16xf32>
        %parallel_loop3A_850 = arith.constant 8 : i32
        %parallel_loop3A_851 = vector.broadcast %parallel_loop3A_850 : i32 to vector<16xi32>
        %parallel_loop3A_852 = arith.cmpi slt, %iota3A, %parallel_loop3A_851 : vector<16xi32>
        %parallel_loop3A_853 = arith.constant 0.000000e+00 : f32
        %parallel_loop3A_854 = vector.broadcast %parallel_loop3A_853 : f32 to vector<16xf32>
        %parallel_loop3A_855 = arith.select %parallel_loop3A_852, %parallel_loop3A_849, %parallel_loop3A_854 : vector<16xi1>, vector<16xf32>
        %parallel_loop3A_856 = arith.constant 1 : i32
        %parallel_loop3A_857 = arith.index_cast %parallel_loop3A_856 : i32 to index
        %parallel_loop3A_858 = arith.index_cast %parallel_loop3A_828 : i32 to index
        %parallel_loop3A_859 = arith.constant 128 : index
        %parallel_loop3A_860 = tpu.vector_load %arg10[%parallel_loop3A_857, %parallel_loop3A_858, %parallel_loop3A_859] {strides = array<i32>} : memref<3x80x144xf32, #tpu.memory_space<vmem>>, vector<1x1x16xf32>,
        %parallel_loop3A_861 = vector.shape_cast %parallel_loop3A_860 : vector<1x1x16xf32> to vector<16xf32>
        %parallel_loop3A_862 = vector.shape_cast %parallel_loop3A_855 : vector<16xf32> to vector<1x1x16xf32>
        tpu.vector_store %arg10[%parallel_loop3A_857, %parallel_loop3A_858, %parallel_loop3A_859], %parallel_loop3A_862 {strides = array<i32>} : memref<3x80x144xf32, #tpu.memory_space<vmem>>, vector<1x1x16xf32>,
        %parallel_loop3A_863 = arith.constant 4 : i32
        %parallel_loop3A_864 = arith.muli %arg0, %parallel_loop3A_863 : i32
        %parallel_loop3A_865 = arith.constant 0 : i32
        %parallel_loop3A_866 = arith.addi %parallel_loop3A_864, %parallel_loop3A_865 : i32
        %parallel_loop3A_867 = vector.broadcast %parallel_loop3A_866 : i32 to vector<16xi32>
        %parallel_loop3A_868 = vector.shape_cast %parallel_loop3A_867 : vector<16xi32> to vector<16x1xi32>
        %parallel_loop3A_869 = vector.shape_cast %parallel_loop3A_868 : vector<16x1xi32> to vector<16xi32>
        %parallel_loop3A_870 = tpu.dynamic_gather %parallel_loop3A_849[%parallel_loop3A_869] in [0] : vector<16xf32>, vector<16xi32> -> vector<16xf32>
        %parallel_loop3A_871 = arith.constant 1 : i32
        %parallel_loop3A_872 = arith.index_cast %parallel_loop3A_871 : i32 to index
        %parallel_loop3A_873 = arith.index_cast %parallel_loop3A_828 : i32 to index
        %parallel_loop3A_874 = arith.constant 0 : index
        %parallel_loop3A_875 = tpu.vector_load %arg10[%parallel_loop3A_872, %parallel_loop3A_873, %parallel_loop3A_874] {strides = array<i32>} : memref<3x80x144xf32, #tpu.memory_space<vmem>>, vector<1x1x16xf32>,
        %parallel_loop3A_876 = vector.shape_cast %parallel_loop3A_875 : vector<1x1x16xf32> to vector<16xf32>
        %parallel_loop3A_877 = arith.mulf %parallel_loop3A_876, %parallel_loop3A_870 : vector<16xf32>
        %parallel_loop3A_878 = arith.constant 1 : i32
        %parallel_loop3A_879 = arith.index_cast %parallel_loop3A_878 : i32 to index
        %parallel_loop3A_880 = arith.index_cast %parallel_loop3A_828 : i32 to index
        %parallel_loop3A_881 = arith.constant 0 : index
        %parallel_loop3A_882 = tpu.vector_load %arg10[%parallel_loop3A_879, %parallel_loop3A_880, %parallel_loop3A_881] {strides = array<i32>} : memref<3x80x144xf32, #tpu.memory_space<vmem>>, vector<1x1x16xf32>,
        %parallel_loop3A_883 = vector.shape_cast %parallel_loop3A_882 : vector<1x1x16xf32> to vector<16xf32>
        %parallel_loop3A_884 = vector.shape_cast %parallel_loop3A_877 : vector<16xf32> to vector<1x1x16xf32>
        tpu.vector_store %arg10[%parallel_loop3A_879, %parallel_loop3A_880, %parallel_loop3A_881], %parallel_loop3A_884 {strides = array<i32>} : memref<3x80x144xf32, #tpu.memory_space<vmem>>, vector<1x1x16xf32>,
        %parallel_loop3A_885 = arith.constant 1 : i32
        %parallel_loop3A_886 = arith.index_cast %parallel_loop3A_885 : i32 to index
        %parallel_loop3A_887 = arith.index_cast %parallel_loop3A_828 : i32 to index
        %parallel_loop3A_888 = arith.constant 16 : index
        %parallel_loop3A_889 = tpu.vector_load %arg10[%parallel_loop3A_886, %parallel_loop3A_887, %parallel_loop3A_888] {strides = array<i32>} : memref<3x80x144xf32, #tpu.memory_space<vmem>>, vector<1x1x16xf32>,
        %parallel_loop3A_890 = vector.shape_cast %parallel_loop3A_889 : vector<1x1x16xf32> to vector<16xf32>
        %parallel_loop3A_891 = arith.mulf %parallel_loop3A_890, %parallel_loop3A_870 : vector<16xf32>
        %parallel_loop3A_892 = arith.constant 1 : i32
        %parallel_loop3A_893 = arith.index_cast %parallel_loop3A_892 : i32 to index
        %parallel_loop3A_894 = arith.index_cast %parallel_loop3A_828 : i32 to index
        %parallel_loop3A_895 = arith.constant 16 : index
        %parallel_loop3A_896 = tpu.vector_load %arg10[%parallel_loop3A_893, %parallel_loop3A_894, %parallel_loop3A_895] {strides = array<i32>} : memref<3x80x144xf32, #tpu.memory_space<vmem>>, vector<1x1x16xf32>,
        %parallel_loop3A_897 = vector.shape_cast %parallel_loop3A_896 : vector<1x1x16xf32> to vector<16xf32>
        %parallel_loop3A_898 = vector.shape_cast %parallel_loop3A_891 : vector<16xf32> to vector<1x1x16xf32>
        tpu.vector_store %arg10[%parallel_loop3A_893, %parallel_loop3A_894, %parallel_loop3A_895], %parallel_loop3A_898 {strides = array<i32>} : memref<3x80x144xf32, #tpu.memory_space<vmem>>, vector<1x1x16xf32>,
        %parallel_loop3A_899 = arith.constant 4 : i32
        %parallel_loop3A_900 = arith.muli %arg0, %parallel_loop3A_899 : i32
        %parallel_loop3A_901 = arith.constant 1 : i32
        %parallel_loop3A_902 = arith.addi %parallel_loop3A_900, %parallel_loop3A_901 : i32
        %parallel_loop3A_903 = vector.broadcast %parallel_loop3A_902 : i32 to vector<16xi32>
        %parallel_loop3A_904 = vector.shape_cast %parallel_loop3A_903 : vector<16xi32> to vector<16x1xi32>
        %parallel_loop3A_905 = vector.shape_cast %parallel_loop3A_904 : vector<16x1xi32> to vector<16xi32>
        %parallel_loop3A_906 = tpu.dynamic_gather %parallel_loop3A_849[%parallel_loop3A_905] in [0] : vector<16xf32>, vector<16xi32> -> vector<16xf32>
        %parallel_loop3A_907 = arith.constant 1 : i32
        %parallel_loop3A_908 = arith.index_cast %parallel_loop3A_907 : i32 to index
        %parallel_loop3A_909 = arith.index_cast %parallel_loop3A_828 : i32 to index
        %parallel_loop3A_910 = arith.constant 32 : index
        %parallel_loop3A_911 = tpu.vector_load %arg10[%parallel_loop3A_908, %parallel_loop3A_909, %parallel_loop3A_910] {strides = array<i32>} : memref<3x80x144xf32, #tpu.memory_space<vmem>>, vector<1x1x16xf32>,
        %parallel_loop3A_912 = vector.shape_cast %parallel_loop3A_911 : vector<1x1x16xf32> to vector<16xf32>
        %parallel_loop3A_913 = arith.mulf %parallel_loop3A_912, %parallel_loop3A_906 : vector<16xf32>
        %parallel_loop3A_914 = arith.constant 1 : i32
        %parallel_loop3A_915 = arith.index_cast %parallel_loop3A_914 : i32 to index
        %parallel_loop3A_916 = arith.index_cast %parallel_loop3A_828 : i32 to index
        %parallel_loop3A_917 = arith.constant 32 : index
        %parallel_loop3A_918 = tpu.vector_load %arg10[%parallel_loop3A_915, %parallel_loop3A_916, %parallel_loop3A_917] {strides = array<i32>} : memref<3x80x144xf32, #tpu.memory_space<vmem>>, vector<1x1x16xf32>,
        %parallel_loop3A_919 = vector.shape_cast %parallel_loop3A_918 : vector<1x1x16xf32> to vector<16xf32>
        %parallel_loop3A_920 = vector.shape_cast %parallel_loop3A_913 : vector<16xf32> to vector<1x1x16xf32>
        tpu.vector_store %arg10[%parallel_loop3A_915, %parallel_loop3A_916, %parallel_loop3A_917], %parallel_loop3A_920 {strides = array<i32>} : memref<3x80x144xf32, #tpu.memory_space<vmem>>, vector<1x1x16xf32>,
        %parallel_loop3A_921 = arith.constant 1 : i32
        %parallel_loop3A_922 = arith.index_cast %parallel_loop3A_921 : i32 to index
        %parallel_loop3A_923 = arith.index_cast %parallel_loop3A_828 : i32 to index
        %parallel_loop3A_924 = arith.constant 48 : index
        %parallel_loop3A_925 = tpu.vector_load %arg10[%parallel_loop3A_922, %parallel_loop3A_923, %parallel_loop3A_924] {strides = array<i32>} : memref<3x80x144xf32, #tpu.memory_space<vmem>>, vector<1x1x16xf32>,
        %parallel_loop3A_926 = vector.shape_cast %parallel_loop3A_925 : vector<1x1x16xf32> to vector<16xf32>
        %parallel_loop3A_927 = arith.mulf %parallel_loop3A_926, %parallel_loop3A_906 : vector<16xf32>
        %parallel_loop3A_928 = arith.constant 1 : i32
        %parallel_loop3A_929 = arith.index_cast %parallel_loop3A_928 : i32 to index
        %parallel_loop3A_930 = arith.index_cast %parallel_loop3A_828 : i32 to index
        %parallel_loop3A_931 = arith.constant 48 : index
        %parallel_loop3A_932 = tpu.vector_load %arg10[%parallel_loop3A_929, %parallel_loop3A_930, %parallel_loop3A_931] {strides = array<i32>} : memref<3x80x144xf32, #tpu.memory_space<vmem>>, vector<1x1x16xf32>,
        %parallel_loop3A_933 = vector.shape_cast %parallel_loop3A_932 : vector<1x1x16xf32> to vector<16xf32>
        %parallel_loop3A_934 = vector.shape_cast %parallel_loop3A_927 : vector<16xf32> to vector<1x1x16xf32>
        tpu.vector_store %arg10[%parallel_loop3A_929, %parallel_loop3A_930, %parallel_loop3A_931], %parallel_loop3A_934 {strides = array<i32>} : memref<3x80x144xf32, #tpu.memory_space<vmem>>, vector<1x1x16xf32>,
        %parallel_loop3A_935 = arith.constant 4 : i32
        %parallel_loop3A_936 = arith.muli %arg0, %parallel_loop3A_935 : i32
        %parallel_loop3A_937 = arith.constant 2 : i32
        %parallel_loop3A_938 = arith.addi %parallel_loop3A_936, %parallel_loop3A_937 : i32
        %parallel_loop3A_939 = vector.broadcast %parallel_loop3A_938 : i32 to vector<16xi32>
        %parallel_loop3A_940 = vector.shape_cast %parallel_loop3A_939 : vector<16xi32> to vector<16x1xi32>
        %parallel_loop3A_941 = vector.shape_cast %parallel_loop3A_940 : vector<16x1xi32> to vector<16xi32>
        %parallel_loop3A_942 = tpu.dynamic_gather %parallel_loop3A_849[%parallel_loop3A_941] in [0] : vector<16xf32>, vector<16xi32> -> vector<16xf32>
        %parallel_loop3A_943 = arith.constant 1 : i32
        %parallel_loop3A_944 = arith.index_cast %parallel_loop3A_943 : i32 to index
        %parallel_loop3A_945 = arith.index_cast %parallel_loop3A_828 : i32 to index
        %parallel_loop3A_946 = arith.constant 64 : index
        %parallel_loop3A_947 = tpu.vector_load %arg10[%parallel_loop3A_944, %parallel_loop3A_945, %parallel_loop3A_946] {strides = array<i32>} : memref<3x80x144xf32, #tpu.memory_space<vmem>>, vector<1x1x16xf32>,
        %parallel_loop3A_948 = vector.shape_cast %parallel_loop3A_947 : vector<1x1x16xf32> to vector<16xf32>
        %parallel_loop3A_949 = arith.mulf %parallel_loop3A_948, %parallel_loop3A_942 : vector<16xf32>
        %parallel_loop3A_950 = arith.constant 1 : i32
        %parallel_loop3A_951 = arith.index_cast %parallel_loop3A_950 : i32 to index
        %parallel_loop3A_952 = arith.index_cast %parallel_loop3A_828 : i32 to index
        %parallel_loop3A_953 = arith.constant 64 : index
        %parallel_loop3A_954 = tpu.vector_load %arg10[%parallel_loop3A_951, %parallel_loop3A_952, %parallel_loop3A_953] {strides = array<i32>} : memref<3x80x144xf32, #tpu.memory_space<vmem>>, vector<1x1x16xf32>,
        %parallel_loop3A_955 = vector.shape_cast %parallel_loop3A_954 : vector<1x1x16xf32> to vector<16xf32>
        %parallel_loop3A_956 = vector.shape_cast %parallel_loop3A_949 : vector<16xf32> to vector<1x1x16xf32>
        tpu.vector_store %arg10[%parallel_loop3A_951, %parallel_loop3A_952, %parallel_loop3A_953], %parallel_loop3A_956 {strides = array<i32>} : memref<3x80x144xf32, #tpu.memory_space<vmem>>, vector<1x1x16xf32>,
        %parallel_loop3A_957 = arith.constant 1 : i32
        %parallel_loop3A_958 = arith.index_cast %parallel_loop3A_957 : i32 to index
        %parallel_loop3A_959 = arith.index_cast %parallel_loop3A_828 : i32 to index
        %parallel_loop3A_960 = arith.constant 80 : index
        %parallel_loop3A_961 = tpu.vector_load %arg10[%parallel_loop3A_958, %parallel_loop3A_959, %parallel_loop3A_960] {strides = array<i32>} : memref<3x80x144xf32, #tpu.memory_space<vmem>>, vector<1x1x16xf32>,
        %parallel_loop3A_962 = vector.shape_cast %parallel_loop3A_961 : vector<1x1x16xf32> to vector<16xf32>
        %parallel_loop3A_963 = arith.mulf %parallel_loop3A_962, %parallel_loop3A_942 : vector<16xf32>
        %parallel_loop3A_964 = arith.constant 1 : i32
        %parallel_loop3A_965 = arith.index_cast %parallel_loop3A_964 : i32 to index
        %parallel_loop3A_966 = arith.index_cast %parallel_loop3A_828 : i32 to index
        %parallel_loop3A_967 = arith.constant 80 : index
        %parallel_loop3A_968 = tpu.vector_load %arg10[%parallel_loop3A_965, %parallel_loop3A_966, %parallel_loop3A_967] {strides = array<i32>} : memref<3x80x144xf32, #tpu.memory_space<vmem>>, vector<1x1x16xf32>,
        %parallel_loop3A_969 = vector.shape_cast %parallel_loop3A_968 : vector<1x1x16xf32> to vector<16xf32>
        %parallel_loop3A_970 = vector.shape_cast %parallel_loop3A_963 : vector<16xf32> to vector<1x1x16xf32>
        tpu.vector_store %arg10[%parallel_loop3A_965, %parallel_loop3A_966, %parallel_loop3A_967], %parallel_loop3A_970 {strides = array<i32>} : memref<3x80x144xf32, #tpu.memory_space<vmem>>, vector<1x1x16xf32>,
        %parallel_loop3A_971 = arith.constant 4 : i32
        %parallel_loop3A_972 = arith.muli %arg0, %parallel_loop3A_971 : i32
        %parallel_loop3A_973 = arith.constant 3 : i32
        %parallel_loop3A_974 = arith.addi %parallel_loop3A_972, %parallel_loop3A_973 : i32
        %parallel_loop3A_975 = vector.broadcast %parallel_loop3A_974 : i32 to vector<16xi32>
        %parallel_loop3A_976 = vector.shape_cast %parallel_loop3A_975 : vector<16xi32> to vector<16x1xi32>
        %parallel_loop3A_977 = vector.shape_cast %parallel_loop3A_976 : vector<16x1xi32> to vector<16xi32>
        %parallel_loop3A_978 = tpu.dynamic_gather %parallel_loop3A_849[%parallel_loop3A_977] in [0] : vector<16xf32>, vector<16xi32> -> vector<16xf32>
        %parallel_loop3A_979 = arith.constant 1 : i32
        %parallel_loop3A_980 = arith.index_cast %parallel_loop3A_979 : i32 to index
        %parallel_loop3A_981 = arith.index_cast %parallel_loop3A_828 : i32 to index
        %parallel_loop3A_982 = arith.constant 96 : index
        %parallel_loop3A_983 = tpu.vector_load %arg10[%parallel_loop3A_980, %parallel_loop3A_981, %parallel_loop3A_982] {strides = array<i32>} : memref<3x80x144xf32, #tpu.memory_space<vmem>>, vector<1x1x16xf32>,
        %parallel_loop3A_984 = vector.shape_cast %parallel_loop3A_983 : vector<1x1x16xf32> to vector<16xf32>
        %parallel_loop3A_985 = arith.mulf %parallel_loop3A_984, %parallel_loop3A_978 : vector<16xf32>
        %parallel_loop3A_986 = arith.constant 1 : i32
        %parallel_loop3A_987 = arith.index_cast %parallel_loop3A_986 : i32 to index
        %parallel_loop3A_988 = arith.index_cast %parallel_loop3A_828 : i32 to index
        %parallel_loop3A_989 = arith.constant 96 : index
        %parallel_loop3A_990 = tpu.vector_load %arg10[%parallel_loop3A_987, %parallel_loop3A_988, %parallel_loop3A_989] {strides = array<i32>} : memref<3x80x144xf32, #tpu.memory_space<vmem>>, vector<1x1x16xf32>,
        %parallel_loop3A_991 = vector.shape_cast %parallel_loop3A_990 : vector<1x1x16xf32> to vector<16xf32>
        %parallel_loop3A_992 = vector.shape_cast %parallel_loop3A_985 : vector<16xf32> to vector<1x1x16xf32>
        tpu.vector_store %arg10[%parallel_loop3A_987, %parallel_loop3A_988, %parallel_loop3A_989], %parallel_loop3A_992 {strides = array<i32>} : memref<3x80x144xf32, #tpu.memory_space<vmem>>, vector<1x1x16xf32>,
        %parallel_loop3A_993 = arith.constant 1 : i32
        %parallel_loop3A_994 = arith.index_cast %parallel_loop3A_993 : i32 to index
        %parallel_loop3A_995 = arith.index_cast %parallel_loop3A_828 : i32 to index
        %parallel_loop3A_996 = arith.constant 112 : index
        %parallel_loop3A_997 = tpu.vector_load %arg10[%parallel_loop3A_994, %parallel_loop3A_995, %parallel_loop3A_996] {strides = array<i32>} : memref<3x80x144xf32, #tpu.memory_space<vmem>>, vector<1x1x16xf32>,
        %parallel_loop3A_998 = vector.shape_cast %parallel_loop3A_997 : vector<1x1x16xf32> to vector<16xf32>
        %parallel_loop3A_999 = arith.mulf %parallel_loop3A_998, %parallel_loop3A_978 : vector<16xf32>
        %parallel_loop3A_1000 = arith.constant 1 : i32
        %parallel_loop3A_1001 = arith.index_cast %parallel_loop3A_1000 : i32 to index
        %parallel_loop3A_1002 = arith.index_cast %parallel_loop3A_828 : i32 to index
        %parallel_loop3A_1003 = arith.constant 112 : index
        %parallel_loop3A_1004 = tpu.vector_load %arg10[%parallel_loop3A_1001, %parallel_loop3A_1002, %parallel_loop3A_1003] {strides = array<i32>} : memref<3x80x144xf32, #tpu.memory_space<vmem>>, vector<1x1x16xf32>,
        %parallel_loop3A_1005 = vector.shape_cast %parallel_loop3A_1004 : vector<1x1x16xf32> to vector<16xf32>
        %parallel_loop3A_1006 = vector.shape_cast %parallel_loop3A_999 : vector<16xf32> to vector<1x1x16xf32>
        tpu.vector_store %arg10[%parallel_loop3A_1001, %parallel_loop3A_1002, %parallel_loop3A_1003], %parallel_loop3A_1006 {strides = array<i32>} : memref<3x80x144xf32, #tpu.memory_space<vmem>>, vector<1x1x16xf32>,
      } {sc.loop_unroll_factor = 4 : i64, sc.parallel_access}
      %dma_start3A_600 = arith.constant 1 : i32
      %dma_start3A_601 = arith.constant 1 : i32
      %dma_start3A_602 = arith.constant 1 : i32
      %dma_start3A_603 = arith.constant 0 : i32
      %dma_start3A_604 = arith.constant 0 : i32
      %dma_start3A_605 = tpu.memref_slice %arg10[%dma_start3A_600, %dma_start3A_603, %dma_start3A_604] : memref<3x80x144xf32, #tpu.memory_space<vmem>> -> memref<1x80x144xf32, #tpu.memory_space<vmem>>
      %dma_start3A_606 = tpu.memref_squeeze %dma_start3A_605 : memref<1x80x144xf32, #tpu.memory_space<vmem>> -> memref<80x144xf32, #tpu.memory_space<vmem>>
      %dma_start3A_607 = arith.constant 0 : i32
      %dma_start3A_608 = tpu.memref_slice %arg9[%dma_start3A_601, %dma_start3A_607] : memref<3x80xi32, #tpu.memory_space<vmem>> -> memref<1x80xi32, #tpu.memory_space<vmem>>
      %dma_start3A_609 = tpu.memref_squeeze %dma_start3A_608 : memref<1x80xi32, #tpu.memory_space<vmem>> -> memref<80xi32, #tpu.memory_space<vmem>>
      %dma_start3A_610 = arith.constant 0 : i32
      %dma_start3A_611 = arith.constant 0 : i32
      %dma_start3A_612 = tpu.memref_slice %arg7[%dma_start3A_610, %dma_start3A_611] : memref<10240x144xf32, #tpu.memory_space<vmem_shared>> -> memref<10240x144xf32, #tpu.memory_space<vmem_shared>>
      %dma_start3A_613 = tpu.memref_slice %arg16[%dma_start3A_602] : memref<3x!tpu.dma_semaphore, #tpu.memory_space<semaphore_mem>> -> memref<1x!tpu.dma_semaphore, #tpu.memory_space<semaphore_mem>>
      %dma_start3A_614 = tpu.memref_squeeze %dma_start3A_613 : memref<1x!tpu.dma_semaphore, #tpu.memory_space<semaphore_mem>> -> memref<!tpu.dma_semaphore, #tpu.memory_space<semaphore_mem>>
      tpu.enqueue_indirect_dma source(%dma_start3A_606 : memref<80x144xf32, #tpu.memory_space<vmem>>) target(%dma_start3A_612 : memref<10240x144xf32, #tpu.memory_space<vmem_shared>>) offsets(%dma_start3A_609 : memref<80xi32, #tpu.memory_space<vmem>>) semaphore(%dma_start3A_614 : memref<!tpu.dma_semaphore, #tpu.memory_space<semaphore_mem>>) {add = true}
      %dma_wait3A_615 = arith.constant 0 : i32
      %dma_wait3A_616 = arith.constant 0 : i32
      %dma_wait3A_617 = arith.constant 0 : i32
      %dma_wait3A_618 = arith.constant 0 : i32
      %dma_wait3A_619 = arith.constant 0 : i32
      %dma_wait3A_620 = tpu.memref_slice %arg10[%dma_wait3A_615, %dma_wait3A_618, %dma_wait3A_619] : memref<3x80x144xf32, #tpu.memory_space<vmem>> -> memref<1x80x144xf32, #tpu.memory_space<vmem>>
      %dma_wait3A_621 = tpu.memref_squeeze %dma_wait3A_620 : memref<1x80x144xf32, #tpu.memory_space<vmem>> -> memref<80x144xf32, #tpu.memory_space<vmem>>
      %dma_wait3A_622 = arith.constant 0 : i32
      %dma_wait3A_623 = tpu.memref_slice %arg9[%dma_wait3A_616, %dma_wait3A_622] : memref<3x80xi32, #tpu.memory_space<vmem>> -> memref<1x80xi32, #tpu.memory_space<vmem>>
      %dma_wait3A_624 = tpu.memref_squeeze %dma_wait3A_623 : memref<1x80xi32, #tpu.memory_space<vmem>> -> memref<80xi32, #tpu.memory_space<vmem>>
      %dma_wait3A_625 = arith.constant 0 : i32
      %dma_wait3A_626 = arith.constant 0 : i32
      %dma_wait3A_627 = tpu.memref_slice %arg7[%dma_wait3A_625, %dma_wait3A_626] : memref<10240x144xf32, #tpu.memory_space<vmem_shared>> -> memref<10240x144xf32, #tpu.memory_space<vmem_shared>>
      %dma_wait3A_628 = tpu.memref_slice %arg16[%dma_wait3A_617] : memref<3x!tpu.dma_semaphore, #tpu.memory_space<semaphore_mem>> -> memref<1x!tpu.dma_semaphore, #tpu.memory_space<semaphore_mem>>
      %dma_wait3A_629 = tpu.memref_squeeze %dma_wait3A_628 : memref<1x!tpu.dma_semaphore, #tpu.memory_space<semaphore_mem>> -> memref<!tpu.dma_semaphore, #tpu.memory_space<semaphore_mem>>
      tpu.wait_indirect_dma semaphore(%dma_wait3A_629 : memref<!tpu.dma_semaphore, #tpu.memory_space<semaphore_mem>>) src(%dma_wait3A_621 : memref<80x144xf32, #tpu.memory_space<vmem>>) dst(%dma_wait3A_627 : memref<10240x144xf32, #tpu.memory_space<vmem_shared>>)
      %add3A_630 = arith.constant 2 : i32
      %add3A_631 = arith.addi %add3A_502, %add3A_630 : i32
      %mul3A_632 = arith.constant 80 : i32
      %mul3A_633 = arith.muli %add3A_631, %mul3A_632 : i32
      %add3A_634 = arith.addi %mul3A_3, %mul3A_633 : i32
      %dma_start3A_635 = arith.constant 0 : i32
      %dma_start3A_636 = arith.constant 0 : i32
      %dma_start3A_637 = arith.constant 0 : i32
      %dma_start3A_638 = tpu.memref_slice %arg8[%dma_start3A_635, %dma_start3A_637] : memref<3x80xi32, #tpu.memory_space<vmem>> -> memref<1x80xi32, #tpu.memory_space<vmem>>
      %dma_start3A_639 = tpu.memref_squeeze %dma_start3A_638 : memref<1x80xi32, #tpu.memory_space<vmem>> -> memref<80xi32, #tpu.memory_space<vmem>>
      %dma_start3A_640 = tpu.memref_slice %arg4[%arg0, %add3A_634] : memref<2x160000xi32, #tpu.memory_space<hbm>> -> memref<1x80xi32, #tpu.memory_space<hbm>>
      %dma_start3A_641 = tpu.memref_squeeze %dma_start3A_640 : memref<1x80xi32, #tpu.memory_space<hbm>> -> memref<80xi32, #tpu.memory_space<hbm>>
      %dma_start3A_642 = tpu.memref_slice %arg12[%dma_start3A_636] : memref<3x!tpu.dma_semaphore, #tpu.memory_space<semaphore_mem>> -> memref<1x!tpu.dma_semaphore, #tpu.memory_space<semaphore_mem>>
      %dma_start3A_643 = tpu.memref_squeeze %dma_start3A_642 : memref<1x!tpu.dma_semaphore, #tpu.memory_space<semaphore_mem>> -> memref<!tpu.dma_semaphore, #tpu.memory_space<semaphore_mem>>
      %dma_start3A_644 = arith.constant 0 : i32
      %dma_start3A_645 = tpu.memref_slice %arg8[%dma_start3A_635, %dma_start3A_644] : memref<3x80xi32, #tpu.memory_space<vmem>> -> memref<1x80xi32, #tpu.memory_space<vmem>>
      %dma_start3A_646 = tpu.memref_squeeze %dma_start3A_645 : memref<1x80xi32, #tpu.memory_space<vmem>> -> memref<80xi32, #tpu.memory_space<vmem>>
      %dma_start3A_647 = tpu.memref_slice %arg4[%arg0, %add3A_634] : memref<2x160000xi32, #tpu.memory_space<hbm>> -> memref<1x80xi32, #tpu.memory_space<hbm>>
      %dma_start3A_648 = tpu.memref_squeeze %dma_start3A_647 : memref<1x80xi32, #tpu.memory_space<hbm>> -> memref<80xi32, #tpu.memory_space<hbm>>
      tpu.enqueue_dma source(%dma_start3A_648 : memref<80xi32, #tpu.memory_space<hbm>>) target(%dma_start3A_646 : memref<80xi32, #tpu.memory_space<vmem>>) target_semaphore(%dma_start3A_643 : memref<!tpu.dma_semaphore, #tpu.memory_space<semaphore_mem>>)
      %mul3A_649 = arith.constant 80 : i32
      %mul3A_650 = arith.muli %add3A_631, %mul3A_649 : i32
      %add3A_651 = arith.addi %mul3A_3, %mul3A_650 : i32
      %dma_start3A_652 = arith.constant 0 : i32
      %dma_start3A_653 = arith.constant 0 : i32
      %dma_start3A_654 = arith.constant 0 : i32
      %dma_start3A_655 = tpu.memref_slice %arg9[%dma_start3A_652, %dma_start3A_654] : memref<3x80xi32, #tpu.memory_space<vmem>> -> memref<1x80xi32, #tpu.memory_space<vmem>>
      %dma_start3A_656 = tpu.memref_squeeze %dma_start3A_655 : memref<1x80xi32, #tpu.memory_space<vmem>> -> memref<80xi32, #tpu.memory_space<vmem>>
      %dma_start3A_657 = tpu.memref_slice %arg5[%add3A_651] : memref<160000xi32, #tpu.memory_space<hbm>> -> memref<80xi32, #tpu.memory_space<hbm>>
      %dma_start3A_658 = tpu.memref_slice %arg13[%dma_start3A_653] : memref<3x!tpu.dma_semaphore, #tpu.memory_space<semaphore_mem>> -> memref<1x!tpu.dma_semaphore, #tpu.memory_space<semaphore_mem>>
      %dma_start3A_659 = tpu.memref_squeeze %dma_start3A_658 : memref<1x!tpu.dma_semaphore, #tpu.memory_space<semaphore_mem>> -> memref<!tpu.dma_semaphore, #tpu.memory_space<semaphore_mem>>
      %dma_start3A_660 = arith.constant 0 : i32
      %dma_start3A_661 = tpu.memref_slice %arg9[%dma_start3A_652, %dma_start3A_660] : memref<3x80xi32, #tpu.memory_space<vmem>> -> memref<1x80xi32, #tpu.memory_space<vmem>>
      %dma_start3A_662 = tpu.memref_squeeze %dma_start3A_661 : memref<1x80xi32, #tpu.memory_space<vmem>> -> memref<80xi32, #tpu.memory_space<vmem>>
      %dma_start3A_663 = tpu.memref_slice %arg5[%add3A_651] : memref<160000xi32, #tpu.memory_space<hbm>> -> memref<80xi32, #tpu.memory_space<hbm>>
      tpu.enqueue_dma source(%dma_start3A_663 : memref<80xi32, #tpu.memory_space<hbm>>) target(%dma_start3A_662 : memref<80xi32, #tpu.memory_space<vmem>>) target_semaphore(%dma_start3A_659 : memref<!tpu.dma_semaphore, #tpu.memory_space<semaphore_mem>>)
      %add3A_664 = arith.constant 2 : i32
      %add3A_665 = arith.addi %mul3A_352, %add3A_664 : i32
      %dma_wait3A_666 = arith.constant 2 : i32
      %dma_wait3A_667 = arith.constant 2 : i32
      %dma_wait3A_668 = arith.constant 2 : i32
      %dma_wait3A_669 = arith.constant 0 : i32
      %dma_wait3A_670 = arith.constant 0 : i32
      %dma_wait3A_671 = tpu.memref_slice %arg10[%dma_wait3A_667, %dma_wait3A_669, %dma_wait3A_670] : memref<3x80x144xf32, #tpu.memory_space<vmem>> -> memref<1x80x144xf32, #tpu.memory_space<vmem>>
      %dma_wait3A_672 = tpu.memref_squeeze %dma_wait3A_671 : memref<1x80x144xf32, #tpu.memory_space<vmem>> -> memref<80x144xf32, #tpu.memory_space<vmem>>
      %dma_wait3A_673 = arith.constant 0 : i32
      %dma_wait3A_674 = tpu.memref_slice %arg8[%dma_wait3A_666, %dma_wait3A_673] : memref<3x80xi32, #tpu.memory_space<vmem>> -> memref<1x80xi32, #tpu.memory_space<vmem>>
      %dma_wait3A_675 = tpu.memref_squeeze %dma_wait3A_674 : memref<1x80xi32, #tpu.memory_space<vmem>> -> memref<80xi32, #tpu.memory_space<vmem>>
      %dma_wait3A_676 = arith.constant 0 : i32
      %dma_wait3A_677 = arith.constant 0 : i32
      %dma_wait3A_678 = tpu.memref_slice %arg2[%dma_wait3A_676, %dma_wait3A_677] : memref<20000x144xf32, #tpu.memory_space<hbm>> -> memref<20000x144xf32, #tpu.memory_space<hbm>>
      %dma_wait3A_679 = tpu.memref_slice %arg14[%dma_wait3A_668] : memref<3x!tpu.dma_semaphore, #tpu.memory_space<semaphore_mem>> -> memref<1x!tpu.dma_semaphore, #tpu.memory_space<semaphore_mem>>
      %dma_wait3A_680 = tpu.memref_squeeze %dma_wait3A_679 : memref<1x!tpu.dma_semaphore, #tpu.memory_space<semaphore_mem>> -> memref<!tpu.dma_semaphore, #tpu.memory_space<semaphore_mem>>
      tpu.wait_indirect_dma semaphore(%dma_wait3A_680 : memref<!tpu.dma_semaphore, #tpu.memory_space<semaphore_mem>>) src(%dma_wait3A_678 : memref<20000x144xf32, #tpu.memory_space<hbm>>) dst(%dma_wait3A_672 : memref<80x144xf32, #tpu.memory_space<vmem>>)
      %dma_wait3A_681 = arith.constant 2 : i32
      %dma_wait3A_682 = arith.constant 2 : i32
      %dma_wait3A_683 = arith.constant 2 : i32
      %dma_wait3A_684 = arith.constant 0 : i32
      %dma_wait3A_685 = arith.constant 0 : i32
      %dma_wait3A_686 = tpu.memref_slice %arg11[%dma_wait3A_682, %dma_wait3A_684, %dma_wait3A_685] : memref<3x80x16xf32, #tpu.memory_space<vmem>> -> memref<1x80x16xf32, #tpu.memory_space<vmem>>
      %dma_wait3A_687 = tpu.memref_squeeze %dma_wait3A_686 : memref<1x80x16xf32, #tpu.memory_space<vmem>> -> memref<80x16xf32, #tpu.memory_space<vmem>>
      %dma_wait3A_688 = arith.constant 0 : i32
      %dma_wait3A_689 = tpu.memref_slice %arg9[%dma_wait3A_681, %dma_wait3A_688] : memref<3x80xi32, #tpu.memory_space<vmem>> -> memref<1x80xi32, #tpu.memory_space<vmem>>
      %dma_wait3A_690 = tpu.memref_squeeze %dma_wait3A_689 : memref<1x80xi32, #tpu.memory_space<vmem>> -> memref<80xi32, #tpu.memory_space<vmem>>
      %dma_wait3A_691 = arith.constant 0 : i32
      %dma_wait3A_692 = arith.constant 0 : i32
      %dma_wait3A_693 = tpu.memref_slice %arg3[%dma_wait3A_691, %dma_wait3A_692] : memref<10000x16xf32, #tpu.memory_space<hbm>> -> memref<10000x16xf32, #tpu.memory_space<hbm>>
      %dma_wait3A_694 = tpu.memref_slice %arg15[%dma_wait3A_683] : memref<3x!tpu.dma_semaphore, #tpu.memory_space<semaphore_mem>> -> memref<1x!tpu.dma_semaphore, #tpu.memory_space<semaphore_mem>>
      %dma_wait3A_695 = tpu.memref_squeeze %dma_wait3A_694 : memref<1x!tpu.dma_semaphore, #tpu.memory_space<semaphore_mem>> -> memref<!tpu.dma_semaphore, #tpu.memory_space<semaphore_mem>>
      tpu.wait_indirect_dma semaphore(%dma_wait3A_695 : memref<!tpu.dma_semaphore, #tpu.memory_space<semaphore_mem>>) src(%dma_wait3A_693 : memref<10000x16xf32, #tpu.memory_space<hbm>>) dst(%dma_wait3A_687 : memref<80x16xf32, #tpu.memory_space<vmem>>)
      %add3A_696 = arith.constant 1 : i32
      %add3A_697 = arith.addi %add3A_665, %add3A_696 : i32
      %mul3A_698 = arith.constant 80 : i32
      %mul3A_699 = arith.muli %add3A_697, %mul3A_698 : i32
      %add3A_700 = arith.addi %mul3A_3, %mul3A_699 : i32
      %dma_wait3A_701 = arith.constant 0 : i32
      %dma_wait3A_702 = arith.constant 0 : i32
      %dma_wait3A_703 = arith.constant 0 : i32
      %dma_wait3A_704 = tpu.memref_slice %arg8[%dma_wait3A_701, %dma_wait3A_703] : memref<3x80xi32, #tpu.memory_space<vmem>> -> memref<1x80xi32, #tpu.memory_space<vmem>>
      %dma_wait3A_705 = tpu.memref_squeeze %dma_wait3A_704 : memref<1x80xi32, #tpu.memory_space<vmem>> -> memref<80xi32, #tpu.memory_space<vmem>>
      %dma_wait3A_706 = tpu.memref_slice %arg4[%arg0, %add3A_700] : memref<2x160000xi32, #tpu.memory_space<hbm>> -> memref<1x80xi32, #tpu.memory_space<hbm>>
      %dma_wait3A_707 = tpu.memref_squeeze %dma_wait3A_706 : memref<1x80xi32, #tpu.memory_space<hbm>> -> memref<80xi32, #tpu.memory_space<hbm>>
      %dma_wait3A_708 = tpu.memref_slice %arg12[%dma_wait3A_702] : memref<3x!tpu.dma_semaphore, #tpu.memory_space<semaphore_mem>> -> memref<1x!tpu.dma_semaphore, #tpu.memory_space<semaphore_mem>>
      %dma_wait3A_709 = tpu.memref_squeeze %dma_wait3A_708 : memref<1x!tpu.dma_semaphore, #tpu.memory_space<semaphore_mem>> -> memref<!tpu.dma_semaphore, #tpu.memory_space<semaphore_mem>>
      %dma_wait3A_710 = arith.constant 0 : i32
      %dma_wait3A_711 = tpu.memref_slice %arg8[%dma_wait3A_701, %dma_wait3A_710] : memref<3x80xi32, #tpu.memory_space<vmem>> -> memref<1x80xi32, #tpu.memory_space<vmem>>
      %dma_wait3A_712 = tpu.memref_squeeze %dma_wait3A_711 : memref<1x80xi32, #tpu.memory_space<vmem>> -> memref<80xi32, #tpu.memory_space<vmem>>
      %dma_wait3A_713 = tpu.memref_slice %arg4[%arg0, %add3A_700] : memref<2x160000xi32, #tpu.memory_space<hbm>> -> memref<1x80xi32, #tpu.memory_space<hbm>>
      %dma_wait3A_714 = tpu.memref_squeeze %dma_wait3A_713 : memref<1x80xi32, #tpu.memory_space<hbm>> -> memref<80xi32, #tpu.memory_space<hbm>>
      tpu.wait_dma2 semaphore(%dma_wait3A_709 : memref<!tpu.dma_semaphore, #tpu.memory_space<semaphore_mem>>) src(%dma_wait3A_714 : memref<80xi32, #tpu.memory_space<hbm>>) dst(%dma_wait3A_712 : memref<80xi32, #tpu.memory_space<vmem>>)
      %mul3A_715 = arith.constant 80 : i32
      %mul3A_716 = arith.muli %add3A_697, %mul3A_715 : i32
      %add3A_717 = arith.addi %mul3A_3, %mul3A_716 : i32
      %dma_wait3A_718 = arith.constant 0 : i32
      %dma_wait3A_719 = arith.constant 0 : i32
      %dma_wait3A_720 = arith.constant 0 : i32
      %dma_wait3A_721 = tpu.memref_slice %arg9[%dma_wait3A_718, %dma_wait3A_720] : memref<3x80xi32, #tpu.memory_space<vmem>> -> memref<1x80xi32, #tpu.memory_space<vmem>>
      %dma_wait3A_722 = tpu.memref_squeeze %dma_wait3A_721 : memref<1x80xi32, #tpu.memory_space<vmem>> -> memref<80xi32, #tpu.memory_space<vmem>>
      %dma_wait3A_723 = tpu.memref_slice %arg5[%add3A_717] : memref<160000xi32, #tpu.memory_space<hbm>> -> memref<80xi32, #tpu.memory_space<hbm>>
      %dma_wait3A_724 = tpu.memref_slice %arg13[%dma_wait3A_719] : memref<3x!tpu.dma_semaphore, #tpu.memory_space<semaphore_mem>> -> memref<1x!tpu.dma_semaphore, #tpu.memory_space<semaphore_mem>>
      %dma_wait3A_725 = tpu.memref_squeeze %dma_wait3A_724 : memref<1x!tpu.dma_semaphore, #tpu.memory_space<semaphore_mem>> -> memref<!tpu.dma_semaphore, #tpu.memory_space<semaphore_mem>>
      %dma_wait3A_726 = arith.constant 0 : i32
      %dma_wait3A_727 = tpu.memref_slice %arg9[%dma_wait3A_718, %dma_wait3A_726] : memref<3x80xi32, #tpu.memory_space<vmem>> -> memref<1x80xi32, #tpu.memory_space<vmem>>
      %dma_wait3A_728 = tpu.memref_squeeze %dma_wait3A_727 : memref<1x80xi32, #tpu.memory_space<vmem>> -> memref<80xi32, #tpu.memory_space<vmem>>
      %dma_wait3A_729 = tpu.memref_slice %arg5[%add3A_717] : memref<160000xi32, #tpu.memory_space<hbm>> -> memref<80xi32, #tpu.memory_space<hbm>>
      tpu.wait_dma2 semaphore(%dma_wait3A_725 : memref<!tpu.dma_semaphore, #tpu.memory_space<semaphore_mem>>) src(%dma_wait3A_729 : memref<80xi32, #tpu.memory_space<hbm>>) dst(%dma_wait3A_728 : memref<80xi32, #tpu.memory_space<vmem>>)
      %dma_start3A_730 = arith.constant 0 : i32
      %dma_start3A_731 = arith.constant 0 : i32
      %dma_start3A_732 = arith.constant 0 : i32
      %dma_start3A_733 = arith.constant 0 : i32
      %dma_start3A_734 = arith.constant 0 : i32
      %dma_start3A_735 = tpu.memref_slice %arg10[%dma_start3A_731, %dma_start3A_733, %dma_start3A_734] : memref<3x80x144xf32, #tpu.memory_space<vmem>> -> memref<1x80x144xf32, #tpu.memory_space<vmem>>
      %dma_start3A_736 = tpu.memref_squeeze %dma_start3A_735 : memref<1x80x144xf32, #tpu.memory_space<vmem>> -> memref<80x144xf32, #tpu.memory_space<vmem>>
      %dma_start3A_737 = arith.constant 0 : i32
      %dma_start3A_738 = tpu.memref_slice %arg8[%dma_start3A_730, %dma_start3A_737] : memref<3x80xi32, #tpu.memory_space<vmem>> -> memref<1x80xi32, #tpu.memory_space<vmem>>
      %dma_start3A_739 = tpu.memref_squeeze %dma_start3A_738 : memref<1x80xi32, #tpu.memory_space<vmem>> -> memref<80xi32, #tpu.memory_space<vmem>>
      %dma_start3A_740 = arith.constant 0 : i32
      %dma_start3A_741 = arith.constant 0 : i32
      %dma_start3A_742 = tpu.memref_slice %arg2[%dma_start3A_740, %dma_start3A_741] : memref<20000x144xf32, #tpu.memory_space<hbm>> -> memref<20000x144xf32, #tpu.memory_space<hbm>>
      %dma_start3A_743 = tpu.memref_slice %arg14[%dma_start3A_732] : memref<3x!tpu.dma_semaphore, #tpu.memory_space<semaphore_mem>> -> memref<1x!tpu.dma_semaphore, #tpu.memory_space<semaphore_mem>>
      %dma_start3A_744 = tpu.memref_squeeze %dma_start3A_743 : memref<1x!tpu.dma_semaphore, #tpu.memory_space<semaphore_mem>> -> memref<!tpu.dma_semaphore, #tpu.memory_space<semaphore_mem>>
      tpu.enqueue_indirect_dma source(%dma_start3A_742 : memref<20000x144xf32, #tpu.memory_space<hbm>>) target(%dma_start3A_736 : memref<80x144xf32, #tpu.memory_space<vmem>>) offsets(%dma_start3A_739 : memref<80xi32, #tpu.memory_space<vmem>>) semaphore(%dma_start3A_744 : memref<!tpu.dma_semaphore, #tpu.memory_space<semaphore_mem>>)
      %dma_start3A_745 = arith.constant 0 : i32
      %dma_start3A_746 = arith.constant 0 : i32
      %dma_start3A_747 = arith.constant 0 : i32
      %dma_start3A_748 = arith.constant 0 : i32
      %dma_start3A_749 = arith.constant 0 : i32
      %dma_start3A_750 = tpu.memref_slice %arg11[%dma_start3A_746, %dma_start3A_748, %dma_start3A_749] : memref<3x80x16xf32, #tpu.memory_space<vmem>> -> memref<1x80x16xf32, #tpu.memory_space<vmem>>
      %dma_start3A_751 = tpu.memref_squeeze %dma_start3A_750 : memref<1x80x16xf32, #tpu.memory_space<vmem>> -> memref<80x16xf32, #tpu.memory_space<vmem>>
      %dma_start3A_752 = arith.constant 0 : i32
      %dma_start3A_753 = tpu.memref_slice %arg9[%dma_start3A_745, %dma_start3A_752] : memref<3x80xi32, #tpu.memory_space<vmem>> -> memref<1x80xi32, #tpu.memory_space<vmem>>
      %dma_start3A_754 = tpu.memref_squeeze %dma_start3A_753 : memref<1x80xi32, #tpu.memory_space<vmem>> -> memref<80xi32, #tpu.memory_space<vmem>>
      %dma_start3A_755 = arith.constant 0 : i32
      %dma_start3A_756 = arith.constant 0 : i32
      %dma_start3A_757 = tpu.memref_slice %arg3[%dma_start3A_755, %dma_start3A_756] : memref<10000x16xf32, #tpu.memory_space<hbm>> -> memref<10000x16xf32, #tpu.memory_space<hbm>>
      %dma_start3A_758 = tpu.memref_slice %arg15[%dma_start3A_747] : memref<3x!tpu.dma_semaphore, #tpu.memory_space<semaphore_mem>> -> memref<1x!tpu.dma_semaphore, #tpu.memory_space<semaphore_mem>>
      %dma_start3A_759 = tpu.memref_squeeze %dma_start3A_758 : memref<1x!tpu.dma_semaphore, #tpu.memory_space<semaphore_mem>> -> memref<!tpu.dma_semaphore, #tpu.memory_space<semaphore_mem>>
      tpu.enqueue_indirect_dma source(%dma_start3A_757 : memref<10000x16xf32, #tpu.memory_space<hbm>>) target(%dma_start3A_751 : memref<80x16xf32, #tpu.memory_space<vmem>>) offsets(%dma_start3A_754 : memref<80xi32, #tpu.memory_space<vmem>>) semaphore(%dma_start3A_759 : memref<!tpu.dma_semaphore, #tpu.memory_space<semaphore_mem>>)
      %parallel_loop3A_760 = arith.constant 0 : i32
      %parallel_loop3A_761 = arith.constant 80 : i32
      %parallel_loop3A_762 = arith.constant 1 : i32
      scf.for %parallel_loop3A_828 = %parallel_loop3A_760 to %parallel_loop3A_761 step %parallel_loop3A_762  : i32 {
        %parallel_loop3A_829 = arith.constant 2 : i32
        %parallel_loop3A_830 = arith.index_cast %parallel_loop3A_829 : i32 to index
        %parallel_loop3A_831 = arith.index_cast %parallel_loop3A_828 : i32 to index
        %parallel_loop3A_832 = arith.constant 128 : index
        %parallel_loop3A_833 = tpu.vector_load %arg10[%parallel_loop3A_830, %parallel_loop3A_831, %parallel_loop3A_832] {strides = array<i32>} : memref<3x80x144xf32, #tpu.memory_space<vmem>>, vector<1x1x16xf32>,
        %parallel_loop3A_834 = vector.shape_cast %parallel_loop3A_833 : vector<1x1x16xf32> to vector<16xf32>
        %parallel_loop3A_835 = arith.constant 2 : i32
        %parallel_loop3A_836 = arith.index_cast %parallel_loop3A_835 : i32 to index
        %parallel_loop3A_837 = arith.index_cast %parallel_loop3A_828 : i32 to index
        %parallel_loop3A_838 = arith.constant 0 : index
        %parallel_loop3A_839 = tpu.vector_load %arg11[%parallel_loop3A_836, %parallel_loop3A_837, %parallel_loop3A_838] {strides = array<i32>} : memref<3x80x16xf32, #tpu.memory_space<vmem>>, vector<1x1x16xf32>,
        %parallel_loop3A_840 = vector.shape_cast %parallel_loop3A_839 : vector<1x1x16xf32> to vector<16xf32>
        %parallel_loop3A_841 = arith.addf %parallel_loop3A_834, %parallel_loop3A_840 : vector<16xf32>
        %parallel_loop3A_842 = arith.constant 0.000000e+00 : f32
        %parallel_loop3A_843 = vector.broadcast %parallel_loop3A_842 : f32 to vector<16xf32>
        %parallel_loop3A_844 = arith.cmpf ogt, %parallel_loop3A_841, %parallel_loop3A_843 : vector<16xf32>
        %parallel_loop3A_845 = arith.constant 2.000000e-01 : f32
        %parallel_loop3A_846 = vector.broadcast %parallel_loop3A_845 : f32 to vector<16xf32>
        %parallel_loop3A_847 = arith.mulf %parallel_loop3A_846, %parallel_loop3A_841 : vector<16xf32>
        %parallel_loop3A_848 = arith.select %parallel_loop3A_844, %parallel_loop3A_841, %parallel_loop3A_847 : vector<16xi1>, vector<16xf32>
        %parallel_loop3A_849 = math.exp %parallel_loop3A_848 : vector<16xf32>
        %parallel_loop3A_850 = arith.constant 8 : i32
        %parallel_loop3A_851 = vector.broadcast %parallel_loop3A_850 : i32 to vector<16xi32>
        %parallel_loop3A_852 = arith.cmpi slt, %iota3A, %parallel_loop3A_851 : vector<16xi32>
        %parallel_loop3A_853 = arith.constant 0.000000e+00 : f32
        %parallel_loop3A_854 = vector.broadcast %parallel_loop3A_853 : f32 to vector<16xf32>
        %parallel_loop3A_855 = arith.select %parallel_loop3A_852, %parallel_loop3A_849, %parallel_loop3A_854 : vector<16xi1>, vector<16xf32>
        %parallel_loop3A_856 = arith.constant 2 : i32
        %parallel_loop3A_857 = arith.index_cast %parallel_loop3A_856 : i32 to index
        %parallel_loop3A_858 = arith.index_cast %parallel_loop3A_828 : i32 to index
        %parallel_loop3A_859 = arith.constant 128 : index
        %parallel_loop3A_860 = tpu.vector_load %arg10[%parallel_loop3A_857, %parallel_loop3A_858, %parallel_loop3A_859] {strides = array<i32>} : memref<3x80x144xf32, #tpu.memory_space<vmem>>, vector<1x1x16xf32>,
        %parallel_loop3A_861 = vector.shape_cast %parallel_loop3A_860 : vector<1x1x16xf32> to vector<16xf32>
        %parallel_loop3A_862 = vector.shape_cast %parallel_loop3A_855 : vector<16xf32> to vector<1x1x16xf32>
        tpu.vector_store %arg10[%parallel_loop3A_857, %parallel_loop3A_858, %parallel_loop3A_859], %parallel_loop3A_862 {strides = array<i32>} : memref<3x80x144xf32, #tpu.memory_space<vmem>>, vector<1x1x16xf32>,
        %parallel_loop3A_863 = arith.constant 4 : i32
        %parallel_loop3A_864 = arith.muli %arg0, %parallel_loop3A_863 : i32
        %parallel_loop3A_865 = arith.constant 0 : i32
        %parallel_loop3A_866 = arith.addi %parallel_loop3A_864, %parallel_loop3A_865 : i32
        %parallel_loop3A_867 = vector.broadcast %parallel_loop3A_866 : i32 to vector<16xi32>
        %parallel_loop3A_868 = vector.shape_cast %parallel_loop3A_867 : vector<16xi32> to vector<16x1xi32>
        %parallel_loop3A_869 = vector.shape_cast %parallel_loop3A_868 : vector<16x1xi32> to vector<16xi32>
        %parallel_loop3A_870 = tpu.dynamic_gather %parallel_loop3A_849[%parallel_loop3A_869] in [0] : vector<16xf32>, vector<16xi32> -> vector<16xf32>
        %parallel_loop3A_871 = arith.constant 2 : i32
        %parallel_loop3A_872 = arith.index_cast %parallel_loop3A_871 : i32 to index
        %parallel_loop3A_873 = arith.index_cast %parallel_loop3A_828 : i32 to index
        %parallel_loop3A_874 = arith.constant 0 : index
        %parallel_loop3A_875 = tpu.vector_load %arg10[%parallel_loop3A_872, %parallel_loop3A_873, %parallel_loop3A_874] {strides = array<i32>} : memref<3x80x144xf32, #tpu.memory_space<vmem>>, vector<1x1x16xf32>,
        %parallel_loop3A_876 = vector.shape_cast %parallel_loop3A_875 : vector<1x1x16xf32> to vector<16xf32>
        %parallel_loop3A_877 = arith.mulf %parallel_loop3A_876, %parallel_loop3A_870 : vector<16xf32>
        %parallel_loop3A_878 = arith.constant 2 : i32
        %parallel_loop3A_879 = arith.index_cast %parallel_loop3A_878 : i32 to index
        %parallel_loop3A_880 = arith.index_cast %parallel_loop3A_828 : i32 to index
        %parallel_loop3A_881 = arith.constant 0 : index
        %parallel_loop3A_882 = tpu.vector_load %arg10[%parallel_loop3A_879, %parallel_loop3A_880, %parallel_loop3A_881] {strides = array<i32>} : memref<3x80x144xf32, #tpu.memory_space<vmem>>, vector<1x1x16xf32>,
        %parallel_loop3A_883 = vector.shape_cast %parallel_loop3A_882 : vector<1x1x16xf32> to vector<16xf32>
        %parallel_loop3A_884 = vector.shape_cast %parallel_loop3A_877 : vector<16xf32> to vector<1x1x16xf32>
        tpu.vector_store %arg10[%parallel_loop3A_879, %parallel_loop3A_880, %parallel_loop3A_881], %parallel_loop3A_884 {strides = array<i32>} : memref<3x80x144xf32, #tpu.memory_space<vmem>>, vector<1x1x16xf32>,
        %parallel_loop3A_885 = arith.constant 2 : i32
        %parallel_loop3A_886 = arith.index_cast %parallel_loop3A_885 : i32 to index
        %parallel_loop3A_887 = arith.index_cast %parallel_loop3A_828 : i32 to index
        %parallel_loop3A_888 = arith.constant 16 : index
        %parallel_loop3A_889 = tpu.vector_load %arg10[%parallel_loop3A_886, %parallel_loop3A_887, %parallel_loop3A_888] {strides = array<i32>} : memref<3x80x144xf32, #tpu.memory_space<vmem>>, vector<1x1x16xf32>,
        %parallel_loop3A_890 = vector.shape_cast %parallel_loop3A_889 : vector<1x1x16xf32> to vector<16xf32>
        %parallel_loop3A_891 = arith.mulf %parallel_loop3A_890, %parallel_loop3A_870 : vector<16xf32>
        %parallel_loop3A_892 = arith.constant 2 : i32
        %parallel_loop3A_893 = arith.index_cast %parallel_loop3A_892 : i32 to index
        %parallel_loop3A_894 = arith.index_cast %parallel_loop3A_828 : i32 to index
        %parallel_loop3A_895 = arith.constant 16 : index
        %parallel_loop3A_896 = tpu.vector_load %arg10[%parallel_loop3A_893, %parallel_loop3A_894, %parallel_loop3A_895] {strides = array<i32>} : memref<3x80x144xf32, #tpu.memory_space<vmem>>, vector<1x1x16xf32>,
        %parallel_loop3A_897 = vector.shape_cast %parallel_loop3A_896 : vector<1x1x16xf32> to vector<16xf32>
        %parallel_loop3A_898 = vector.shape_cast %parallel_loop3A_891 : vector<16xf32> to vector<1x1x16xf32>
        tpu.vector_store %arg10[%parallel_loop3A_893, %parallel_loop3A_894, %parallel_loop3A_895], %parallel_loop3A_898 {strides = array<i32>} : memref<3x80x144xf32, #tpu.memory_space<vmem>>, vector<1x1x16xf32>,
        %parallel_loop3A_899 = arith.constant 4 : i32
        %parallel_loop3A_900 = arith.muli %arg0, %parallel_loop3A_899 : i32
        %parallel_loop3A_901 = arith.constant 1 : i32
        %parallel_loop3A_902 = arith.addi %parallel_loop3A_900, %parallel_loop3A_901 : i32
        %parallel_loop3A_903 = vector.broadcast %parallel_loop3A_902 : i32 to vector<16xi32>
        %parallel_loop3A_904 = vector.shape_cast %parallel_loop3A_903 : vector<16xi32> to vector<16x1xi32>
        %parallel_loop3A_905 = vector.shape_cast %parallel_loop3A_904 : vector<16x1xi32> to vector<16xi32>
        %parallel_loop3A_906 = tpu.dynamic_gather %parallel_loop3A_849[%parallel_loop3A_905] in [0] : vector<16xf32>, vector<16xi32> -> vector<16xf32>
        %parallel_loop3A_907 = arith.constant 2 : i32
        %parallel_loop3A_908 = arith.index_cast %parallel_loop3A_907 : i32 to index
        %parallel_loop3A_909 = arith.index_cast %parallel_loop3A_828 : i32 to index
        %parallel_loop3A_910 = arith.constant 32 : index
        %parallel_loop3A_911 = tpu.vector_load %arg10[%parallel_loop3A_908, %parallel_loop3A_909, %parallel_loop3A_910] {strides = array<i32>} : memref<3x80x144xf32, #tpu.memory_space<vmem>>, vector<1x1x16xf32>,
        %parallel_loop3A_912 = vector.shape_cast %parallel_loop3A_911 : vector<1x1x16xf32> to vector<16xf32>
        %parallel_loop3A_913 = arith.mulf %parallel_loop3A_912, %parallel_loop3A_906 : vector<16xf32>
        %parallel_loop3A_914 = arith.constant 2 : i32
        %parallel_loop3A_915 = arith.index_cast %parallel_loop3A_914 : i32 to index
        %parallel_loop3A_916 = arith.index_cast %parallel_loop3A_828 : i32 to index
        %parallel_loop3A_917 = arith.constant 32 : index
        %parallel_loop3A_918 = tpu.vector_load %arg10[%parallel_loop3A_915, %parallel_loop3A_916, %parallel_loop3A_917] {strides = array<i32>} : memref<3x80x144xf32, #tpu.memory_space<vmem>>, vector<1x1x16xf32>,
        %parallel_loop3A_919 = vector.shape_cast %parallel_loop3A_918 : vector<1x1x16xf32> to vector<16xf32>
        %parallel_loop3A_920 = vector.shape_cast %parallel_loop3A_913 : vector<16xf32> to vector<1x1x16xf32>
        tpu.vector_store %arg10[%parallel_loop3A_915, %parallel_loop3A_916, %parallel_loop3A_917], %parallel_loop3A_920 {strides = array<i32>} : memref<3x80x144xf32, #tpu.memory_space<vmem>>, vector<1x1x16xf32>,
        %parallel_loop3A_921 = arith.constant 2 : i32
        %parallel_loop3A_922 = arith.index_cast %parallel_loop3A_921 : i32 to index
        %parallel_loop3A_923 = arith.index_cast %parallel_loop3A_828 : i32 to index
        %parallel_loop3A_924 = arith.constant 48 : index
        %parallel_loop3A_925 = tpu.vector_load %arg10[%parallel_loop3A_922, %parallel_loop3A_923, %parallel_loop3A_924] {strides = array<i32>} : memref<3x80x144xf32, #tpu.memory_space<vmem>>, vector<1x1x16xf32>,
        %parallel_loop3A_926 = vector.shape_cast %parallel_loop3A_925 : vector<1x1x16xf32> to vector<16xf32>
        %parallel_loop3A_927 = arith.mulf %parallel_loop3A_926, %parallel_loop3A_906 : vector<16xf32>
        %parallel_loop3A_928 = arith.constant 2 : i32
        %parallel_loop3A_929 = arith.index_cast %parallel_loop3A_928 : i32 to index
        %parallel_loop3A_930 = arith.index_cast %parallel_loop3A_828 : i32 to index
        %parallel_loop3A_931 = arith.constant 48 : index
        %parallel_loop3A_932 = tpu.vector_load %arg10[%parallel_loop3A_929, %parallel_loop3A_930, %parallel_loop3A_931] {strides = array<i32>} : memref<3x80x144xf32, #tpu.memory_space<vmem>>, vector<1x1x16xf32>,
        %parallel_loop3A_933 = vector.shape_cast %parallel_loop3A_932 : vector<1x1x16xf32> to vector<16xf32>
        %parallel_loop3A_934 = vector.shape_cast %parallel_loop3A_927 : vector<16xf32> to vector<1x1x16xf32>
        tpu.vector_store %arg10[%parallel_loop3A_929, %parallel_loop3A_930, %parallel_loop3A_931], %parallel_loop3A_934 {strides = array<i32>} : memref<3x80x144xf32, #tpu.memory_space<vmem>>, vector<1x1x16xf32>,
        %parallel_loop3A_935 = arith.constant 4 : i32
        %parallel_loop3A_936 = arith.muli %arg0, %parallel_loop3A_935 : i32
        %parallel_loop3A_937 = arith.constant 2 : i32
        %parallel_loop3A_938 = arith.addi %parallel_loop3A_936, %parallel_loop3A_937 : i32
        %parallel_loop3A_939 = vector.broadcast %parallel_loop3A_938 : i32 to vector<16xi32>
        %parallel_loop3A_940 = vector.shape_cast %parallel_loop3A_939 : vector<16xi32> to vector<16x1xi32>
        %parallel_loop3A_941 = vector.shape_cast %parallel_loop3A_940 : vector<16x1xi32> to vector<16xi32>
        %parallel_loop3A_942 = tpu.dynamic_gather %parallel_loop3A_849[%parallel_loop3A_941] in [0] : vector<16xf32>, vector<16xi32> -> vector<16xf32>
        %parallel_loop3A_943 = arith.constant 2 : i32
        %parallel_loop3A_944 = arith.index_cast %parallel_loop3A_943 : i32 to index
        %parallel_loop3A_945 = arith.index_cast %parallel_loop3A_828 : i32 to index
        %parallel_loop3A_946 = arith.constant 64 : index
        %parallel_loop3A_947 = tpu.vector_load %arg10[%parallel_loop3A_944, %parallel_loop3A_945, %parallel_loop3A_946] {strides = array<i32>} : memref<3x80x144xf32, #tpu.memory_space<vmem>>, vector<1x1x16xf32>,
        %parallel_loop3A_948 = vector.shape_cast %parallel_loop3A_947 : vector<1x1x16xf32> to vector<16xf32>
        %parallel_loop3A_949 = arith.mulf %parallel_loop3A_948, %parallel_loop3A_942 : vector<16xf32>
        %parallel_loop3A_950 = arith.constant 2 : i32
        %parallel_loop3A_951 = arith.index_cast %parallel_loop3A_950 : i32 to index
        %parallel_loop3A_952 = arith.index_cast %parallel_loop3A_828 : i32 to index
        %parallel_loop3A_953 = arith.constant 64 : index
        %parallel_loop3A_954 = tpu.vector_load %arg10[%parallel_loop3A_951, %parallel_loop3A_952, %parallel_loop3A_953] {strides = array<i32>} : memref<3x80x144xf32, #tpu.memory_space<vmem>>, vector<1x1x16xf32>,
        %parallel_loop3A_955 = vector.shape_cast %parallel_loop3A_954 : vector<1x1x16xf32> to vector<16xf32>
        %parallel_loop3A_956 = vector.shape_cast %parallel_loop3A_949 : vector<16xf32> to vector<1x1x16xf32>
        tpu.vector_store %arg10[%parallel_loop3A_951, %parallel_loop3A_952, %parallel_loop3A_953], %parallel_loop3A_956 {strides = array<i32>} : memref<3x80x144xf32, #tpu.memory_space<vmem>>, vector<1x1x16xf32>,
        %parallel_loop3A_957 = arith.constant 2 : i32
        %parallel_loop3A_958 = arith.index_cast %parallel_loop3A_957 : i32 to index
        %parallel_loop3A_959 = arith.index_cast %parallel_loop3A_828 : i32 to index
        %parallel_loop3A_960 = arith.constant 80 : index
        %parallel_loop3A_961 = tpu.vector_load %arg10[%parallel_loop3A_958, %parallel_loop3A_959, %parallel_loop3A_960] {strides = array<i32>} : memref<3x80x144xf32, #tpu.memory_space<vmem>>, vector<1x1x16xf32>,
        %parallel_loop3A_962 = vector.shape_cast %parallel_loop3A_961 : vector<1x1x16xf32> to vector<16xf32>
        %parallel_loop3A_963 = arith.mulf %parallel_loop3A_962, %parallel_loop3A_942 : vector<16xf32>
        %parallel_loop3A_964 = arith.constant 2 : i32
        %parallel_loop3A_965 = arith.index_cast %parallel_loop3A_964 : i32 to index
        %parallel_loop3A_966 = arith.index_cast %parallel_loop3A_828 : i32 to index
        %parallel_loop3A_967 = arith.constant 80 : index
        %parallel_loop3A_968 = tpu.vector_load %arg10[%parallel_loop3A_965, %parallel_loop3A_966, %parallel_loop3A_967] {strides = array<i32>} : memref<3x80x144xf32, #tpu.memory_space<vmem>>, vector<1x1x16xf32>,
        %parallel_loop3A_969 = vector.shape_cast %parallel_loop3A_968 : vector<1x1x16xf32> to vector<16xf32>
        %parallel_loop3A_970 = vector.shape_cast %parallel_loop3A_963 : vector<16xf32> to vector<1x1x16xf32>
        tpu.vector_store %arg10[%parallel_loop3A_965, %parallel_loop3A_966, %parallel_loop3A_967], %parallel_loop3A_970 {strides = array<i32>} : memref<3x80x144xf32, #tpu.memory_space<vmem>>, vector<1x1x16xf32>,
        %parallel_loop3A_971 = arith.constant 4 : i32
        %parallel_loop3A_972 = arith.muli %arg0, %parallel_loop3A_971 : i32
        %parallel_loop3A_973 = arith.constant 3 : i32
        %parallel_loop3A_974 = arith.addi %parallel_loop3A_972, %parallel_loop3A_973 : i32
        %parallel_loop3A_975 = vector.broadcast %parallel_loop3A_974 : i32 to vector<16xi32>
        %parallel_loop3A_976 = vector.shape_cast %parallel_loop3A_975 : vector<16xi32> to vector<16x1xi32>
        %parallel_loop3A_977 = vector.shape_cast %parallel_loop3A_976 : vector<16x1xi32> to vector<16xi32>
        %parallel_loop3A_978 = tpu.dynamic_gather %parallel_loop3A_849[%parallel_loop3A_977] in [0] : vector<16xf32>, vector<16xi32> -> vector<16xf32>
        %parallel_loop3A_979 = arith.constant 2 : i32
        %parallel_loop3A_980 = arith.index_cast %parallel_loop3A_979 : i32 to index
        %parallel_loop3A_981 = arith.index_cast %parallel_loop3A_828 : i32 to index
        %parallel_loop3A_982 = arith.constant 96 : index
        %parallel_loop3A_983 = tpu.vector_load %arg10[%parallel_loop3A_980, %parallel_loop3A_981, %parallel_loop3A_982] {strides = array<i32>} : memref<3x80x144xf32, #tpu.memory_space<vmem>>, vector<1x1x16xf32>,
        %parallel_loop3A_984 = vector.shape_cast %parallel_loop3A_983 : vector<1x1x16xf32> to vector<16xf32>
        %parallel_loop3A_985 = arith.mulf %parallel_loop3A_984, %parallel_loop3A_978 : vector<16xf32>
        %parallel_loop3A_986 = arith.constant 2 : i32
        %parallel_loop3A_987 = arith.index_cast %parallel_loop3A_986 : i32 to index
        %parallel_loop3A_988 = arith.index_cast %parallel_loop3A_828 : i32 to index
        %parallel_loop3A_989 = arith.constant 96 : index
        %parallel_loop3A_990 = tpu.vector_load %arg10[%parallel_loop3A_987, %parallel_loop3A_988, %parallel_loop3A_989] {strides = array<i32>} : memref<3x80x144xf32, #tpu.memory_space<vmem>>, vector<1x1x16xf32>,
        %parallel_loop3A_991 = vector.shape_cast %parallel_loop3A_990 : vector<1x1x16xf32> to vector<16xf32>
        %parallel_loop3A_992 = vector.shape_cast %parallel_loop3A_985 : vector<16xf32> to vector<1x1x16xf32>
        tpu.vector_store %arg10[%parallel_loop3A_987, %parallel_loop3A_988, %parallel_loop3A_989], %parallel_loop3A_992 {strides = array<i32>} : memref<3x80x144xf32, #tpu.memory_space<vmem>>, vector<1x1x16xf32>,
        %parallel_loop3A_993 = arith.constant 2 : i32
        %parallel_loop3A_994 = arith.index_cast %parallel_loop3A_993 : i32 to index
        %parallel_loop3A_995 = arith.index_cast %parallel_loop3A_828 : i32 to index
        %parallel_loop3A_996 = arith.constant 112 : index
        %parallel_loop3A_997 = tpu.vector_load %arg10[%parallel_loop3A_994, %parallel_loop3A_995, %parallel_loop3A_996] {strides = array<i32>} : memref<3x80x144xf32, #tpu.memory_space<vmem>>, vector<1x1x16xf32>,
        %parallel_loop3A_998 = vector.shape_cast %parallel_loop3A_997 : vector<1x1x16xf32> to vector<16xf32>
        %parallel_loop3A_999 = arith.mulf %parallel_loop3A_998, %parallel_loop3A_978 : vector<16xf32>
        %parallel_loop3A_1000 = arith.constant 2 : i32
        %parallel_loop3A_1001 = arith.index_cast %parallel_loop3A_1000 : i32 to index
        %parallel_loop3A_1002 = arith.index_cast %parallel_loop3A_828 : i32 to index
        %parallel_loop3A_1003 = arith.constant 112 : index
        %parallel_loop3A_1004 = tpu.vector_load %arg10[%parallel_loop3A_1001, %parallel_loop3A_1002, %parallel_loop3A_1003] {strides = array<i32>} : memref<3x80x144xf32, #tpu.memory_space<vmem>>, vector<1x1x16xf32>,
        %parallel_loop3A_1005 = vector.shape_cast %parallel_loop3A_1004 : vector<1x1x16xf32> to vector<16xf32>
        %parallel_loop3A_1006 = vector.shape_cast %parallel_loop3A_999 : vector<16xf32> to vector<1x1x16xf32>
        tpu.vector_store %arg10[%parallel_loop3A_1001, %parallel_loop3A_1002, %parallel_loop3A_1003], %parallel_loop3A_1006 {strides = array<i32>} : memref<3x80x144xf32, #tpu.memory_space<vmem>>, vector<1x1x16xf32>,
      } {sc.loop_unroll_factor = 4 : i64, sc.parallel_access}
      %dma_start3A_763 = arith.constant 2 : i32
      %dma_start3A_764 = arith.constant 2 : i32
      %dma_start3A_765 = arith.constant 2 : i32
      %dma_start3A_766 = arith.constant 0 : i32
      %dma_start3A_767 = arith.constant 0 : i32
      %dma_start3A_768 = tpu.memref_slice %arg10[%dma_start3A_763, %dma_start3A_766, %dma_start3A_767] : memref<3x80x144xf32, #tpu.memory_space<vmem>> -> memref<1x80x144xf32, #tpu.memory_space<vmem>>
      %dma_start3A_769 = tpu.memref_squeeze %dma_start3A_768 : memref<1x80x144xf32, #tpu.memory_space<vmem>> -> memref<80x144xf32, #tpu.memory_space<vmem>>
      %dma_start3A_770 = arith.constant 0 : i32
      %dma_start3A_771 = tpu.memref_slice %arg9[%dma_start3A_764, %dma_start3A_770] : memref<3x80xi32, #tpu.memory_space<vmem>> -> memref<1x80xi32, #tpu.memory_space<vmem>>
      %dma_start3A_772 = tpu.memref_squeeze %dma_start3A_771 : memref<1x80xi32, #tpu.memory_space<vmem>> -> memref<80xi32, #tpu.memory_space<vmem>>
      %dma_start3A_773 = arith.constant 0 : i32
      %dma_start3A_774 = arith.constant 0 : i32
      %dma_start3A_775 = tpu.memref_slice %arg7[%dma_start3A_773, %dma_start3A_774] : memref<10240x144xf32, #tpu.memory_space<vmem_shared>> -> memref<10240x144xf32, #tpu.memory_space<vmem_shared>>
      %dma_start3A_776 = tpu.memref_slice %arg16[%dma_start3A_765] : memref<3x!tpu.dma_semaphore, #tpu.memory_space<semaphore_mem>> -> memref<1x!tpu.dma_semaphore, #tpu.memory_space<semaphore_mem>>
      %dma_start3A_777 = tpu.memref_squeeze %dma_start3A_776 : memref<1x!tpu.dma_semaphore, #tpu.memory_space<semaphore_mem>> -> memref<!tpu.dma_semaphore, #tpu.memory_space<semaphore_mem>>
      tpu.enqueue_indirect_dma source(%dma_start3A_769 : memref<80x144xf32, #tpu.memory_space<vmem>>) target(%dma_start3A_775 : memref<10240x144xf32, #tpu.memory_space<vmem_shared>>) offsets(%dma_start3A_772 : memref<80xi32, #tpu.memory_space<vmem>>) semaphore(%dma_start3A_777 : memref<!tpu.dma_semaphore, #tpu.memory_space<semaphore_mem>>) {add = true}
      %dma_wait3A_778 = arith.constant 1 : i32
      %dma_wait3A_779 = arith.constant 1 : i32
      %dma_wait3A_780 = arith.constant 1 : i32
      %dma_wait3A_781 = arith.constant 0 : i32
      %dma_wait3A_782 = arith.constant 0 : i32
      %dma_wait3A_783 = tpu.memref_slice %arg10[%dma_wait3A_778, %dma_wait3A_781, %dma_wait3A_782] : memref<3x80x144xf32, #tpu.memory_space<vmem>> -> memref<1x80x144xf32, #tpu.memory_space<vmem>>
      %dma_wait3A_784 = tpu.memref_squeeze %dma_wait3A_783 : memref<1x80x144xf32, #tpu.memory_space<vmem>> -> memref<80x144xf32, #tpu.memory_space<vmem>>
      %dma_wait3A_785 = arith.constant 0 : i32
      %dma_wait3A_786 = tpu.memref_slice %arg9[%dma_wait3A_779, %dma_wait3A_785] : memref<3x80xi32, #tpu.memory_space<vmem>> -> memref<1x80xi32, #tpu.memory_space<vmem>>
      %dma_wait3A_787 = tpu.memref_squeeze %dma_wait3A_786 : memref<1x80xi32, #tpu.memory_space<vmem>> -> memref<80xi32, #tpu.memory_space<vmem>>
      %dma_wait3A_788 = arith.constant 0 : i32
      %dma_wait3A_789 = arith.constant 0 : i32
      %dma_wait3A_790 = tpu.memref_slice %arg7[%dma_wait3A_788, %dma_wait3A_789] : memref<10240x144xf32, #tpu.memory_space<vmem_shared>> -> memref<10240x144xf32, #tpu.memory_space<vmem_shared>>
      %dma_wait3A_791 = tpu.memref_slice %arg16[%dma_wait3A_780] : memref<3x!tpu.dma_semaphore, #tpu.memory_space<semaphore_mem>> -> memref<1x!tpu.dma_semaphore, #tpu.memory_space<semaphore_mem>>
      %dma_wait3A_792 = tpu.memref_squeeze %dma_wait3A_791 : memref<1x!tpu.dma_semaphore, #tpu.memory_space<semaphore_mem>> -> memref<!tpu.dma_semaphore, #tpu.memory_space<semaphore_mem>>
      tpu.wait_indirect_dma semaphore(%dma_wait3A_792 : memref<!tpu.dma_semaphore, #tpu.memory_space<semaphore_mem>>) src(%dma_wait3A_784 : memref<80x144xf32, #tpu.memory_space<vmem>>) dst(%dma_wait3A_790 : memref<10240x144xf32, #tpu.memory_space<vmem_shared>>)
      %add3A_793 = arith.constant 2 : i32
      %add3A_794 = arith.addi %add3A_665, %add3A_793 : i32
      %mul3A_795 = arith.constant 80 : i32
      %mul3A_796 = arith.muli %add3A_794, %mul3A_795 : i32
      %add3A_797 = arith.addi %mul3A_3, %mul3A_796 : i32
      %dma_start3A_798 = arith.constant 1 : i32
      %dma_start3A_799 = arith.constant 1 : i32
      %dma_start3A_800 = arith.constant 0 : i32
      %dma_start3A_801 = tpu.memref_slice %arg8[%dma_start3A_798, %dma_start3A_800] : memref<3x80xi32, #tpu.memory_space<vmem>> -> memref<1x80xi32, #tpu.memory_space<vmem>>
      %dma_start3A_802 = tpu.memref_squeeze %dma_start3A_801 : memref<1x80xi32, #tpu.memory_space<vmem>> -> memref<80xi32, #tpu.memory_space<vmem>>
      %dma_start3A_803 = tpu.memref_slice %arg4[%arg0, %add3A_797] : memref<2x160000xi32, #tpu.memory_space<hbm>> -> memref<1x80xi32, #tpu.memory_space<hbm>>
      %dma_start3A_804 = tpu.memref_squeeze %dma_start3A_803 : memref<1x80xi32, #tpu.memory_space<hbm>> -> memref<80xi32, #tpu.memory_space<hbm>>
      %dma_start3A_805 = tpu.memref_slice %arg12[%dma_start3A_799] : memref<3x!tpu.dma_semaphore, #tpu.memory_space<semaphore_mem>> -> memref<1x!tpu.dma_semaphore, #tpu.memory_space<semaphore_mem>>
      %dma_start3A_806 = tpu.memref_squeeze %dma_start3A_805 : memref<1x!tpu.dma_semaphore, #tpu.memory_space<semaphore_mem>> -> memref<!tpu.dma_semaphore, #tpu.memory_space<semaphore_mem>>
      %dma_start3A_807 = arith.constant 0 : i32
      %dma_start3A_808 = tpu.memref_slice %arg8[%dma_start3A_798, %dma_start3A_807] : memref<3x80xi32, #tpu.memory_space<vmem>> -> memref<1x80xi32, #tpu.memory_space<vmem>>
      %dma_start3A_809 = tpu.memref_squeeze %dma_start3A_808 : memref<1x80xi32, #tpu.memory_space<vmem>> -> memref<80xi32, #tpu.memory_space<vmem>>
      %dma_start3A_810 = tpu.memref_slice %arg4[%arg0, %add3A_797] : memref<2x160000xi32, #tpu.memory_space<hbm>> -> memref<1x80xi32, #tpu.memory_space<hbm>>
      %dma_start3A_811 = tpu.memref_squeeze %dma_start3A_810 : memref<1x80xi32, #tpu.memory_space<hbm>> -> memref<80xi32, #tpu.memory_space<hbm>>
      tpu.enqueue_dma source(%dma_start3A_811 : memref<80xi32, #tpu.memory_space<hbm>>) target(%dma_start3A_809 : memref<80xi32, #tpu.memory_space<vmem>>) target_semaphore(%dma_start3A_806 : memref<!tpu.dma_semaphore, #tpu.memory_space<semaphore_mem>>)
      %mul3A_812 = arith.constant 80 : i32
      %mul3A_813 = arith.muli %add3A_794, %mul3A_812 : i32
      %add3A_814 = arith.addi %mul3A_3, %mul3A_813 : i32
      %dma_start3A_815 = arith.constant 1 : i32
      %dma_start3A_816 = arith.constant 1 : i32
      %dma_start3A_817 = arith.constant 0 : i32
      %dma_start3A_818 = tpu.memref_slice %arg9[%dma_start3A_815, %dma_start3A_817] : memref<3x80xi32, #tpu.memory_space<vmem>> -> memref<1x80xi32, #tpu.memory_space<vmem>>
      %dma_start3A_819 = tpu.memref_squeeze %dma_start3A_818 : memref<1x80xi32, #tpu.memory_space<vmem>> -> memref<80xi32, #tpu.memory_space<vmem>>
      %dma_start3A_820 = tpu.memref_slice %arg5[%add3A_814] : memref<160000xi32, #tpu.memory_space<hbm>> -> memref<80xi32, #tpu.memory_space<hbm>>
      %dma_start3A_821 = tpu.memref_slice %arg13[%dma_start3A_816] : memref<3x!tpu.dma_semaphore, #tpu.memory_space<semaphore_mem>> -> memref<1x!tpu.dma_semaphore, #tpu.memory_space<semaphore_mem>>
      %dma_start3A_822 = tpu.memref_squeeze %dma_start3A_821 : memref<1x!tpu.dma_semaphore, #tpu.memory_space<semaphore_mem>> -> memref<!tpu.dma_semaphore, #tpu.memory_space<semaphore_mem>>
      %dma_start3A_823 = arith.constant 0 : i32
      %dma_start3A_824 = tpu.memref_slice %arg9[%dma_start3A_815, %dma_start3A_823] : memref<3x80xi32, #tpu.memory_space<vmem>> -> memref<1x80xi32, #tpu.memory_space<vmem>>
      %dma_start3A_825 = tpu.memref_squeeze %dma_start3A_824 : memref<1x80xi32, #tpu.memory_space<vmem>> -> memref<80xi32, #tpu.memory_space<vmem>>
      %dma_start3A_826 = tpu.memref_slice %arg5[%add3A_814] : memref<160000xi32, #tpu.memory_space<hbm>> -> memref<80xi32, #tpu.memory_space<hbm>>
      tpu.enqueue_dma source(%dma_start3A_826 : memref<80xi32, #tpu.memory_space<hbm>>) target(%dma_start3A_825 : memref<80xi32, #tpu.memory_space<vmem>>) target_semaphore(%dma_start3A_822 : memref<!tpu.dma_semaphore, #tpu.memory_space<semaphore_mem>>)
      %scan3A_827 = arith.constant 0 : i32
      scf.yield %scan3A_827 : i32
    }
    %scan3A_140 = arith.constant 41 : i32
    %dma_wait3A_141 = arith.constant 0 : i32
    %dma_wait3A_142 = arith.constant 0 : i32
    %dma_wait3A_143 = arith.constant 0 : i32
    %dma_wait3A_144 = arith.constant 0 : i32
    %dma_wait3A_145 = arith.constant 0 : i32
    %dma_wait3A_146 = tpu.memref_slice %arg10[%dma_wait3A_142, %dma_wait3A_144, %dma_wait3A_145] : memref<3x80x144xf32, #tpu.memory_space<vmem>> -> memref<1x80x144xf32, #tpu.memory_space<vmem>>
    %dma_wait3A_147 = tpu.memref_squeeze %dma_wait3A_146 : memref<1x80x144xf32, #tpu.memory_space<vmem>> -> memref<80x144xf32, #tpu.memory_space<vmem>>
    %dma_wait3A_148 = arith.constant 0 : i32
    %dma_wait3A_149 = tpu.memref_slice %arg8[%dma_wait3A_141, %dma_wait3A_148] : memref<3x80xi32, #tpu.memory_space<vmem>> -> memref<1x80xi32, #tpu.memory_space<vmem>>
    %dma_wait3A_150 = tpu.memref_squeeze %dma_wait3A_149 : memref<1x80xi32, #tpu.memory_space<vmem>> -> memref<80xi32, #tpu.memory_space<vmem>>
    %dma_wait3A_151 = arith.constant 0 : i32
    %dma_wait3A_152 = arith.constant 0 : i32
    %dma_wait3A_153 = tpu.memref_slice %arg2[%dma_wait3A_151, %dma_wait3A_152] : memref<20000x144xf32, #tpu.memory_space<hbm>> -> memref<20000x144xf32, #tpu.memory_space<hbm>>
    %dma_wait3A_154 = tpu.memref_slice %arg14[%dma_wait3A_143] : memref<3x!tpu.dma_semaphore, #tpu.memory_space<semaphore_mem>> -> memref<1x!tpu.dma_semaphore, #tpu.memory_space<semaphore_mem>>
    %dma_wait3A_155 = tpu.memref_squeeze %dma_wait3A_154 : memref<1x!tpu.dma_semaphore, #tpu.memory_space<semaphore_mem>> -> memref<!tpu.dma_semaphore, #tpu.memory_space<semaphore_mem>>
    tpu.wait_indirect_dma semaphore(%dma_wait3A_155 : memref<!tpu.dma_semaphore, #tpu.memory_space<semaphore_mem>>) src(%dma_wait3A_153 : memref<20000x144xf32, #tpu.memory_space<hbm>>) dst(%dma_wait3A_147 : memref<80x144xf32, #tpu.memory_space<vmem>>)
    %dma_wait3A_156 = arith.constant 0 : i32
    %dma_wait3A_157 = arith.constant 0 : i32
    %dma_wait3A_158 = arith.constant 0 : i32
    %dma_wait3A_159 = arith.constant 0 : i32
    %dma_wait3A_160 = arith.constant 0 : i32
    %dma_wait3A_161 = tpu.memref_slice %arg11[%dma_wait3A_157, %dma_wait3A_159, %dma_wait3A_160] : memref<3x80x16xf32, #tpu.memory_space<vmem>> -> memref<1x80x16xf32, #tpu.memory_space<vmem>>
    %dma_wait3A_162 = tpu.memref_squeeze %dma_wait3A_161 : memref<1x80x16xf32, #tpu.memory_space<vmem>> -> memref<80x16xf32, #tpu.memory_space<vmem>>
    %dma_wait3A_163 = arith.constant 0 : i32
    %dma_wait3A_164 = tpu.memref_slice %arg9[%dma_wait3A_156, %dma_wait3A_163] : memref<3x80xi32, #tpu.memory_space<vmem>> -> memref<1x80xi32, #tpu.memory_space<vmem>>
    %dma_wait3A_165 = tpu.memref_squeeze %dma_wait3A_164 : memref<1x80xi32, #tpu.memory_space<vmem>> -> memref<80xi32, #tpu.memory_space<vmem>>
    %dma_wait3A_166 = arith.constant 0 : i32
    %dma_wait3A_167 = arith.constant 0 : i32
    %dma_wait3A_168 = tpu.memref_slice %arg3[%dma_wait3A_166, %dma_wait3A_167] : memref<10000x16xf32, #tpu.memory_space<hbm>> -> memref<10000x16xf32, #tpu.memory_space<hbm>>
    %dma_wait3A_169 = tpu.memref_slice %arg15[%dma_wait3A_158] : memref<3x!tpu.dma_semaphore, #tpu.memory_space<semaphore_mem>> -> memref<1x!tpu.dma_semaphore, #tpu.memory_space<semaphore_mem>>
    %dma_wait3A_170 = tpu.memref_squeeze %dma_wait3A_169 : memref<1x!tpu.dma_semaphore, #tpu.memory_space<semaphore_mem>> -> memref<!tpu.dma_semaphore, #tpu.memory_space<semaphore_mem>>
    tpu.wait_indirect_dma semaphore(%dma_wait3A_170 : memref<!tpu.dma_semaphore, #tpu.memory_space<semaphore_mem>>) src(%dma_wait3A_168 : memref<10000x16xf32, #tpu.memory_space<hbm>>) dst(%dma_wait3A_162 : memref<80x16xf32, #tpu.memory_space<vmem>>)
    %add3A_171 = arith.constant 9920 : i32
    %add3A_172 = arith.addi %mul3A_3, %add3A_171 : i32
    %dma_wait3A_173 = arith.constant 1 : i32
    %dma_wait3A_174 = arith.constant 1 : i32
    %dma_wait3A_175 = arith.constant 0 : i32
    %dma_wait3A_176 = tpu.memref_slice %arg8[%dma_wait3A_173, %dma_wait3A_175] : memref<3x80xi32, #tpu.memory_space<vmem>> -> memref<1x80xi32, #tpu.memory_space<vmem>>
    %dma_wait3A_177 = tpu.memref_squeeze %dma_wait3A_176 : memref<1x80xi32, #tpu.memory_space<vmem>> -> memref<80xi32, #tpu.memory_space<vmem>>
    %dma_wait3A_178 = tpu.memref_slice %arg4[%arg0, %add3A_172] : memref<2x160000xi32, #tpu.memory_space<hbm>> -> memref<1x80xi32, #tpu.memory_space<hbm>>
    %dma_wait3A_179 = tpu.memref_squeeze %dma_wait3A_178 : memref<1x80xi32, #tpu.memory_space<hbm>> -> memref<80xi32, #tpu.memory_space<hbm>>
    %dma_wait3A_180 = tpu.memref_slice %arg12[%dma_wait3A_174] : memref<3x!tpu.dma_semaphore, #tpu.memory_space<semaphore_mem>> -> memref<1x!tpu.dma_semaphore, #tpu.memory_space<semaphore_mem>>
    %dma_wait3A_181 = tpu.memref_squeeze %dma_wait3A_180 : memref<1x!tpu.dma_semaphore, #tpu.memory_space<semaphore_mem>> -> memref<!tpu.dma_semaphore, #tpu.memory_space<semaphore_mem>>
    %dma_wait3A_182 = arith.constant 0 : i32
    %dma_wait3A_183 = tpu.memref_slice %arg8[%dma_wait3A_173, %dma_wait3A_182] : memref<3x80xi32, #tpu.memory_space<vmem>> -> memref<1x80xi32, #tpu.memory_space<vmem>>
    %dma_wait3A_184 = tpu.memref_squeeze %dma_wait3A_183 : memref<1x80xi32, #tpu.memory_space<vmem>> -> memref<80xi32, #tpu.memory_space<vmem>>
    %dma_wait3A_185 = tpu.memref_slice %arg4[%arg0, %add3A_172] : memref<2x160000xi32, #tpu.memory_space<hbm>> -> memref<1x80xi32, #tpu.memory_space<hbm>>
    %dma_wait3A_186 = tpu.memref_squeeze %dma_wait3A_185 : memref<1x80xi32, #tpu.memory_space<hbm>> -> memref<80xi32, #tpu.memory_space<hbm>>
    tpu.wait_dma2 semaphore(%dma_wait3A_181 : memref<!tpu.dma_semaphore, #tpu.memory_space<semaphore_mem>>) src(%dma_wait3A_186 : memref<80xi32, #tpu.memory_space<hbm>>) dst(%dma_wait3A_184 : memref<80xi32, #tpu.memory_space<vmem>>)
    %add3A_187 = arith.constant 9920 : i32
    %add3A_188 = arith.addi %mul3A_3, %add3A_187 : i32
    %dma_wait3A_189 = arith.constant 1 : i32
    %dma_wait3A_190 = arith.constant 1 : i32
    %dma_wait3A_191 = arith.constant 0 : i32
    %dma_wait3A_192 = tpu.memref_slice %arg9[%dma_wait3A_189, %dma_wait3A_191] : memref<3x80xi32, #tpu.memory_space<vmem>> -> memref<1x80xi32, #tpu.memory_space<vmem>>
    %dma_wait3A_193 = tpu.memref_squeeze %dma_wait3A_192 : memref<1x80xi32, #tpu.memory_space<vmem>> -> memref<80xi32, #tpu.memory_space<vmem>>
    %dma_wait3A_194 = tpu.memref_slice %arg5[%add3A_188] : memref<160000xi32, #tpu.memory_space<hbm>> -> memref<80xi32, #tpu.memory_space<hbm>>
    %dma_wait3A_195 = tpu.memref_slice %arg13[%dma_wait3A_190] : memref<3x!tpu.dma_semaphore, #tpu.memory_space<semaphore_mem>> -> memref<1x!tpu.dma_semaphore, #tpu.memory_space<semaphore_mem>>
    %dma_wait3A_196 = tpu.memref_squeeze %dma_wait3A_195 : memref<1x!tpu.dma_semaphore, #tpu.memory_space<semaphore_mem>> -> memref<!tpu.dma_semaphore, #tpu.memory_space<semaphore_mem>>
    %dma_wait3A_197 = arith.constant 0 : i32
    %dma_wait3A_198 = tpu.memref_slice %arg9[%dma_wait3A_189, %dma_wait3A_197] : memref<3x80xi32, #tpu.memory_space<vmem>> -> memref<1x80xi32, #tpu.memory_space<vmem>>
    %dma_wait3A_199 = tpu.memref_squeeze %dma_wait3A_198 : memref<1x80xi32, #tpu.memory_space<vmem>> -> memref<80xi32, #tpu.memory_space<vmem>>
    %dma_wait3A_200 = tpu.memref_slice %arg5[%add3A_188] : memref<160000xi32, #tpu.memory_space<hbm>> -> memref<80xi32, #tpu.memory_space<hbm>>
    tpu.wait_dma2 semaphore(%dma_wait3A_196 : memref<!tpu.dma_semaphore, #tpu.memory_space<semaphore_mem>>) src(%dma_wait3A_200 : memref<80xi32, #tpu.memory_space<hbm>>) dst(%dma_wait3A_199 : memref<80xi32, #tpu.memory_space<vmem>>)
    %dma_start3A_201 = arith.constant 1 : i32
    %dma_start3A_202 = arith.constant 1 : i32
    %dma_start3A_203 = arith.constant 1 : i32
    %dma_start3A_204 = arith.constant 0 : i32
    %dma_start3A_205 = arith.constant 0 : i32
    %dma_start3A_206 = tpu.memref_slice %arg10[%dma_start3A_202, %dma_start3A_204, %dma_start3A_205] : memref<3x80x144xf32, #tpu.memory_space<vmem>> -> memref<1x80x144xf32, #tpu.memory_space<vmem>>
    %dma_start3A_207 = tpu.memref_squeeze %dma_start3A_206 : memref<1x80x144xf32, #tpu.memory_space<vmem>> -> memref<80x144xf32, #tpu.memory_space<vmem>>
    %dma_start3A_208 = arith.constant 0 : i32
    %dma_start3A_209 = tpu.memref_slice %arg8[%dma_start3A_201, %dma_start3A_208] : memref<3x80xi32, #tpu.memory_space<vmem>> -> memref<1x80xi32, #tpu.memory_space<vmem>>
    %dma_start3A_210 = tpu.memref_squeeze %dma_start3A_209 : memref<1x80xi32, #tpu.memory_space<vmem>> -> memref<80xi32, #tpu.memory_space<vmem>>
    %dma_start3A_211 = arith.constant 0 : i32
    %dma_start3A_212 = arith.constant 0 : i32
    %dma_start3A_213 = tpu.memref_slice %arg2[%dma_start3A_211, %dma_start3A_212] : memref<20000x144xf32, #tpu.memory_space<hbm>> -> memref<20000x144xf32, #tpu.memory_space<hbm>>
    %dma_start3A_214 = tpu.memref_slice %arg14[%dma_start3A_203] : memref<3x!tpu.dma_semaphore, #tpu.memory_space<semaphore_mem>> -> memref<1x!tpu.dma_semaphore, #tpu.memory_space<semaphore_mem>>
    %dma_start3A_215 = tpu.memref_squeeze %dma_start3A_214 : memref<1x!tpu.dma_semaphore, #tpu.memory_space<semaphore_mem>> -> memref<!tpu.dma_semaphore, #tpu.memory_space<semaphore_mem>>
    tpu.enqueue_indirect_dma source(%dma_start3A_213 : memref<20000x144xf32, #tpu.memory_space<hbm>>) target(%dma_start3A_207 : memref<80x144xf32, #tpu.memory_space<vmem>>) offsets(%dma_start3A_210 : memref<80xi32, #tpu.memory_space<vmem>>) semaphore(%dma_start3A_215 : memref<!tpu.dma_semaphore, #tpu.memory_space<semaphore_mem>>)
    %dma_start3A_216 = arith.constant 1 : i32
    %dma_start3A_217 = arith.constant 1 : i32
    %dma_start3A_218 = arith.constant 1 : i32
    %dma_start3A_219 = arith.constant 0 : i32
    %dma_start3A_220 = arith.constant 0 : i32
    %dma_start3A_221 = tpu.memref_slice %arg11[%dma_start3A_217, %dma_start3A_219, %dma_start3A_220] : memref<3x80x16xf32, #tpu.memory_space<vmem>> -> memref<1x80x16xf32, #tpu.memory_space<vmem>>
    %dma_start3A_222 = tpu.memref_squeeze %dma_start3A_221 : memref<1x80x16xf32, #tpu.memory_space<vmem>> -> memref<80x16xf32, #tpu.memory_space<vmem>>
    %dma_start3A_223 = arith.constant 0 : i32
    %dma_start3A_224 = tpu.memref_slice %arg9[%dma_start3A_216, %dma_start3A_223] : memref<3x80xi32, #tpu.memory_space<vmem>> -> memref<1x80xi32, #tpu.memory_space<vmem>>
    %dma_start3A_225 = tpu.memref_squeeze %dma_start3A_224 : memref<1x80xi32, #tpu.memory_space<vmem>> -> memref<80xi32, #tpu.memory_space<vmem>>
    %dma_start3A_226 = arith.constant 0 : i32
    %dma_start3A_227 = arith.constant 0 : i32
    %dma_start3A_228 = tpu.memref_slice %arg3[%dma_start3A_226, %dma_start3A_227] : memref<10000x16xf32, #tpu.memory_space<hbm>> -> memref<10000x16xf32, #tpu.memory_space<hbm>>
    %dma_start3A_229 = tpu.memref_slice %arg15[%dma_start3A_218] : memref<3x!tpu.dma_semaphore, #tpu.memory_space<semaphore_mem>> -> memref<1x!tpu.dma_semaphore, #tpu.memory_space<semaphore_mem>>
    %dma_start3A_230 = tpu.memref_squeeze %dma_start3A_229 : memref<1x!tpu.dma_semaphore, #tpu.memory_space<semaphore_mem>> -> memref<!tpu.dma_semaphore, #tpu.memory_space<semaphore_mem>>
    tpu.enqueue_indirect_dma source(%dma_start3A_228 : memref<10000x16xf32, #tpu.memory_space<hbm>>) target(%dma_start3A_222 : memref<80x16xf32, #tpu.memory_space<vmem>>) offsets(%dma_start3A_225 : memref<80xi32, #tpu.memory_space<vmem>>) semaphore(%dma_start3A_230 : memref<!tpu.dma_semaphore, #tpu.memory_space<semaphore_mem>>)
    %parallel_loop3A = arith.constant 0 : i32
    %parallel_loop3A_231 = arith.constant 80 : i32
    %parallel_loop3A_232 = arith.constant 1 : i32
    scf.for %parallel_loop3A_349 = %parallel_loop3A to %parallel_loop3A_231 step %parallel_loop3A_232  : i32 {
      %parallel_loop3A_350 = arith.constant 0 : i32
      %parallel_loop3A_351 = arith.index_cast %parallel_loop3A_350 : i32 to index
      %parallel_loop3A_352 = arith.index_cast %parallel_loop3A_349 : i32 to index
      %parallel_loop3A_353 = arith.constant 128 : index
      %parallel_loop3A_354 = tpu.vector_load %arg10[%parallel_loop3A_351, %parallel_loop3A_352, %parallel_loop3A_353] {strides = array<i32>} : memref<3x80x144xf32, #tpu.memory_space<vmem>>, vector<1x1x16xf32>,
      %parallel_loop3A_355 = vector.shape_cast %parallel_loop3A_354 : vector<1x1x16xf32> to vector<16xf32>
      %parallel_loop3A_356 = arith.constant 0 : i32
      %parallel_loop3A_357 = arith.index_cast %parallel_loop3A_356 : i32 to index
      %parallel_loop3A_358 = arith.index_cast %parallel_loop3A_349 : i32 to index
      %parallel_loop3A_359 = arith.constant 0 : index
      %parallel_loop3A_360 = tpu.vector_load %arg11[%parallel_loop3A_357, %parallel_loop3A_358, %parallel_loop3A_359] {strides = array<i32>} : memref<3x80x16xf32, #tpu.memory_space<vmem>>, vector<1x1x16xf32>,
      %parallel_loop3A_361 = vector.shape_cast %parallel_loop3A_360 : vector<1x1x16xf32> to vector<16xf32>
      %parallel_loop3A_362 = arith.addf %parallel_loop3A_355, %parallel_loop3A_361 : vector<16xf32>
      %parallel_loop3A_363 = arith.constant 0.000000e+00 : f32
      %parallel_loop3A_364 = vector.broadcast %parallel_loop3A_363 : f32 to vector<16xf32>
      %parallel_loop3A_365 = arith.cmpf ogt, %parallel_loop3A_362, %parallel_loop3A_364 : vector<16xf32>
      %parallel_loop3A_366 = arith.constant 2.000000e-01 : f32
      %parallel_loop3A_367 = vector.broadcast %parallel_loop3A_366 : f32 to vector<16xf32>
      %parallel_loop3A_368 = arith.mulf %parallel_loop3A_367, %parallel_loop3A_362 : vector<16xf32>
      %parallel_loop3A_369 = arith.select %parallel_loop3A_365, %parallel_loop3A_362, %parallel_loop3A_368 : vector<16xi1>, vector<16xf32>
      %parallel_loop3A_370 = math.exp %parallel_loop3A_369 : vector<16xf32>
      %parallel_loop3A_371 = arith.constant 8 : i32
      %parallel_loop3A_372 = vector.broadcast %parallel_loop3A_371 : i32 to vector<16xi32>
      %parallel_loop3A_373 = arith.cmpi slt, %iota3A, %parallel_loop3A_372 : vector<16xi32>
      %parallel_loop3A_374 = arith.constant 0.000000e+00 : f32
      %parallel_loop3A_375 = vector.broadcast %parallel_loop3A_374 : f32 to vector<16xf32>
      %parallel_loop3A_376 = arith.select %parallel_loop3A_373, %parallel_loop3A_370, %parallel_loop3A_375 : vector<16xi1>, vector<16xf32>
      %parallel_loop3A_377 = arith.constant 0 : i32
      %parallel_loop3A_378 = arith.index_cast %parallel_loop3A_377 : i32 to index
      %parallel_loop3A_379 = arith.index_cast %parallel_loop3A_349 : i32 to index
      %parallel_loop3A_380 = arith.constant 128 : index
      %parallel_loop3A_381 = tpu.vector_load %arg10[%parallel_loop3A_378, %parallel_loop3A_379, %parallel_loop3A_380] {strides = array<i32>} : memref<3x80x144xf32, #tpu.memory_space<vmem>>, vector<1x1x16xf32>,
      %parallel_loop3A_382 = vector.shape_cast %parallel_loop3A_381 : vector<1x1x16xf32> to vector<16xf32>
      %parallel_loop3A_383 = vector.shape_cast %parallel_loop3A_376 : vector<16xf32> to vector<1x1x16xf32>
      tpu.vector_store %arg10[%parallel_loop3A_378, %parallel_loop3A_379, %parallel_loop3A_380], %parallel_loop3A_383 {strides = array<i32>} : memref<3x80x144xf32, #tpu.memory_space<vmem>>, vector<1x1x16xf32>,
      %parallel_loop3A_384 = arith.constant 4 : i32
      %parallel_loop3A_385 = arith.muli %arg0, %parallel_loop3A_384 : i32
      %parallel_loop3A_386 = arith.constant 0 : i32
      %parallel_loop3A_387 = arith.addi %parallel_loop3A_385, %parallel_loop3A_386 : i32
      %parallel_loop3A_388 = vector.broadcast %parallel_loop3A_387 : i32 to vector<16xi32>
      %parallel_loop3A_389 = vector.shape_cast %parallel_loop3A_388 : vector<16xi32> to vector<16x1xi32>
      %parallel_loop3A_390 = vector.shape_cast %parallel_loop3A_389 : vector<16x1xi32> to vector<16xi32>
      %parallel_loop3A_391 = tpu.dynamic_gather %parallel_loop3A_370[%parallel_loop3A_390] in [0] : vector<16xf32>, vector<16xi32> -> vector<16xf32>
      %parallel_loop3A_392 = arith.constant 0 : i32
      %parallel_loop3A_393 = arith.index_cast %parallel_loop3A_392 : i32 to index
      %parallel_loop3A_394 = arith.index_cast %parallel_loop3A_349 : i32 to index
      %parallel_loop3A_395 = arith.constant 0 : index
      %parallel_loop3A_396 = tpu.vector_load %arg10[%parallel_loop3A_393, %parallel_loop3A_394, %parallel_loop3A_395] {strides = array<i32>} : memref<3x80x144xf32, #tpu.memory_space<vmem>>, vector<1x1x16xf32>,
      %parallel_loop3A_397 = vector.shape_cast %parallel_loop3A_396 : vector<1x1x16xf32> to vector<16xf32>
      %parallel_loop3A_398 = arith.mulf %parallel_loop3A_397, %parallel_loop3A_391 : vector<16xf32>
      %parallel_loop3A_399 = arith.constant 0 : i32
      %parallel_loop3A_400 = arith.index_cast %parallel_loop3A_399 : i32 to index
      %parallel_loop3A_401 = arith.index_cast %parallel_loop3A_349 : i32 to index
      %parallel_loop3A_402 = arith.constant 0 : index
      %parallel_loop3A_403 = tpu.vector_load %arg10[%parallel_loop3A_400, %parallel_loop3A_401, %parallel_loop3A_402] {strides = array<i32>} : memref<3x80x144xf32, #tpu.memory_space<vmem>>, vector<1x1x16xf32>,
      %parallel_loop3A_404 = vector.shape_cast %parallel_loop3A_403 : vector<1x1x16xf32> to vector<16xf32>
      %parallel_loop3A_405 = vector.shape_cast %parallel_loop3A_398 : vector<16xf32> to vector<1x1x16xf32>
      tpu.vector_store %arg10[%parallel_loop3A_400, %parallel_loop3A_401, %parallel_loop3A_402], %parallel_loop3A_405 {strides = array<i32>} : memref<3x80x144xf32, #tpu.memory_space<vmem>>, vector<1x1x16xf32>,
      %parallel_loop3A_406 = arith.constant 0 : i32
      %parallel_loop3A_407 = arith.index_cast %parallel_loop3A_406 : i32 to index
      %parallel_loop3A_408 = arith.index_cast %parallel_loop3A_349 : i32 to index
      %parallel_loop3A_409 = arith.constant 16 : index
      %parallel_loop3A_410 = tpu.vector_load %arg10[%parallel_loop3A_407, %parallel_loop3A_408, %parallel_loop3A_409] {strides = array<i32>} : memref<3x80x144xf32, #tpu.memory_space<vmem>>, vector<1x1x16xf32>,
      %parallel_loop3A_411 = vector.shape_cast %parallel_loop3A_410 : vector<1x1x16xf32> to vector<16xf32>
      %parallel_loop3A_412 = arith.mulf %parallel_loop3A_411, %parallel_loop3A_391 : vector<16xf32>
      %parallel_loop3A_413 = arith.constant 0 : i32
      %parallel_loop3A_414 = arith.index_cast %parallel_loop3A_413 : i32 to index
      %parallel_loop3A_415 = arith.index_cast %parallel_loop3A_349 : i32 to index
      %parallel_loop3A_416 = arith.constant 16 : index
      %parallel_loop3A_417 = tpu.vector_load %arg10[%parallel_loop3A_414, %parallel_loop3A_415, %parallel_loop3A_416] {strides = array<i32>} : memref<3x80x144xf32, #tpu.memory_space<vmem>>, vector<1x1x16xf32>,
      %parallel_loop3A_418 = vector.shape_cast %parallel_loop3A_417 : vector<1x1x16xf32> to vector<16xf32>
      %parallel_loop3A_419 = vector.shape_cast %parallel_loop3A_412 : vector<16xf32> to vector<1x1x16xf32>
      tpu.vector_store %arg10[%parallel_loop3A_414, %parallel_loop3A_415, %parallel_loop3A_416], %parallel_loop3A_419 {strides = array<i32>} : memref<3x80x144xf32, #tpu.memory_space<vmem>>, vector<1x1x16xf32>,
      %parallel_loop3A_420 = arith.constant 4 : i32
      %parallel_loop3A_421 = arith.muli %arg0, %parallel_loop3A_420 : i32
      %parallel_loop3A_422 = arith.constant 1 : i32
      %parallel_loop3A_423 = arith.addi %parallel_loop3A_421, %parallel_loop3A_422 : i32
      %parallel_loop3A_424 = vector.broadcast %parallel_loop3A_423 : i32 to vector<16xi32>
      %parallel_loop3A_425 = vector.shape_cast %parallel_loop3A_424 : vector<16xi32> to vector<16x1xi32>
      %parallel_loop3A_426 = vector.shape_cast %parallel_loop3A_425 : vector<16x1xi32> to vector<16xi32>
      %parallel_loop3A_427 = tpu.dynamic_gather %parallel_loop3A_370[%parallel_loop3A_426] in [0] : vector<16xf32>, vector<16xi32> -> vector<16xf32>
      %parallel_loop3A_428 = arith.constant 0 : i32
      %parallel_loop3A_429 = arith.index_cast %parallel_loop3A_428 : i32 to index
      %parallel_loop3A_430 = arith.index_cast %parallel_loop3A_349 : i32 to index
      %parallel_loop3A_431 = arith.constant 32 : index
      %parallel_loop3A_432 = tpu.vector_load %arg10[%parallel_loop3A_429, %parallel_loop3A_430, %parallel_loop3A_431] {strides = array<i32>} : memref<3x80x144xf32, #tpu.memory_space<vmem>>, vector<1x1x16xf32>,
      %parallel_loop3A_433 = vector.shape_cast %parallel_loop3A_432 : vector<1x1x16xf32> to vector<16xf32>
      %parallel_loop3A_434 = arith.mulf %parallel_loop3A_433, %parallel_loop3A_427 : vector<16xf32>
      %parallel_loop3A_435 = arith.constant 0 : i32
      %parallel_loop3A_436 = arith.index_cast %parallel_loop3A_435 : i32 to index
      %parallel_loop3A_437 = arith.index_cast %parallel_loop3A_349 : i32 to index
      %parallel_loop3A_438 = arith.constant 32 : index
      %parallel_loop3A_439 = tpu.vector_load %arg10[%parallel_loop3A_436, %parallel_loop3A_437, %parallel_loop3A_438] {strides = array<i32>} : memref<3x80x144xf32, #tpu.memory_space<vmem>>, vector<1x1x16xf32>,
      %parallel_loop3A_440 = vector.shape_cast %parallel_loop3A_439 : vector<1x1x16xf32> to vector<16xf32>
      %parallel_loop3A_441 = vector.shape_cast %parallel_loop3A_434 : vector<16xf32> to vector<1x1x16xf32>
      tpu.vector_store %arg10[%parallel_loop3A_436, %parallel_loop3A_437, %parallel_loop3A_438], %parallel_loop3A_441 {strides = array<i32>} : memref<3x80x144xf32, #tpu.memory_space<vmem>>, vector<1x1x16xf32>,
      %parallel_loop3A_442 = arith.constant 0 : i32
      %parallel_loop3A_443 = arith.index_cast %parallel_loop3A_442 : i32 to index
      %parallel_loop3A_444 = arith.index_cast %parallel_loop3A_349 : i32 to index
      %parallel_loop3A_445 = arith.constant 48 : index
      %parallel_loop3A_446 = tpu.vector_load %arg10[%parallel_loop3A_443, %parallel_loop3A_444, %parallel_loop3A_445] {strides = array<i32>} : memref<3x80x144xf32, #tpu.memory_space<vmem>>, vector<1x1x16xf32>,
      %parallel_loop3A_447 = vector.shape_cast %parallel_loop3A_446 : vector<1x1x16xf32> to vector<16xf32>
      %parallel_loop3A_448 = arith.mulf %parallel_loop3A_447, %parallel_loop3A_427 : vector<16xf32>
      %parallel_loop3A_449 = arith.constant 0 : i32
      %parallel_loop3A_450 = arith.index_cast %parallel_loop3A_449 : i32 to index
      %parallel_loop3A_451 = arith.index_cast %parallel_loop3A_349 : i32 to index
      %parallel_loop3A_452 = arith.constant 48 : index
      %parallel_loop3A_453 = tpu.vector_load %arg10[%parallel_loop3A_450, %parallel_loop3A_451, %parallel_loop3A_452] {strides = array<i32>} : memref<3x80x144xf32, #tpu.memory_space<vmem>>, vector<1x1x16xf32>,
      %parallel_loop3A_454 = vector.shape_cast %parallel_loop3A_453 : vector<1x1x16xf32> to vector<16xf32>
      %parallel_loop3A_455 = vector.shape_cast %parallel_loop3A_448 : vector<16xf32> to vector<1x1x16xf32>
      tpu.vector_store %arg10[%parallel_loop3A_450, %parallel_loop3A_451, %parallel_loop3A_452], %parallel_loop3A_455 {strides = array<i32>} : memref<3x80x144xf32, #tpu.memory_space<vmem>>, vector<1x1x16xf32>,
      %parallel_loop3A_456 = arith.constant 4 : i32
      %parallel_loop3A_457 = arith.muli %arg0, %parallel_loop3A_456 : i32
      %parallel_loop3A_458 = arith.constant 2 : i32
      %parallel_loop3A_459 = arith.addi %parallel_loop3A_457, %parallel_loop3A_458 : i32
      %parallel_loop3A_460 = vector.broadcast %parallel_loop3A_459 : i32 to vector<16xi32>
      %parallel_loop3A_461 = vector.shape_cast %parallel_loop3A_460 : vector<16xi32> to vector<16x1xi32>
      %parallel_loop3A_462 = vector.shape_cast %parallel_loop3A_461 : vector<16x1xi32> to vector<16xi32>
      %parallel_loop3A_463 = tpu.dynamic_gather %parallel_loop3A_370[%parallel_loop3A_462] in [0] : vector<16xf32>, vector<16xi32> -> vector<16xf32>
      %parallel_loop3A_464 = arith.constant 0 : i32
      %parallel_loop3A_465 = arith.index_cast %parallel_loop3A_464 : i32 to index
      %parallel_loop3A_466 = arith.index_cast %parallel_loop3A_349 : i32 to index
      %parallel_loop3A_467 = arith.constant 64 : index
      %parallel_loop3A_468 = tpu.vector_load %arg10[%parallel_loop3A_465, %parallel_loop3A_466, %parallel_loop3A_467] {strides = array<i32>} : memref<3x80x144xf32, #tpu.memory_space<vmem>>, vector<1x1x16xf32>,
      %parallel_loop3A_469 = vector.shape_cast %parallel_loop3A_468 : vector<1x1x16xf32> to vector<16xf32>
      %parallel_loop3A_470 = arith.mulf %parallel_loop3A_469, %parallel_loop3A_463 : vector<16xf32>
      %parallel_loop3A_471 = arith.constant 0 : i32
      %parallel_loop3A_472 = arith.index_cast %parallel_loop3A_471 : i32 to index
      %parallel_loop3A_473 = arith.index_cast %parallel_loop3A_349 : i32 to index
      %parallel_loop3A_474 = arith.constant 64 : index
      %parallel_loop3A_475 = tpu.vector_load %arg10[%parallel_loop3A_472, %parallel_loop3A_473, %parallel_loop3A_474] {strides = array<i32>} : memref<3x80x144xf32, #tpu.memory_space<vmem>>, vector<1x1x16xf32>,
      %parallel_loop3A_476 = vector.shape_cast %parallel_loop3A_475 : vector<1x1x16xf32> to vector<16xf32>
      %parallel_loop3A_477 = vector.shape_cast %parallel_loop3A_470 : vector<16xf32> to vector<1x1x16xf32>
      tpu.vector_store %arg10[%parallel_loop3A_472, %parallel_loop3A_473, %parallel_loop3A_474], %parallel_loop3A_477 {strides = array<i32>} : memref<3x80x144xf32, #tpu.memory_space<vmem>>, vector<1x1x16xf32>,
      %parallel_loop3A_478 = arith.constant 0 : i32
      %parallel_loop3A_479 = arith.index_cast %parallel_loop3A_478 : i32 to index
      %parallel_loop3A_480 = arith.index_cast %parallel_loop3A_349 : i32 to index
      %parallel_loop3A_481 = arith.constant 80 : index
      %parallel_loop3A_482 = tpu.vector_load %arg10[%parallel_loop3A_479, %parallel_loop3A_480, %parallel_loop3A_481] {strides = array<i32>} : memref<3x80x144xf32, #tpu.memory_space<vmem>>, vector<1x1x16xf32>,
      %parallel_loop3A_483 = vector.shape_cast %parallel_loop3A_482 : vector<1x1x16xf32> to vector<16xf32>
      %parallel_loop3A_484 = arith.mulf %parallel_loop3A_483, %parallel_loop3A_463 : vector<16xf32>
      %parallel_loop3A_485 = arith.constant 0 : i32
      %parallel_loop3A_486 = arith.index_cast %parallel_loop3A_485 : i32 to index
      %parallel_loop3A_487 = arith.index_cast %parallel_loop3A_349 : i32 to index
      %parallel_loop3A_488 = arith.constant 80 : index
      %parallel_loop3A_489 = tpu.vector_load %arg10[%parallel_loop3A_486, %parallel_loop3A_487, %parallel_loop3A_488] {strides = array<i32>} : memref<3x80x144xf32, #tpu.memory_space<vmem>>, vector<1x1x16xf32>,
      %parallel_loop3A_490 = vector.shape_cast %parallel_loop3A_489 : vector<1x1x16xf32> to vector<16xf32>
      %parallel_loop3A_491 = vector.shape_cast %parallel_loop3A_484 : vector<16xf32> to vector<1x1x16xf32>
      tpu.vector_store %arg10[%parallel_loop3A_486, %parallel_loop3A_487, %parallel_loop3A_488], %parallel_loop3A_491 {strides = array<i32>} : memref<3x80x144xf32, #tpu.memory_space<vmem>>, vector<1x1x16xf32>,
      %parallel_loop3A_492 = arith.constant 4 : i32
      %parallel_loop3A_493 = arith.muli %arg0, %parallel_loop3A_492 : i32
      %parallel_loop3A_494 = arith.constant 3 : i32
      %parallel_loop3A_495 = arith.addi %parallel_loop3A_493, %parallel_loop3A_494 : i32
      %parallel_loop3A_496 = vector.broadcast %parallel_loop3A_495 : i32 to vector<16xi32>
      %parallel_loop3A_497 = vector.shape_cast %parallel_loop3A_496 : vector<16xi32> to vector<16x1xi32>
      %parallel_loop3A_498 = vector.shape_cast %parallel_loop3A_497 : vector<16x1xi32> to vector<16xi32>
      %parallel_loop3A_499 = tpu.dynamic_gather %parallel_loop3A_370[%parallel_loop3A_498] in [0] : vector<16xf32>, vector<16xi32> -> vector<16xf32>
      %parallel_loop3A_500 = arith.constant 0 : i32
      %parallel_loop3A_501 = arith.index_cast %parallel_loop3A_500 : i32 to index
      %parallel_loop3A_502 = arith.index_cast %parallel_loop3A_349 : i32 to index
      %parallel_loop3A_503 = arith.constant 96 : index
      %parallel_loop3A_504 = tpu.vector_load %arg10[%parallel_loop3A_501, %parallel_loop3A_502, %parallel_loop3A_503] {strides = array<i32>} : memref<3x80x144xf32, #tpu.memory_space<vmem>>, vector<1x1x16xf32>,
      %parallel_loop3A_505 = vector.shape_cast %parallel_loop3A_504 : vector<1x1x16xf32> to vector<16xf32>
      %parallel_loop3A_506 = arith.mulf %parallel_loop3A_505, %parallel_loop3A_499 : vector<16xf32>
      %parallel_loop3A_507 = arith.constant 0 : i32
      %parallel_loop3A_508 = arith.index_cast %parallel_loop3A_507 : i32 to index
      %parallel_loop3A_509 = arith.index_cast %parallel_loop3A_349 : i32 to index
      %parallel_loop3A_510 = arith.constant 96 : index
      %parallel_loop3A_511 = tpu.vector_load %arg10[%parallel_loop3A_508, %parallel_loop3A_509, %parallel_loop3A_510] {strides = array<i32>} : memref<3x80x144xf32, #tpu.memory_space<vmem>>, vector<1x1x16xf32>,
      %parallel_loop3A_512 = vector.shape_cast %parallel_loop3A_511 : vector<1x1x16xf32> to vector<16xf32>
      %parallel_loop3A_513 = vector.shape_cast %parallel_loop3A_506 : vector<16xf32> to vector<1x1x16xf32>
      tpu.vector_store %arg10[%parallel_loop3A_508, %parallel_loop3A_509, %parallel_loop3A_510], %parallel_loop3A_513 {strides = array<i32>} : memref<3x80x144xf32, #tpu.memory_space<vmem>>, vector<1x1x16xf32>,
      %parallel_loop3A_514 = arith.constant 0 : i32
      %parallel_loop3A_515 = arith.index_cast %parallel_loop3A_514 : i32 to index
      %parallel_loop3A_516 = arith.index_cast %parallel_loop3A_349 : i32 to index
      %parallel_loop3A_517 = arith.constant 112 : index
      %parallel_loop3A_518 = tpu.vector_load %arg10[%parallel_loop3A_515, %parallel_loop3A_516, %parallel_loop3A_517] {strides = array<i32>} : memref<3x80x144xf32, #tpu.memory_space<vmem>>, vector<1x1x16xf32>,
      %parallel_loop3A_519 = vector.shape_cast %parallel_loop3A_518 : vector<1x1x16xf32> to vector<16xf32>
      %parallel_loop3A_520 = arith.mulf %parallel_loop3A_519, %parallel_loop3A_499 : vector<16xf32>
      %parallel_loop3A_521 = arith.constant 0 : i32
      %parallel_loop3A_522 = arith.index_cast %parallel_loop3A_521 : i32 to index
      %parallel_loop3A_523 = arith.index_cast %parallel_loop3A_349 : i32 to index
      %parallel_loop3A_524 = arith.constant 112 : index
      %parallel_loop3A_525 = tpu.vector_load %arg10[%parallel_loop3A_522, %parallel_loop3A_523, %parallel_loop3A_524] {strides = array<i32>} : memref<3x80x144xf32, #tpu.memory_space<vmem>>, vector<1x1x16xf32>,
      %parallel_loop3A_526 = vector.shape_cast %parallel_loop3A_525 : vector<1x1x16xf32> to vector<16xf32>
      %parallel_loop3A_527 = vector.shape_cast %parallel_loop3A_520 : vector<16xf32> to vector<1x1x16xf32>
      tpu.vector_store %arg10[%parallel_loop3A_522, %parallel_loop3A_523, %parallel_loop3A_524], %parallel_loop3A_527 {strides = array<i32>} : memref<3x80x144xf32, #tpu.memory_space<vmem>>, vector<1x1x16xf32>,
    } {sc.loop_unroll_factor = 4 : i64, sc.parallel_access}
    %dma_start3A_233 = arith.constant 0 : i32
    %dma_start3A_234 = arith.constant 0 : i32
    %dma_start3A_235 = arith.constant 0 : i32
    %dma_start3A_236 = arith.constant 0 : i32
    %dma_start3A_237 = arith.constant 0 : i32
    %dma_start3A_238 = tpu.memref_slice %arg10[%dma_start3A_233, %dma_start3A_236, %dma_start3A_237] : memref<3x80x144xf32, #tpu.memory_space<vmem>> -> memref<1x80x144xf32, #tpu.memory_space<vmem>>
    %dma_start3A_239 = tpu.memref_squeeze %dma_start3A_238 : memref<1x80x144xf32, #tpu.memory_space<vmem>> -> memref<80x144xf32, #tpu.memory_space<vmem>>
    %dma_start3A_240 = arith.constant 0 : i32
    %dma_start3A_241 = tpu.memref_slice %arg9[%dma_start3A_234, %dma_start3A_240] : memref<3x80xi32, #tpu.memory_space<vmem>> -> memref<1x80xi32, #tpu.memory_space<vmem>>
    %dma_start3A_242 = tpu.memref_squeeze %dma_start3A_241 : memref<1x80xi32, #tpu.memory_space<vmem>> -> memref<80xi32, #tpu.memory_space<vmem>>
    %dma_start3A_243 = arith.constant 0 : i32
    %dma_start3A_244 = arith.constant 0 : i32
    %dma_start3A_245 = tpu.memref_slice %arg7[%dma_start3A_243, %dma_start3A_244] : memref<10240x144xf32, #tpu.memory_space<vmem_shared>> -> memref<10240x144xf32, #tpu.memory_space<vmem_shared>>
    %dma_start3A_246 = tpu.memref_slice %arg16[%dma_start3A_235] : memref<3x!tpu.dma_semaphore, #tpu.memory_space<semaphore_mem>> -> memref<1x!tpu.dma_semaphore, #tpu.memory_space<semaphore_mem>>
    %dma_start3A_247 = tpu.memref_squeeze %dma_start3A_246 : memref<1x!tpu.dma_semaphore, #tpu.memory_space<semaphore_mem>> -> memref<!tpu.dma_semaphore, #tpu.memory_space<semaphore_mem>>
    tpu.enqueue_indirect_dma source(%dma_start3A_239 : memref<80x144xf32, #tpu.memory_space<vmem>>) target(%dma_start3A_245 : memref<10240x144xf32, #tpu.memory_space<vmem_shared>>) offsets(%dma_start3A_242 : memref<80xi32, #tpu.memory_space<vmem>>) semaphore(%dma_start3A_247 : memref<!tpu.dma_semaphore, #tpu.memory_space<semaphore_mem>>) {add = true}
    %dma_wait3A_248 = arith.constant 2 : i32
    %dma_wait3A_249 = arith.constant 2 : i32
    %dma_wait3A_250 = arith.constant 2 : i32
    %dma_wait3A_251 = arith.constant 0 : i32
    %dma_wait3A_252 = arith.constant 0 : i32
    %dma_wait3A_253 = tpu.memref_slice %arg10[%dma_wait3A_248, %dma_wait3A_251, %dma_wait3A_252] : memref<3x80x144xf32, #tpu.memory_space<vmem>> -> memref<1x80x144xf32, #tpu.memory_space<vmem>>
    %dma_wait3A_254 = tpu.memref_squeeze %dma_wait3A_253 : memref<1x80x144xf32, #tpu.memory_space<vmem>> -> memref<80x144xf32, #tpu.memory_space<vmem>>
    %dma_wait3A_255 = arith.constant 0 : i32
    %dma_wait3A_256 = tpu.memref_slice %arg9[%dma_wait3A_249, %dma_wait3A_255] : memref<3x80xi32, #tpu.memory_space<vmem>> -> memref<1x80xi32, #tpu.memory_space<vmem>>
    %dma_wait3A_257 = tpu.memref_squeeze %dma_wait3A_256 : memref<1x80xi32, #tpu.memory_space<vmem>> -> memref<80xi32, #tpu.memory_space<vmem>>
    %dma_wait3A_258 = arith.constant 0 : i32
    %dma_wait3A_259 = arith.constant 0 : i32
    %dma_wait3A_260 = tpu.memref_slice %arg7[%dma_wait3A_258, %dma_wait3A_259] : memref<10240x144xf32, #tpu.memory_space<vmem_shared>> -> memref<10240x144xf32, #tpu.memory_space<vmem_shared>>
    %dma_wait3A_261 = tpu.memref_slice %arg16[%dma_wait3A_250] : memref<3x!tpu.dma_semaphore, #tpu.memory_space<semaphore_mem>> -> memref<1x!tpu.dma_semaphore, #tpu.memory_space<semaphore_mem>>
    %dma_wait3A_262 = tpu.memref_squeeze %dma_wait3A_261 : memref<1x!tpu.dma_semaphore, #tpu.memory_space<semaphore_mem>> -> memref<!tpu.dma_semaphore, #tpu.memory_space<semaphore_mem>>
    tpu.wait_indirect_dma semaphore(%dma_wait3A_262 : memref<!tpu.dma_semaphore, #tpu.memory_space<semaphore_mem>>) src(%dma_wait3A_254 : memref<80x144xf32, #tpu.memory_space<vmem>>) dst(%dma_wait3A_260 : memref<10240x144xf32, #tpu.memory_space<vmem_shared>>)
    %dma_wait3A_263 = arith.constant 1 : i32
    %dma_wait3A_264 = arith.constant 1 : i32
    %dma_wait3A_265 = arith.constant 1 : i32
    %dma_wait3A_266 = arith.constant 0 : i32
    %dma_wait3A_267 = arith.constant 0 : i32
    %dma_wait3A_268 = tpu.memref_slice %arg10[%dma_wait3A_264, %dma_wait3A_266, %dma_wait3A_267] : memref<3x80x144xf32, #tpu.memory_space<vmem>> -> memref<1x80x144xf32, #tpu.memory_space<vmem>>
    %dma_wait3A_269 = tpu.memref_squeeze %dma_wait3A_268 : memref<1x80x144xf32, #tpu.memory_space<vmem>> -> memref<80x144xf32, #tpu.memory_space<vmem>>
    %dma_wait3A_270 = arith.constant 0 : i32
    %dma_wait3A_271 = tpu.memref_slice %arg8[%dma_wait3A_263, %dma_wait3A_270] : memref<3x80xi32, #tpu.memory_space<vmem>> -> memref<1x80xi32, #tpu.memory_space<vmem>>
    %dma_wait3A_272 = tpu.memref_squeeze %dma_wait3A_271 : memref<1x80xi32, #tpu.memory_space<vmem>> -> memref<80xi32, #tpu.memory_space<vmem>>
    %dma_wait3A_273 = arith.constant 0 : i32
    %dma_wait3A_274 = arith.constant 0 : i32
    %dma_wait3A_275 = tpu.memref_slice %arg2[%dma_wait3A_273, %dma_wait3A_274] : memref<20000x144xf32, #tpu.memory_space<hbm>> -> memref<20000x144xf32, #tpu.memory_space<hbm>>
    %dma_wait3A_276 = tpu.memref_slice %arg14[%dma_wait3A_265] : memref<3x!tpu.dma_semaphore, #tpu.memory_space<semaphore_mem>> -> memref<1x!tpu.dma_semaphore, #tpu.memory_space<semaphore_mem>>
    %dma_wait3A_277 = tpu.memref_squeeze %dma_wait3A_276 : memref<1x!tpu.dma_semaphore, #tpu.memory_space<semaphore_mem>> -> memref<!tpu.dma_semaphore, #tpu.memory_space<semaphore_mem>>
    tpu.wait_indirect_dma semaphore(%dma_wait3A_277 : memref<!tpu.dma_semaphore, #tpu.memory_space<semaphore_mem>>) src(%dma_wait3A_275 : memref<20000x144xf32, #tpu.memory_space<hbm>>) dst(%dma_wait3A_269 : memref<80x144xf32, #tpu.memory_space<vmem>>)
    %dma_wait3A_278 = arith.constant 1 : i32
    %dma_wait3A_279 = arith.constant 1 : i32
    %dma_wait3A_280 = arith.constant 1 : i32
    %dma_wait3A_281 = arith.constant 0 : i32
    %dma_wait3A_282 = arith.constant 0 : i32
    %dma_wait3A_283 = tpu.memref_slice %arg11[%dma_wait3A_279, %dma_wait3A_281, %dma_wait3A_282] : memref<3x80x16xf32, #tpu.memory_space<vmem>> -> memref<1x80x16xf32, #tpu.memory_space<vmem>>
    %dma_wait3A_284 = tpu.memref_squeeze %dma_wait3A_283 : memref<1x80x16xf32, #tpu.memory_space<vmem>> -> memref<80x16xf32, #tpu.memory_space<vmem>>
    %dma_wait3A_285 = arith.constant 0 : i32
    %dma_wait3A_286 = tpu.memref_slice %arg9[%dma_wait3A_278, %dma_wait3A_285] : memref<3x80xi32, #tpu.memory_space<vmem>> -> memref<1x80xi32, #tpu.memory_space<vmem>>
    %dma_wait3A_287 = tpu.memref_squeeze %dma_wait3A_286 : memref<1x80xi32, #tpu.memory_space<vmem>> -> memref<80xi32, #tpu.memory_space<vmem>>
    %dma_wait3A_288 = arith.constant 0 : i32
    %dma_wait3A_289 = arith.constant 0 : i32
    %dma_wait3A_290 = tpu.memref_slice %arg3[%dma_wait3A_288, %dma_wait3A_289] : memref<10000x16xf32, #tpu.memory_space<hbm>> -> memref<10000x16xf32, #tpu.memory_space<hbm>>
    %dma_wait3A_291 = tpu.memref_slice %arg15[%dma_wait3A_280] : memref<3x!tpu.dma_semaphore, #tpu.memory_space<semaphore_mem>> -> memref<1x!tpu.dma_semaphore, #tpu.memory_space<semaphore_mem>>
    %dma_wait3A_292 = tpu.memref_squeeze %dma_wait3A_291 : memref<1x!tpu.dma_semaphore, #tpu.memory_space<semaphore_mem>> -> memref<!tpu.dma_semaphore, #tpu.memory_space<semaphore_mem>>
    tpu.wait_indirect_dma semaphore(%dma_wait3A_292 : memref<!tpu.dma_semaphore, #tpu.memory_space<semaphore_mem>>) src(%dma_wait3A_290 : memref<10000x16xf32, #tpu.memory_space<hbm>>) dst(%dma_wait3A_284 : memref<80x16xf32, #tpu.memory_space<vmem>>)
    %parallel_loop3A_293 = arith.constant 0 : i32
    %parallel_loop3A_294 = arith.constant 80 : i32
    %parallel_loop3A_295 = arith.constant 1 : i32
    scf.for %parallel_loop3A_349 = %parallel_loop3A_293 to %parallel_loop3A_294 step %parallel_loop3A_295  : i32 {
      %parallel_loop3A_350 = arith.constant 1 : i32
      %parallel_loop3A_351 = arith.index_cast %parallel_loop3A_350 : i32 to index
      %parallel_loop3A_352 = arith.index_cast %parallel_loop3A_349 : i32 to index
      %parallel_loop3A_353 = arith.constant 128 : index
      %parallel_loop3A_354 = tpu.vector_load %arg10[%parallel_loop3A_351, %parallel_loop3A_352, %parallel_loop3A_353] {strides = array<i32>} : memref<3x80x144xf32, #tpu.memory_space<vmem>>, vector<1x1x16xf32>,
      %parallel_loop3A_355 = vector.shape_cast %parallel_loop3A_354 : vector<1x1x16xf32> to vector<16xf32>
      %parallel_loop3A_356 = arith.constant 1 : i32
      %parallel_loop3A_357 = arith.index_cast %parallel_loop3A_356 : i32 to index
      %parallel_loop3A_358 = arith.index_cast %parallel_loop3A_349 : i32 to index
      %parallel_loop3A_359 = arith.constant 0 : index
      %parallel_loop3A_360 = tpu.vector_load %arg11[%parallel_loop3A_357, %parallel_loop3A_358, %parallel_loop3A_359] {strides = array<i32>} : memref<3x80x16xf32, #tpu.memory_space<vmem>>, vector<1x1x16xf32>,
      %parallel_loop3A_361 = vector.shape_cast %parallel_loop3A_360 : vector<1x1x16xf32> to vector<16xf32>
      %parallel_loop3A_362 = arith.addf %parallel_loop3A_355, %parallel_loop3A_361 : vector<16xf32>
      %parallel_loop3A_363 = arith.constant 0.000000e+00 : f32
      %parallel_loop3A_364 = vector.broadcast %parallel_loop3A_363 : f32 to vector<16xf32>
      %parallel_loop3A_365 = arith.cmpf ogt, %parallel_loop3A_362, %parallel_loop3A_364 : vector<16xf32>
      %parallel_loop3A_366 = arith.constant 2.000000e-01 : f32
      %parallel_loop3A_367 = vector.broadcast %parallel_loop3A_366 : f32 to vector<16xf32>
      %parallel_loop3A_368 = arith.mulf %parallel_loop3A_367, %parallel_loop3A_362 : vector<16xf32>
      %parallel_loop3A_369 = arith.select %parallel_loop3A_365, %parallel_loop3A_362, %parallel_loop3A_368 : vector<16xi1>, vector<16xf32>
      %parallel_loop3A_370 = math.exp %parallel_loop3A_369 : vector<16xf32>
      %parallel_loop3A_371 = arith.constant 8 : i32
      %parallel_loop3A_372 = vector.broadcast %parallel_loop3A_371 : i32 to vector<16xi32>
      %parallel_loop3A_373 = arith.cmpi slt, %iota3A, %parallel_loop3A_372 : vector<16xi32>
      %parallel_loop3A_374 = arith.constant 0.000000e+00 : f32
      %parallel_loop3A_375 = vector.broadcast %parallel_loop3A_374 : f32 to vector<16xf32>
      %parallel_loop3A_376 = arith.select %parallel_loop3A_373, %parallel_loop3A_370, %parallel_loop3A_375 : vector<16xi1>, vector<16xf32>
      %parallel_loop3A_377 = arith.constant 1 : i32
      %parallel_loop3A_378 = arith.index_cast %parallel_loop3A_377 : i32 to index
      %parallel_loop3A_379 = arith.index_cast %parallel_loop3A_349 : i32 to index
      %parallel_loop3A_380 = arith.constant 128 : index
      %parallel_loop3A_381 = tpu.vector_load %arg10[%parallel_loop3A_378, %parallel_loop3A_379, %parallel_loop3A_380] {strides = array<i32>} : memref<3x80x144xf32, #tpu.memory_space<vmem>>, vector<1x1x16xf32>,
      %parallel_loop3A_382 = vector.shape_cast %parallel_loop3A_381 : vector<1x1x16xf32> to vector<16xf32>
      %parallel_loop3A_383 = vector.shape_cast %parallel_loop3A_376 : vector<16xf32> to vector<1x1x16xf32>
      tpu.vector_store %arg10[%parallel_loop3A_378, %parallel_loop3A_379, %parallel_loop3A_380], %parallel_loop3A_383 {strides = array<i32>} : memref<3x80x144xf32, #tpu.memory_space<vmem>>, vector<1x1x16xf32>,
      %parallel_loop3A_384 = arith.constant 4 : i32
      %parallel_loop3A_385 = arith.muli %arg0, %parallel_loop3A_384 : i32
      %parallel_loop3A_386 = arith.constant 0 : i32
      %parallel_loop3A_387 = arith.addi %parallel_loop3A_385, %parallel_loop3A_386 : i32
      %parallel_loop3A_388 = vector.broadcast %parallel_loop3A_387 : i32 to vector<16xi32>
      %parallel_loop3A_389 = vector.shape_cast %parallel_loop3A_388 : vector<16xi32> to vector<16x1xi32>
      %parallel_loop3A_390 = vector.shape_cast %parallel_loop3A_389 : vector<16x1xi32> to vector<16xi32>
      %parallel_loop3A_391 = tpu.dynamic_gather %parallel_loop3A_370[%parallel_loop3A_390] in [0] : vector<16xf32>, vector<16xi32> -> vector<16xf32>
      %parallel_loop3A_392 = arith.constant 1 : i32
      %parallel_loop3A_393 = arith.index_cast %parallel_loop3A_392 : i32 to index
      %parallel_loop3A_394 = arith.index_cast %parallel_loop3A_349 : i32 to index
      %parallel_loop3A_395 = arith.constant 0 : index
      %parallel_loop3A_396 = tpu.vector_load %arg10[%parallel_loop3A_393, %parallel_loop3A_394, %parallel_loop3A_395] {strides = array<i32>} : memref<3x80x144xf32, #tpu.memory_space<vmem>>, vector<1x1x16xf32>,
      %parallel_loop3A_397 = vector.shape_cast %parallel_loop3A_396 : vector<1x1x16xf32> to vector<16xf32>
      %parallel_loop3A_398 = arith.mulf %parallel_loop3A_397, %parallel_loop3A_391 : vector<16xf32>
      %parallel_loop3A_399 = arith.constant 1 : i32
      %parallel_loop3A_400 = arith.index_cast %parallel_loop3A_399 : i32 to index
      %parallel_loop3A_401 = arith.index_cast %parallel_loop3A_349 : i32 to index
      %parallel_loop3A_402 = arith.constant 0 : index
      %parallel_loop3A_403 = tpu.vector_load %arg10[%parallel_loop3A_400, %parallel_loop3A_401, %parallel_loop3A_402] {strides = array<i32>} : memref<3x80x144xf32, #tpu.memory_space<vmem>>, vector<1x1x16xf32>,
      %parallel_loop3A_404 = vector.shape_cast %parallel_loop3A_403 : vector<1x1x16xf32> to vector<16xf32>
      %parallel_loop3A_405 = vector.shape_cast %parallel_loop3A_398 : vector<16xf32> to vector<1x1x16xf32>
      tpu.vector_store %arg10[%parallel_loop3A_400, %parallel_loop3A_401, %parallel_loop3A_402], %parallel_loop3A_405 {strides = array<i32>} : memref<3x80x144xf32, #tpu.memory_space<vmem>>, vector<1x1x16xf32>,
      %parallel_loop3A_406 = arith.constant 1 : i32
      %parallel_loop3A_407 = arith.index_cast %parallel_loop3A_406 : i32 to index
      %parallel_loop3A_408 = arith.index_cast %parallel_loop3A_349 : i32 to index
      %parallel_loop3A_409 = arith.constant 16 : index
      %parallel_loop3A_410 = tpu.vector_load %arg10[%parallel_loop3A_407, %parallel_loop3A_408, %parallel_loop3A_409] {strides = array<i32>} : memref<3x80x144xf32, #tpu.memory_space<vmem>>, vector<1x1x16xf32>,
      %parallel_loop3A_411 = vector.shape_cast %parallel_loop3A_410 : vector<1x1x16xf32> to vector<16xf32>
      %parallel_loop3A_412 = arith.mulf %parallel_loop3A_411, %parallel_loop3A_391 : vector<16xf32>
      %parallel_loop3A_413 = arith.constant 1 : i32
      %parallel_loop3A_414 = arith.index_cast %parallel_loop3A_413 : i32 to index
      %parallel_loop3A_415 = arith.index_cast %parallel_loop3A_349 : i32 to index
      %parallel_loop3A_416 = arith.constant 16 : index
      %parallel_loop3A_417 = tpu.vector_load %arg10[%parallel_loop3A_414, %parallel_loop3A_415, %parallel_loop3A_416] {strides = array<i32>} : memref<3x80x144xf32, #tpu.memory_space<vmem>>, vector<1x1x16xf32>,
      %parallel_loop3A_418 = vector.shape_cast %parallel_loop3A_417 : vector<1x1x16xf32> to vector<16xf32>
      %parallel_loop3A_419 = vector.shape_cast %parallel_loop3A_412 : vector<16xf32> to vector<1x1x16xf32>
      tpu.vector_store %arg10[%parallel_loop3A_414, %parallel_loop3A_415, %parallel_loop3A_416], %parallel_loop3A_419 {strides = array<i32>} : memref<3x80x144xf32, #tpu.memory_space<vmem>>, vector<1x1x16xf32>,
      %parallel_loop3A_420 = arith.constant 4 : i32
      %parallel_loop3A_421 = arith.muli %arg0, %parallel_loop3A_420 : i32
      %parallel_loop3A_422 = arith.constant 1 : i32
      %parallel_loop3A_423 = arith.addi %parallel_loop3A_421, %parallel_loop3A_422 : i32
      %parallel_loop3A_424 = vector.broadcast %parallel_loop3A_423 : i32 to vector<16xi32>
      %parallel_loop3A_425 = vector.shape_cast %parallel_loop3A_424 : vector<16xi32> to vector<16x1xi32>
      %parallel_loop3A_426 = vector.shape_cast %parallel_loop3A_425 : vector<16x1xi32> to vector<16xi32>
      %parallel_loop3A_427 = tpu.dynamic_gather %parallel_loop3A_370[%parallel_loop3A_426] in [0] : vector<16xf32>, vector<16xi32> -> vector<16xf32>
      %parallel_loop3A_428 = arith.constant 1 : i32
      %parallel_loop3A_429 = arith.index_cast %parallel_loop3A_428 : i32 to index
      %parallel_loop3A_430 = arith.index_cast %parallel_loop3A_349 : i32 to index
      %parallel_loop3A_431 = arith.constant 32 : index
      %parallel_loop3A_432 = tpu.vector_load %arg10[%parallel_loop3A_429, %parallel_loop3A_430, %parallel_loop3A_431] {strides = array<i32>} : memref<3x80x144xf32, #tpu.memory_space<vmem>>, vector<1x1x16xf32>,
      %parallel_loop3A_433 = vector.shape_cast %parallel_loop3A_432 : vector<1x1x16xf32> to vector<16xf32>
      %parallel_loop3A_434 = arith.mulf %parallel_loop3A_433, %parallel_loop3A_427 : vector<16xf32>
      %parallel_loop3A_435 = arith.constant 1 : i32
      %parallel_loop3A_436 = arith.index_cast %parallel_loop3A_435 : i32 to index
      %parallel_loop3A_437 = arith.index_cast %parallel_loop3A_349 : i32 to index
      %parallel_loop3A_438 = arith.constant 32 : index
      %parallel_loop3A_439 = tpu.vector_load %arg10[%parallel_loop3A_436, %parallel_loop3A_437, %parallel_loop3A_438] {strides = array<i32>} : memref<3x80x144xf32, #tpu.memory_space<vmem>>, vector<1x1x16xf32>,
      %parallel_loop3A_440 = vector.shape_cast %parallel_loop3A_439 : vector<1x1x16xf32> to vector<16xf32>
      %parallel_loop3A_441 = vector.shape_cast %parallel_loop3A_434 : vector<16xf32> to vector<1x1x16xf32>
      tpu.vector_store %arg10[%parallel_loop3A_436, %parallel_loop3A_437, %parallel_loop3A_438], %parallel_loop3A_441 {strides = array<i32>} : memref<3x80x144xf32, #tpu.memory_space<vmem>>, vector<1x1x16xf32>,
      %parallel_loop3A_442 = arith.constant 1 : i32
      %parallel_loop3A_443 = arith.index_cast %parallel_loop3A_442 : i32 to index
      %parallel_loop3A_444 = arith.index_cast %parallel_loop3A_349 : i32 to index
      %parallel_loop3A_445 = arith.constant 48 : index
      %parallel_loop3A_446 = tpu.vector_load %arg10[%parallel_loop3A_443, %parallel_loop3A_444, %parallel_loop3A_445] {strides = array<i32>} : memref<3x80x144xf32, #tpu.memory_space<vmem>>, vector<1x1x16xf32>,
      %parallel_loop3A_447 = vector.shape_cast %parallel_loop3A_446 : vector<1x1x16xf32> to vector<16xf32>
      %parallel_loop3A_448 = arith.mulf %parallel_loop3A_447, %parallel_loop3A_427 : vector<16xf32>
      %parallel_loop3A_449 = arith.constant 1 : i32
      %parallel_loop3A_450 = arith.index_cast %parallel_loop3A_449 : i32 to index
      %parallel_loop3A_451 = arith.index_cast %parallel_loop3A_349 : i32 to index
      %parallel_loop3A_452 = arith.constant 48 : index
      %parallel_loop3A_453 = tpu.vector_load %arg10[%parallel_loop3A_450, %parallel_loop3A_451, %parallel_loop3A_452] {strides = array<i32>} : memref<3x80x144xf32, #tpu.memory_space<vmem>>, vector<1x1x16xf32>,
      %parallel_loop3A_454 = vector.shape_cast %parallel_loop3A_453 : vector<1x1x16xf32> to vector<16xf32>
      %parallel_loop3A_455 = vector.shape_cast %parallel_loop3A_448 : vector<16xf32> to vector<1x1x16xf32>
      tpu.vector_store %arg10[%parallel_loop3A_450, %parallel_loop3A_451, %parallel_loop3A_452], %parallel_loop3A_455 {strides = array<i32>} : memref<3x80x144xf32, #tpu.memory_space<vmem>>, vector<1x1x16xf32>,
      %parallel_loop3A_456 = arith.constant 4 : i32
      %parallel_loop3A_457 = arith.muli %arg0, %parallel_loop3A_456 : i32
      %parallel_loop3A_458 = arith.constant 2 : i32
      %parallel_loop3A_459 = arith.addi %parallel_loop3A_457, %parallel_loop3A_458 : i32
      %parallel_loop3A_460 = vector.broadcast %parallel_loop3A_459 : i32 to vector<16xi32>
      %parallel_loop3A_461 = vector.shape_cast %parallel_loop3A_460 : vector<16xi32> to vector<16x1xi32>
      %parallel_loop3A_462 = vector.shape_cast %parallel_loop3A_461 : vector<16x1xi32> to vector<16xi32>
      %parallel_loop3A_463 = tpu.dynamic_gather %parallel_loop3A_370[%parallel_loop3A_462] in [0] : vector<16xf32>, vector<16xi32> -> vector<16xf32>
      %parallel_loop3A_464 = arith.constant 1 : i32
      %parallel_loop3A_465 = arith.index_cast %parallel_loop3A_464 : i32 to index
      %parallel_loop3A_466 = arith.index_cast %parallel_loop3A_349 : i32 to index
      %parallel_loop3A_467 = arith.constant 64 : index
      %parallel_loop3A_468 = tpu.vector_load %arg10[%parallel_loop3A_465, %parallel_loop3A_466, %parallel_loop3A_467] {strides = array<i32>} : memref<3x80x144xf32, #tpu.memory_space<vmem>>, vector<1x1x16xf32>,
      %parallel_loop3A_469 = vector.shape_cast %parallel_loop3A_468 : vector<1x1x16xf32> to vector<16xf32>
      %parallel_loop3A_470 = arith.mulf %parallel_loop3A_469, %parallel_loop3A_463 : vector<16xf32>
      %parallel_loop3A_471 = arith.constant 1 : i32
      %parallel_loop3A_472 = arith.index_cast %parallel_loop3A_471 : i32 to index
      %parallel_loop3A_473 = arith.index_cast %parallel_loop3A_349 : i32 to index
      %parallel_loop3A_474 = arith.constant 64 : index
      %parallel_loop3A_475 = tpu.vector_load %arg10[%parallel_loop3A_472, %parallel_loop3A_473, %parallel_loop3A_474] {strides = array<i32>} : memref<3x80x144xf32, #tpu.memory_space<vmem>>, vector<1x1x16xf32>,
      %parallel_loop3A_476 = vector.shape_cast %parallel_loop3A_475 : vector<1x1x16xf32> to vector<16xf32>
      %parallel_loop3A_477 = vector.shape_cast %parallel_loop3A_470 : vector<16xf32> to vector<1x1x16xf32>
      tpu.vector_store %arg10[%parallel_loop3A_472, %parallel_loop3A_473, %parallel_loop3A_474], %parallel_loop3A_477 {strides = array<i32>} : memref<3x80x144xf32, #tpu.memory_space<vmem>>, vector<1x1x16xf32>,
      %parallel_loop3A_478 = arith.constant 1 : i32
      %parallel_loop3A_479 = arith.index_cast %parallel_loop3A_478 : i32 to index
      %parallel_loop3A_480 = arith.index_cast %parallel_loop3A_349 : i32 to index
      %parallel_loop3A_481 = arith.constant 80 : index
      %parallel_loop3A_482 = tpu.vector_load %arg10[%parallel_loop3A_479, %parallel_loop3A_480, %parallel_loop3A_481] {strides = array<i32>} : memref<3x80x144xf32, #tpu.memory_space<vmem>>, vector<1x1x16xf32>,
      %parallel_loop3A_483 = vector.shape_cast %parallel_loop3A_482 : vector<1x1x16xf32> to vector<16xf32>
      %parallel_loop3A_484 = arith.mulf %parallel_loop3A_483, %parallel_loop3A_463 : vector<16xf32>
      %parallel_loop3A_485 = arith.constant 1 : i32
      %parallel_loop3A_486 = arith.index_cast %parallel_loop3A_485 : i32 to index
      %parallel_loop3A_487 = arith.index_cast %parallel_loop3A_349 : i32 to index
      %parallel_loop3A_488 = arith.constant 80 : index
      %parallel_loop3A_489 = tpu.vector_load %arg10[%parallel_loop3A_486, %parallel_loop3A_487, %parallel_loop3A_488] {strides = array<i32>} : memref<3x80x144xf32, #tpu.memory_space<vmem>>, vector<1x1x16xf32>,
      %parallel_loop3A_490 = vector.shape_cast %parallel_loop3A_489 : vector<1x1x16xf32> to vector<16xf32>
      %parallel_loop3A_491 = vector.shape_cast %parallel_loop3A_484 : vector<16xf32> to vector<1x1x16xf32>
      tpu.vector_store %arg10[%parallel_loop3A_486, %parallel_loop3A_487, %parallel_loop3A_488], %parallel_loop3A_491 {strides = array<i32>} : memref<3x80x144xf32, #tpu.memory_space<vmem>>, vector<1x1x16xf32>,
      %parallel_loop3A_492 = arith.constant 4 : i32
      %parallel_loop3A_493 = arith.muli %arg0, %parallel_loop3A_492 : i32
      %parallel_loop3A_494 = arith.constant 3 : i32
      %parallel_loop3A_495 = arith.addi %parallel_loop3A_493, %parallel_loop3A_494 : i32
      %parallel_loop3A_496 = vector.broadcast %parallel_loop3A_495 : i32 to vector<16xi32>
      %parallel_loop3A_497 = vector.shape_cast %parallel_loop3A_496 : vector<16xi32> to vector<16x1xi32>
      %parallel_loop3A_498 = vector.shape_cast %parallel_loop3A_497 : vector<16x1xi32> to vector<16xi32>
      %parallel_loop3A_499 = tpu.dynamic_gather %parallel_loop3A_370[%parallel_loop3A_498] in [0] : vector<16xf32>, vector<16xi32> -> vector<16xf32>
      %parallel_loop3A_500 = arith.constant 1 : i32
      %parallel_loop3A_501 = arith.index_cast %parallel_loop3A_500 : i32 to index
      %parallel_loop3A_502 = arith.index_cast %parallel_loop3A_349 : i32 to index
      %parallel_loop3A_503 = arith.constant 96 : index
      %parallel_loop3A_504 = tpu.vector_load %arg10[%parallel_loop3A_501, %parallel_loop3A_502, %parallel_loop3A_503] {strides = array<i32>} : memref<3x80x144xf32, #tpu.memory_space<vmem>>, vector<1x1x16xf32>,
      %parallel_loop3A_505 = vector.shape_cast %parallel_loop3A_504 : vector<1x1x16xf32> to vector<16xf32>
      %parallel_loop3A_506 = arith.mulf %parallel_loop3A_505, %parallel_loop3A_499 : vector<16xf32>
      %parallel_loop3A_507 = arith.constant 1 : i32
      %parallel_loop3A_508 = arith.index_cast %parallel_loop3A_507 : i32 to index
      %parallel_loop3A_509 = arith.index_cast %parallel_loop3A_349 : i32 to index
      %parallel_loop3A_510 = arith.constant 96 : index
      %parallel_loop3A_511 = tpu.vector_load %arg10[%parallel_loop3A_508, %parallel_loop3A_509, %parallel_loop3A_510] {strides = array<i32>} : memref<3x80x144xf32, #tpu.memory_space<vmem>>, vector<1x1x16xf32>,
      %parallel_loop3A_512 = vector.shape_cast %parallel_loop3A_511 : vector<1x1x16xf32> to vector<16xf32>
      %parallel_loop3A_513 = vector.shape_cast %parallel_loop3A_506 : vector<16xf32> to vector<1x1x16xf32>
      tpu.vector_store %arg10[%parallel_loop3A_508, %parallel_loop3A_509, %parallel_loop3A_510], %parallel_loop3A_513 {strides = array<i32>} : memref<3x80x144xf32, #tpu.memory_space<vmem>>, vector<1x1x16xf32>,
      %parallel_loop3A_514 = arith.constant 1 : i32
      %parallel_loop3A_515 = arith.index_cast %parallel_loop3A_514 : i32 to index
      %parallel_loop3A_516 = arith.index_cast %parallel_loop3A_349 : i32 to index
      %parallel_loop3A_517 = arith.constant 112 : index
      %parallel_loop3A_518 = tpu.vector_load %arg10[%parallel_loop3A_515, %parallel_loop3A_516, %parallel_loop3A_517] {strides = array<i32>} : memref<3x80x144xf32, #tpu.memory_space<vmem>>, vector<1x1x16xf32>,
      %parallel_loop3A_519 = vector.shape_cast %parallel_loop3A_518 : vector<1x1x16xf32> to vector<16xf32>
      %parallel_loop3A_520 = arith.mulf %parallel_loop3A_519, %parallel_loop3A_499 : vector<16xf32>
      %parallel_loop3A_521 = arith.constant 1 : i32
      %parallel_loop3A_522 = arith.index_cast %parallel_loop3A_521 : i32 to index
      %parallel_loop3A_523 = arith.index_cast %parallel_loop3A_349 : i32 to index
      %parallel_loop3A_524 = arith.constant 112 : index
      %parallel_loop3A_525 = tpu.vector_load %arg10[%parallel_loop3A_522, %parallel_loop3A_523, %parallel_loop3A_524] {strides = array<i32>} : memref<3x80x144xf32, #tpu.memory_space<vmem>>, vector<1x1x16xf32>,
      %parallel_loop3A_526 = vector.shape_cast %parallel_loop3A_525 : vector<1x1x16xf32> to vector<16xf32>
      %parallel_loop3A_527 = vector.shape_cast %parallel_loop3A_520 : vector<16xf32> to vector<1x1x16xf32>
      tpu.vector_store %arg10[%parallel_loop3A_522, %parallel_loop3A_523, %parallel_loop3A_524], %parallel_loop3A_527 {strides = array<i32>} : memref<3x80x144xf32, #tpu.memory_space<vmem>>, vector<1x1x16xf32>,
    } {sc.loop_unroll_factor = 4 : i64, sc.parallel_access}
    %dma_start3A_296 = arith.constant 1 : i32
    %dma_start3A_297 = arith.constant 1 : i32
    %dma_start3A_298 = arith.constant 1 : i32
    %dma_start3A_299 = arith.constant 0 : i32
    %dma_start3A_300 = arith.constant 0 : i32
    %dma_start3A_301 = tpu.memref_slice %arg10[%dma_start3A_296, %dma_start3A_299, %dma_start3A_300] : memref<3x80x144xf32, #tpu.memory_space<vmem>> -> memref<1x80x144xf32, #tpu.memory_space<vmem>>
    %dma_start3A_302 = tpu.memref_squeeze %dma_start3A_301 : memref<1x80x144xf32, #tpu.memory_space<vmem>> -> memref<80x144xf32, #tpu.memory_space<vmem>>
    %dma_start3A_303 = arith.constant 0 : i32
    %dma_start3A_304 = tpu.memref_slice %arg9[%dma_start3A_297, %dma_start3A_303] : memref<3x80xi32, #tpu.memory_space<vmem>> -> memref<1x80xi32, #tpu.memory_space<vmem>>
    %dma_start3A_305 = tpu.memref_squeeze %dma_start3A_304 : memref<1x80xi32, #tpu.memory_space<vmem>> -> memref<80xi32, #tpu.memory_space<vmem>>
    %dma_start3A_306 = arith.constant 0 : i32
    %dma_start3A_307 = arith.constant 0 : i32
    %dma_start3A_308 = tpu.memref_slice %arg7[%dma_start3A_306, %dma_start3A_307] : memref<10240x144xf32, #tpu.memory_space<vmem_shared>> -> memref<10240x144xf32, #tpu.memory_space<vmem_shared>>
    %dma_start3A_309 = tpu.memref_slice %arg16[%dma_start3A_298] : memref<3x!tpu.dma_semaphore, #tpu.memory_space<semaphore_mem>> -> memref<1x!tpu.dma_semaphore, #tpu.memory_space<semaphore_mem>>
    %dma_start3A_310 = tpu.memref_squeeze %dma_start3A_309 : memref<1x!tpu.dma_semaphore, #tpu.memory_space<semaphore_mem>> -> memref<!tpu.dma_semaphore, #tpu.memory_space<semaphore_mem>>
    tpu.enqueue_indirect_dma source(%dma_start3A_302 : memref<80x144xf32, #tpu.memory_space<vmem>>) target(%dma_start3A_308 : memref<10240x144xf32, #tpu.memory_space<vmem_shared>>) offsets(%dma_start3A_305 : memref<80xi32, #tpu.memory_space<vmem>>) semaphore(%dma_start3A_310 : memref<!tpu.dma_semaphore, #tpu.memory_space<semaphore_mem>>) {add = true}
    %dma_wait3A_311 = arith.constant 0 : i32
    %dma_wait3A_312 = arith.constant 0 : i32
    %dma_wait3A_313 = arith.constant 0 : i32
    %dma_wait3A_314 = arith.constant 0 : i32
    %dma_wait3A_315 = arith.constant 0 : i32
    %dma_wait3A_316 = tpu.memref_slice %arg10[%dma_wait3A_311, %dma_wait3A_314, %dma_wait3A_315] : memref<3x80x144xf32, #tpu.memory_space<vmem>> -> memref<1x80x144xf32, #tpu.memory_space<vmem>>
    %dma_wait3A_317 = tpu.memref_squeeze %dma_wait3A_316 : memref<1x80x144xf32, #tpu.memory_space<vmem>> -> memref<80x144xf32, #tpu.memory_space<vmem>>
    %dma_wait3A_318 = arith.constant 0 : i32
    %dma_wait3A_319 = tpu.memref_slice %arg9[%dma_wait3A_312, %dma_wait3A_318] : memref<3x80xi32, #tpu.memory_space<vmem>> -> memref<1x80xi32, #tpu.memory_space<vmem>>
    %dma_wait3A_320 = tpu.memref_squeeze %dma_wait3A_319 : memref<1x80xi32, #tpu.memory_space<vmem>> -> memref<80xi32, #tpu.memory_space<vmem>>
    %dma_wait3A_321 = arith.constant 0 : i32
    %dma_wait3A_322 = arith.constant 0 : i32
    %dma_wait3A_323 = tpu.memref_slice %arg7[%dma_wait3A_321, %dma_wait3A_322] : memref<10240x144xf32, #tpu.memory_space<vmem_shared>> -> memref<10240x144xf32, #tpu.memory_space<vmem_shared>>
    %dma_wait3A_324 = tpu.memref_slice %arg16[%dma_wait3A_313] : memref<3x!tpu.dma_semaphore, #tpu.memory_space<semaphore_mem>> -> memref<1x!tpu.dma_semaphore, #tpu.memory_space<semaphore_mem>>
    %dma_wait3A_325 = tpu.memref_squeeze %dma_wait3A_324 : memref<1x!tpu.dma_semaphore, #tpu.memory_space<semaphore_mem>> -> memref<!tpu.dma_semaphore, #tpu.memory_space<semaphore_mem>>
    tpu.wait_indirect_dma semaphore(%dma_wait3A_325 : memref<!tpu.dma_semaphore, #tpu.memory_space<semaphore_mem>>) src(%dma_wait3A_317 : memref<80x144xf32, #tpu.memory_space<vmem>>) dst(%dma_wait3A_323 : memref<10240x144xf32, #tpu.memory_space<vmem_shared>>)
    %dma_wait3A_326 = arith.constant 1 : i32
    %dma_wait3A_327 = arith.constant 1 : i32
    %dma_wait3A_328 = arith.constant 1 : i32
    %dma_wait3A_329 = arith.constant 0 : i32
    %dma_wait3A_330 = arith.constant 0 : i32
    %dma_wait3A_331 = tpu.memref_slice %arg10[%dma_wait3A_326, %dma_wait3A_329, %dma_wait3A_330] : memref<3x80x144xf32, #tpu.memory_space<vmem>> -> memref<1x80x144xf32, #tpu.memory_space<vmem>>
    %dma_wait3A_332 = tpu.memref_squeeze %dma_wait3A_331 : memref<1x80x144xf32, #tpu.memory_space<vmem>> -> memref<80x144xf32, #tpu.memory_space<vmem>>
    %dma_wait3A_333 = arith.constant 0 : i32
    %dma_wait3A_334 = tpu.memref_slice %arg9[%dma_wait3A_327, %dma_wait3A_333] : memref<3x80xi32, #tpu.memory_space<vmem>> -> memref<1x80xi32, #tpu.memory_space<vmem>>
    %dma_wait3A_335 = tpu.memref_squeeze %dma_wait3A_334 : memref<1x80xi32, #tpu.memory_space<vmem>> -> memref<80xi32, #tpu.memory_space<vmem>>
    %dma_wait3A_336 = arith.constant 0 : i32
    %dma_wait3A_337 = arith.constant 0 : i32
    %dma_wait3A_338 = tpu.memref_slice %arg7[%dma_wait3A_336, %dma_wait3A_337] : memref<10240x144xf32, #tpu.memory_space<vmem_shared>> -> memref<10240x144xf32, #tpu.memory_space<vmem_shared>>
    %dma_wait3A_339 = tpu.memref_slice %arg16[%dma_wait3A_328] : memref<3x!tpu.dma_semaphore, #tpu.memory_space<semaphore_mem>> -> memref<1x!tpu.dma_semaphore, #tpu.memory_space<semaphore_mem>>
    %dma_wait3A_340 = tpu.memref_squeeze %dma_wait3A_339 : memref<1x!tpu.dma_semaphore, #tpu.memory_space<semaphore_mem>> -> memref<!tpu.dma_semaphore, #tpu.memory_space<semaphore_mem>>
    tpu.wait_indirect_dma semaphore(%dma_wait3A_340 : memref<!tpu.dma_semaphore, #tpu.memory_space<semaphore_mem>>) src(%dma_wait3A_332 : memref<80x144xf32, #tpu.memory_space<vmem>>) dst(%dma_wait3A_338 : memref<10240x144xf32, #tpu.memory_space<vmem_shared>>)
    %barrier3A_341 = arith.constant 0 : index
    tpu.barrier barrier_id(%barrier3A_341)
    %scan3A_342 = arith.constant 0 : i32
    %scan3A_343 = arith.constant 0 : i32
    %scan3A_344 = arith.constant 20 : i32
    %scan3A_345 = arith.addi %scan3A_343, %scan3A_344 : i32
    %scan3A_346 = arith.constant 1 : i32
    %scan3A_347 = scf.for %scan3A_349 = %scan3A_343 to %scan3A_345 step %scan3A_346 iter_args(%scan3A_350 = %scan3A_342) -> (i32)  : i32 {
      %mul3A_351 = arith.constant 640 : i32
      %mul3A_352 = arith.muli %arg1, %mul3A_351 : i32
      %mul3A_353 = arith.constant 32 : i32
      %mul3A_354 = arith.muli %scan3A_349, %mul3A_353 : i32
      %add3A_355 = arith.addi %mul3A_352, %mul3A_354 : i32
      %add3A_356 = arith.addi %mul3A_1, %add3A_355 : i32
      "tpu.region"() ({
        %run_scoped3A = tpu.sem_alloc : memref<!tpu.dma_semaphore, #tpu.memory_space<semaphore_mem>>
        %dma_start3A_358 = arith.constant 0 : i32
        %dma_start3A_359 = tpu.memref_slice %arg6[%add3A_356, %dma_start3A_358] : memref<20480x144xf32, #tpu.memory_space<hbm>> -> memref<32x144xf32, #tpu.memory_space<hbm>>
        %dma_start3A_360 = arith.constant 0 : i32
        %dma_start3A_361 = tpu.memref_slice %arg7[%add3A_355, %dma_start3A_360] : memref<10240x144xf32, #tpu.memory_space<vmem_shared>> -> memref<32x144xf32, #tpu.memory_space<vmem_shared>>
        tpu.enqueue_dma source(%dma_start3A_361 : memref<32x144xf32, #tpu.memory_space<vmem_shared>>) target(%dma_start3A_359 : memref<32x144xf32, #tpu.memory_space<hbm>>) target_semaphore(%run_scoped3A : memref<!tpu.dma_semaphore, #tpu.memory_space<semaphore_mem>>)
        %dma_wait3A_362 = arith.constant 0 : i32
        %dma_wait3A_363 = tpu.memref_slice %arg6[%add3A_356, %dma_wait3A_362] : memref<20480x144xf32, #tpu.memory_space<hbm>> -> memref<32x144xf32, #tpu.memory_space<hbm>>
        %dma_wait3A_364 = arith.constant 0 : i32
        %dma_wait3A_365 = tpu.memref_slice %arg7[%add3A_355, %dma_wait3A_364] : memref<10240x144xf32, #tpu.memory_space<vmem_shared>> -> memref<32x144xf32, #tpu.memory_space<vmem_shared>>
        tpu.wait_dma2 semaphore(%run_scoped3A : memref<!tpu.dma_semaphore, #tpu.memory_space<semaphore_mem>>) src(%dma_wait3A_365 : memref<32x144xf32, #tpu.memory_space<vmem_shared>>) dst(%dma_wait3A_363 : memref<32x144xf32, #tpu.memory_space<hbm>>)
        tpu.yield
      }) : () -> ()
      %scan3A_357 = arith.constant 0 : i32
      scf.yield %scan3A_357 : i32
    }
    %scan3A_348 = arith.constant 20 : i32
    return
  }
}

module attributes {stable_mosaic.version = 14 : i64} {
  func.func @_pre_body(%arg0: i32, %arg1: memref<1000x256xf32, #tpu.memory_space<vmem>>, %arg2: memref<256x256xf32, #tpu.memory_space<vmem>>, %arg3: memref<256x16xf32, #tpu.memory_space<vmem>>, %arg4: memref<1000x256xf32, #tpu.memory_space<vmem>>, %arg5: memref<1000x16xf32, #tpu.memory_space<vmem>>, %arg6: memref<2x1000x144xf32, #tpu.memory_space<vmem>>, %arg7: memref<1000x16xf32, #tpu.memory_space<vmem>>) attributes {dimension_semantics = [#tpu.dimension_semantics<arbitrary>], iteration_bounds = array<i64: 10>, scalar_prefetch = 0 : i64, scratch_operands = 0 : i64, tpu.core_type = #tpu.core_type<tc>, window_params = [{transform_indices = @transform_0, window_bounds = array<i64: 1000, 256>}, {pipeline_mode = #tpu.pipeline_mode<synchronous>, transform_indices = @transform_1, window_bounds = array<i64: 256, 256>}, {pipeline_mode = #tpu.pipeline_mode<synchronous>, transform_indices = @transform_2, window_bounds = array<i64: 256, 16>}, {transform_indices = @transform_3, window_bounds = array<i64: 1000, 256>}, {transform_indices = @transform_4, window_bounds = array<i64: 1000, 16>}, {transform_indices = @transform_5, window_bounds = array<i64: 2, 1000, 144>}, {transform_indices = @transform_6, window_bounds = array<i64: 1000, 16>}]} {
    %get3A = arith.constant 0 : index
    %get3A_0 = arith.constant 0 : index
    %get3A_1 = vector.load %arg1[%get3A, %get3A_0] : memref<1000x256xf32, #tpu.memory_space<vmem>>, vector<1000x256xf32>
    %get3A_2 = arith.constant 0 : index
    %get3A_3 = arith.constant 0 : index
    %get3A_4 = vector.load %arg2[%get3A_2, %get3A_3] : memref<256x256xf32, #tpu.memory_space<vmem>>, vector<256x256xf32>
    %dot_general3A = arith.constant dense<0.000000e+00> : vector<1000x256xf32>
    %dot_general3A_5 = tpu.matmul %get3A_1, %get3A_4, %dot_general3A {dimension_numbers = #tpu.dot_dimension_numbers<[1], [0], [0], [1], [0, 0, 1, 1], [], []>, transpose_lhs_hint = false} : vector<1000x256xf32>, vector<256x256xf32>, vector<1000x256xf32> -> vector<1000x256xf32>
    %get3A_6 = arith.constant 0 : index
    %get3A_7 = arith.constant 0 : index
    %get3A_8 = vector.load %arg3[%get3A_6, %get3A_7] : memref<256x16xf32, #tpu.memory_space<vmem>>, vector<256x16xf32>
    %dot_general3A_9 = arith.constant dense<0.000000e+00> : vector<1000x16xf32>
    %dot_general3A_10 = tpu.matmul %dot_general3A_5, %get3A_8, %dot_general3A_9 {dimension_numbers = #tpu.dot_dimension_numbers<[1], [0], [0], [1], [0, 0, 1, 1], [], []>, transpose_lhs_hint = false} : vector<1000x256xf32>, vector<256x16xf32>, vector<1000x16xf32> -> vector<1000x16xf32>
    %swap3A = arith.constant 0 : index
    %swap3A_11 = arith.constant 0 : index
    %swap3A_12 = vector.load %arg4[%swap3A, %swap3A_11] : memref<1000x256xf32, #tpu.memory_space<vmem>>, vector<1000x256xf32>
    tpu.vector_store %arg4[%swap3A, %swap3A_11], %dot_general3A_5 {strides = array<i32>} : memref<1000x256xf32, #tpu.memory_space<vmem>>, vector<1000x256xf32>,
    %swap3A_13 = arith.constant 0 : index
    %swap3A_14 = arith.constant 0 : index
    %swap3A_15 = vector.load %arg5[%swap3A_13, %swap3A_14] : memref<1000x16xf32, #tpu.memory_space<vmem>>, vector<1000x16xf32>
    tpu.vector_store %arg5[%swap3A_13, %swap3A_14], %dot_general3A_10 {strides = array<i32>} : memref<1000x16xf32, #tpu.memory_space<vmem>>, vector<1000x16xf32>,
    %slice3A = vector.extract_strided_slice %dot_general3A_5 {offsets = [0, 0], sizes = [1000, 128], strides = [1, 1]} : vector<1000x256xf32> to vector<1000x128xf32>
    %concatenate3A = tpu.concatenate %slice3A, %dot_general3A_10 in 1 : vector<1000x128xf32>, vector<1000x16xf32> -> vector<1000x144xf32>
    %swap3A_16 = arith.constant 0 : index
    %swap3A_17 = arith.constant 0 : index
    %swap3A_18 = arith.constant 0 : index
    %swap3A_19 = vector.load %arg6[%swap3A_16, %swap3A_17, %swap3A_18] : memref<2x1000x144xf32, #tpu.memory_space<vmem>>, vector<1x1000x144xf32>
    %swap3A_20 = vector.shape_cast %swap3A_19 : vector<1x1000x144xf32> to vector<1000x144xf32>
    %swap3A_21 = vector.shape_cast %concatenate3A : vector<1000x144xf32> to vector<1x1000x144xf32>
    tpu.vector_store %arg6[%swap3A_16, %swap3A_17, %swap3A_18], %swap3A_21 {strides = array<i32>} : memref<2x1000x144xf32, #tpu.memory_space<vmem>>, vector<1x1000x144xf32>,
    %slice3A_22 = vector.extract_strided_slice %dot_general3A_5 {offsets = [0, 128], sizes = [1000, 128], strides = [1, 1]} : vector<1000x256xf32> to vector<1000x128xf32>
    %concatenate3A_23 = tpu.concatenate %slice3A_22, %dot_general3A_10 in 1 : vector<1000x128xf32>, vector<1000x16xf32> -> vector<1000x144xf32>
    %swap3A_24 = arith.constant 1 : index
    %swap3A_25 = arith.constant 0 : index
    %swap3A_26 = arith.constant 0 : index
    %swap3A_27 = vector.load %arg6[%swap3A_24, %swap3A_25, %swap3A_26] : memref<2x1000x144xf32, #tpu.memory_space<vmem>>, vector<1x1000x144xf32>
    %swap3A_28 = vector.shape_cast %swap3A_27 : vector<1x1000x144xf32> to vector<1000x144xf32>
    %swap3A_29 = vector.shape_cast %concatenate3A_23 : vector<1000x144xf32> to vector<1x1000x144xf32>
    tpu.vector_store %arg6[%swap3A_24, %swap3A_25, %swap3A_26], %swap3A_29 {strides = array<i32>} : memref<2x1000x144xf32, #tpu.memory_space<vmem>>, vector<1x1000x144xf32>,
    %slice3A_30 = vector.extract_strided_slice %dot_general3A_10 {offsets = [0, 8], sizes = [1000, 8], strides = [1, 1]} : vector<1000x16xf32> to vector<1000x8xf32>
    %broadcast_in_dim3A = arith.constant 0.000000e+00 : f32
    %broadcast_in_dim3A_31 = vector.broadcast %broadcast_in_dim3A : f32 to vector<1000x8xf32>
    %concatenate3A_32 = tpu.concatenate %slice3A_30, %broadcast_in_dim3A_31 in 1 : vector<1000x8xf32>, vector<1000x8xf32> -> vector<1000x16xf32>
    %swap3A_33 = arith.constant 0 : index
    %swap3A_34 = arith.constant 0 : index
    %swap3A_35 = vector.load %arg7[%swap3A_33, %swap3A_34] : memref<1000x16xf32, #tpu.memory_space<vmem>>, vector<1000x16xf32>
    tpu.vector_store %arg7[%swap3A_33, %swap3A_34], %concatenate3A_32 {strides = array<i32>} : memref<1000x16xf32, #tpu.memory_space<vmem>>, vector<1000x16xf32>,
    return
  }
  func.func @transform_0(%arg0: i32) -> (i32, i32) {
    %c0_i32 = arith.constant 0 : i32
    %c0_i32_0 = arith.constant 0 : i32
    return %arg0, %c0_i32 : i32, i32
  }
  func.func @transform_1(%arg0: i32) -> (i32, i32) {
    %c0_i32 = arith.constant 0 : i32
    %c0_i32_0 = arith.constant 0 : i32
    %c0_i32_1 = arith.constant 0 : i32
    return %c0_i32, %c0_i32_0 : i32, i32
  }
  func.func @transform_2(%arg0: i32) -> (i32, i32) {
    %c0_i32 = arith.constant 0 : i32
    %c0_i32_0 = arith.constant 0 : i32
    %c0_i32_1 = arith.constant 0 : i32
    return %c0_i32, %c0_i32_0 : i32, i32
  }
  func.func @transform_3(%arg0: i32) -> (i32, i32) {
    %c0_i32 = arith.constant 0 : i32
    %c0_i32_0 = arith.constant 0 : i32
    return %arg0, %c0_i32 : i32, i32
  }
  func.func @transform_4(%arg0: i32) -> (i32, i32) {
    %c0_i32 = arith.constant 0 : i32
    %c0_i32_0 = arith.constant 0 : i32
    return %arg0, %c0_i32 : i32, i32
  }
  func.func @transform_5(%arg0: i32) -> (i32, i32, i32) {
    %c0_i32 = arith.constant 0 : i32
    %c0_i32_0 = arith.constant 0 : i32
    %c0_i32_1 = arith.constant 0 : i32
    return %c0_i32, %arg0, %c0_i32_0 : i32, i32, i32
  }
  func.func @transform_6(%arg0: i32) -> (i32, i32) {
    %c0_i32 = arith.constant 0 : i32
    %c0_i32_0 = arith.constant 0 : i32
    return %arg0, %c0_i32 : i32, i32
  }
}

module attributes {stable_mosaic.version = 14 : i64} {
  func.func @_post_body(%arg0: i32, %arg1: memref<1000x256xf32, #tpu.memory_space<vmem>>, %arg2: memref<1000x256xf32, #tpu.memory_space<vmem>>, %arg3: memref<1000x16xf32, #tpu.memory_space<vmem>>, %arg4: memref<1x1000x144xf32, #tpu.memory_space<vmem>>, %arg5: memref<1x1000x144xf32, #tpu.memory_space<vmem>>, %arg6: memref<8x256xf32, #tpu.memory_space<vmem>>, %arg7: memref<1x256xf32, #tpu.memory_space<vmem>>, %arg8: memref<1x256xf32, #tpu.memory_space<vmem>>, %arg9: memref<1x256xf32, #tpu.memory_space<vmem>>, %arg10: memref<256x1024xf32, #tpu.memory_space<vmem>>, %arg11: memref<1x1024xf32, #tpu.memory_space<vmem>>, %arg12: memref<1024x256xf32, #tpu.memory_space<vmem>>, %arg13: memref<1x256xf32, #tpu.memory_space<vmem>>, %arg14: memref<1000x256xf32, #tpu.memory_space<vmem>>) attributes {dimension_semantics = [#tpu.dimension_semantics<arbitrary>], iteration_bounds = array<i64: 10>, scalar_prefetch = 0 : i64, scratch_operands = 0 : i64, tpu.core_type = #tpu.core_type<tc>, window_params = [{transform_indices = @transform_0, window_bounds = array<i64: 1000, 256>}, {transform_indices = @transform_1, window_bounds = array<i64: 1000, 256>}, {transform_indices = @transform_2, window_bounds = array<i64: 1000, 16>}, {transform_indices = @transform_3, window_bounds = array<i64: 1, 1000, 144>}, {transform_indices = @transform_4, window_bounds = array<i64: 1, 1000, 144>}, {pipeline_mode = #tpu.pipeline_mode<synchronous>, transform_indices = @transform_5, window_bounds = array<i64: 8, 256>}, {pipeline_mode = #tpu.pipeline_mode<synchronous>, transform_indices = @transform_6, window_bounds = array<i64: 1, 256>}, {pipeline_mode = #tpu.pipeline_mode<synchronous>, transform_indices = @transform_7, window_bounds = array<i64: 1, 256>}, {pipeline_mode = #tpu.pipeline_mode<synchronous>, transform_indices = @transform_8, window_bounds = array<i64: 1, 256>}, {pipeline_mode = #tpu.pipeline_mode<synchronous>, transform_indices = @transform_9, window_bounds = array<i64: 256, 1024>}, {pipeline_mode = #tpu.pipeline_mode<synchronous>, transform_indices = @transform_10, window_bounds = array<i64: 1, 1024>}, {pipeline_mode = #tpu.pipeline_mode<synchronous>, transform_indices = @transform_11, window_bounds = array<i64: 1024, 256>}, {pipeline_mode = #tpu.pipeline_mode<synchronous>, transform_indices = @transform_12, window_bounds = array<i64: 1, 256>}, {transform_indices = @transform_13, window_bounds = array<i64: 1000, 256>}]} {
    %get3A = arith.constant 0 : index
    %get3A_0 = arith.constant 0 : index
    %get3A_1 = vector.load %arg3[%get3A, %get3A_0] : memref<1000x16xf32, #tpu.memory_space<vmem>>, vector<1000x8xf32>
    %get3A_2 = arith.constant 0 : index
    %get3A_3 = arith.constant 8 : index
    %get3A_4 = vector.load %arg3[%get3A_2, %get3A_3] : memref<1000x16xf32, #tpu.memory_space<vmem>>, vector<1000x8xf32>
    %add3A = arith.addf %get3A_1, %get3A_4 : vector<1000x8xf32>
    %gt3A = arith.constant 0.000000e+00 : f32
    %gt3A_5 = vector.broadcast %gt3A : f32 to vector<1000x8xf32>
    %gt3A_6 = arith.cmpf ogt, %add3A, %gt3A_5 : vector<1000x8xf32>
    %mul3A = arith.constant 2.000000e-01 : f32
    %mul3A_7 = vector.broadcast %mul3A : f32 to vector<1000x8xf32>
    %mul3A_8 = arith.mulf %mul3A_7, %add3A : vector<1000x8xf32>
    %select_n3A = arith.select %gt3A_6, %add3A, %mul3A_8 : vector<1000x8xi1>, vector<1000x8xf32>
    %exp3A = math.exp %select_n3A : vector<1000x8xf32>
    %get3A_9 = arith.constant 0 : index
    %get3A_10 = arith.constant 0 : index
    %get3A_11 = vector.load %arg6[%get3A_9, %get3A_10] : memref<8x256xf32, #tpu.memory_space<vmem>>, vector<8x256xf32>
    %dot_general3A = arith.constant dense<0.000000e+00> : vector<1000x256xf32>
    %dot_general3A_12 = tpu.matmul %exp3A, %get3A_11, %dot_general3A {dimension_numbers = #tpu.dot_dimension_numbers<[1], [0], [0], [1], [0, 0, 1, 1], [], []>, transpose_lhs_hint = false} : vector<1000x8xf32>, vector<8x256xf32>, vector<1000x256xf32> -> vector<1000x256xf32>
    %get3A_13 = arith.constant 0 : index
    %get3A_14 = arith.constant 0 : index
    %get3A_15 = arith.constant 0 : index
    %get3A_16 = vector.load %arg4[%get3A_13, %get3A_14, %get3A_15] : memref<1x1000x144xf32, #tpu.memory_space<vmem>>, vector<1x1000x128xf32>
    %get3A_17 = vector.shape_cast %get3A_16 : vector<1x1000x128xf32> to vector<1000x128xf32>
    %get3A_18 = arith.constant 0 : index
    %get3A_19 = arith.constant 0 : index
    %get3A_20 = arith.constant 0 : index
    %get3A_21 = vector.load %arg5[%get3A_18, %get3A_19, %get3A_20] : memref<1x1000x144xf32, #tpu.memory_space<vmem>>, vector<1x1000x128xf32>
    %get3A_22 = vector.shape_cast %get3A_21 : vector<1x1000x128xf32> to vector<1000x128xf32>
    %concatenate3A = tpu.concatenate %get3A_17, %get3A_22 in 1 : vector<1000x128xf32>, vector<1000x128xf32> -> vector<1000x256xf32>
    %get3A_23 = arith.constant 0 : index
    %get3A_24 = arith.constant 0 : index
    %get3A_25 = vector.load %arg2[%get3A_23, %get3A_24] : memref<1000x256xf32, #tpu.memory_space<vmem>>, vector<1000x256xf32>
    %mul3A_26 = arith.mulf %dot_general3A_12, %get3A_25 : vector<1000x256xf32>
    %add3A_27 = arith.addf %concatenate3A, %mul3A_26 : vector<1000x256xf32>
    %get3A_28 = arith.constant 0 : index
    %get3A_29 = arith.constant 0 : index
    %get3A_30 = arith.constant 128 : index
    %get3A_31 = vector.load %arg4[%get3A_28, %get3A_29, %get3A_30] : memref<1x1000x144xf32, #tpu.memory_space<vmem>>, vector<1x1000x8xf32>
    %get3A_32 = vector.shape_cast %get3A_31 : vector<1x1000x8xf32> to vector<1000x8xf32>
    %add3A_33 = arith.addf %get3A_32, %exp3A : vector<1000x8xf32>
    %get3A_34 = arith.constant 0 : index
    %get3A_35 = arith.constant 0 : index
    %get3A_36 = vector.load %arg6[%get3A_34, %get3A_35] : memref<8x256xf32, #tpu.memory_space<vmem>>, vector<8x256xf32>
    %dot_general3A_37 = arith.constant dense<0.000000e+00> : vector<1000x256xf32>
    %dot_general3A_38 = tpu.matmul %add3A_33, %get3A_36, %dot_general3A_37 {dimension_numbers = #tpu.dot_dimension_numbers<[1], [0], [0], [1], [0, 0, 1, 1], [], []>, transpose_lhs_hint = false} : vector<1000x8xf32>, vector<8x256xf32>, vector<1000x256xf32> -> vector<1000x256xf32>
    %div3A = arith.divf %add3A_27, %dot_general3A_38 : vector<1000x256xf32>
    %get3A_39 = arith.constant 0 : index
    %get3A_40 = arith.constant 0 : index
    %get3A_41 = vector.load %arg7[%get3A_39, %get3A_40] : memref<1x256xf32, #tpu.memory_space<vmem>>, vector<1x256xf32>
    %add3A_42 = vector.broadcast %get3A_41 : vector<1x256xf32> to vector<1000x256xf32>
    %add3A_43 = arith.addf %div3A, %add3A_42 : vector<1000x256xf32>
    %get3A_44 = arith.constant 0 : index
    %get3A_45 = arith.constant 0 : index
    %get3A_46 = vector.load %arg1[%get3A_44, %get3A_45] : memref<1000x256xf32, #tpu.memory_space<vmem>>, vector<1000x256xf32>
    %add3A_47 = arith.addf %get3A_46, %add3A_43 : vector<1000x256xf32>
    %reduce_sum3A = arith.constant dense<0.000000e+00> : vector<1000xf32>
    %reduce_sum3A_48 = vector.multi_reduction <add>, %add3A_47, %reduce_sum3A [1] : vector<1000x256xf32> to vector<1000xf32>
    %broadcast_in_dim3A = vector.shape_cast %reduce_sum3A_48 : vector<1000xf32> to vector<1000x1xf32>
    %div3A_49 = arith.constant 2.560000e+02 : f32
    %div3A_50 = vector.broadcast %div3A_49 : f32 to vector<1000x1xf32>
    %div3A_51 = arith.divf %broadcast_in_dim3A, %div3A_50 : vector<1000x1xf32>
    %sub3A = vector.broadcast %div3A_51 : vector<1000x1xf32> to vector<1000x256xf32>
    %sub3A_52 = arith.subf %add3A_47, %sub3A : vector<1000x256xf32>
    %sub3A_53 = vector.broadcast %div3A_51 : vector<1000x1xf32> to vector<1000x256xf32>
    %sub3A_54 = arith.subf %add3A_47, %sub3A_53 : vector<1000x256xf32>
    %mul3A_55 = arith.mulf %sub3A_52, %sub3A_54 : vector<1000x256xf32>
    %reduce_sum3A_56 = arith.constant dense<0.000000e+00> : vector<1000xf32>
    %reduce_sum3A_57 = vector.multi_reduction <add>, %mul3A_55, %reduce_sum3A_56 [1] : vector<1000x256xf32> to vector<1000xf32>
    %broadcast_in_dim3A_58 = vector.shape_cast %reduce_sum3A_57 : vector<1000xf32> to vector<1000x1xf32>
    %div3A_59 = arith.constant 2.560000e+02 : f32
    %div3A_60 = vector.broadcast %div3A_59 : f32 to vector<1000x1xf32>
    %div3A_61 = arith.divf %broadcast_in_dim3A_58, %div3A_60 : vector<1000x1xf32>
    %sub3A_62 = vector.broadcast %div3A_51 : vector<1000x1xf32> to vector<1000x256xf32>
    %sub3A_63 = arith.subf %add3A_47, %sub3A_62 : vector<1000x256xf32>
    %add3A_64 = arith.constant 9.99999974E-6 : f32
    %add3A_65 = vector.broadcast %add3A_64 : f32 to vector<1000x1xf32>
    %add3A_66 = arith.addf %div3A_61, %add3A_65 : vector<1000x1xf32>
    %rsqrt3A = math.rsqrt %add3A_66 : vector<1000x1xf32>
    %mul3A_67 = vector.broadcast %rsqrt3A : vector<1000x1xf32> to vector<1000x256xf32>
    %mul3A_68 = arith.mulf %sub3A_63, %mul3A_67 : vector<1000x256xf32>
    %get3A_69 = arith.constant 0 : index
    %get3A_70 = arith.constant 0 : index
    %get3A_71 = vector.load %arg8[%get3A_69, %get3A_70] : memref<1x256xf32, #tpu.memory_space<vmem>>, vector<1x256xf32>
    %mul3A_72 = vector.broadcast %get3A_71 : vector<1x256xf32> to vector<1000x256xf32>
    %mul3A_73 = arith.mulf %mul3A_68, %mul3A_72 : vector<1000x256xf32>
    %get3A_74 = arith.constant 0 : index
    %get3A_75 = arith.constant 0 : index
    %get3A_76 = vector.load %arg9[%get3A_74, %get3A_75] : memref<1x256xf32, #tpu.memory_space<vmem>>, vector<1x256xf32>
    %add3A_77 = vector.broadcast %get3A_76 : vector<1x256xf32> to vector<1000x256xf32>
    %add3A_78 = arith.addf %mul3A_73, %add3A_77 : vector<1000x256xf32>
    %get3A_79 = arith.constant 0 : index
    %get3A_80 = arith.constant 0 : index
    %get3A_81 = vector.load %arg10[%get3A_79, %get3A_80] : memref<256x1024xf32, #tpu.memory_space<vmem>>, vector<256x1024xf32>
    %dot_general3A_82 = arith.constant dense<0.000000e+00> : vector<1000x1024xf32>
    %dot_general3A_83 = tpu.matmul %add3A_78, %get3A_81, %dot_general3A_82 {dimension_numbers = #tpu.dot_dimension_numbers<[1], [0], [0], [1], [0, 0, 1, 1], [], []>, transpose_lhs_hint = false} : vector<1000x256xf32>, vector<256x1024xf32>, vector<1000x1024xf32> -> vector<1000x1024xf32>
    %get3A_84 = arith.constant 0 : index
    %get3A_85 = arith.constant 0 : index
    %get3A_86 = vector.load %arg11[%get3A_84, %get3A_85] : memref<1x1024xf32, #tpu.memory_space<vmem>>, vector<1x1024xf32>
    %add3A_87 = vector.broadcast %get3A_86 : vector<1x1024xf32> to vector<1000x1024xf32>
    %add3A_88 = arith.addf %dot_general3A_83, %add3A_87 : vector<1000x1024xf32>
    %mul3A_89 = arith.constant 5.000000e-01 : f32
    %mul3A_90 = vector.broadcast %mul3A_89 : f32 to vector<1000x1024xf32>
    %mul3A_91 = arith.mulf %mul3A_90, %add3A_88 : vector<1000x1024xf32>
    %mul3A_92 = arith.constant 0.707106769 : f32
    %mul3A_93 = vector.broadcast %mul3A_92 : f32 to vector<1000x1024xf32>
    %mul3A_94 = arith.mulf %add3A_88, %mul3A_93 : vector<1000x1024xf32>
    %erf3A = math.erf %mul3A_94 : vector<1000x1024xf32>
    %add3A_95 = arith.constant 1.000000e+00 : f32
    %add3A_96 = vector.broadcast %add3A_95 : f32 to vector<1000x1024xf32>
    %add3A_97 = arith.addf %add3A_96, %erf3A : vector<1000x1024xf32>
    %mul3A_98 = arith.mulf %mul3A_91, %add3A_97 : vector<1000x1024xf32>
    %get3A_99 = arith.constant 0 : index
    %get3A_100 = arith.constant 0 : index
    %get3A_101 = vector.load %arg12[%get3A_99, %get3A_100] : memref<1024x256xf32, #tpu.memory_space<vmem>>, vector<1024x256xf32>
    %dot_general3A_102 = arith.constant dense<0.000000e+00> : vector<1000x256xf32>
    %dot_general3A_103 = tpu.matmul %mul3A_98, %get3A_101, %dot_general3A_102 {dimension_numbers = #tpu.dot_dimension_numbers<[1], [0], [0], [1], [0, 0, 1, 1], [], []>, transpose_lhs_hint = false} : vector<1000x1024xf32>, vector<1024x256xf32>, vector<1000x256xf32> -> vector<1000x256xf32>
    %get3A_104 = arith.constant 0 : index
    %get3A_105 = arith.constant 0 : index
    %get3A_106 = vector.load %arg13[%get3A_104, %get3A_105] : memref<1x256xf32, #tpu.memory_space<vmem>>, vector<1x256xf32>
    %add3A_107 = vector.broadcast %get3A_106 : vector<1x256xf32> to vector<1000x256xf32>
    %add3A_108 = arith.addf %dot_general3A_103, %add3A_107 : vector<1000x256xf32>
    %add3A_109 = arith.addf %add3A_78, %add3A_108 : vector<1000x256xf32>
    %reduce_sum3A_110 = arith.constant dense<0.000000e+00> : vector<1000xf32>
    %reduce_sum3A_111 = vector.multi_reduction <add>, %add3A_109, %reduce_sum3A_110 [1] : vector<1000x256xf32> to vector<1000xf32>
    %broadcast_in_dim3A_112 = vector.shape_cast %reduce_sum3A_111 : vector<1000xf32> to vector<1000x1xf32>
    %div3A_113 = arith.constant 2.560000e+02 : f32
    %div3A_114 = vector.broadcast %div3A_113 : f32 to vector<1000x1xf32>
    %div3A_115 = arith.divf %broadcast_in_dim3A_112, %div3A_114 : vector<1000x1xf32>
    %sub3A_116 = vector.broadcast %div3A_115 : vector<1000x1xf32> to vector<1000x256xf32>
    %sub3A_117 = arith.subf %add3A_109, %sub3A_116 : vector<1000x256xf32>
    %sub3A_118 = vector.broadcast %div3A_115 : vector<1000x1xf32> to vector<1000x256xf32>
    %sub3A_119 = arith.subf %add3A_109, %sub3A_118 : vector<1000x256xf32>
    %mul3A_120 = arith.mulf %sub3A_117, %sub3A_119 : vector<1000x256xf32>
    %reduce_sum3A_121 = arith.constant dense<0.000000e+00> : vector<1000xf32>
    %reduce_sum3A_122 = vector.multi_reduction <add>, %mul3A_120, %reduce_sum3A_121 [1] : vector<1000x256xf32> to vector<1000xf32>
    %broadcast_in_dim3A_123 = vector.shape_cast %reduce_sum3A_122 : vector<1000xf32> to vector<1000x1xf32>
    %div3A_124 = arith.constant 2.560000e+02 : f32
    %div3A_125 = vector.broadcast %div3A_124 : f32 to vector<1000x1xf32>
    %div3A_126 = arith.divf %broadcast_in_dim3A_123, %div3A_125 : vector<1000x1xf32>
    %sub3A_127 = vector.broadcast %div3A_115 : vector<1000x1xf32> to vector<1000x256xf32>
    %sub3A_128 = arith.subf %add3A_109, %sub3A_127 : vector<1000x256xf32>
    %add3A_129 = arith.constant 9.99999974E-6 : f32
    %add3A_130 = vector.broadcast %add3A_129 : f32 to vector<1000x1xf32>
    %add3A_131 = arith.addf %div3A_126, %add3A_130 : vector<1000x1xf32>
    %rsqrt3A_132 = math.rsqrt %add3A_131 : vector<1000x1xf32>
    %mul3A_133 = vector.broadcast %rsqrt3A_132 : vector<1000x1xf32> to vector<1000x256xf32>
    %mul3A_134 = arith.mulf %sub3A_128, %mul3A_133 : vector<1000x256xf32>
    %get3A_135 = arith.constant 0 : index
    %get3A_136 = arith.constant 0 : index
    %get3A_137 = vector.load %arg8[%get3A_135, %get3A_136] : memref<1x256xf32, #tpu.memory_space<vmem>>, vector<1x256xf32>
    %mul3A_138 = vector.broadcast %get3A_137 : vector<1x256xf32> to vector<1000x256xf32>
    %mul3A_139 = arith.mulf %mul3A_134, %mul3A_138 : vector<1000x256xf32>
    %get3A_140 = arith.constant 0 : index
    %get3A_141 = arith.constant 0 : index
    %get3A_142 = vector.load %arg9[%get3A_140, %get3A_141] : memref<1x256xf32, #tpu.memory_space<vmem>>, vector<1x256xf32>
    %add3A_143 = vector.broadcast %get3A_142 : vector<1x256xf32> to vector<1000x256xf32>
    %add3A_144 = arith.addf %mul3A_139, %add3A_143 : vector<1000x256xf32>
    %swap3A = arith.constant 0 : index
    %swap3A_145 = arith.constant 0 : index
    %swap3A_146 = vector.load %arg14[%swap3A, %swap3A_145] : memref<1000x256xf32, #tpu.memory_space<vmem>>, vector<1000x256xf32>
    tpu.vector_store %arg14[%swap3A, %swap3A_145], %add3A_144 {strides = array<i32>} : memref<1000x256xf32, #tpu.memory_space<vmem>>, vector<1000x256xf32>,
    return
  }
  func.func @transform_0(%arg0: i32) -> (i32, i32) {
    %c0_i32 = arith.constant 0 : i32
    %c0_i32_0 = arith.constant 0 : i32
    return %arg0, %c0_i32 : i32, i32
  }
  func.func @transform_1(%arg0: i32) -> (i32, i32) {
    %c0_i32 = arith.constant 0 : i32
    %c0_i32_0 = arith.constant 0 : i32
    return %arg0, %c0_i32 : i32, i32
  }
  func.func @transform_2(%arg0: i32) -> (i32, i32) {
    %c0_i32 = arith.constant 0 : i32
    %c0_i32_0 = arith.constant 0 : i32
    return %arg0, %c0_i32 : i32, i32
  }
  func.func @transform_3(%arg0: i32) -> (i32, i32, i32) {
    %c0_i32 = arith.constant 0 : i32
    %c0_i32_0 = arith.constant 0 : i32
    %c0_i32_1 = arith.constant 0 : i32
    return %c0_i32, %arg0, %c0_i32_0 : i32, i32, i32
  }
  func.func @transform_4(%arg0: i32) -> (i32, i32, i32) {
    %c1_i32 = arith.constant 1 : i32
    %c0_i32 = arith.constant 0 : i32
    %c0_i32_0 = arith.constant 0 : i32
    return %c1_i32, %arg0, %c0_i32 : i32, i32, i32
  }
  func.func @transform_5(%arg0: i32) -> (i32, i32) {
    %c0_i32 = arith.constant 0 : i32
    %c0_i32_0 = arith.constant 0 : i32
    %c0_i32_1 = arith.constant 0 : i32
    return %c0_i32, %c0_i32_0 : i32, i32
  }
  func.func @transform_6(%arg0: i32) -> (i32, i32) {
    %c0_i32 = arith.constant 0 : i32
    %c0_i32_0 = arith.constant 0 : i32
    %c0_i32_1 = arith.constant 0 : i32
    return %c0_i32, %c0_i32_0 : i32, i32
  }
  func.func @transform_7(%arg0: i32) -> (i32, i32) {
    %c0_i32 = arith.constant 0 : i32
    %c0_i32_0 = arith.constant 0 : i32
    %c0_i32_1 = arith.constant 0 : i32
    return %c0_i32, %c0_i32_0 : i32, i32
  }
  func.func @transform_8(%arg0: i32) -> (i32, i32) {
    %c0_i32 = arith.constant 0 : i32
    %c0_i32_0 = arith.constant 0 : i32
    %c0_i32_1 = arith.constant 0 : i32
    return %c0_i32, %c0_i32_0 : i32, i32
  }
  func.func @transform_9(%arg0: i32) -> (i32, i32) {
    %c0_i32 = arith.constant 0 : i32
    %c0_i32_0 = arith.constant 0 : i32
    %c0_i32_1 = arith.constant 0 : i32
    return %c0_i32, %c0_i32_0 : i32, i32
  }
  func.func @transform_10(%arg0: i32) -> (i32, i32) {
    %c0_i32 = arith.constant 0 : i32
    %c0_i32_0 = arith.constant 0 : i32
    %c0_i32_1 = arith.constant 0 : i32
    return %c0_i32, %c0_i32_0 : i32, i32
  }
  func.func @transform_11(%arg0: i32) -> (i32, i32) {
    %c0_i32 = arith.constant 0 : i32
    %c0_i32_0 = arith.constant 0 : i32
    %c0_i32_1 = arith.constant 0 : i32
    return %c0_i32, %c0_i32_0 : i32, i32
  }
  func.func @transform_12(%arg0: i32) -> (i32, i32) {
    %c0_i32 = arith.constant 0 : i32
    %c0_i32_0 = arith.constant 0 : i32
    %c0_i32_1 = arith.constant 0 : i32
    return %c0_i32, %c0_i32_0 : i32, i32
  }
  func.func @transform_13(%arg0: i32) -> (i32, i32) {
    %c0_i32 = arith.constant 0 : i32
    %c0_i32_0 = arith.constant 0 : i32
    return %arg0, %c0_i32 : i32, i32
  }
}

</mosaic_0001>

<sc_bundles>
// kernel: kernel.5.cloned.1.call-start
scs
__scs_entry_jumppad:
0x0: {  	(pc) =	sbr.rel $0x88, $3  }
0x1: {  	(tag) =	ssettag $0x0;
	lr =	simm.s32 $0x1  }
0x2: {  	[smem:$0x3F95] =	sst lr;
	_ =	strace $0xD0000000  }
0x3: {  	_ = 	snop  }
0x4: {  	_ = 	snop  }
0x5: {  	_ = 	snop  }
0x6: {  	_ = 	snop  }
0x7: {  	_ = 	snop  }
__scs_overlays_trampoline_lowered:
0x8: {  	[smem:$0x3FA4] =	sst s0  }
0x9: {  	[smem:$0x3FA5] =	sst s1  }
0xa: {  	[smem:$0x3FA6] =	sst s2  }
0xb: {  	[smem:$0x3FA7] =	sst s3  }
0xc: {  	[smem:$0x3FA8] =	sst s4  }
0xd: {  	[smem:$0x3FA9] =	sst s5  }
0xe: {  	[smem:$0x3FAA] =	sst s6  }
0xf: {  	[smem:$0x3FAB] =	sst s7  }
0x10: {  	[smem:$0x3FAC] =	sst s8  }
0x11: {  	[smem:$0x3FAD] =	sst s9;
	s0 =	simm.s32 @!p0 $0x0  }
0x12: {  	s1 =	sld [smem:$0x3F93];
	s0 =	simm.s32 @p0 $0x1  }
0x13: {  	[smem:$0x3FAE] =	sst s0;
	s0 =	simm.s32 @!p1 $0x0  }
0x14: {  	s2 =	sld [smem:$0x3F92];
	s0 =	simm.s32 @p1 $0x1  }
0x15: {  	[smem:$0x3FAF] =	sst s0;
	s0 =	simm.s32 @!p2 $0x0  }
0x16: {  	s3 =	sld [smem:$0x3FDB];
	s0 =	simm.s32 @p2 $0x1  }
0x17: {  	s4 =	simm.s32 $0x1BF5;
	[smem:$0x3FB1] =	sst s0  }
0x18: {  	s0 =	sld [smem:$0x3F94];
	_ =	swait.ge [sflag:s4], $0x0  }
0x19: {  	s7 =	sld [smem:$0x3F95]  }
0x1a: {  	s8 =	sadd.s32 $0xFFFFE003, lr  }
0x1b: {  	s9 =	sadd.s32 $0xFFFFFEF7, lr;
	s5 =	simm.s32 $0xFFFFFFFF;
	p2 =	slt.u32 s8, $0xFFFFF086  }
0x1c: {  	p1 =	slt.u32 s9, $0xF7A;
	s5 =	simm.s32 @!p2 $0x0  }
0x1d: {  	s5 =	simm.s32 @p1 $0x1;
	p0 =	seq.s32 s7, s2  }
0x1e: {  	s7 =	smul.u32 @!p0 $0xF7A, s2;
	p2 =	seq.s32 @!p0 s5, $0x0  }
0x1f: {  	s9 =	smul.u32 $0xF7A, s1;
	s8 =	simm.s32 @!p0 $0x1BF5;
	p2 =	por !p2, p0  }
0x20: {  	[sflag:s8] =	ssyncset.s32 @!p0 $0xFFFFF086;
	s6 =	sadd.s32 @!p0 s3, s7;
	s7 =	simm.s32 @!p0 $0x108  }
0x21: {  	s3 =	sadd.s32 s3, s9;
	s6 =	sadd.s32 @!p0 $0x88, s6;
	s7 =	simm.s32 @p2 $0x1082  }
0x22: {  	[simem:s7], [sflag:s8] =	dma.local @!p0 [hbm:s6], $0xF7A  }
0x23: {  	s9 =	sor.u32 $0xD0000000, s2;
	s6 =	simm.s32 $0x108;
	_ =	swait.ge @!p0 [sflag:s8], $0x0  }
0x24: {  	s3 =	sadd.s32 $0x88, s3;
	s6 =	simm.s32 @!p1 $0x1082;
	[sflag:s4] =	ssyncset.s32 $0xFFFFF086  }
0x25: {  	[simem:s6], [sflag:s4] =	dma.local [hbm:s3], $0xF7A  }
0x26: {  	[smem:$0x3F95] =	sst s1;
	(tag) =	ssettag s2;
	_ =	strace s9  }
0x27: {  	s1 =	sld [smem:$0x3FA5]  }
0x28: {  	s2 =	sld [smem:$0x3FA6]  }
0x29: {  	s4 =	sld [smem:$0x3FA8]  }
0x2a: {  	p0 =	seq.s32 s5, $0x0;
	s5 =	sld [smem:$0x3FA9]  }
0x2b: {  	s6 =	sld [smem:$0x3FAA]  }
0x2c: {  	s7 =	sld [smem:$0x3FAB]  }
0x2d: {  	s3 =	simm.s32 $0x108;
	s8 =	sld [smem:$0x3FAC]  }
0x2e: {  	s3 =	simm.s32 @!p0 $0x1082;
	s9 =	sld [smem:$0x3FAD]  }
0x2f: {  	lr =	sadd.s32 s0, s3;
	s0 =	sld [smem:$0x3FA4]  }
0x30: {  	s3 =	sld [smem:$0x3FA7]  }
0x31: {  	[smem:$0x3FB0] =	sst s10  }
0x32: {  	s10 =	sld [smem:$0x3FAE];
	_ =	sdelay $0x3  }
0x33: {  	p0 =	seq.s32 s10, $0x1;
	s10 =	sld [smem:$0x3FB0];
	_ =	sdelay $0x3  }
0x34: {  	[smem:$0x3FB0] =	sst s10  }
0x35: {  	s10 =	sld [smem:$0x3FAF];
	_ =	sdelay $0x3  }
0x36: {  	p1 =	seq.s32 s10, $0x1;
	s10 =	sld [smem:$0x3FB0];
	_ =	sdelay $0x3  }
0x37: {  	[smem:$0x3FB0] =	sst s10  }
0x38: {  	s10 =	sld [smem:$0x3FB1]  }
0x39: {  	_ = 	snop;
	(pc) =	sbr.ind lr, $3  }
0x3a: {  	_ = 	snop  }
0x3b: {  	_ = 	snop  }
0x3c: {  	p2 =	seq.s32 s10, $0x1;
	s10 =	sld [smem:$0x3FB0]  }
0x3d: {  	_ =	shalt  }
0x3e: {  	_ =	shalt  }
0x3f: {  	_ =	shalt  }
0x40: {  	_ =	shalt  }
0x41: {  	_ =	shalt  }
0x42: {  	_ =	shalt  }
0x43: {  	_ =	shalt  }
0x44: {  	_ =	shalt  }
0x45: {  	_ =	shalt  }
0x46: {  	_ =	shalt  }
0x47: {  	_ =	shalt  }
0x48: {  	_ =	shalt  }
0x49: {  	_ =	shalt  }
0x4a: {  	_ =	shalt  }
0x4b: {  	_ =	shalt  }
0x4c: {  	_ =	shalt  }
0x4d: {  	_ =	shalt  }
0x4e: {  	_ =	shalt  }
0x4f: {  	_ =	shalt  }
0x50: {  	_ =	shalt  }
0x51: {  	_ =	shalt  }
0x52: {  	_ =	shalt  }
0x53: {  	_ =	shalt  }
0x54: {  	_ =	shalt  }
0x55: {  	_ =	shalt  }
0x56: {  	_ =	shalt  }
0x57: {  	_ =	shalt  }
0x58: {  	_ =	shalt  }
0x59: {  	_ =	shalt  }
0x5a: {  	_ =	shalt  }
0x5b: {  	_ =	shalt  }
0x5c: {  	_ =	shalt  }
0x5d: {  	_ =	shalt  }
0x5e: {  	_ =	shalt  }
0x5f: {  	_ =	shalt  }
0x60: {  	_ =	shalt  }
0x61: {  	_ =	shalt  }
0x62: {  	_ =	shalt  }
0x63: {  	_ =	shalt  }
0x64: {  	_ =	shalt  }
0x65: {  	_ =	shalt  }
0x66: {  	_ =	shalt  }
0x67: {  	_ =	shalt  }
0x68: {  	_ =	shalt  }
0x69: {  	_ =	shalt  }
0x6a: {  	_ =	shalt  }
0x6b: {  	_ =	shalt  }
0x6c: {  	_ =	shalt  }
0x6d: {  	_ =	shalt  }
0x6e: {  	_ =	shalt  }
0x6f: {  	_ =	shalt  }
0x70: {  	_ =	shalt  }
0x71: {  	_ =	shalt  }
0x72: {  	_ =	shalt  }
0x73: {  	_ =	shalt  }
0x74: {  	_ =	shalt  }
0x75: {  	_ =	shalt  }
0x76: {  	_ =	shalt  }
0x77: {  	_ =	shalt  }
0x78: {  	_ =	shalt  }
0x79: {  	_ =	shalt  }
0x7a: {  	_ =	shalt  }
0x7b: {  	_ =	shalt  }
0x7c: {  	_ =	shalt  }
0x7d: {  	_ =	shalt  }
0x7e: {  	_ =	shalt  }
0x7f: {  	_ =	shalt  }
0x80: {  	_ =	shalt  }
0x81: {  	_ =	shalt  }
0x82: {  	_ =	shalt  }
0x83: {  	_ =	shalt  }
0x84: {  	_ =	shalt  }
0x85: {  	_ =	shalt  }
0x86: {  	_ =	shalt  }
0x87: {  	_ =	shalt  }
.Lfunc_end0:
.L_simem_size_0:
called_computation_lowered:
.L_overlay_start_0:
0x88: {  	s2 =	sld [smem:$0x3FD9]  }
0x89: {  	s3 =	sld [smem:$0x3FFE];
	_ =	sdelay $0x1  }
0x8a: {  	s1 =	srdreg.scid  }
0x8b: {  	s0 =	sand.u32 $0x1, s1  }
0x8c: {  	s17 =	sshll.u32 s0, $0xA;
	s2 =	sadd.s32 s3, s2  }
0x8d: {  	s2 =	sadd.s32 s2, s17  }
0x8e: {  	[smem:$0x3FBC] =	sst s2  }
0x8f: {  	_ = 	snop  }
0x90: {  	s2 =	sld [smem:$0x3FD0];
	(tm) =	ssettm $0x1  }
0x91: {  	s18 =	sld [smem:$0x3FFB];
	_ =	sdelay $0x3  }
0x92: {  	_ =	strace s18  }
0x93: {  	s3 =	sld [smem:$0x3FFC];
	_ =	sdelay $0x3  }
0x94: {  	_ =	strace s3  }
0x95: {  	s3 =	sld [smem:$0x3FFD];
	_ =	sdelay $0x3  }
0x96: {  	_ =	strace s3  }
0x97: {  	_ =	strace $0x8FFFFFFF  }
0x98: {  	s19 =	sld [smem:$0x3FDB];
	_ =	sdelay $0x1  }
0x99: {  	s4 =	simm.s32 $_scs_section_size  }
0x9a: {  	s5 =	simm.s32 $_size__tile_overlayer_lowered;
	s6 =	simm.s32 $_tile_overlayer_lowered  }
0x9b: {  	s22 =	simm.s32 $0x1BFF;
	s21 =	sshll.u32 s6, $0x1;
	s3 =	sadd.s32 s4, s19  }
0x9c: {  	s7 =	simm.s32 $0x0;
	s20 =	sshll.u32 s5, $0x1;
	s5 =	sadd.s32 s21, s3  }
0x9d: {  	[timem:s7], [sflag:s22] =	dma.local [hbm:s5], s20  }
0x9e: {  	_ =	swait.ge [sflag:s22], s20  }
0x9f: {  	s4 =	ssub.s32 $0x0, s20;
	[sflag:s22] =	ssyncset.done $0x0  }
0xa0: {  	[sflag:s22] =	ssyncadd.s32 s4;
	_ =	sdelay $0x1  }
0xa1: {  	s23 =	simm.s32 $0x1B8B  }
0xa2: {  	_ =	swait.ge [sflag:s23], $0x1  }
0xa3: {  	[sflag:s23] =	ssyncset.done $0x0  }
0xa4: {  	s25 =	simm.s32 $0x1B8E;
	s24 =	sld [smem:$0x3FFE];
	[sflag:s23] =	ssyncadd.s32 $0xFFFFFFFF  }
0xa5: {  	s26 =	simm.s32 $execute0_lowered;
	[smem:$0x3FD2] =	sst s25  }
0xa6: {  	s5 =	sshll.u32 s26, $0x1;
	_ =	strace $0x80000046;
	[dreg:$0x1] =	wrdreg $0xFFFFFFFF  }
0xa7: {  	s28 =	simm.s32 $_size_execute0_lowered;
	s3 =	sadd.s32 s3, s5;
	[dreg:$0x0] =	wrdreg $0x0  }
0xa8: {  	s5 =	sshll.u32 s28, $0x1;
	[dreg:$0x2] =	wrdreg s3  }
0xa9: {  	[dreg:$0x3] =	wrdreg s5  }
0xaa: {  	[dreg:$0x4] =	wrdreg $0xC0  }
0xab: {  	_ =	task [dreg:s7], $0x5FFFF  }
0xac: {  	[dreg:$0x1] =	wrdreg $0xFFFFFFFF  }
0xad: {  	[dreg:$0x0] =	wrdreg $0x60  }
0xae: {  	[dreg:$0x2] =	wrdreg s24  }
0xaf: {  	[dreg:$0x3] =	wrdreg s2  }
0xb0: {  	[dreg:$0x4] =	wrdreg $0x0  }
0xb1: {  	[dreg:$0x5] =	wrdreg $0x9  }
0xb2: {  	_ =	task.clear_ibuf [dreg:s7], $0x6FFFF;
	_ =	strace $0x90000046  }
0xb3: {  	s29 =	simm.s32 $0x9;
	_ =	strace $0x80000048  }
0xb4: {  	_ =	swait.ge [sflag:s29], $0x1  }
0xb5: {  	[sflag:s29] =	ssyncadd.s32 $0xFFFFFFFF  }
0xb6: {  	_ =	strace $0x90000048  }
0xb7: {  	_ =	sfence  }
0xb8: {  	s30 =	sld [smem:$0x0];
	_ =	sdelay $0x2  }
0xb9: {  	s31 =	sshll.u32 s1, $0xD;
	s1 =	sshrl.u32 s1, $0x2  }
0xba: {  	s3 =	sand.u32 $0x4000, s31;
	s1 =	sadd.s32 s1, s30  }
0xbb: {  	s0 =	sor.u32 s3, s0;
	s1 =	sshll.u32 s1, $0x11  }
0xbc: {  	s0 =	sor.u32 s1, s0  }
0xbd: {  	s0 =	sadd.s32 $0x8F2B, s0  }
0xbe: {  	[sflag:s0] =	ssyncadd.remote.s32 $0x1  }
0xbf: {  	_ =	sfence.sel $0xFFFF  }
0xc0: {  	[dreg:$0x0] =	wrdreg $0xFFFFFFFF;
	(pc) =	sbr.abs _section_cstart, $3  }
0xc1: {  	[dreg:$0x1] =	wrdreg $0xFFFFFFFF  }
0xc2: {  	_ =	task.clear_ibuf [dreg:s7], $0x2FFFF;
	_ =	strace $0x9FFFFFFF  }
0xc3: {  	(tm) =	ssettm $0x7FFFFFFF  }
tec
execute0_lowered:
.L_overlay_start_1:
0x0: {  	(tag) =	ssettag $0x1  }
0x1: {  	s0 =	rddreg [dreg:$0x0]  }
0x2: {  	s12 =	rddreg [dreg:$0x1]  }
0x3: {  	s15 =	rddreg [dreg:$0x2];
	s3 =	simm.s32 $0x0;
	s1 =	srdreg.scid  }
0x4: {  	s14 =	stileid.u32;
	s29 =	simm.s32 $0x1C3E0;
	s30 =	simm.s32 $0x10  }
0x5: {  	s31 =	simm.s32 $0x7;
	s28 =	simm.s32 $0x8;
	s4 =	smul.u32 $0x2710, s14  }
0x6: {  	[smem:$0x7FF] =	sst s3;
	s1 =	sand.u32 $0x1, s1;
	s22 =	smul.u32 $0x5A000, s14  }
0x7: {  	s5 =	sadd.s32 $0xF6A00, s0;
	s6 =	sadd.s32 $0xF1A00, s0;
	s23 =	smul.u32 $0x2D00, s14  }
0x8: {  	s8 =	sadd.s32 $0x2400, s0;
	s14 =	smov.u32 s15;
	s2 =	smul.u32 $0x2D000, s1  }
0x9: {  	_ =	strace $0x80000047;
	s7 =	smul.u32 $0x27100, s1;
	s13 =	ssub.s32 $0x2, s1  }
0xa: {  	s21 =	sshll.u32 s1, $0x2;
	s1 =	sshllo.u32 s1, $0x2;
	s9 =	sshrl.u32 s13, $0x1  }
0xb: {  	s11 =	sadd.s32 $0x50, s4;
	s18 =	sshrl.u32 s4, $0x3;
	s24 =	sadd.s32 $0xA0, s4  }
0xc: {  	s25 =	sadd.s32 $0xF0, s4;
	s26 =	sshrl.u32 s22, $0x2;
	s22 =	simm.s32 $0x16940  }
0xd: {  	s0 =	sadd.s32 s2, s0;
	s10 =	sadd.s32 s4, s7;
	s2 =	ssub.s32 s13, s9  }
0xe: {  	s17 =	sadd.s32 s7, s11;
	s20 =	sshrl.u32 s11, $0x3;
	[dreg:$0x8] =	wrdreg s24  }
0xf: {  	s13 =	sor.u32 $0x2, s21;
	[dreg:$0x9] =	wrdreg s25;
	s4 =	sadd.s32 $0x140, s4  }
0x10: {  	s24 =	simm.s32 $0x4;
	s25 =	simm.s32 $0x50;
	s11 =	simm.s32 $0xB  }
0x11: {  	s16 =	sshrl.u32 s10, $0x3;
	s10 =	sshrl.u32 s17, $0x3;
	[dreg:$0xa] =	wrdreg s4  }
0x12: {  	s0 =	sadd.s32 s23, s0;
	s2 =	smax.u32 s2, $0x1;
	s17 =	sadd.s32 s26, s15  }
0x13: {  	s23 =	simm.s32 $0x1;
	s4 =	simm.s32 $0x2;
	s15 =	simm.s32 $0xD  }
0x14: {  	s9 =	sadd.s32 s12, s16;
	s19 =	sadd.s32 s12, s10;
	s16 =	sor.u32 $0x1, s21  }
0x15: {  	v0 =	vmov s21;
	[dreg:$0xb] =	wrdreg s2;
	s12 =	simm.s32 $0x16800;
	s21 =	simm.s32 $0xE  }
0x16: {  	s2 =	simm.s32 $0x0;
	[dreg:$0x4] =	wrdreg s9;
	s9 =	sadd.s32 s8, s18  }
0x17: {  	v4 =	vimm.f32 $0.0e+00;
	v3 =	vmov s1;
	v0 =	vbroadcast v0, $0x0;
	[dreg:$0x6] =	wrdreg s19;
	s18 =	sadd.s32 $0x7400, s0;
	s0 =	simm.s32 $0xA  }
0x18: {  	v3 =	vbroadcast v3, $0x0;
	v2 =	vmov s13;
	v1 =	vmov s16;
	s19 =	simm.s32 $0x16990;
	[dreg:$0x5] =	wrdreg s9;
	s9 =	sadd.s32 s8, s20  }
0x19: {  	vm0 =	vmmov $0xff;
	v2 =	vbroadcast v2, $0x0;
	s20 =	simm.s32 $0x168F0;
	v1 =	vbroadcast v1, $0x0;
	[dreg:$0x7] =	wrdreg s9;
	s9 =	simm.s32 $0x5  }
.LBB2_1:
0x1a: {  	[dreg:$0xc] =	wrdreg s2  }
0x1b: {  	s1 =	rddreg [dreg:$0x4]  }
0x1c: {  	[tilespmem:s12], [sflag:$0x1] =	stream.linear.gather [hbm4b:s1+s3], $0x50, $0x38;
	v63 =	vld [tilespmem:$0x0]  }
0x1d: {  	s13 =	rddreg [dreg:$0x5]  }
0x1e: {  	[tilespmem:s20], [sflag:$0x4] =	stream.linear.gather [hbm4b:s13+s3], $0x50, $0x38;
	v63 =	vld [tilespmem:$0x0]  }
0x1f: {  	s16 =	rddreg [dreg:$0x6];
	s10 =	simm.s32 $0x16850  }
0x20: {  	[tilespmem:s10], [sflag:$0x2] =	stream.linear.gather [hbm4b:s16+s3], $0x50, $0x38;
	v63 =	vld [tilespmem:$0x0]  }
0x21: {  	s26 =	rddreg [dreg:$0x7];
	s2 =	simm.s32 $0x240;
	s1 =	simm.s32 $0x0  }
0x22: {  	[tilespmem:s22], [sflag:$0x5] =	stream.linear.gather [hbm4b:s26+s3], $0x50, $0x38;
	v63 =	vld [tilespmem:$0x0]  }
.LBB2_2:
0x23: {  	p0 =	sne.s32 s2, $0x45C0;
	[tilespmem:s1+$0x1C460] =	vst v4  }
0x24: {  	[tilespmem:s1+$0x1C3E0] =	vst v4  }
0x25: {  	[tilespmem:s1+$0x1C3F0] =	vst v4  }
0x26: {  	[tilespmem:s1+$0x1C400] =	vst v4  }
.Ltmp0:
0x27: {  	[tilespmem:s1+$0x1C410] =	vst v4;
	(pc) =	sbr.rel @p0 .LBB2_2-.Ltmp0, $4  }
0x28: {  	[tilespmem:s1+$0x1C420] =	vst v4  }
0x29: {  	[tilespmem:s1+$0x1C430] =	vst v4  }
0x2a: {  	[tilespmem:s1+$0x1C440] =	vst v4  }
0x2b: {  	[tilespmem:s1+$0x1C450] =	vst v4;
	s1 =	sshra.s32 s2, $0x2;
	s2 =	sadd.s32 $0x240, s2  }
0x2c: {  	[tilespmem:s1+$0x1C460] =	vst v4  }
0x2d: {  	[tilespmem:s1+$0x1C3E0] =	vst v4  }
0x2e: {  	[tilespmem:s1+$0x1C3F0] =	vst v4  }
0x2f: {  	[tilespmem:s1+$0x1C400] =	vst v4  }
0x30: {  	[tilespmem:s1+$0x1C410] =	vst v4  }
0x31: {  	[tilespmem:s1+$0x1C420] =	vst v4  }
0x32: {  	[tilespmem:s1+$0x1C430] =	vst v4  }
0x33: {  	[tilespmem:s1+$0x1C440] =	vst v4  }
0x34: {  	[tilespmem:s1+$0x1C450] =	vst v4  }
0x35: {  	_ =	swait.ge [sflag:s23], $0x50  }
0x36: {  	[sflag:s23] =	ssyncset.done $0x0  }
0x37: {  	[sflag:s23] =	ssyncadd.s32 $0xFFFFFFB0  }
0x38: {  	_ =	swait.ge [sflag:s24], $0x50  }
0x39: {  	[sflag:s24] =	ssyncset.done $0x0  }
0x3a: {  	s13 =	simm.s32 $0x169E0;
	[sflag:s24] =	ssyncadd.s32 $0xFFFFFFB0  }
0x3b: {  	[tilespmem:s13], [sflag:$0x7] =	stream.indirect.gather [hbm4b:s5+s25], $0x90, s12, s25, $0xb8;
	v63 =	vld [tilespmem:$0x0]  }
0x3c: {  	s16 =	simm.s32 $0x1F0E0  }
0x3d: {  	[tilespmem:s16], [sflag:$0xA] =	stream.indirect.gather [hbm4b:s6+s25], $0x10, s20, s25, $0xb8;
	v63 =	vld [tilespmem:$0x0]  }
0x3e: {  	s26 =	sadd.s32 $0x0, s17  }
0x3f: {  	[spmem:s26] =	stream.linear.scatter [tilespmem:s29], [sflag:$0x10], $0x1200, $0x38;
	v63 =	vld [tilespmem:$0x0]  }
0x40: {  	s1 =	simm.s32 $0x4800;
	_ =	swait.ge [sflag:s30], $0x1200  }
.LBB2_4:
0x41: {  	s2 =	sshra.s32 s1, $0x2;
	[sflag:s30] =	ssyncset.done $0x0;
	p0 =	sne.s32 s1, $0x55800  }
.Ltmp1:
0x42: {  	s2 =	sadd.s32 s2, s17;
	[sflag:s30] =	ssyncadd.s32 $0xFFFFEE00;
	(pc) =	sbr.rel @p0 .LBB2_4-.Ltmp1, $3  }
0x43: {  	[spmem:s2] =	stream.linear.scatter [tilespmem:s29], [sflag:$0x10], $0x1200, $0x38;
	v63 =	vld [tilespmem:$0x0]  }
0x44: {  	s1 =	sadd.s32 $0x4800, s1;
	_ =	sdelay $0x1  }
0x45: {  	_ =	swait.ge [sflag:s30], $0x1200  }
0x46: {  	[sflag:s30] =	ssyncset.done $0x0  }
0x47: {  	[sflag:s30] =	ssyncadd.s32 $0xFFFFEE00  }
0x48: {  	s26 =	simm.s32 $0x0;
	[bflag:$0x0] =	sbarrier.arrive $0xFFFF  }
.LBB2_6:
0x49: {  	_ =	swait.ge [sflag:s31], $0x2D00  }
0x4a: {  	[sflag:s31] =	ssyncset.done $0x0  }
0x4b: {  	[sflag:s31] =	ssyncadd.s32 $0xFFFFD300  }
0x4c: {  	_ =	swait.ge [sflag:s0], $0x500  }
0x4d: {  	[sflag:s0] =	ssyncset.done $0x0  }
0x4e: {  	[sflag:s0] =	ssyncadd.s32 $0xFFFFFB00  }
0x4f: {  	_ =	swait.ge [sflag:s4], $0x50  }
0x50: {  	[sflag:s4] =	ssyncset.done $0x0  }
0x51: {  	[sflag:s4] =	ssyncadd.s32 $0xFFFFFFB0  }
0x52: {  	_ =	swait.ge [sflag:s9], $0x50  }
0x53: {  	[sflag:s9] =	ssyncset.done $0x0  }
0x54: {  	s1 =	simm.s32 $0x196E0;
	[sflag:s9] =	ssyncadd.s32 $0xFFFFFFB0  }
0x55: {  	[tilespmem:s1], [sflag:$0x8] =	stream.indirect.gather [hbm4b:s5+s25], $0x90, s10, s25, $0xb8;
	v63 =	vld [tilespmem:$0x0]  }
0x56: {  	s16 =	simm.s32 $0x1F5E0;
	s10 =	simm.s32 $0x16B00  }
0x57: {  	[tilespmem:s16], [sflag:$0xB] =	stream.indirect.gather [hbm4b:s6+s25], $0x10, s22, s25, $0xb8;
	v63 =	vld [tilespmem:$0x0]  }
0x58: {  	s1 =	simm.s32 $0x1F100;
	v5 =	vld [tilespmem:s10+$0x110]  }
0x59: {  	v6 =	vld [tilespmem:s1+$0x10]  }
0x5a: {  	v7 =	vld [tilespmem:s10+$0xFFFFFFF0]  }
0x5b: {  	v8 =	vld [tilespmem:s1+$0xFFFFFFF0]  }
0x5c: {  	v9 =	vld [tilespmem:s10+$0x80]  }
0x5d: {  	v10 =	vld [tilespmem:s1+$0x0]  }
0x5e: {  	v11 =	vld [tilespmem:s1+$0xFFFFFFE0]  }
0x5f: {  	v21 =	vld [tilespmem:s10+$0xFFFFFEE0];
	v5 =	vadd.f32 v6, v5  }
0x60: {  	v24 =	vld [tilespmem:s10+$0xFFFFFEF0]  }
0x61: {  	v6 =	vld [tilespmem:s10+$0xFFFFFF60];
	v12 =	vmul.f32 $2.000000030e-01, v5  }
0x62: {  	v25 =	vld [tilespmem:s10+$0xFFFFFF00];
	v7 =	vadd.f32 v8, v7;
	vm1 =	vgt.f32 v5, $0.0e+00  }
0x63: {  	v27 =	vld [tilespmem:s10+$0xFFFFFF10];
	v8 =	vadd.f32 v10, v9;
	v5 =	vsel vm1, v5, v12  }
0x64: {  	v28 =	vld [tilespmem:s10+$0xFFFFFF20];
	v9 =	vmul.f32 $2.000000030e-01, v7;
	v5 =	vmul.f32 $1.442695020e+00, v5  }
0x65: {  	v29 =	vld [tilespmem:s10+$0xFFFFFF30];
	v10 =	vmul.f32 $2.000000030e-01, v8;
	vm1 =	vgt.f32 v7, $0.0e+00  }
0x66: {  	v30 =	vld [tilespmem:s10+$0xFFFFFF40];
	v6 =	vadd.f32 v11, v6;
	(erf) = vpow2.f32 v5;
	v5 =	vsel vm1, v7, v9  }
0x67: {  	v31 =	vld [tilespmem:s10+$0xFFFFFF50];
	vm2 =	vgt.f32 v8, $0.0e+00;
	v5 =	vmul.f32 $1.442695020e+00, v5  }
0x68: {  	v32 =	vld [tilespmem:s10+$0xFFFFFF70];
	v8 =	vsel vm2, v8, v10;
	v7 =	vmul.f32 $2.000000030e-01, v6  }
0x69: {  	v33 =	vld [tilespmem:s10+$0xFFFFFF80];
	v8 =	vmul.f32 $1.442695020e+00, v8;
	vm1 =	vgt.f32 v6, $0.0e+00;
	(erf) = vpow2.f32 v5  }
0x6a: {  	v35 =	vld [tilespmem:s10+$0xFFFFFF90];
	v6 =	vsel vm1, v6, v7  }
0x6b: {  	v40 =	vld [tilespmem:s10+$0xFFFFFFA0];
	v5 =	vmul.f32 $1.442695020e+00, v6;
	(erf) = vpow2.f32 v8  }
0x6c: {  	v41 =	vld [tilespmem:s10+$0xFFFFFFB0]  }
0x6d: {  	v12 =	vld [tilespmem:s10+$0x100];
	(erf) = vpow2.f32 v5  }
0x6e: {  	v42 =	vld [tilespmem:s10+$0xFFFFFFC0]  }
0x6f: {  	v14 =	vld [tilespmem:s10+$0x30];
	v16 =	vpop (erf)  }
0x70: {  	v13 =	vld [tilespmem:s10+$0xFFFFFFE0];
	v5 =	vperm.xlane v16, v3  }
0x71: {  	v10 =	vld [tilespmem:s10+$0x0];
	v8 =	vperm.xlane v16, v0;
	v7 =	vperm.xlane v16, v1  }
0x72: {  	v11 =	vld [tilespmem:s10+$0x10];
	v6 =	vperm.xlane v16, v2;
	v18 =	vpop (erf);
	v20 =	vmul.f32 v12, v5  }
0x73: {  	v9 =	vld [tilespmem:s10+$0xFFFFFFD0];
	v43 =	vperm.xlane v18, v0;
	v44 =	vperm.xlane v18, v1  }
0x74: {  	v17 =	vnsel vm0, $0x0, v16;
	v16 =	vld [tilespmem:s10+$0x50];
	v34 =	vpop (erf);
	v45 =	vperm.xlane v18, v2;
	v19 =	vperm.xlane v18, v3  }
0x75: {  	[tilespmem:s10+$0x110] =	vst v17;
	v17 =	vld [tilespmem:s10+$0x60];
	v26 =	vperm.xlane v34, v0;
	v23 =	vperm.xlane v34, v1  }
0x76: {  	v12 =	vld [tilespmem:s10+$0x20];
	v47 =	vnsel vm0, $0x0, v18;
	v36 =	vpop (erf);
	v22 =	vperm.xlane v34, v2;
	v18 =	vperm.xlane v34, v3  }
0x77: {  	v15 =	vnsel vm0, $0x0, v34;
	[tilespmem:s10+$0x100] =	vst v20;
	v20 =	vld [tilespmem:s10+$0x70];
	v37 =	vperm.xlane v36, v0;
	v38 =	vperm.xlane v36, v1  }
0x78: {  	[tilespmem:s10+$0x80] =	vst v15;
	v15 =	vld [tilespmem:s10+$0x40];
	v39 =	vperm.xlane v36, v2;
	v46 =	vperm.xlane v36, v3  }
0x79: {  	[tilespmem:s10+$0xFFFFFFF0] =	vst v47;
	v59 =	vnsel vm0, $0x0, v36;
	v34 =	vmul.f32 v33, v43;
	v60 =	vmul.f32 v21, v37;
	v21 =	vld [tilespmem:s10+$0x90]  }
0x7a: {  	v35 =	vmul.f32 v35, v44;
	[tilespmem:s10+$0xFFFFFF60] =	vst v59;
	v37 =	vmul.f32 v24, v37;
	v24 =	vld [tilespmem:s10+$0xA0]  }
0x7b: {  	v33 =	vmul.f32 v41, v45;
	v61 =	vmul.f32 v25, v38;
	v25 =	vld [tilespmem:s10+$0xB0];
	[tilespmem:s10+$0xFFFFFEE0] =	vst v60  }
0x7c: {  	v62 =	vmul.f32 v27, v38;
	v48 =	vmul.f32 v28, v39;
	v27 =	vld [tilespmem:s10+$0xC0];
	[tilespmem:s10+$0xFFFFFEF0] =	vst v37  }
0x7d: {  	v39 =	vmul.f32 v29, v39;
	v38 =	vmul.f32 v30, v46;
	v28 =	vld [tilespmem:s10+$0xD0];
	[tilespmem:s10+$0xFFFFFF00] =	vst v61  }
0x7e: {  	v36 =	vmul.f32 v31, v46;
	v29 =	vld [tilespmem:s10+$0xE0];
	v31 =	vmul.f32 v42, v45;
	[tilespmem:s10+$0xFFFFFF10] =	vst v62  }
0x7f: {  	s2 =	simm.s32 $0x0;
	s16 =	simm.s32 $0x16D40;
	v30 =	vld [tilespmem:s10+$0xF0];
	v37 =	vmul.f32 v32, v43;
	v32 =	vmul.f32 v40, v44;
	[tilespmem:s10+$0xFFFFFF20] =	vst v48  }
.LBB2_7:
0x80: {  	v40 =	vld [tilespmem:s16+$0x110];
	[tilespmem:s10+$0xFFFFFF30] =	vst v39;
	v9 =	vmul.f32 v9, v19;
	v13 =	vmul.f32 v13, v19;
	s1 =	sadd.s32 $0x40, s1  }
0x81: {  	s2 =	sadd.s32 $0x4, s2;
	v10 =	vmul.f32 v10, v26;
	v11 =	vmul.f32 v11, v26;
	v19 =	vld [tilespmem:s1+$0x10];
	[tilespmem:s10+$0xFFFFFF40] =	vst v38  }
0x82: {  	v12 =	vmul.f32 v12, v23;
	v14 =	vmul.f32 v14, v23;
	p0 =	slt.u32 s2, $0x4C;
	v26 =	vld [tilespmem:s1+$0xFFFFFFE0];
	[tilespmem:s10+$0xFFFFFF50] =	vst v36  }
0x83: {  	v15 =	vmul.f32 v15, v22;
	v16 =	vmul.f32 v16, v22;
	v23 =	vld [tilespmem:s16+$0xFFFFFFF0];
	[tilespmem:s10+$0xFFFFFF70] =	vst v37  }
0x84: {  	v17 =	vmul.f32 v17, v18;
	v18 =	vmul.f32 v20, v18;
	v22 =	vld [tilespmem:s1+$0xFFFFFFF0];
	[tilespmem:s10+$0xFFFFFF80] =	vst v34  }
0x85: {  	v21 =	vmul.f32 v21, v8;
	v8 =	vmul.f32 v24, v8;
	v20 =	vld [tilespmem:s16+$0x80];
	[tilespmem:s10+$0xFFFFFF90] =	vst v35  }
0x86: {  	v25 =	vmul.f32 v25, v7;
	v7 =	vmul.f32 v27, v7;
	v24 =	vld [tilespmem:s1+$0x0];
	v19 =	vadd.f32 v19, v40;
	[tilespmem:s10+$0xFFFFFFA0] =	vst v32  }
0x87: {  	v28 =	vmul.f32 v28, v6;
	v29 =	vmul.f32 v29, v6;
	v27 =	vld [tilespmem:s16+$0xFFFFFF60];
	[tilespmem:s10+$0xFFFFFFB0] =	vst v33  }
0x88: {  	v30 =	vmul.f32 v30, v5;
	v32 =	vld [tilespmem:s16+$0xFFFFFEE0];
	v6 =	vmul.f32 $2.000000030e-01, v19;
	[tilespmem:s10+$0xFFFFFFC0] =	vst v31  }
0x89: {  	vm1 =	vgt.f32 v19, $0.0e+00;
	v31 =	vld [tilespmem:s16+$0xFFFFFEF0];
	v5 =	vadd.f32 v22, v23;
	[tilespmem:s10+$0xFFFFFFD0] =	vst v9  }
0x8a: {  	v33 =	vld [tilespmem:s16+$0xFFFFFF00];
	v6 =	vsel vm1, v19, v6;
	[tilespmem:s10+$0xFFFFFFE0] =	vst v13  }
0x8b: {  	v34 =	vld [tilespmem:s16+$0xFFFFFF10];
	v9 =	vmul.f32 $2.000000030e-01, v5;
	v13 =	vadd.f32 v24, v20;
	v6 =	vmul.f32 $1.442695020e+00, v6;
	[tilespmem:s10+$0x0] =	vst v10  }
0x8c: {  	vm1 =	vgt.f32 v5, $0.0e+00;
	v10 =	vadd.f32 v26, v27;
	v27 =	vld [tilespmem:s16+$0xFFFFFF20];
	[tilespmem:s10+$0x10] =	vst v11  }
0x8d: {  	v35 =	vld [tilespmem:s16+$0xFFFFFF30];
	vm2 =	vgt.f32 v13, $0.0e+00;
	v11 =	vmul.f32 $2.000000030e-01, v13;
	(erf) = vpow2.f32 v6;
	[tilespmem:s10+$0x20] =	vst v12  }
0x8e: {  	v5 =	vsel vm1, v5, v9;
	vm3 =	vgt.f32 v10, $0.0e+00;
	v6 =	vmul.f32 $2.000000030e-01, v10;
	v36 =	vld [tilespmem:s16+$0xFFFFFF40];
	[tilespmem:s10+$0x30] =	vst v14  }
0x8f: {  	v5 =	vmul.f32 $1.442695020e+00, v5;
	v37 =	vld [tilespmem:s16+$0xFFFFFF50];
	v9 =	vsel vm2, v13, v11;
	[tilespmem:s10+$0x40] =	vst v15  }
0x90: {  	v6 =	vsel vm3, v10, v6;
	v40 =	vld [tilespmem:s16+$0xFFFFFF70];
	v9 =	vmul.f32 $1.442695020e+00, v9;
	[tilespmem:s10+$0x50] =	vst v16  }
0x91: {  	v6 =	vmul.f32 $1.442695020e+00, v6;
	v41 =	vld [tilespmem:s16+$0xFFFFFF80];
	(erf) = vpow2.f32 v5;
	[tilespmem:s10+$0x60] =	vst v17  }
0x92: {  	v42 =	vld [tilespmem:s16+$0xFFFFFF90];
	(erf) = vpow2.f32 v9;
	[tilespmem:s10+$0x70] =	vst v18  }
0x93: {  	v43 =	vld [tilespmem:s16+$0xFFFFFFA0];
	(erf) = vpow2.f32 v6;
	[tilespmem:s10+$0x90] =	vst v21  }
0x94: {  	v11 =	vld [tilespmem:s16+$0x100];
	[tilespmem:s10+$0xA0] =	vst v8  }
0x95: {  	v44 =	vld [tilespmem:s16+$0xFFFFFFB0];
	[tilespmem:s10+$0xB0] =	vst v25  }
0x96: {  	v45 =	vld [tilespmem:s16+$0xFFFFFFC0];
	v6 =	vpop (erf);
	[tilespmem:s10+$0xC0] =	vst v7  }
0x97: {  	v9 =	vld [tilespmem:s16+$0xFFFFFFD0];
	v12 =	vnsel vm0, $0x0, v6;
	v8 =	vperm.xlane v6, v0;
	v5 =	vperm.xlane v6, v3;
	[tilespmem:s10+$0xD0] =	vst v28  }
0x98: {  	v7 =	vperm.xlane v6, v1;
	v6 =	vperm.xlane v6, v2;
	v13 =	vld [tilespmem:s16+$0xFFFFFFE0];
	[tilespmem:s10+$0xE0] =	vst v29  }
0x99: {  	v10 =	vld [tilespmem:s16+$0x0];
	v14 =	vmul.f32 v11, v5;
	[tilespmem:s10+$0xF0] =	vst v30;
	s10 =	smov.u32 s16  }
0x9a: {  	v11 =	vld [tilespmem:s16+$0x10];
	[tilespmem:s16+$0x110] =	vst v12;
	v15 =	vpop (erf)  }
0x9b: {  	v17 =	vnsel vm0, $0x0, v15;
	v28 =	vperm.xlane v15, v0;
	v29 =	vperm.xlane v15, v1;
	v12 =	vld [tilespmem:s16+$0x20];
	[tilespmem:s16+$0x100] =	vst v14;
	v18 =	vpop (erf)  }
0x9c: {  	v30 =	vperm.xlane v15, v2;
	v19 =	vperm.xlane v15, v3;
	[tilespmem:s16+$0xFFFFFFF0] =	vst v17;
	v15 =	vnsel vm0, $0x0, v18;
	v14 =	vld [tilespmem:s16+$0x30];
	v16 =	vpop (erf)  }
0x9d: {  	v17 =	vnsel vm0, $0x0, v16;
	v21 =	vperm.xlane v16, v0;
	v24 =	vperm.xlane v16, v1;
	[tilespmem:s16+$0x80] =	vst v15;
	v15 =	vld [tilespmem:s16+$0x40]  }
0x9e: {  	v25 =	vperm.xlane v16, v2;
	v46 =	vperm.xlane v16, v3;
	[tilespmem:s16+$0xFFFFFF60] =	vst v17;
	v16 =	vld [tilespmem:s16+$0x50]  }
0x9f: {  	v26 =	vperm.xlane v18, v0;
	v23 =	vperm.xlane v18, v1;
	v17 =	vld [tilespmem:s16+$0x60]  }
0xa0: {  	v22 =	vperm.xlane v18, v2;
	v18 =	vperm.xlane v18, v3;
	v20 =	vld [tilespmem:s16+$0x70]  }
0xa1: {  	v32 =	vmul.f32 v32, v21;
	v31 =	vmul.f32 v31, v21;
	v21 =	vld [tilespmem:s16+$0x90]  }
0xa2: {  	v33 =	vmul.f32 v33, v24;
	v47 =	vmul.f32 v34, v24;
	v24 =	vld [tilespmem:s16+$0xA0]  }
.Ltmp2:
0xa3: {  	v48 =	vmul.f32 v27, v25;
	v39 =	vmul.f32 v35, v25;
	[tilespmem:s16+$0xFFFFFEE0] =	vst v32;
	v25 =	vld [tilespmem:s16+$0xB0];
	(pc) =	sbr.rel @p0 .LBB2_7-.Ltmp2, $4  }
0xa4: {  	v38 =	vmul.f32 v36, v46;
	v36 =	vmul.f32 v37, v46;
	[tilespmem:s16+$0xFFFFFEF0] =	vst v31;
	v27 =	vld [tilespmem:s16+$0xC0]  }
0xa5: {  	v37 =	vmul.f32 v40, v28;
	v34 =	vmul.f32 v41, v28;
	[tilespmem:s16+$0xFFFFFF00] =	vst v33;
	v28 =	vld [tilespmem:s16+$0xD0]  }
0xa6: {  	v35 =	vmul.f32 v42, v29;
	v32 =	vmul.f32 v43, v29;
	[tilespmem:s16+$0xFFFFFF10] =	vst v47;
	v29 =	vld [tilespmem:s16+$0xE0]  }
0xa7: {  	v31 =	vmul.f32 v45, v30;
	v33 =	vmul.f32 v44, v30;
	s16 =	sadd.s32 $0x240, s16;
	[tilespmem:s10+$0xFFFFFF20] =	vst v48;
	v30 =	vld [tilespmem:s10+$0xF0]  }
0xa8: {  	[tilespmem:s10+$0xFFFFFF30] =	vst v39  }
0xa9: {  	[tilespmem:s10+$0xFFFFFF40] =	vst v38  }
0xaa: {  	[tilespmem:s10+$0xFFFFFF50] =	vst v36  }
0xab: {  	[tilespmem:s10+$0xFFFFFF70] =	vst v37  }
0xac: {  	[tilespmem:s10+$0xFFFFFF80] =	vst v34  }
0xad: {  	[tilespmem:s10+$0xFFFFFF90] =	vst v35  }
0xae: {  	[tilespmem:s10+$0xFFFFFFA0] =	vst v32  }
0xaf: {  	v9 =	vmul.f32 v9, v19;
	[tilespmem:s10+$0xFFFFFFB0] =	vst v33  }
0xb0: {  	v13 =	vmul.f32 v13, v19;
	[tilespmem:s10+$0xFFFFFFC0] =	vst v31  }
0xb1: {  	v10 =	vmul.f32 v10, v26;
	[tilespmem:s10+$0xFFFFFFD0] =	vst v9  }
0xb2: {  	v9 =	vmul.f32 v11, v26;
	[tilespmem:s10+$0xFFFFFFE0] =	vst v13  }
0xb3: {  	v11 =	vmul.f32 v12, v23;
	[tilespmem:s10+$0x0] =	vst v10  }
0xb4: {  	v10 =	vmul.f32 v14, v23;
	[tilespmem:s10+$0x10] =	vst v9  }
0xb5: {  	v9 =	vmul.f32 v15, v22;
	[tilespmem:s10+$0x20] =	vst v11  }
0xb6: {  	v11 =	vmul.f32 v16, v22;
	[tilespmem:s10+$0x30] =	vst v10  }
0xb7: {  	v10 =	vmul.f32 v17, v18;
	[tilespmem:s10+$0x40] =	vst v9  }
0xb8: {  	v5 =	vmul.f32 v30, v5;
	[tilespmem:s10+$0x50] =	vst v11  }
0xb9: {  	v9 =	vmul.f32 v20, v18;
	[tilespmem:s10+$0x60] =	vst v10  }
0xba: {  	v11 =	vmul.f32 v21, v8;
	[tilespmem:s10+$0xF0] =	vst v5  }
0xbb: {  	v8 =	vmul.f32 v24, v8;
	[tilespmem:s10+$0x70] =	vst v9  }
0xbc: {  	v9 =	vmul.f32 v25, v7;
	[tilespmem:s10+$0x90] =	vst v11  }
0xbd: {  	v7 =	vmul.f32 v27, v7;
	[tilespmem:s10+$0xA0] =	vst v8  }
0xbe: {  	v8 =	vmul.f32 v28, v6;
	[tilespmem:s10+$0xB0] =	vst v9  }
0xbf: {  	v6 =	vmul.f32 v29, v6;
	[tilespmem:s10+$0xC0] =	vst v7  }
0xc0: {  	[tilespmem:s10+$0xD0] =	vst v8  }
0xc1: {  	s1 =	simm.s32 $0x169E0;
	p0 =	seq.s32 s26, $0x0;
	[tilespmem:s10+$0xE0] =	vst v6  }
0xc2: {  	[spmem:s14] =	stream.indirect.scatter.add.f32 [tilespmem:s1], [sflag:$0xD], $0x90, s20, s25, $0xb8;
	v63 =	vld [tilespmem:$0x0]  }
0xc3: {  	s10 =	smul.u32 $0xF0, s26;
	s1 =	simm.s32 @!p0 $0xF  }
0xc4: {  	s2 =	rddreg [dreg:$0x8];
	_ =	swait.ge @!p0 [sflag:s1], $0x2D00  }
0xc5: {  	s2 =	sadd.s32 s10, s2;
	[sflag:s1] =	ssyncset.done @!p0 $0x0  }
0xc6: {  	s13 =	sadd.s32 s7, s2;
	[sflag:s1] =	ssyncadd.s32 @!p0 $0xFFFFD300  }
0xc7: {  	s13 =	sshrl.u32 s13, $0x3;
	s1 =	rddreg [dreg:$0x1]  }
0xc8: {  	s12 =	simm.s32 $0x168A0;
	s1 =	sadd.s32 s1, s13;
	s13 =	sshrl.u32 s2, $0x3  }
0xc9: {  	[tilespmem:s12], [sflag:$0x3] =	stream.linear.gather [hbm4b:s1+s3], $0x50, $0x38;
	v63 =	vld [tilespmem:$0x0]  }
0xca: {  	s2 =	simm.s32 $0x16990;
	s1 =	sadd.s32 s8, s13  }
0xcb: {  	[tilespmem:s2], [sflag:$0x6] =	stream.linear.gather [hbm4b:s1+s3], $0x50, $0x38;
	v63 =	vld [tilespmem:$0x0]  }
0xcc: {  	_ =	swait.ge [sflag:s28], $0x2D00  }
0xcd: {  	[sflag:s28] =	ssyncset.done $0x0  }
0xce: {  	[sflag:s28] =	ssyncadd.s32 $0xFFFFD300  }
0xcf: {  	_ =	swait.ge [sflag:s11], $0x500  }
0xd0: {  	[sflag:s11] =	ssyncset.done $0x0  }
0xd1: {  	s16 =	simm.s32 $0x3;
	[sflag:s11] =	ssyncadd.s32 $0xFFFFFB00  }
0xd2: {  	_ =	swait.ge [sflag:s16], $0x50  }
0xd3: {  	[sflag:s16] =	ssyncset.done $0x0  }
0xd4: {  	s13 =	simm.s32 $0x6;
	[sflag:s16] =	ssyncadd.s32 $0xFFFFFFB0  }
0xd5: {  	_ =	swait.ge [sflag:s13], $0x50  }
0xd6: {  	[sflag:s13] =	ssyncset.done $0x0  }
0xd7: {  	[sflag:s13] =	ssyncadd.s32 $0xFFFFFFB0  }
0xd8: {  	[tilespmem:s29], [sflag:$0x9] =	stream.indirect.gather [hbm4b:s5+s25], $0x90, s12, s25, $0xb8;
	v63 =	vld [tilespmem:$0x0]  }
0xd9: {  	s1 =	simm.s32 $0x19910;
	s16 =	simm.s32 $0x1FAE0  }
0xda: {  	[tilespmem:s16], [sflag:$0xC] =	stream.indirect.gather [hbm4b:s6+s25], $0x10, s2, s25, $0xb8;
	v63 =	vld [tilespmem:$0x0]  }
0xdb: {  	s2 =	simm.s32 $0x1F610;
	v5 =	vld [tilespmem:s1+$0x0]  }
0xdc: {  	v6 =	vld [tilespmem:s2+$0x0]  }
0xdd: {  	v7 =	vld [tilespmem:s1+$0xFFFFFEE0]  }
0xde: {  	v8 =	vld [tilespmem:s2+$0xFFFFFFE0]  }
0xdf: {  	v9 =	vld [tilespmem:s1+$0xFFFFFF70]  }
0xe0: {  	v10 =	vld [tilespmem:s2+$0xFFFFFFF0]  }
0xe1: {  	v11 =	vld [tilespmem:s2+$0xFFFFFFD0]  }
0xe2: {  	v21 =	vld [tilespmem:s1+$0xFFFFFDD0];
	v5 =	vadd.f32 v6, v5  }
0xe3: {  	v24 =	vld [tilespmem:s1+$0xFFFFFDE0]  }
0xe4: {  	v6 =	vld [tilespmem:s1+$0xFFFFFE50];
	v12 =	vmul.f32 $2.000000030e-01, v5  }
0xe5: {  	v25 =	vld [tilespmem:s1+$0xFFFFFDF0];
	v7 =	vadd.f32 v8, v7;
	vm1 =	vgt.f32 v5, $0.0e+00  }
0xe6: {  	v27 =	vld [tilespmem:s1+$0xFFFFFE00];
	v8 =	vadd.f32 v10, v9;
	v5 =	vsel vm1, v5, v12  }
0xe7: {  	v28 =	vld [tilespmem:s1+$0xFFFFFE10];
	v9 =	vmul.f32 $2.000000030e-01, v7;
	v5 =	vmul.f32 $1.442695020e+00, v5  }
0xe8: {  	v29 =	vld [tilespmem:s1+$0xFFFFFE20];
	v10 =	vmul.f32 $2.000000030e-01, v8;
	vm1 =	vgt.f32 v7, $0.0e+00  }
0xe9: {  	v30 =	vld [tilespmem:s1+$0xFFFFFE30];
	v6 =	vadd.f32 v11, v6;
	(erf) = vpow2.f32 v5;
	v5 =	vsel vm1, v7, v9  }
0xea: {  	v31 =	vld [tilespmem:s1+$0xFFFFFE40];
	vm2 =	vgt.f32 v8, $0.0e+00;
	v5 =	vmul.f32 $1.442695020e+00, v5  }
0xeb: {  	v32 =	vld [tilespmem:s1+$0xFFFFFE60];
	v8 =	vsel vm2, v8, v10;
	v7 =	vmul.f32 $2.000000030e-01, v6  }
0xec: {  	v52 =	vld [tilespmem:s1+$0xFFFFFE70];
	v8 =	vmul.f32 $1.442695020e+00, v8;
	vm1 =	vgt.f32 v6, $0.0e+00;
	(erf) = vpow2.f32 v5  }
0xed: {  	v53 =	vld [tilespmem:s1+$0xFFFFFE80];
	v6 =	vsel vm1, v6, v7  }
0xee: {  	v40 =	vld [tilespmem:s1+$0xFFFFFE90];
	v5 =	vmul.f32 $1.442695020e+00, v6;
	(erf) = vpow2.f32 v8  }
0xef: {  	v41 =	vld [tilespmem:s1+$0xFFFFFEA0]  }
0xf0: {  	v12 =	vld [tilespmem:s1+$0xFFFFFFF0];
	(erf) = vpow2.f32 v5  }
0xf1: {  	v42 =	vld [tilespmem:s1+$0xFFFFFEB0]  }
0xf2: {  	v14 =	vld [tilespmem:s1+$0xFFFFFF20];
	v16 =	vpop (erf)  }
0xf3: {  	v13 =	vld [tilespmem:s1+$0xFFFFFED0];
	v5 =	vperm.xlane v16, v3  }
0xf4: {  	v10 =	vld [tilespmem:s1+$0xFFFFFEF0];
	v8 =	vperm.xlane v16, v0;
	v7 =	vperm.xlane v16, v1  }
0xf5: {  	v11 =	vld [tilespmem:s1+$0xFFFFFF00];
	v6 =	vperm.xlane v16, v2;
	v18 =	vpop (erf);
	v20 =	vmul.f32 v12, v5  }
0xf6: {  	v9 =	vld [tilespmem:s1+$0xFFFFFEC0];
	v43 =	vperm.xlane v18, v0;
	v44 =	vperm.xlane v18, v1  }
0xf7: {  	v17 =	vnsel vm0, $0x0, v16;
	v16 =	vld [tilespmem:s1+$0xFFFFFF40];
	v54 =	vpop (erf);
	v45 =	vperm.xlane v18, v2;
	v19 =	vperm.xlane v18, v3  }
0xf8: {  	[tilespmem:s1+$0x0] =	vst v17;
	v17 =	vld [tilespmem:s1+$0xFFFFFF50];
	v26 =	vperm.xlane v54, v0;
	v23 =	vperm.xlane v54, v1  }
0xf9: {  	v12 =	vld [tilespmem:s1+$0xFFFFFF10];
	v47 =	vnsel vm0, $0x0, v18;
	v55 =	vpop (erf);
	v22 =	vperm.xlane v54, v2;
	v18 =	vperm.xlane v54, v3  }
0xfa: {  	v15 =	vnsel vm0, $0x0, v54;
	[tilespmem:s1+$0xFFFFFFF0] =	vst v20;
	v20 =	vld [tilespmem:s1+$0xFFFFFF60];
	v56 =	vperm.xlane v55, v0;
	v57 =	vperm.xlane v55, v1  }
0xfb: {  	[tilespmem:s1+$0xFFFFFF70] =	vst v15;
	v15 =	vld [tilespmem:s1+$0xFFFFFF30];
	v58 =	vperm.xlane v55, v2;
	v46 =	vperm.xlane v55, v3  }
0xfc: {  	[tilespmem:s1+$0xFFFFFEE0] =	vst v47;
	v59 =	vnsel vm0, $0x0, v55;
	v34 =	vmul.f32 v52, v43;
	v60 =	vmul.f32 v21, v56;
	v21 =	vld [tilespmem:s1+$0xFFFFFF80]  }
0xfd: {  	v35 =	vmul.f32 v53, v44;
	[tilespmem:s1+$0xFFFFFE50] =	vst v59;
	v37 =	vmul.f32 v24, v56;
	v24 =	vld [tilespmem:s1+$0xFFFFFF90]  }
0xfe: {  	v33 =	vmul.f32 v41, v45;
	v61 =	vmul.f32 v25, v57;
	v25 =	vld [tilespmem:s1+$0xFFFFFFA0];
	[tilespmem:s1+$0xFFFFFDD0] =	vst v60  }
0xff: {  	v62 =	vmul.f32 v27, v57;
	v48 =	vmul.f32 v28, v58;
	v27 =	vld [tilespmem:s1+$0xFFFFFFB0];
	[tilespmem:s1+$0xFFFFFDE0] =	vst v37  }
0x100: {  	v39 =	vmul.f32 v29, v58;
	v38 =	vmul.f32 v30, v46;
	v28 =	vld [tilespmem:s1+$0xFFFFFFC0];
	[tilespmem:s1+$0xFFFFFDF0] =	vst v61  }
0x101: {  	v36 =	vmul.f32 v31, v46;
	v29 =	vld [tilespmem:s1+$0xFFFFFFD0];
	v31 =	vmul.f32 v42, v45;
	[tilespmem:s1+$0xFFFFFE00] =	vst v62  }
0x102: {  	s13 =	simm.s32 $0x19B50;
	s16 =	simm.s32 $0x0;
	v30 =	vld [tilespmem:s1+$0xFFFFFFE0];
	v37 =	vmul.f32 v32, v43;
	v32 =	vmul.f32 v40, v44;
	[tilespmem:s1+$0xFFFFFE10] =	vst v48  }
.LBB2_9:
0x103: {  	v40 =	vld [tilespmem:s13+$0x0];
	[tilespmem:s1+$0xFFFFFE20] =	vst v39;
	v9 =	vmul.f32 v9, v19;
	v13 =	vmul.f32 v13, v19;
	s2 =	sadd.s32 $0x40, s2  }
0x104: {  	s16 =	sadd.s32 $0x4, s16;
	v10 =	vmul.f32 v10, v26;
	v11 =	vmul.f32 v11, v26;
	v19 =	vld [tilespmem:s2+$0x0];
	[tilespmem:s1+$0xFFFFFE30] =	vst v38  }
0x105: {  	v12 =	vmul.f32 v12, v23;
	v14 =	vmul.f32 v14, v23;
	p0 =	slt.u32 s16, $0x4C;
	v26 =	vld [tilespmem:s2+$0xFFFFFFD0];
	[tilespmem:s1+$0xFFFFFE40] =	vst v36  }
0x106: {  	v15 =	vmul.f32 v15, v22;
	v16 =	vmul.f32 v16, v22;
	v23 =	vld [tilespmem:s13+$0xFFFFFEE0];
	[tilespmem:s1+$0xFFFFFE60] =	vst v37  }
0x107: {  	v17 =	vmul.f32 v17, v18;
	v18 =	vmul.f32 v20, v18;
	v22 =	vld [tilespmem:s2+$0xFFFFFFE0];
	[tilespmem:s1+$0xFFFFFE70] =	vst v34  }
0x108: {  	v21 =	vmul.f32 v21, v8;
	v8 =	vmul.f32 v24, v8;
	v20 =	vld [tilespmem:s13+$0xFFFFFF70];
	[tilespmem:s1+$0xFFFFFE80] =	vst v35  }
0x109: {  	v25 =	vmul.f32 v25, v7;
	v7 =	vmul.f32 v27, v7;
	v24 =	vld [tilespmem:s2+$0xFFFFFFF0];
	v19 =	vadd.f32 v19, v40;
	[tilespmem:s1+$0xFFFFFE90] =	vst v32  }
0x10a: {  	v28 =	vmul.f32 v28, v6;
	v29 =	vmul.f32 v29, v6;
	v27 =	vld [tilespmem:s13+$0xFFFFFE50];
	[tilespmem:s1+$0xFFFFFEA0] =	vst v33  }
0x10b: {  	v30 =	vmul.f32 v30, v5;
	v32 =	vld [tilespmem:s13+$0xFFFFFDD0];
	v6 =	vmul.f32 $2.000000030e-01, v19;
	[tilespmem:s1+$0xFFFFFEB0] =	vst v31  }
0x10c: {  	vm1 =	vgt.f32 v19, $0.0e+00;
	v31 =	vld [tilespmem:s13+$0xFFFFFDE0];
	v5 =	vadd.f32 v22, v23;
	[tilespmem:s1+$0xFFFFFEC0] =	vst v9  }
0x10d: {  	v33 =	vld [tilespmem:s13+$0xFFFFFDF0];
	v6 =	vsel vm1, v19, v6;
	[tilespmem:s1+$0xFFFFFED0] =	vst v13  }
0x10e: {  	v34 =	vld [tilespmem:s13+$0xFFFFFE00];
	v9 =	vmul.f32 $2.000000030e-01, v5;
	v13 =	vadd.f32 v24, v20;
	v6 =	vmul.f32 $1.442695020e+00, v6;
	[tilespmem:s1+$0xFFFFFEF0] =	vst v10  }
0x10f: {  	vm1 =	vgt.f32 v5, $0.0e+00;
	v10 =	vadd.f32 v26, v27;
	v27 =	vld [tilespmem:s13+$0xFFFFFE10];
	[tilespmem:s1+$0xFFFFFF00] =	vst v11  }
0x110: {  	v35 =	vld [tilespmem:s13+$0xFFFFFE20];
	vm2 =	vgt.f32 v13, $0.0e+00;
	v11 =	vmul.f32 $2.000000030e-01, v13;
	(erf) = vpow2.f32 v6;
	[tilespmem:s1+$0xFFFFFF10] =	vst v12  }
0x111: {  	v5 =	vsel vm1, v5, v9;
	vm3 =	vgt.f32 v10, $0.0e+00;
	v6 =	vmul.f32 $2.000000030e-01, v10;
	v36 =	vld [tilespmem:s13+$0xFFFFFE30];
	[tilespmem:s1+$0xFFFFFF20] =	vst v14  }
0x112: {  	v5 =	vmul.f32 $1.442695020e+00, v5;
	v37 =	vld [tilespmem:s13+$0xFFFFFE40];
	v9 =	vsel vm2, v13, v11;
	[tilespmem:s1+$0xFFFFFF30] =	vst v15  }
0x113: {  	v6 =	vsel vm3, v10, v6;
	v40 =	vld [tilespmem:s13+$0xFFFFFE60];
	v9 =	vmul.f32 $1.442695020e+00, v9;
	[tilespmem:s1+$0xFFFFFF40] =	vst v16  }
0x114: {  	v6 =	vmul.f32 $1.442695020e+00, v6;
	v41 =	vld [tilespmem:s13+$0xFFFFFE70];
	(erf) = vpow2.f32 v5;
	[tilespmem:s1+$0xFFFFFF50] =	vst v17  }
0x115: {  	v42 =	vld [tilespmem:s13+$0xFFFFFE80];
	(erf) = vpow2.f32 v9;
	[tilespmem:s1+$0xFFFFFF60] =	vst v18  }
0x116: {  	v43 =	vld [tilespmem:s13+$0xFFFFFE90];
	(erf) = vpow2.f32 v6;
	[tilespmem:s1+$0xFFFFFF80] =	vst v21  }
0x117: {  	v11 =	vld [tilespmem:s13+$0xFFFFFFF0];
	[tilespmem:s1+$0xFFFFFF90] =	vst v8  }
0x118: {  	v44 =	vld [tilespmem:s13+$0xFFFFFEA0];
	[tilespmem:s1+$0xFFFFFFA0] =	vst v25  }
0x119: {  	v45 =	vld [tilespmem:s13+$0xFFFFFEB0];
	v6 =	vpop (erf);
	[tilespmem:s1+$0xFFFFFFB0] =	vst v7  }
0x11a: {  	v9 =	vld [tilespmem:s13+$0xFFFFFEC0];
	v12 =	vnsel vm0, $0x0, v6;
	v8 =	vperm.xlane v6, v0;
	v5 =	vperm.xlane v6, v3;
	[tilespmem:s1+$0xFFFFFFC0] =	vst v28  }
0x11b: {  	v7 =	vperm.xlane v6, v1;
	v6 =	vperm.xlane v6, v2;
	v13 =	vld [tilespmem:s13+$0xFFFFFED0];
	[tilespmem:s1+$0xFFFFFFD0] =	vst v29  }
0x11c: {  	v10 =	vld [tilespmem:s13+$0xFFFFFEF0];
	v14 =	vmul.f32 v11, v5;
	[tilespmem:s1+$0xFFFFFFE0] =	vst v30;
	s1 =	smov.u32 s13  }
0x11d: {  	v11 =	vld [tilespmem:s13+$0xFFFFFF00];
	[tilespmem:s13+$0x0] =	vst v12;
	v15 =	vpop (erf)  }
0x11e: {  	v17 =	vnsel vm0, $0x0, v15;
	v28 =	vperm.xlane v15, v0;
	v29 =	vperm.xlane v15, v1;
	v12 =	vld [tilespmem:s13+$0xFFFFFF10];
	[tilespmem:s13+$0xFFFFFFF0] =	vst v14;
	v18 =	vpop (erf)  }
0x11f: {  	v30 =	vperm.xlane v15, v2;
	v19 =	vperm.xlane v15, v3;
	[tilespmem:s13+$0xFFFFFEE0] =	vst v17;
	v15 =	vnsel vm0, $0x0, v18;
	v14 =	vld [tilespmem:s13+$0xFFFFFF20];
	v16 =	vpop (erf)  }
0x120: {  	v17 =	vnsel vm0, $0x0, v16;
	v21 =	vperm.xlane v16, v0;
	v24 =	vperm.xlane v16, v1;
	[tilespmem:s13+$0xFFFFFF70] =	vst v15;
	v15 =	vld [tilespmem:s13+$0xFFFFFF30]  }
0x121: {  	v25 =	vperm.xlane v16, v2;
	v46 =	vperm.xlane v16, v3;
	[tilespmem:s13+$0xFFFFFE50] =	vst v17;
	v16 =	vld [tilespmem:s13+$0xFFFFFF40]  }
0x122: {  	v26 =	vperm.xlane v18, v0;
	v23 =	vperm.xlane v18, v1;
	v17 =	vld [tilespmem:s13+$0xFFFFFF50]  }
0x123: {  	v22 =	vperm.xlane v18, v2;
	v18 =	vperm.xlane v18, v3;
	v20 =	vld [tilespmem:s13+$0xFFFFFF60]  }
0x124: {  	v32 =	vmul.f32 v32, v21;
	v31 =	vmul.f32 v31, v21;
	v21 =	vld [tilespmem:s13+$0xFFFFFF80]  }
0x125: {  	v33 =	vmul.f32 v33, v24;
	v47 =	vmul.f32 v34, v24;
	v24 =	vld [tilespmem:s13+$0xFFFFFF90]  }
.Ltmp3:
0x126: {  	v48 =	vmul.f32 v27, v25;
	v39 =	vmul.f32 v35, v25;
	[tilespmem:s13+$0xFFFFFDD0] =	vst v32;
	v25 =	vld [tilespmem:s13+$0xFFFFFFA0];
	(pc) =	sbr.rel @p0 .LBB2_9-.Ltmp3, $4  }
0x127: {  	v38 =	vmul.f32 v36, v46;
	v36 =	vmul.f32 v37, v46;
	[tilespmem:s13+$0xFFFFFDE0] =	vst v31;
	v27 =	vld [tilespmem:s13+$0xFFFFFFB0]  }
0x128: {  	v37 =	vmul.f32 v40, v28;
	v34 =	vmul.f32 v41, v28;
	[tilespmem:s13+$0xFFFFFDF0] =	vst v33;
	v28 =	vld [tilespmem:s13+$0xFFFFFFC0]  }
0x129: {  	v35 =	vmul.f32 v42, v29;
	v32 =	vmul.f32 v43, v29;
	[tilespmem:s13+$0xFFFFFE00] =	vst v47;
	v29 =	vld [tilespmem:s13+$0xFFFFFFD0]  }
0x12a: {  	v31 =	vmul.f32 v45, v30;
	v33 =	vmul.f32 v44, v30;
	s13 =	sadd.s32 $0x240, s13;
	[tilespmem:s1+$0xFFFFFE10] =	vst v48;
	v30 =	vld [tilespmem:s1+$0xFFFFFFE0]  }
0x12b: {  	[tilespmem:s1+$0xFFFFFE20] =	vst v39  }
0x12c: {  	[tilespmem:s1+$0xFFFFFE30] =	vst v38  }
0x12d: {  	[tilespmem:s1+$0xFFFFFE40] =	vst v36  }
0x12e: {  	[tilespmem:s1+$0xFFFFFE60] =	vst v37  }
0x12f: {  	[tilespmem:s1+$0xFFFFFE70] =	vst v34  }
0x130: {  	[tilespmem:s1+$0xFFFFFE80] =	vst v35  }
0x131: {  	[tilespmem:s1+$0xFFFFFE90] =	vst v32  }
0x132: {  	v9 =	vmul.f32 v9, v19;
	[tilespmem:s1+$0xFFFFFEA0] =	vst v33  }
0x133: {  	v13 =	vmul.f32 v13, v19;
	[tilespmem:s1+$0xFFFFFEB0] =	vst v31  }
0x134: {  	v10 =	vmul.f32 v10, v26;
	[tilespmem:s1+$0xFFFFFEC0] =	vst v9  }
0x135: {  	v9 =	vmul.f32 v11, v26;
	[tilespmem:s1+$0xFFFFFED0] =	vst v13  }
0x136: {  	v11 =	vmul.f32 v12, v23;
	[tilespmem:s1+$0xFFFFFEF0] =	vst v10  }
0x137: {  	v10 =	vmul.f32 v14, v23;
	[tilespmem:s1+$0xFFFFFF00] =	vst v9  }
0x138: {  	v9 =	vmul.f32 v15, v22;
	[tilespmem:s1+$0xFFFFFF10] =	vst v11  }
0x139: {  	v11 =	vmul.f32 v16, v22;
	[tilespmem:s1+$0xFFFFFF20] =	vst v10  }
0x13a: {  	v10 =	vmul.f32 v17, v18;
	[tilespmem:s1+$0xFFFFFF30] =	vst v9  }
0x13b: {  	v5 =	vmul.f32 v30, v5;
	[tilespmem:s1+$0xFFFFFF40] =	vst v11  }
0x13c: {  	v9 =	vmul.f32 v20, v18;
	[tilespmem:s1+$0xFFFFFF50] =	vst v10  }
0x13d: {  	v11 =	vmul.f32 v21, v8;
	[tilespmem:s1+$0xFFFFFFE0] =	vst v5  }
0x13e: {  	v8 =	vmul.f32 v24, v8;
	[tilespmem:s1+$0xFFFFFF60] =	vst v9  }
0x13f: {  	v9 =	vmul.f32 v25, v7;
	[tilespmem:s1+$0xFFFFFF80] =	vst v11  }
0x140: {  	v7 =	vmul.f32 v27, v7;
	[tilespmem:s1+$0xFFFFFF90] =	vst v8  }
0x141: {  	v8 =	vmul.f32 v28, v6;
	[tilespmem:s1+$0xFFFFFFA0] =	vst v9  }
0x142: {  	v6 =	vmul.f32 v29, v6;
	[tilespmem:s1+$0xFFFFFFB0] =	vst v7  }
0x143: {  	[tilespmem:s1+$0xFFFFFFC0] =	vst v8  }
0x144: {  	s16 =	simm.s32 $0x196E0;
	[tilespmem:s1+$0xFFFFFFD0] =	vst v6  }
0x145: {  	[spmem:s14] =	stream.indirect.scatter.add.f32 [tilespmem:s16], [sflag:$0xE], $0x90, s22, s25, $0xb8;
	v63 =	vld [tilespmem:$0x0]  }
0x146: {  	s2 =	rddreg [dreg:$0x9];
	_ =	swait.ge [sflag:s15], $0x2D00  }
0x147: {  	s1 =	sadd.s32 s10, s2;
	[sflag:s15] =	ssyncset.done $0x0  }
0x148: {  	s2 =	sadd.s32 s7, s1;
	[sflag:s15] =	ssyncadd.s32 $0xFFFFD300  }
0x149: {  	s2 =	sshrl.u32 s2, $0x3;
	s13 =	rddreg [dreg:$0x1]  }
0x14a: {  	s1 =	sshrl.u32 s1, $0x3;
	s2 =	sadd.s32 s13, s2;
	s13 =	simm.s32 $0x16800  }
0x14b: {  	[tilespmem:s13], [sflag:$0x1] =	stream.linear.gather [hbm4b:s2+s3], $0x50, $0x38;
	v63 =	vld [tilespmem:$0x0]  }
0x14c: {  	s12 =	simm.s32 $0x9;
	s1 =	sadd.s32 s8, s1  }
0x14d: {  	[tilespmem:s20], [sflag:$0x4] =	stream.linear.gather [hbm4b:s1+s3], $0x50, $0x38;
	v63 =	vld [tilespmem:$0x0]  }
0x14e: {  	_ =	swait.ge [sflag:s12], $0x2D00  }
0x14f: {  	[sflag:s12] =	ssyncset.done $0x0  }
0x150: {  	s16 =	simm.s32 $0xC;
	[sflag:s12] =	ssyncadd.s32 $0xFFFFD300  }
0x151: {  	_ =	swait.ge [sflag:s16], $0x500  }
0x152: {  	[sflag:s16] =	ssyncset.done $0x0  }
0x153: {  	[sflag:s16] =	ssyncadd.s32 $0xFFFFFB00  }
0x154: {  	_ =	swait.ge [sflag:s23], $0x50  }
0x155: {  	[sflag:s23] =	ssyncset.done $0x0  }
0x156: {  	[sflag:s23] =	ssyncadd.s32 $0xFFFFFFB0  }
0x157: {  	_ =	swait.ge [sflag:s24], $0x50  }
0x158: {  	[sflag:s24] =	ssyncset.done $0x0  }
0x159: {  	s2 =	simm.s32 $0x169E0;
	[sflag:s24] =	ssyncadd.s32 $0xFFFFFFB0  }
0x15a: {  	[tilespmem:s2], [sflag:$0x7] =	stream.indirect.gather [hbm4b:s5+s25], $0x90, s13, s25, $0xb8;
	v63 =	vld [tilespmem:$0x0]  }
0x15b: {  	s1 =	simm.s32 $0x1C610;
	s16 =	simm.s32 $0x1F0E0  }
0x15c: {  	[tilespmem:s16], [sflag:$0xA] =	stream.indirect.gather [hbm4b:s6+s25], $0x10, s20, s25, $0xb8;
	v63 =	vld [tilespmem:$0x0]  }
0x15d: {  	s2 =	simm.s32 $0x1FB10;
	v5 =	vld [tilespmem:s1+$0x0]  }
0x15e: {  	v6 =	vld [tilespmem:s2+$0x0]  }
0x15f: {  	v7 =	vld [tilespmem:s1+$0xFFFFFEE0]  }
0x160: {  	v8 =	vld [tilespmem:s2+$0xFFFFFFE0]  }
0x161: {  	v9 =	vld [tilespmem:s1+$0xFFFFFF70]  }
0x162: {  	v10 =	vld [tilespmem:s2+$0xFFFFFFF0]  }
0x163: {  	v11 =	vld [tilespmem:s2+$0xFFFFFFD0]  }
0x164: {  	v21 =	vld [tilespmem:s1+$0xFFFFFDD0];
	v5 =	vadd.f32 v6, v5  }
0x165: {  	v24 =	vld [tilespmem:s1+$0xFFFFFDE0]  }
0x166: {  	v6 =	vld [tilespmem:s1+$0xFFFFFE50];
	v12 =	vmul.f32 $2.000000030e-01, v5  }
0x167: {  	v25 =	vld [tilespmem:s1+$0xFFFFFDF0];
	v7 =	vadd.f32 v8, v7;
	vm1 =	vgt.f32 v5, $0.0e+00  }
0x168: {  	v27 =	vld [tilespmem:s1+$0xFFFFFE00];
	v8 =	vadd.f32 v10, v9;
	v5 =	vsel vm1, v5, v12  }
0x169: {  	v28 =	vld [tilespmem:s1+$0xFFFFFE10];
	v9 =	vmul.f32 $2.000000030e-01, v7;
	v5 =	vmul.f32 $1.442695020e+00, v5  }
0x16a: {  	v29 =	vld [tilespmem:s1+$0xFFFFFE20];
	v10 =	vmul.f32 $2.000000030e-01, v8;
	vm1 =	vgt.f32 v7, $0.0e+00  }
0x16b: {  	v30 =	vld [tilespmem:s1+$0xFFFFFE30];
	v6 =	vadd.f32 v11, v6;
	(erf) = vpow2.f32 v5;
	v5 =	vsel vm1, v7, v9  }
0x16c: {  	v31 =	vld [tilespmem:s1+$0xFFFFFE40];
	vm2 =	vgt.f32 v8, $0.0e+00;
	v5 =	vmul.f32 $1.442695020e+00, v5  }
0x16d: {  	v32 =	vld [tilespmem:s1+$0xFFFFFE60];
	v8 =	vsel vm2, v8, v10;
	v7 =	vmul.f32 $2.000000030e-01, v6  }
0x16e: {  	v52 =	vld [tilespmem:s1+$0xFFFFFE70];
	v8 =	vmul.f32 $1.442695020e+00, v8;
	vm1 =	vgt.f32 v6, $0.0e+00;
	(erf) = vpow2.f32 v5  }
0x16f: {  	v53 =	vld [tilespmem:s1+$0xFFFFFE80];
	v6 =	vsel vm1, v6, v7  }
0x170: {  	v40 =	vld [tilespmem:s1+$0xFFFFFE90];
	v5 =	vmul.f32 $1.442695020e+00, v6;
	(erf) = vpow2.f32 v8  }
0x171: {  	v41 =	vld [tilespmem:s1+$0xFFFFFEA0]  }
0x172: {  	v12 =	vld [tilespmem:s1+$0xFFFFFFF0];
	(erf) = vpow2.f32 v5  }
0x173: {  	v42 =	vld [tilespmem:s1+$0xFFFFFEB0]  }
0x174: {  	v14 =	vld [tilespmem:s1+$0xFFFFFF20];
	v16 =	vpop (erf)  }
0x175: {  	v13 =	vld [tilespmem:s1+$0xFFFFFED0];
	v5 =	vperm.xlane v16, v3  }
0x176: {  	v10 =	vld [tilespmem:s1+$0xFFFFFEF0];
	v8 =	vperm.xlane v16, v0;
	v7 =	vperm.xlane v16, v1  }
0x177: {  	v11 =	vld [tilespmem:s1+$0xFFFFFF00];
	v6 =	vperm.xlane v16, v2;
	v18 =	vpop (erf);
	v20 =	vmul.f32 v12, v5  }
0x178: {  	v9 =	vld [tilespmem:s1+$0xFFFFFEC0];
	v43 =	vperm.xlane v18, v0;
	v44 =	vperm.xlane v18, v1  }
0x179: {  	v17 =	vnsel vm0, $0x0, v16;
	v16 =	vld [tilespmem:s1+$0xFFFFFF40];
	v54 =	vpop (erf);
	v45 =	vperm.xlane v18, v2;
	v19 =	vperm.xlane v18, v3  }
0x17a: {  	[tilespmem:s1+$0x0] =	vst v17;
	v17 =	vld [tilespmem:s1+$0xFFFFFF50];
	v26 =	vperm.xlane v54, v0;
	v23 =	vperm.xlane v54, v1  }
0x17b: {  	v12 =	vld [tilespmem:s1+$0xFFFFFF10];
	v47 =	vnsel vm0, $0x0, v18;
	v55 =	vpop (erf);
	v22 =	vperm.xlane v54, v2;
	v18 =	vperm.xlane v54, v3  }
0x17c: {  	v15 =	vnsel vm0, $0x0, v54;
	[tilespmem:s1+$0xFFFFFFF0] =	vst v20;
	v20 =	vld [tilespmem:s1+$0xFFFFFF60];
	v56 =	vperm.xlane v55, v0;
	v57 =	vperm.xlane v55, v1  }
0x17d: {  	[tilespmem:s1+$0xFFFFFF70] =	vst v15;
	v15 =	vld [tilespmem:s1+$0xFFFFFF30];
	v58 =	vperm.xlane v55, v2;
	v46 =	vperm.xlane v55, v3  }
0x17e: {  	[tilespmem:s1+$0xFFFFFEE0] =	vst v47;
	v59 =	vnsel vm0, $0x0, v55;
	v34 =	vmul.f32 v52, v43;
	v60 =	vmul.f32 v21, v56;
	v21 =	vld [tilespmem:s1+$0xFFFFFF80]  }
0x17f: {  	v35 =	vmul.f32 v53, v44;
	[tilespmem:s1+$0xFFFFFE50] =	vst v59;
	v37 =	vmul.f32 v24, v56;
	v24 =	vld [tilespmem:s1+$0xFFFFFF90]  }
0x180: {  	v33 =	vmul.f32 v41, v45;
	v61 =	vmul.f32 v25, v57;
	v25 =	vld [tilespmem:s1+$0xFFFFFFA0];
	[tilespmem:s1+$0xFFFFFDD0] =	vst v60  }
0x181: {  	v62 =	vmul.f32 v27, v57;
	v48 =	vmul.f32 v28, v58;
	v27 =	vld [tilespmem:s1+$0xFFFFFFB0];
	[tilespmem:s1+$0xFFFFFDE0] =	vst v37  }
0x182: {  	v39 =	vmul.f32 v29, v58;
	v38 =	vmul.f32 v30, v46;
	v28 =	vld [tilespmem:s1+$0xFFFFFFC0];
	[tilespmem:s1+$0xFFFFFDF0] =	vst v61  }
0x183: {  	v36 =	vmul.f32 v31, v46;
	v29 =	vld [tilespmem:s1+$0xFFFFFFD0];
	v31 =	vmul.f32 v42, v45;
	[tilespmem:s1+$0xFFFFFE00] =	vst v62  }
0x184: {  	s12 =	simm.s32 $0x16800;
	s13 =	simm.s32 $0x1C850;
	s16 =	simm.s32 $0x0;
	v30 =	vld [tilespmem:s1+$0xFFFFFFE0];
	v37 =	vmul.f32 v32, v43;
	v32 =	vmul.f32 v40, v44;
	[tilespmem:s1+$0xFFFFFE10] =	vst v48  }
.LBB2_11:
0x185: {  	v40 =	vld [tilespmem:s13+$0x0];
	[tilespmem:s1+$0xFFFFFE20] =	vst v39;
	v9 =	vmul.f32 v9, v19;
	v13 =	vmul.f32 v13, v19;
	s2 =	sadd.s32 $0x40, s2  }
0x186: {  	s16 =	sadd.s32 $0x4, s16;
	v10 =	vmul.f32 v10, v26;
	v11 =	vmul.f32 v11, v26;
	v19 =	vld [tilespmem:s2+$0x0];
	[tilespmem:s1+$0xFFFFFE30] =	vst v38  }
0x187: {  	v12 =	vmul.f32 v12, v23;
	v14 =	vmul.f32 v14, v23;
	p0 =	slt.u32 s16, $0x4C;
	v26 =	vld [tilespmem:s2+$0xFFFFFFD0];
	[tilespmem:s1+$0xFFFFFE40] =	vst v36  }
0x188: {  	v15 =	vmul.f32 v15, v22;
	v16 =	vmul.f32 v16, v22;
	v23 =	vld [tilespmem:s13+$0xFFFFFEE0];
	[tilespmem:s1+$0xFFFFFE60] =	vst v37  }
0x189: {  	v17 =	vmul.f32 v17, v18;
	v18 =	vmul.f32 v20, v18;
	v22 =	vld [tilespmem:s2+$0xFFFFFFE0];
	[tilespmem:s1+$0xFFFFFE70] =	vst v34  }
0x18a: {  	v21 =	vmul.f32 v21, v8;
	v8 =	vmul.f32 v24, v8;
	v20 =	vld [tilespmem:s13+$0xFFFFFF70];
	[tilespmem:s1+$0xFFFFFE80] =	vst v35  }
0x18b: {  	v25 =	vmul.f32 v25, v7;
	v7 =	vmul.f32 v27, v7;
	v24 =	vld [tilespmem:s2+$0xFFFFFFF0];
	v19 =	vadd.f32 v19, v40;
	[tilespmem:s1+$0xFFFFFE90] =	vst v32  }
0x18c: {  	v28 =	vmul.f32 v28, v6;
	v29 =	vmul.f32 v29, v6;
	v27 =	vld [tilespmem:s13+$0xFFFFFE50];
	[tilespmem:s1+$0xFFFFFEA0] =	vst v33  }
0x18d: {  	v30 =	vmul.f32 v30, v5;
	v32 =	vld [tilespmem:s13+$0xFFFFFDD0];
	v6 =	vmul.f32 $2.000000030e-01, v19;
	[tilespmem:s1+$0xFFFFFEB0] =	vst v31  }
0x18e: {  	vm1 =	vgt.f32 v19, $0.0e+00;
	v31 =	vld [tilespmem:s13+$0xFFFFFDE0];
	v5 =	vadd.f32 v22, v23;
	[tilespmem:s1+$0xFFFFFEC0] =	vst v9  }
0x18f: {  	v33 =	vld [tilespmem:s13+$0xFFFFFDF0];
	v6 =	vsel vm1, v19, v6;
	[tilespmem:s1+$0xFFFFFED0] =	vst v13  }
0x190: {  	v34 =	vld [tilespmem:s13+$0xFFFFFE00];
	v9 =	vmul.f32 $2.000000030e-01, v5;
	v13 =	vadd.f32 v24, v20;
	v6 =	vmul.f32 $1.442695020e+00, v6;
	[tilespmem:s1+$0xFFFFFEF0] =	vst v10  }
0x191: {  	vm1 =	vgt.f32 v5, $0.0e+00;
	v10 =	vadd.f32 v26, v27;
	v27 =	vld [tilespmem:s13+$0xFFFFFE10];
	[tilespmem:s1+$0xFFFFFF00] =	vst v11  }
0x192: {  	v35 =	vld [tilespmem:s13+$0xFFFFFE20];
	vm2 =	vgt.f32 v13, $0.0e+00;
	v11 =	vmul.f32 $2.000000030e-01, v13;
	(erf) = vpow2.f32 v6;
	[tilespmem:s1+$0xFFFFFF10] =	vst v12  }
0x193: {  	v5 =	vsel vm1, v5, v9;
	vm3 =	vgt.f32 v10, $0.0e+00;
	v6 =	vmul.f32 $2.000000030e-01, v10;
	v36 =	vld [tilespmem:s13+$0xFFFFFE30];
	[tilespmem:s1+$0xFFFFFF20] =	vst v14  }
0x194: {  	v5 =	vmul.f32 $1.442695020e+00, v5;
	v37 =	vld [tilespmem:s13+$0xFFFFFE40];
	v9 =	vsel vm2, v13, v11;
	[tilespmem:s1+$0xFFFFFF30] =	vst v15  }
0x195: {  	v6 =	vsel vm3, v10, v6;
	v40 =	vld [tilespmem:s13+$0xFFFFFE60];
	v9 =	vmul.f32 $1.442695020e+00, v9;
	[tilespmem:s1+$0xFFFFFF40] =	vst v16  }
0x196: {  	v6 =	vmul.f32 $1.442695020e+00, v6;
	v41 =	vld [tilespmem:s13+$0xFFFFFE70];
	(erf) = vpow2.f32 v5;
	[tilespmem:s1+$0xFFFFFF50] =	vst v17  }
0x197: {  	v42 =	vld [tilespmem:s13+$0xFFFFFE80];
	(erf) = vpow2.f32 v9;
	[tilespmem:s1+$0xFFFFFF60] =	vst v18  }
0x198: {  	v43 =	vld [tilespmem:s13+$0xFFFFFE90];
	(erf) = vpow2.f32 v6;
	[tilespmem:s1+$0xFFFFFF80] =	vst v21  }
0x199: {  	v11 =	vld [tilespmem:s13+$0xFFFFFFF0];
	[tilespmem:s1+$0xFFFFFF90] =	vst v8  }
0x19a: {  	v44 =	vld [tilespmem:s13+$0xFFFFFEA0];
	[tilespmem:s1+$0xFFFFFFA0] =	vst v25  }
0x19b: {  	v45 =	vld [tilespmem:s13+$0xFFFFFEB0];
	v6 =	vpop (erf);
	[tilespmem:s1+$0xFFFFFFB0] =	vst v7  }
0x19c: {  	v9 =	vld [tilespmem:s13+$0xFFFFFEC0];
	v12 =	vnsel vm0, $0x0, v6;
	v8 =	vperm.xlane v6, v0;
	v5 =	vperm.xlane v6, v3;
	[tilespmem:s1+$0xFFFFFFC0] =	vst v28  }
0x19d: {  	v7 =	vperm.xlane v6, v1;
	v6 =	vperm.xlane v6, v2;
	v13 =	vld [tilespmem:s13+$0xFFFFFED0];
	[tilespmem:s1+$0xFFFFFFD0] =	vst v29  }
0x19e: {  	v10 =	vld [tilespmem:s13+$0xFFFFFEF0];
	v14 =	vmul.f32 v11, v5;
	[tilespmem:s1+$0xFFFFFFE0] =	vst v30;
	s1 =	smov.u32 s13  }
0x19f: {  	v11 =	vld [tilespmem:s13+$0xFFFFFF00];
	[tilespmem:s13+$0x0] =	vst v12;
	v15 =	vpop (erf)  }
0x1a0: {  	v17 =	vnsel vm0, $0x0, v15;
	v28 =	vperm.xlane v15, v0;
	v29 =	vperm.xlane v15, v1;
	v12 =	vld [tilespmem:s13+$0xFFFFFF10];
	[tilespmem:s13+$0xFFFFFFF0] =	vst v14;
	v18 =	vpop (erf)  }
0x1a1: {  	v30 =	vperm.xlane v15, v2;
	v19 =	vperm.xlane v15, v3;
	[tilespmem:s13+$0xFFFFFEE0] =	vst v17;
	v15 =	vnsel vm0, $0x0, v18;
	v14 =	vld [tilespmem:s13+$0xFFFFFF20];
	v16 =	vpop (erf)  }
0x1a2: {  	v17 =	vnsel vm0, $0x0, v16;
	v21 =	vperm.xlane v16, v0;
	v24 =	vperm.xlane v16, v1;
	[tilespmem:s13+$0xFFFFFF70] =	vst v15;
	v15 =	vld [tilespmem:s13+$0xFFFFFF30]  }
0x1a3: {  	v25 =	vperm.xlane v16, v2;
	v46 =	vperm.xlane v16, v3;
	[tilespmem:s13+$0xFFFFFE50] =	vst v17;
	v16 =	vld [tilespmem:s13+$0xFFFFFF40]  }
0x1a4: {  	v26 =	vperm.xlane v18, v0;
	v23 =	vperm.xlane v18, v1;
	v17 =	vld [tilespmem:s13+$0xFFFFFF50]  }
0x1a5: {  	v22 =	vperm.xlane v18, v2;
	v18 =	vperm.xlane v18, v3;
	v20 =	vld [tilespmem:s13+$0xFFFFFF60]  }
0x1a6: {  	v32 =	vmul.f32 v32, v21;
	v31 =	vmul.f32 v31, v21;
	v21 =	vld [tilespmem:s13+$0xFFFFFF80]  }
0x1a7: {  	v33 =	vmul.f32 v33, v24;
	v47 =	vmul.f32 v34, v24;
	v24 =	vld [tilespmem:s13+$0xFFFFFF90]  }
.Ltmp4:
0x1a8: {  	v48 =	vmul.f32 v27, v25;
	v39 =	vmul.f32 v35, v25;
	[tilespmem:s13+$0xFFFFFDD0] =	vst v32;
	v25 =	vld [tilespmem:s13+$0xFFFFFFA0];
	(pc) =	sbr.rel @p0 .LBB2_11-.Ltmp4, $4  }
0x1a9: {  	v38 =	vmul.f32 v36, v46;
	v36 =	vmul.f32 v37, v46;
	[tilespmem:s13+$0xFFFFFDE0] =	vst v31;
	v27 =	vld [tilespmem:s13+$0xFFFFFFB0]  }
0x1aa: {  	v37 =	vmul.f32 v40, v28;
	v34 =	vmul.f32 v41, v28;
	[tilespmem:s13+$0xFFFFFDF0] =	vst v33;
	v28 =	vld [tilespmem:s13+$0xFFFFFFC0]  }
0x1ab: {  	v35 =	vmul.f32 v42, v29;
	v32 =	vmul.f32 v43, v29;
	[tilespmem:s13+$0xFFFFFE00] =	vst v47;
	v29 =	vld [tilespmem:s13+$0xFFFFFFD0]  }
0x1ac: {  	v31 =	vmul.f32 v45, v30;
	v33 =	vmul.f32 v44, v30;
	s13 =	sadd.s32 $0x240, s13;
	[tilespmem:s1+$0xFFFFFE10] =	vst v48;
	v30 =	vld [tilespmem:s1+$0xFFFFFFE0]  }
0x1ad: {  	[tilespmem:s1+$0xFFFFFE20] =	vst v39  }
0x1ae: {  	[tilespmem:s1+$0xFFFFFE30] =	vst v38  }
0x1af: {  	[tilespmem:s1+$0xFFFFFE40] =	vst v36  }
0x1b0: {  	[tilespmem:s1+$0xFFFFFE60] =	vst v37  }
0x1b1: {  	[tilespmem:s1+$0xFFFFFE70] =	vst v34  }
0x1b2: {  	[tilespmem:s1+$0xFFFFFE80] =	vst v35  }
0x1b3: {  	[tilespmem:s1+$0xFFFFFE90] =	vst v32  }
0x1b4: {  	v9 =	vmul.f32 v9, v19;
	[tilespmem:s1+$0xFFFFFEA0] =	vst v33  }
0x1b5: {  	v13 =	vmul.f32 v13, v19;
	[tilespmem:s1+$0xFFFFFEB0] =	vst v31  }
0x1b6: {  	v10 =	vmul.f32 v10, v26;
	[tilespmem:s1+$0xFFFFFEC0] =	vst v9  }
0x1b7: {  	v52 =	vmul.f32 v11, v26;
	[tilespmem:s1+$0xFFFFFED0] =	vst v13  }
0x1b8: {  	v53 =	vmul.f32 v12, v23;
	[tilespmem:s1+$0xFFFFFEF0] =	vst v10  }
0x1b9: {  	v54 =	vmul.f32 v14, v23;
	[tilespmem:s1+$0xFFFFFF00] =	vst v52  }
0x1ba: {  	v55 =	vmul.f32 v15, v22;
	[tilespmem:s1+$0xFFFFFF10] =	vst v53  }
0x1bb: {  	v56 =	vmul.f32 v16, v22;
	[tilespmem:s1+$0xFFFFFF20] =	vst v54  }
0x1bc: {  	v57 =	vmul.f32 v17, v18;
	[tilespmem:s1+$0xFFFFFF30] =	vst v55  }
0x1bd: {  	v58 =	vmul.f32 v20, v18;
	[tilespmem:s1+$0xFFFFFF40] =	vst v56  }
0x1be: {  	v59 =	vmul.f32 v21, v8;
	[tilespmem:s1+$0xFFFFFF50] =	vst v57  }
0x1bf: {  	v60 =	vmul.f32 v24, v8;
	[tilespmem:s1+$0xFFFFFF60] =	vst v58  }
0x1c0: {  	v61 =	vmul.f32 v25, v7;
	[tilespmem:s1+$0xFFFFFF80] =	vst v59  }
0x1c1: {  	v7 =	vmul.f32 v27, v7;
	[tilespmem:s1+$0xFFFFFF90] =	vst v60  }
0x1c2: {  	v62 =	vmul.f32 v28, v6;
	[tilespmem:s1+$0xFFFFFFA0] =	vst v61  }
0x1c3: {  	v6 =	vmul.f32 v29, v6;
	[tilespmem:s1+$0xFFFFFFB0] =	vst v7  }
0x1c4: {  	v5 =	vmul.f32 v30, v5;
	[tilespmem:s1+$0xFFFFFFC0] =	vst v62  }
0x1c5: {  	[tilespmem:s1+$0xFFFFFFD0] =	vst v6  }
0x1c6: {  	[tilespmem:s1+$0xFFFFFFE0] =	vst v5  }
0x1c7: {  	[spmem:s14] =	stream.indirect.scatter.add.f32 [tilespmem:s29], [sflag:$0xF], $0x90, s19, s25, $0xb8;
	v63 =	vld [tilespmem:$0x0]  }
0x1c8: {  	s1 =	rddreg [dreg:$0xa];
	_ =	swait.ge [sflag:s21], $0x2D00  }
0x1c9: {  	s26 =	sadd.s32 $0x1, s26;
	s1 =	sadd.s32 s10, s1;
	[sflag:s21] =	ssyncset.done $0x0  }
0x1ca: {  	p0 =	sne.s32 s26, $0x29;
	s2 =	sadd.s32 s7, s1;
	[sflag:s21] =	ssyncadd.s32 $0xFFFFD300  }
.Ltmp5:
0x1cb: {  	s2 =	sshrl.u32 s2, $0x3;
	s16 =	rddreg [dreg:$0x1];
	(pc) =	sbr.rel @p0 .LBB2_6-.Ltmp5, $4  }
0x1cc: {  	s10 =	simm.s32 $0x16850;
	s1 =	sshrl.u32 s1, $0x3;
	s2 =	sadd.s32 s16, s2  }
0x1cd: {  	[tilespmem:s10], [sflag:$0x2] =	stream.linear.gather [hbm4b:s2+s3], $0x50, $0x38;
	v63 =	vld [tilespmem:$0x0]  }
0x1ce: {  	s1 =	sadd.s32 s8, s1  }
0x1cf: {  	[tilespmem:s22], [sflag:$0x5] =	stream.linear.gather [hbm4b:s1+s3], $0x50, $0x38;
	v63 =	vld [tilespmem:$0x0]  }
0x1d0: {  	_ =	swait.ge [sflag:s31], $0x2D00  }
0x1d1: {  	[sflag:s31] =	ssyncset.done $0x0  }
0x1d2: {  	[sflag:s31] =	ssyncadd.s32 $0xFFFFD300  }
0x1d3: {  	_ =	swait.ge [sflag:s0], $0x500  }
0x1d4: {  	[sflag:s0] =	ssyncset.done $0x0  }
0x1d5: {  	[sflag:s0] =	ssyncadd.s32 $0xFFFFFB00  }
0x1d6: {  	_ =	swait.ge [sflag:s4], $0x50  }
0x1d7: {  	[sflag:s4] =	ssyncset.done $0x0  }
0x1d8: {  	[sflag:s4] =	ssyncadd.s32 $0xFFFFFFB0  }
0x1d9: {  	_ =	swait.ge [sflag:s9], $0x50  }
0x1da: {  	[sflag:s9] =	ssyncset.done $0x0  }
0x1db: {  	s1 =	simm.s32 $0x196E0;
	[sflag:s9] =	ssyncadd.s32 $0xFFFFFFB0  }
0x1dc: {  	[tilespmem:s1], [sflag:$0x8] =	stream.indirect.gather [hbm4b:s5+s25], $0x90, s10, s25, $0xb8;
	v63 =	vld [tilespmem:$0x0]  }
0x1dd: {  	s26 =	simm.s32 $0x1F5E0;
	s1 =	simm.s32 $0x16B00  }
0x1de: {  	[tilespmem:s26], [sflag:$0xB] =	stream.indirect.gather [hbm4b:s6+s25], $0x10, s22, s25, $0xb8;
	v63 =	vld [tilespmem:$0x0]  }
0x1df: {  	s2 =	simm.s32 $0x1F100;
	v5 =	vld [tilespmem:s1+$0x110]  }
0x1e0: {  	v6 =	vld [tilespmem:s2+$0x10]  }
0x1e1: {  	v7 =	vld [tilespmem:s1+$0xFFFFFFF0]  }
0x1e2: {  	v8 =	vld [tilespmem:s2+$0xFFFFFFF0]  }
0x1e3: {  	v9 =	vld [tilespmem:s1+$0x80]  }
0x1e4: {  	v10 =	vld [tilespmem:s2+$0x0]  }
0x1e5: {  	v11 =	vld [tilespmem:s2+$0xFFFFFFE0]  }
0x1e6: {  	v21 =	vld [tilespmem:s1+$0xFFFFFEE0];
	v5 =	vadd.f32 v6, v5  }
0x1e7: {  	v24 =	vld [tilespmem:s1+$0xFFFFFEF0]  }
0x1e8: {  	v6 =	vld [tilespmem:s1+$0xFFFFFF60];
	v12 =	vmul.f32 $2.000000030e-01, v5  }
0x1e9: {  	v25 =	vld [tilespmem:s1+$0xFFFFFF00];
	v7 =	vadd.f32 v8, v7;
	vm1 =	vgt.f32 v5, $0.0e+00  }
0x1ea: {  	v27 =	vld [tilespmem:s1+$0xFFFFFF10];
	v8 =	vadd.f32 v10, v9;
	v5 =	vsel vm1, v5, v12  }
0x1eb: {  	v28 =	vld [tilespmem:s1+$0xFFFFFF20];
	v9 =	vmul.f32 $2.000000030e-01, v7;
	v5 =	vmul.f32 $1.442695020e+00, v5  }
0x1ec: {  	v29 =	vld [tilespmem:s1+$0xFFFFFF30];
	v10 =	vmul.f32 $2.000000030e-01, v8;
	vm1 =	vgt.f32 v7, $0.0e+00  }
0x1ed: {  	v30 =	vld [tilespmem:s1+$0xFFFFFF40];
	v6 =	vadd.f32 v11, v6;
	(erf) = vpow2.f32 v5;
	v5 =	vsel vm1, v7, v9  }
0x1ee: {  	v31 =	vld [tilespmem:s1+$0xFFFFFF50];
	vm2 =	vgt.f32 v8, $0.0e+00;
	v5 =	vmul.f32 $1.442695020e+00, v5  }
0x1ef: {  	v32 =	vld [tilespmem:s1+$0xFFFFFF70];
	v8 =	vsel vm2, v8, v10;
	v7 =	vmul.f32 $2.000000030e-01, v6  }
0x1f0: {  	v33 =	vld [tilespmem:s1+$0xFFFFFF80];
	v8 =	vmul.f32 $1.442695020e+00, v8;
	vm1 =	vgt.f32 v6, $0.0e+00;
	(erf) = vpow2.f32 v5  }
0x1f1: {  	v35 =	vld [tilespmem:s1+$0xFFFFFF90];
	v6 =	vsel vm1, v6, v7  }
0x1f2: {  	v40 =	vld [tilespmem:s1+$0xFFFFFFA0];
	v5 =	vmul.f32 $1.442695020e+00, v6;
	(erf) = vpow2.f32 v8  }
0x1f3: {  	v41 =	vld [tilespmem:s1+$0xFFFFFFB0]  }
0x1f4: {  	v12 =	vld [tilespmem:s1+$0x100];
	(erf) = vpow2.f32 v5  }
0x1f5: {  	v42 =	vld [tilespmem:s1+$0xFFFFFFC0]  }
0x1f6: {  	v14 =	vld [tilespmem:s1+$0x30];
	v16 =	vpop (erf)  }
0x1f7: {  	v13 =	vld [tilespmem:s1+$0xFFFFFFE0];
	v5 =	vperm.xlane v16, v3  }
0x1f8: {  	v10 =	vld [tilespmem:s1+$0x0];
	v8 =	vperm.xlane v16, v0;
	v7 =	vperm.xlane v16, v1  }
0x1f9: {  	v11 =	vld [tilespmem:s1+$0x10];
	v6 =	vperm.xlane v16, v2;
	v18 =	vpop (erf);
	v20 =	vmul.f32 v12, v5  }
0x1fa: {  	v9 =	vld [tilespmem:s1+$0xFFFFFFD0];
	v43 =	vperm.xlane v18, v0;
	v44 =	vperm.xlane v18, v1  }
0x1fb: {  	v17 =	vnsel vm0, $0x0, v16;
	v16 =	vld [tilespmem:s1+$0x50];
	v34 =	vpop (erf);
	v45 =	vperm.xlane v18, v2;
	v19 =	vperm.xlane v18, v3  }
0x1fc: {  	[tilespmem:s1+$0x110] =	vst v17;
	v17 =	vld [tilespmem:s1+$0x60];
	v26 =	vperm.xlane v34, v0;
	v23 =	vperm.xlane v34, v1  }
0x1fd: {  	v12 =	vld [tilespmem:s1+$0x20];
	v47 =	vnsel vm0, $0x0, v18;
	v36 =	vpop (erf);
	v22 =	vperm.xlane v34, v2;
	v18 =	vperm.xlane v34, v3  }
0x1fe: {  	v15 =	vnsel vm0, $0x0, v34;
	[tilespmem:s1+$0x100] =	vst v20;
	v20 =	vld [tilespmem:s1+$0x70];
	v37 =	vperm.xlane v36, v0;
	v38 =	vperm.xlane v36, v1  }
0x1ff: {  	[tilespmem:s1+$0x80] =	vst v15;
	v15 =	vld [tilespmem:s1+$0x40];
	v39 =	vperm.xlane v36, v2;
	v46 =	vperm.xlane v36, v3  }
0x200: {  	[tilespmem:s1+$0xFFFFFFF0] =	vst v47;
	v59 =	vnsel vm0, $0x0, v36;
	v34 =	vmul.f32 v33, v43;
	v60 =	vmul.f32 v21, v37;
	v21 =	vld [tilespmem:s1+$0x90]  }
0x201: {  	v35 =	vmul.f32 v35, v44;
	[tilespmem:s1+$0xFFFFFF60] =	vst v59;
	v37 =	vmul.f32 v24, v37;
	v24 =	vld [tilespmem:s1+$0xA0]  }
0x202: {  	v33 =	vmul.f32 v41, v45;
	v61 =	vmul.f32 v25, v38;
	v25 =	vld [tilespmem:s1+$0xB0];
	[tilespmem:s1+$0xFFFFFEE0] =	vst v60  }
0x203: {  	v62 =	vmul.f32 v27, v38;
	v48 =	vmul.f32 v28, v39;
	v27 =	vld [tilespmem:s1+$0xC0];
	[tilespmem:s1+$0xFFFFFEF0] =	vst v37  }
0x204: {  	v39 =	vmul.f32 v29, v39;
	v38 =	vmul.f32 v30, v46;
	v28 =	vld [tilespmem:s1+$0xD0];
	[tilespmem:s1+$0xFFFFFF00] =	vst v61  }
0x205: {  	v36 =	vmul.f32 v31, v46;
	v29 =	vld [tilespmem:s1+$0xE0];
	v31 =	vmul.f32 v42, v45;
	[tilespmem:s1+$0xFFFFFF10] =	vst v62  }
0x206: {  	s13 =	simm.s32 $0x16D40;
	s10 =	simm.s32 $0x0;
	v30 =	vld [tilespmem:s1+$0xF0];
	v37 =	vmul.f32 v32, v43;
	v32 =	vmul.f32 v40, v44;
	[tilespmem:s1+$0xFFFFFF20] =	vst v48  }
.LBB2_14:
0x207: {  	v40 =	vld [tilespmem:s13+$0x110];
	[tilespmem:s1+$0xFFFFFF30] =	vst v39;
	v9 =	vmul.f32 v9, v19;
	v13 =	vmul.f32 v13, v19;
	s2 =	sadd.s32 $0x40, s2  }
0x208: {  	s10 =	sadd.s32 $0x4, s10;
	v10 =	vmul.f32 v10, v26;
	v11 =	vmul.f32 v11, v26;
	v19 =	vld [tilespmem:s2+$0x10];
	[tilespmem:s1+$0xFFFFFF40] =	vst v38  }
0x209: {  	v12 =	vmul.f32 v12, v23;
	v14 =	vmul.f32 v14, v23;
	p0 =	slt.u32 s10, $0x4C;
	v26 =	vld [tilespmem:s2+$0xFFFFFFE0];
	[tilespmem:s1+$0xFFFFFF50] =	vst v36  }
0x20a: {  	v15 =	vmul.f32 v15, v22;
	v16 =	vmul.f32 v16, v22;
	v23 =	vld [tilespmem:s13+$0xFFFFFFF0];
	[tilespmem:s1+$0xFFFFFF70] =	vst v37  }
0x20b: {  	v17 =	vmul.f32 v17, v18;
	v18 =	vmul.f32 v20, v18;
	v22 =	vld [tilespmem:s2+$0xFFFFFFF0];
	[tilespmem:s1+$0xFFFFFF80] =	vst v34  }
0x20c: {  	v21 =	vmul.f32 v21, v8;
	v8 =	vmul.f32 v24, v8;
	v20 =	vld [tilespmem:s13+$0x80];
	[tilespmem:s1+$0xFFFFFF90] =	vst v35  }
0x20d: {  	v25 =	vmul.f32 v25, v7;
	v7 =	vmul.f32 v27, v7;
	v24 =	vld [tilespmem:s2+$0x0];
	v19 =	vadd.f32 v19, v40;
	[tilespmem:s1+$0xFFFFFFA0] =	vst v32  }
0x20e: {  	v28 =	vmul.f32 v28, v6;
	v29 =	vmul.f32 v29, v6;
	v27 =	vld [tilespmem:s13+$0xFFFFFF60];
	[tilespmem:s1+$0xFFFFFFB0] =	vst v33  }
0x20f: {  	v30 =	vmul.f32 v30, v5;
	v32 =	vld [tilespmem:s13+$0xFFFFFEE0];
	v6 =	vmul.f32 $2.000000030e-01, v19;
	[tilespmem:s1+$0xFFFFFFC0] =	vst v31  }
0x210: {  	vm1 =	vgt.f32 v19, $0.0e+00;
	v31 =	vld [tilespmem:s13+$0xFFFFFEF0];
	v5 =	vadd.f32 v22, v23;
	[tilespmem:s1+$0xFFFFFFD0] =	vst v9  }
0x211: {  	v33 =	vld [tilespmem:s13+$0xFFFFFF00];
	v6 =	vsel vm1, v19, v6;
	[tilespmem:s1+$0xFFFFFFE0] =	vst v13  }
0x212: {  	v34 =	vld [tilespmem:s13+$0xFFFFFF10];
	v9 =	vmul.f32 $2.000000030e-01, v5;
	v13 =	vadd.f32 v24, v20;
	v6 =	vmul.f32 $1.442695020e+00, v6;
	[tilespmem:s1+$0x0] =	vst v10  }
0x213: {  	vm1 =	vgt.f32 v5, $0.0e+00;
	v10 =	vadd.f32 v26, v27;
	v27 =	vld [tilespmem:s13+$0xFFFFFF20];
	[tilespmem:s1+$0x10] =	vst v11  }
0x214: {  	v35 =	vld [tilespmem:s13+$0xFFFFFF30];
	vm2 =	vgt.f32 v13, $0.0e+00;
	v11 =	vmul.f32 $2.000000030e-01, v13;
	(erf) = vpow2.f32 v6;
	[tilespmem:s1+$0x20] =	vst v12  }
0x215: {  	v5 =	vsel vm1, v5, v9;
	vm3 =	vgt.f32 v10, $0.0e+00;
	v6 =	vmul.f32 $2.000000030e-01, v10;
	v36 =	vld [tilespmem:s13+$0xFFFFFF40];
	[tilespmem:s1+$0x30] =	vst v14  }
0x216: {  	v5 =	vmul.f32 $1.442695020e+00, v5;
	v37 =	vld [tilespmem:s13+$0xFFFFFF50];
	v9 =	vsel vm2, v13, v11;
	[tilespmem:s1+$0x40] =	vst v15  }
0x217: {  	v6 =	vsel vm3, v10, v6;
	v40 =	vld [tilespmem:s13+$0xFFFFFF70];
	v9 =	vmul.f32 $1.442695020e+00, v9;
	[tilespmem:s1+$0x50] =	vst v16  }
0x218: {  	v6 =	vmul.f32 $1.442695020e+00, v6;
	v41 =	vld [tilespmem:s13+$0xFFFFFF80];
	(erf) = vpow2.f32 v5;
	[tilespmem:s1+$0x60] =	vst v17  }
0x219: {  	v42 =	vld [tilespmem:s13+$0xFFFFFF90];
	(erf) = vpow2.f32 v9;
	[tilespmem:s1+$0x70] =	vst v18  }
0x21a: {  	v43 =	vld [tilespmem:s13+$0xFFFFFFA0];
	(erf) = vpow2.f32 v6;
	[tilespmem:s1+$0x90] =	vst v21  }
0x21b: {  	v11 =	vld [tilespmem:s13+$0x100];
	[tilespmem:s1+$0xA0] =	vst v8  }
0x21c: {  	v44 =	vld [tilespmem:s13+$0xFFFFFFB0];
	[tilespmem:s1+$0xB0] =	vst v25  }
0x21d: {  	v45 =	vld [tilespmem:s13+$0xFFFFFFC0];
	v6 =	vpop (erf);
	[tilespmem:s1+$0xC0] =	vst v7  }
0x21e: {  	v9 =	vld [tilespmem:s13+$0xFFFFFFD0];
	v12 =	vnsel vm0, $0x0, v6;
	v8 =	vperm.xlane v6, v0;
	v5 =	vperm.xlane v6, v3;
	[tilespmem:s1+$0xD0] =	vst v28  }
0x21f: {  	v7 =	vperm.xlane v6, v1;
	v6 =	vperm.xlane v6, v2;
	v13 =	vld [tilespmem:s13+$0xFFFFFFE0];
	[tilespmem:s1+$0xE0] =	vst v29  }
0x220: {  	v10 =	vld [tilespmem:s13+$0x0];
	v14 =	vmul.f32 v11, v5;
	[tilespmem:s1+$0xF0] =	vst v30;
	s1 =	smov.u32 s13  }
0x221: {  	v11 =	vld [tilespmem:s13+$0x10];
	[tilespmem:s13+$0x110] =	vst v12;
	v15 =	vpop (erf)  }
0x222: {  	v17 =	vnsel vm0, $0x0, v15;
	v28 =	vperm.xlane v15, v0;
	v29 =	vperm.xlane v15, v1;
	v12 =	vld [tilespmem:s13+$0x20];
	[tilespmem:s13+$0x100] =	vst v14;
	v18 =	vpop (erf)  }
0x223: {  	v30 =	vperm.xlane v15, v2;
	v19 =	vperm.xlane v15, v3;
	[tilespmem:s13+$0xFFFFFFF0] =	vst v17;
	v15 =	vnsel vm0, $0x0, v18;
	v14 =	vld [tilespmem:s13+$0x30];
	v16 =	vpop (erf)  }
0x224: {  	v17 =	vnsel vm0, $0x0, v16;
	v21 =	vperm.xlane v16, v0;
	v24 =	vperm.xlane v16, v1;
	[tilespmem:s13+$0x80] =	vst v15;
	v15 =	vld [tilespmem:s13+$0x40]  }
0x225: {  	v25 =	vperm.xlane v16, v2;
	v46 =	vperm.xlane v16, v3;
	[tilespmem:s13+$0xFFFFFF60] =	vst v17;
	v16 =	vld [tilespmem:s13+$0x50]  }
0x226: {  	v26 =	vperm.xlane v18, v0;
	v23 =	vperm.xlane v18, v1;
	v17 =	vld [tilespmem:s13+$0x60]  }
0x227: {  	v22 =	vperm.xlane v18, v2;
	v18 =	vperm.xlane v18, v3;
	v20 =	vld [tilespmem:s13+$0x70]  }
0x228: {  	v32 =	vmul.f32 v32, v21;
	v31 =	vmul.f32 v31, v21;
	v21 =	vld [tilespmem:s13+$0x90]  }
0x229: {  	v33 =	vmul.f32 v33, v24;
	v47 =	vmul.f32 v34, v24;
	v24 =	vld [tilespmem:s13+$0xA0]  }
.Ltmp6:
0x22a: {  	v48 =	vmul.f32 v27, v25;
	v39 =	vmul.f32 v35, v25;
	[tilespmem:s13+$0xFFFFFEE0] =	vst v32;
	v25 =	vld [tilespmem:s13+$0xB0];
	(pc) =	sbr.rel @p0 .LBB2_14-.Ltmp6, $4  }
0x22b: {  	v38 =	vmul.f32 v36, v46;
	v36 =	vmul.f32 v37, v46;
	[tilespmem:s13+$0xFFFFFEF0] =	vst v31;
	v27 =	vld [tilespmem:s13+$0xC0]  }
0x22c: {  	v37 =	vmul.f32 v40, v28;
	v34 =	vmul.f32 v41, v28;
	[tilespmem:s13+$0xFFFFFF00] =	vst v33;
	v28 =	vld [tilespmem:s13+$0xD0]  }
0x22d: {  	v35 =	vmul.f32 v42, v29;
	v32 =	vmul.f32 v43, v29;
	[tilespmem:s13+$0xFFFFFF10] =	vst v47;
	v29 =	vld [tilespmem:s13+$0xE0]  }
0x22e: {  	v31 =	vmul.f32 v45, v30;
	v33 =	vmul.f32 v44, v30;
	s13 =	sadd.s32 $0x240, s13;
	[tilespmem:s1+$0xFFFFFF20] =	vst v48;
	v30 =	vld [tilespmem:s1+$0xF0]  }
0x22f: {  	[tilespmem:s1+$0xFFFFFF30] =	vst v39  }
0x230: {  	[tilespmem:s1+$0xFFFFFF40] =	vst v38  }
0x231: {  	[tilespmem:s1+$0xFFFFFF50] =	vst v36  }
0x232: {  	[tilespmem:s1+$0xFFFFFF70] =	vst v37  }
0x233: {  	[tilespmem:s1+$0xFFFFFF80] =	vst v34  }
0x234: {  	[tilespmem:s1+$0xFFFFFF90] =	vst v35  }
0x235: {  	[tilespmem:s1+$0xFFFFFFA0] =	vst v32  }
0x236: {  	v9 =	vmul.f32 v9, v19;
	[tilespmem:s1+$0xFFFFFFB0] =	vst v33  }
0x237: {  	v13 =	vmul.f32 v13, v19;
	[tilespmem:s1+$0xFFFFFFC0] =	vst v31  }
0x238: {  	v10 =	vmul.f32 v10, v26;
	[tilespmem:s1+$0xFFFFFFD0] =	vst v9  }
0x239: {  	v9 =	vmul.f32 v11, v26;
	[tilespmem:s1+$0xFFFFFFE0] =	vst v13  }
0x23a: {  	v11 =	vmul.f32 v12, v23;
	[tilespmem:s1+$0x0] =	vst v10  }
0x23b: {  	v10 =	vmul.f32 v14, v23;
	[tilespmem:s1+$0x10] =	vst v9  }
0x23c: {  	v9 =	vmul.f32 v15, v22;
	[tilespmem:s1+$0x20] =	vst v11  }
0x23d: {  	v11 =	vmul.f32 v16, v22;
	[tilespmem:s1+$0x30] =	vst v10  }
0x23e: {  	v10 =	vmul.f32 v17, v18;
	[tilespmem:s1+$0x40] =	vst v9  }
0x23f: {  	v5 =	vmul.f32 v30, v5;
	[tilespmem:s1+$0x50] =	vst v11  }
0x240: {  	v9 =	vmul.f32 v20, v18;
	[tilespmem:s1+$0x60] =	vst v10  }
0x241: {  	v11 =	vmul.f32 v21, v8;
	[tilespmem:s1+$0xF0] =	vst v5  }
0x242: {  	v8 =	vmul.f32 v24, v8;
	[tilespmem:s1+$0x70] =	vst v9  }
0x243: {  	v9 =	vmul.f32 v25, v7;
	[tilespmem:s1+$0x90] =	vst v11  }
0x244: {  	v7 =	vmul.f32 v27, v7;
	[tilespmem:s1+$0xA0] =	vst v8  }
0x245: {  	v8 =	vmul.f32 v28, v6;
	[tilespmem:s1+$0xB0] =	vst v9  }
0x246: {  	v6 =	vmul.f32 v29, v6;
	[tilespmem:s1+$0xC0] =	vst v7  }
0x247: {  	[tilespmem:s1+$0xD0] =	vst v8  }
0x248: {  	s16 =	simm.s32 $0x169E0;
	s26 =	simm.s32 $0xF;
	[tilespmem:s1+$0xE0] =	vst v6  }
0x249: {  	[spmem:s14] =	stream.indirect.scatter.add.f32 [tilespmem:s16], [sflag:$0xD], $0x90, s20, s25, $0xb8;
	v63 =	vld [tilespmem:$0x0]  }
0x24a: {  	_ =	swait.ge [sflag:s26], $0x2D00  }
0x24b: {  	[sflag:s26] =	ssyncset.done $0x0  }
0x24c: {  	[sflag:s26] =	ssyncadd.s32 $0xFFFFD300  }
0x24d: {  	_ =	swait.ge [sflag:s28], $0x2D00  }
0x24e: {  	[sflag:s28] =	ssyncset.done $0x0  }
0x24f: {  	[sflag:s28] =	ssyncadd.s32 $0xFFFFD300  }
0x250: {  	_ =	swait.ge [sflag:s11], $0x500  }
0x251: {  	[sflag:s11] =	ssyncset.done $0x0  }
0x252: {  	s1 =	simm.s32 $0x19910;
	[sflag:s11] =	ssyncadd.s32 $0xFFFFFB00  }
0x253: {  	s2 =	simm.s32 $0x1F610;
	v5 =	vld [tilespmem:s1+$0x0]  }
0x254: {  	v6 =	vld [tilespmem:s2+$0x0]  }
0x255: {  	v7 =	vld [tilespmem:s1+$0xFFFFFEE0]  }
0x256: {  	v8 =	vld [tilespmem:s2+$0xFFFFFFE0]  }
0x257: {  	v9 =	vld [tilespmem:s1+$0xFFFFFF70]  }
0x258: {  	v10 =	vld [tilespmem:s2+$0xFFFFFFF0]  }
0x259: {  	v11 =	vld [tilespmem:s2+$0xFFFFFFD0]  }
0x25a: {  	v21 =	vld [tilespmem:s1+$0xFFFFFDD0];
	v5 =	vadd.f32 v6, v5  }
0x25b: {  	v24 =	vld [tilespmem:s1+$0xFFFFFDE0]  }
0x25c: {  	v6 =	vld [tilespmem:s1+$0xFFFFFE50];
	v12 =	vmul.f32 $2.000000030e-01, v5  }
0x25d: {  	v25 =	vld [tilespmem:s1+$0xFFFFFDF0];
	v7 =	vadd.f32 v8, v7;
	vm1 =	vgt.f32 v5, $0.0e+00  }
0x25e: {  	v27 =	vld [tilespmem:s1+$0xFFFFFE00];
	v8 =	vadd.f32 v10, v9;
	v5 =	vsel vm1, v5, v12  }
0x25f: {  	v28 =	vld [tilespmem:s1+$0xFFFFFE10];
	v9 =	vmul.f32 $2.000000030e-01, v7;
	v5 =	vmul.f32 $1.442695020e+00, v5  }
0x260: {  	v29 =	vld [tilespmem:s1+$0xFFFFFE20];
	v10 =	vmul.f32 $2.000000030e-01, v8;
	vm1 =	vgt.f32 v7, $0.0e+00  }
0x261: {  	v30 =	vld [tilespmem:s1+$0xFFFFFE30];
	v6 =	vadd.f32 v11, v6;
	(erf) = vpow2.f32 v5;
	v5 =	vsel vm1, v7, v9  }
0x262: {  	v31 =	vld [tilespmem:s1+$0xFFFFFE40];
	vm2 =	vgt.f32 v8, $0.0e+00;
	v5 =	vmul.f32 $1.442695020e+00, v5  }
0x263: {  	v32 =	vld [tilespmem:s1+$0xFFFFFE60];
	v8 =	vsel vm2, v8, v10;
	v7 =	vmul.f32 $2.000000030e-01, v6  }
0x264: {  	v52 =	vld [tilespmem:s1+$0xFFFFFE70];
	v8 =	vmul.f32 $1.442695020e+00, v8;
	vm1 =	vgt.f32 v6, $0.0e+00;
	(erf) = vpow2.f32 v5  }
0x265: {  	v53 =	vld [tilespmem:s1+$0xFFFFFE80];
	v6 =	vsel vm1, v6, v7  }
0x266: {  	v40 =	vld [tilespmem:s1+$0xFFFFFE90];
	v5 =	vmul.f32 $1.442695020e+00, v6;
	(erf) = vpow2.f32 v8  }
0x267: {  	v41 =	vld [tilespmem:s1+$0xFFFFFEA0]  }
0x268: {  	v12 =	vld [tilespmem:s1+$0xFFFFFFF0];
	(erf) = vpow2.f32 v5  }
0x269: {  	v42 =	vld [tilespmem:s1+$0xFFFFFEB0]  }
0x26a: {  	v14 =	vld [tilespmem:s1+$0xFFFFFF20];
	v16 =	vpop (erf)  }
0x26b: {  	v13 =	vld [tilespmem:s1+$0xFFFFFED0];
	v5 =	vperm.xlane v16, v3  }
0x26c: {  	v10 =	vld [tilespmem:s1+$0xFFFFFEF0];
	v8 =	vperm.xlane v16, v0;
	v7 =	vperm.xlane v16, v1  }
0x26d: {  	v11 =	vld [tilespmem:s1+$0xFFFFFF00];
	v6 =	vperm.xlane v16, v2;
	v18 =	vpop (erf);
	v20 =	vmul.f32 v12, v5  }
0x26e: {  	v9 =	vld [tilespmem:s1+$0xFFFFFEC0];
	v43 =	vperm.xlane v18, v0;
	v44 =	vperm.xlane v18, v1  }
0x26f: {  	v17 =	vnsel vm0, $0x0, v16;
	v16 =	vld [tilespmem:s1+$0xFFFFFF40];
	v54 =	vpop (erf);
	v45 =	vperm.xlane v18, v2;
	v19 =	vperm.xlane v18, v3  }
0x270: {  	[tilespmem:s1+$0x0] =	vst v17;
	v17 =	vld [tilespmem:s1+$0xFFFFFF50];
	v26 =	vperm.xlane v54, v0;
	v23 =	vperm.xlane v54, v1  }
0x271: {  	v12 =	vld [tilespmem:s1+$0xFFFFFF10];
	v47 =	vnsel vm0, $0x0, v18;
	v55 =	vpop (erf);
	v22 =	vperm.xlane v54, v2;
	v18 =	vperm.xlane v54, v3  }
0x272: {  	v15 =	vnsel vm0, $0x0, v54;
	[tilespmem:s1+$0xFFFFFFF0] =	vst v20;
	v20 =	vld [tilespmem:s1+$0xFFFFFF60];
	v56 =	vperm.xlane v55, v0;
	v57 =	vperm.xlane v55, v1  }
0x273: {  	[tilespmem:s1+$0xFFFFFF70] =	vst v15;
	v15 =	vld [tilespmem:s1+$0xFFFFFF30];
	v58 =	vperm.xlane v55, v2;
	v46 =	vperm.xlane v55, v3  }
0x274: {  	[tilespmem:s1+$0xFFFFFEE0] =	vst v47;
	v59 =	vnsel vm0, $0x0, v55;
	v34 =	vmul.f32 v52, v43;
	v60 =	vmul.f32 v21, v56;
	v21 =	vld [tilespmem:s1+$0xFFFFFF80]  }
0x275: {  	v35 =	vmul.f32 v53, v44;
	[tilespmem:s1+$0xFFFFFE50] =	vst v59;
	v37 =	vmul.f32 v24, v56;
	v24 =	vld [tilespmem:s1+$0xFFFFFF90]  }
0x276: {  	v33 =	vmul.f32 v41, v45;
	v61 =	vmul.f32 v25, v57;
	v25 =	vld [tilespmem:s1+$0xFFFFFFA0];
	[tilespmem:s1+$0xFFFFFDD0] =	vst v60  }
0x277: {  	v62 =	vmul.f32 v27, v57;
	v48 =	vmul.f32 v28, v58;
	v27 =	vld [tilespmem:s1+$0xFFFFFFB0];
	[tilespmem:s1+$0xFFFFFDE0] =	vst v37  }
0x278: {  	v39 =	vmul.f32 v29, v58;
	v38 =	vmul.f32 v30, v46;
	v28 =	vld [tilespmem:s1+$0xFFFFFFC0];
	[tilespmem:s1+$0xFFFFFDF0] =	vst v61  }
0x279: {  	v36 =	vmul.f32 v31, v46;
	v29 =	vld [tilespmem:s1+$0xFFFFFFD0];
	v31 =	vmul.f32 v42, v45;
	[tilespmem:s1+$0xFFFFFE00] =	vst v62  }
0x27a: {  	s10 =	simm.s32 $0x0;
	s13 =	simm.s32 $0x19B50;
	v30 =	vld [tilespmem:s1+$0xFFFFFFE0];
	v37 =	vmul.f32 v32, v43;
	v32 =	vmul.f32 v40, v44;
	[tilespmem:s1+$0xFFFFFE10] =	vst v48  }
.LBB2_16:
0x27b: {  	v40 =	vld [tilespmem:s13+$0x0];
	[tilespmem:s1+$0xFFFFFE20] =	vst v39;
	v9 =	vmul.f32 v9, v19;
	v13 =	vmul.f32 v13, v19;
	s2 =	sadd.s32 $0x40, s2  }
0x27c: {  	s10 =	sadd.s32 $0x4, s10;
	v10 =	vmul.f32 v10, v26;
	v11 =	vmul.f32 v11, v26;
	v19 =	vld [tilespmem:s2+$0x0];
	[tilespmem:s1+$0xFFFFFE30] =	vst v38  }
0x27d: {  	v12 =	vmul.f32 v12, v23;
	v14 =	vmul.f32 v14, v23;
	p0 =	slt.u32 s10, $0x4C;
	v26 =	vld [tilespmem:s2+$0xFFFFFFD0];
	[tilespmem:s1+$0xFFFFFE40] =	vst v36  }
0x27e: {  	v15 =	vmul.f32 v15, v22;
	v16 =	vmul.f32 v16, v22;
	v23 =	vld [tilespmem:s13+$0xFFFFFEE0];
	[tilespmem:s1+$0xFFFFFE60] =	vst v37  }
0x27f: {  	v17 =	vmul.f32 v17, v18;
	v18 =	vmul.f32 v20, v18;
	v22 =	vld [tilespmem:s2+$0xFFFFFFE0];
	[tilespmem:s1+$0xFFFFFE70] =	vst v34  }
0x280: {  	v21 =	vmul.f32 v21, v8;
	v8 =	vmul.f32 v24, v8;
	v20 =	vld [tilespmem:s13+$0xFFFFFF70];
	[tilespmem:s1+$0xFFFFFE80] =	vst v35  }
0x281: {  	v25 =	vmul.f32 v25, v7;
	v7 =	vmul.f32 v27, v7;
	v24 =	vld [tilespmem:s2+$0xFFFFFFF0];
	v19 =	vadd.f32 v19, v40;
	[tilespmem:s1+$0xFFFFFE90] =	vst v32  }
0x282: {  	v28 =	vmul.f32 v28, v6;
	v29 =	vmul.f32 v29, v6;
	v27 =	vld [tilespmem:s13+$0xFFFFFE50];
	[tilespmem:s1+$0xFFFFFEA0] =	vst v33  }
0x283: {  	v30 =	vmul.f32 v30, v5;
	v32 =	vld [tilespmem:s13+$0xFFFFFDD0];
	v6 =	vmul.f32 $2.000000030e-01, v19;
	[tilespmem:s1+$0xFFFFFEB0] =	vst v31  }
0x284: {  	vm1 =	vgt.f32 v19, $0.0e+00;
	v31 =	vld [tilespmem:s13+$0xFFFFFDE0];
	v5 =	vadd.f32 v22, v23;
	[tilespmem:s1+$0xFFFFFEC0] =	vst v9  }
0x285: {  	v33 =	vld [tilespmem:s13+$0xFFFFFDF0];
	v6 =	vsel vm1, v19, v6;
	[tilespmem:s1+$0xFFFFFED0] =	vst v13  }
0x286: {  	v34 =	vld [tilespmem:s13+$0xFFFFFE00];
	v9 =	vmul.f32 $2.000000030e-01, v5;
	v13 =	vadd.f32 v24, v20;
	v6 =	vmul.f32 $1.442695020e+00, v6;
	[tilespmem:s1+$0xFFFFFEF0] =	vst v10  }
0x287: {  	vm1 =	vgt.f32 v5, $0.0e+00;
	v10 =	vadd.f32 v26, v27;
	v27 =	vld [tilespmem:s13+$0xFFFFFE10];
	[tilespmem:s1+$0xFFFFFF00] =	vst v11  }
0x288: {  	v35 =	vld [tilespmem:s13+$0xFFFFFE20];
	vm2 =	vgt.f32 v13, $0.0e+00;
	v11 =	vmul.f32 $2.000000030e-01, v13;
	(erf) = vpow2.f32 v6;
	[tilespmem:s1+$0xFFFFFF10] =	vst v12  }
0x289: {  	v5 =	vsel vm1, v5, v9;
	vm3 =	vgt.f32 v10, $0.0e+00;
	v6 =	vmul.f32 $2.000000030e-01, v10;
	v36 =	vld [tilespmem:s13+$0xFFFFFE30];
	[tilespmem:s1+$0xFFFFFF20] =	vst v14  }
0x28a: {  	v5 =	vmul.f32 $1.442695020e+00, v5;
	v37 =	vld [tilespmem:s13+$0xFFFFFE40];
	v9 =	vsel vm2, v13, v11;
	[tilespmem:s1+$0xFFFFFF30] =	vst v15  }
0x28b: {  	v6 =	vsel vm3, v10, v6;
	v40 =	vld [tilespmem:s13+$0xFFFFFE60];
	v9 =	vmul.f32 $1.442695020e+00, v9;
	[tilespmem:s1+$0xFFFFFF40] =	vst v16  }
0x28c: {  	v6 =	vmul.f32 $1.442695020e+00, v6;
	v41 =	vld [tilespmem:s13+$0xFFFFFE70];
	(erf) = vpow2.f32 v5;
	[tilespmem:s1+$0xFFFFFF50] =	vst v17  }
0x28d: {  	v42 =	vld [tilespmem:s13+$0xFFFFFE80];
	(erf) = vpow2.f32 v9;
	[tilespmem:s1+$0xFFFFFF60] =	vst v18  }
0x28e: {  	v43 =	vld [tilespmem:s13+$0xFFFFFE90];
	(erf) = vpow2.f32 v6;
	[tilespmem:s1+$0xFFFFFF80] =	vst v21  }
0x28f: {  	v11 =	vld [tilespmem:s13+$0xFFFFFFF0];
	[tilespmem:s1+$0xFFFFFF90] =	vst v8  }
0x290: {  	v44 =	vld [tilespmem:s13+$0xFFFFFEA0];
	[tilespmem:s1+$0xFFFFFFA0] =	vst v25  }
0x291: {  	v45 =	vld [tilespmem:s13+$0xFFFFFEB0];
	v6 =	vpop (erf);
	[tilespmem:s1+$0xFFFFFFB0] =	vst v7  }
0x292: {  	v9 =	vld [tilespmem:s13+$0xFFFFFEC0];
	v12 =	vnsel vm0, $0x0, v6;
	v8 =	vperm.xlane v6, v0;
	v5 =	vperm.xlane v6, v3;
	[tilespmem:s1+$0xFFFFFFC0] =	vst v28  }
0x293: {  	v7 =	vperm.xlane v6, v1;
	v6 =	vperm.xlane v6, v2;
	v13 =	vld [tilespmem:s13+$0xFFFFFED0];
	[tilespmem:s1+$0xFFFFFFD0] =	vst v29  }
0x294: {  	v10 =	vld [tilespmem:s13+$0xFFFFFEF0];
	v14 =	vmul.f32 v11, v5;
	[tilespmem:s1+$0xFFFFFFE0] =	vst v30;
	s1 =	smov.u32 s13  }
0x295: {  	v11 =	vld [tilespmem:s13+$0xFFFFFF00];
	[tilespmem:s13+$0x0] =	vst v12;
	v15 =	vpop (erf)  }
0x296: {  	v17 =	vnsel vm0, $0x0, v15;
	v28 =	vperm.xlane v15, v0;
	v29 =	vperm.xlane v15, v1;
	v12 =	vld [tilespmem:s13+$0xFFFFFF10];
	[tilespmem:s13+$0xFFFFFFF0] =	vst v14;
	v18 =	vpop (erf)  }
0x297: {  	v30 =	vperm.xlane v15, v2;
	v19 =	vperm.xlane v15, v3;
	[tilespmem:s13+$0xFFFFFEE0] =	vst v17;
	v15 =	vnsel vm0, $0x0, v18;
	v14 =	vld [tilespmem:s13+$0xFFFFFF20];
	v16 =	vpop (erf)  }
0x298: {  	v17 =	vnsel vm0, $0x0, v16;
	v21 =	vperm.xlane v16, v0;
	v24 =	vperm.xlane v16, v1;
	[tilespmem:s13+$0xFFFFFF70] =	vst v15;
	v15 =	vld [tilespmem:s13+$0xFFFFFF30]  }
0x299: {  	v25 =	vperm.xlane v16, v2;
	v46 =	vperm.xlane v16, v3;
	[tilespmem:s13+$0xFFFFFE50] =	vst v17;
	v16 =	vld [tilespmem:s13+$0xFFFFFF40]  }
0x29a: {  	v26 =	vperm.xlane v18, v0;
	v23 =	vperm.xlane v18, v1;
	v17 =	vld [tilespmem:s13+$0xFFFFFF50]  }
0x29b: {  	v22 =	vperm.xlane v18, v2;
	v18 =	vperm.xlane v18, v3;
	v20 =	vld [tilespmem:s13+$0xFFFFFF60]  }
0x29c: {  	v32 =	vmul.f32 v32, v21;
	v31 =	vmul.f32 v31, v21;
	v21 =	vld [tilespmem:s13+$0xFFFFFF80]  }
0x29d: {  	v33 =	vmul.f32 v33, v24;
	v47 =	vmul.f32 v34, v24;
	v24 =	vld [tilespmem:s13+$0xFFFFFF90]  }
.Ltmp7:
0x29e: {  	v48 =	vmul.f32 v27, v25;
	v39 =	vmul.f32 v35, v25;
	[tilespmem:s13+$0xFFFFFDD0] =	vst v32;
	v25 =	vld [tilespmem:s13+$0xFFFFFFA0];
	(pc) =	sbr.rel @p0 .LBB2_16-.Ltmp7, $4  }
0x29f: {  	v38 =	vmul.f32 v36, v46;
	v36 =	vmul.f32 v37, v46;
	[tilespmem:s13+$0xFFFFFDE0] =	vst v31;
	v27 =	vld [tilespmem:s13+$0xFFFFFFB0]  }
0x2a0: {  	v37 =	vmul.f32 v40, v28;
	v34 =	vmul.f32 v41, v28;
	[tilespmem:s13+$0xFFFFFDF0] =	vst v33;
	v28 =	vld [tilespmem:s13+$0xFFFFFFC0]  }
0x2a1: {  	v35 =	vmul.f32 v42, v29;
	v32 =	vmul.f32 v43, v29;
	[tilespmem:s13+$0xFFFFFE00] =	vst v47;
	v29 =	vld [tilespmem:s13+$0xFFFFFFD0]  }
0x2a2: {  	v31 =	vmul.f32 v45, v30;
	v33 =	vmul.f32 v44, v30;
	s13 =	sadd.s32 $0x240, s13;
	[tilespmem:s1+$0xFFFFFE10] =	vst v48;
	v30 =	vld [tilespmem:s1+$0xFFFFFFE0]  }
0x2a3: {  	[tilespmem:s1+$0xFFFFFE20] =	vst v39  }
0x2a4: {  	[tilespmem:s1+$0xFFFFFE30] =	vst v38  }
0x2a5: {  	[tilespmem:s1+$0xFFFFFE40] =	vst v36  }
0x2a6: {  	[tilespmem:s1+$0xFFFFFE60] =	vst v37  }
0x2a7: {  	[tilespmem:s1+$0xFFFFFE70] =	vst v34  }
0x2a8: {  	[tilespmem:s1+$0xFFFFFE80] =	vst v35  }
0x2a9: {  	[tilespmem:s1+$0xFFFFFE90] =	vst v32  }
0x2aa: {  	v9 =	vmul.f32 v9, v19;
	[tilespmem:s1+$0xFFFFFEA0] =	vst v33  }
0x2ab: {  	v13 =	vmul.f32 v13, v19;
	[tilespmem:s1+$0xFFFFFEB0] =	vst v31  }
0x2ac: {  	v10 =	vmul.f32 v10, v26;
	[tilespmem:s1+$0xFFFFFEC0] =	vst v9  }
0x2ad: {  	v52 =	vmul.f32 v11, v26;
	[tilespmem:s1+$0xFFFFFED0] =	vst v13  }
0x2ae: {  	v53 =	vmul.f32 v12, v23;
	[tilespmem:s1+$0xFFFFFEF0] =	vst v10  }
0x2af: {  	v54 =	vmul.f32 v14, v23;
	[tilespmem:s1+$0xFFFFFF00] =	vst v52  }
0x2b0: {  	v55 =	vmul.f32 v15, v22;
	[tilespmem:s1+$0xFFFFFF10] =	vst v53  }
0x2b1: {  	v56 =	vmul.f32 v16, v22;
	[tilespmem:s1+$0xFFFFFF20] =	vst v54  }
0x2b2: {  	v57 =	vmul.f32 v17, v18;
	[tilespmem:s1+$0xFFFFFF30] =	vst v55  }
0x2b3: {  	v58 =	vmul.f32 v20, v18;
	[tilespmem:s1+$0xFFFFFF40] =	vst v56  }
0x2b4: {  	v59 =	vmul.f32 v21, v8;
	[tilespmem:s1+$0xFFFFFF50] =	vst v57  }
0x2b5: {  	v60 =	vmul.f32 v24, v8;
	[tilespmem:s1+$0xFFFFFF60] =	vst v58  }
0x2b6: {  	v61 =	vmul.f32 v25, v7;
	[tilespmem:s1+$0xFFFFFF80] =	vst v59  }
0x2b7: {  	v7 =	vmul.f32 v27, v7;
	[tilespmem:s1+$0xFFFFFF90] =	vst v60  }
0x2b8: {  	v62 =	vmul.f32 v28, v6;
	[tilespmem:s1+$0xFFFFFFA0] =	vst v61  }
0x2b9: {  	v6 =	vmul.f32 v29, v6;
	[tilespmem:s1+$0xFFFFFFB0] =	vst v7  }
0x2ba: {  	v5 =	vmul.f32 v30, v5;
	[tilespmem:s1+$0xFFFFFFC0] =	vst v62  }
0x2bb: {  	[tilespmem:s1+$0xFFFFFFD0] =	vst v6  }
0x2bc: {  	s16 =	simm.s32 $0x196E0;
	[tilespmem:s1+$0xFFFFFFE0] =	vst v5  }
0x2bd: {  	[spmem:s14] =	stream.indirect.scatter.add.f32 [tilespmem:s16], [sflag:$0xE], $0x90, s22, s25, $0xb8;
	v63 =	vld [tilespmem:$0x0]  }
0x2be: {  	_ =	swait.ge [sflag:s15], $0x2D00  }
0x2bf: {  	[sflag:s15] =	ssyncset.done $0x0  }
0x2c0: {  	[sflag:s15] =	ssyncadd.s32 $0xFFFFD300  }
0x2c1: {  	_ =	swait.ge [sflag:s21], $0x2D00  }
0x2c2: {  	s26 =	stileid.u32;
	[sflag:s21] =	ssyncset.done $0x0  }
0x2c3: {  	s2 =	sadd.s32 $0x0, s18;
	s1 =	sshll.u32 s26, $0x6;
	[sflag:s21] =	ssyncadd.s32 $0xFFFFD300  }
0x2c4: {  	s10 =	sshrl.u32 s17, $0x3;
	s1 =	sor.u32 $0x1C10, s1;
	[bflag:$0x0] =	sbarrier.arrive $0xFFFF  }
0x2c5: {  	[hbm:s2], [sflag:s1] =	dma.local [spmem:s10], $0x240  }
0x2c6: {  	s2 =	simm.s32 $0x240;
	s10 =	sadd.s32 $0x1200, s17;
	_ =	swait.ge [sflag:s30], $0x240  }
.LBB2_18:
0x2c7: {  	s13 =	sadd.s32 s2, s18;
	[sflag:s30] =	ssyncset.done $0x0;
	p0 =	sne.s32 s2, $0x2AC0  }
.Ltmp8:
0x2c8: {  	s16 =	sshrl.u32 s10, $0x3;
	[sflag:s30] =	ssyncadd.s32 $0xFFFFFDC0;
	(pc) =	sbr.rel @p0 .LBB2_18-.Ltmp8, $3  }
0x2c9: {  	[hbm:s13], [sflag:s1] =	dma.local [spmem:s16], $0x240  }
0x2ca: {  	s2 =	sadd.s32 $0x240, s2;
	_ =	sdelay $0x1  }
0x2cb: {  	s10 =	sadd.s32 $0x1200, s10;
	_ =	swait.ge [sflag:s30], $0x240  }
0x2cc: {  	s2 =	rddreg [dreg:$0xc]  }
0x2cd: {  	s1 =	rddreg [dreg:$0xb];
	s2 =	sadd.s32 $0x1, s2  }
0x2ce: {  	p0 =	sne.s32 s2, s1  }
.Ltmp9:
0x2cf: {  	_ = 	snop;
	(pc) =	sbr.rel @p0 .LBB2_1-.Ltmp9, $3  }
0x2d0: {  	_ =	sdelay $0x1  }
0x2d1: {  	[sflag:s30] =	ssyncset.done $0x0  }
0x2d2: {  	[sflag:s30] =	ssyncadd.s32 $0xFFFFFDC0  }
0x2d3: {  	_ =	sfence.sel $0x180000  }
0x2d4: {  	[bflag:$0x0] =	sbarrier.arrive $0xFFFF  }
0x2d5: {  	_ =	strace $0x90000047  }
0x2d6: {  	s0 =	stileid.u32;
	[bflag:$0x2] =	sbarrier.arrive $0xFFFF  }
0x2d7: {  	p0 =	sne.s32 s0, $0x0;
	s0 =	rddreg [dreg:$0x3]  }
0x2d8: {  	s0 =	sadd.s32 @!p0 $0x100000, s0  }
0x2d9: {  	[sflag:s0] =	ssyncadd.tile.s32 @!p0 $0x1;
	_ =	shalt  }
.Lfunc_end2:
_tile_overlayer_lowered:
.L_overlay_start_2:
0x2da: {  	(tag) =	ssettag $0x2  }
0x2db: {  	s0 =	rddreg [dreg:$0x0];
	s2 =	stileid.u32  }
0x2dc: {  	s1 =	rddreg [dreg:$0x1];
	p0 =	sne.s32 s2, $0x0  }
0x2dd: {  	s3 =	rddreg [dreg:$0x2];
	[bflag:$0x3] =	sbarrier.arrive $0xFFFF;
	s2 =	simm.s32 @!p0 $0x1C10  }
0x2de: {  	[timem:s3], [sflag:s2] =	dma.local @!p0 [hbm:s0], s1  }
0x2df: {  	s0 =	simm.s32 @!p0 $0x10  }
0x2e0: {  	_ =	swait.ge @!p0 [sflag:s0], s1  }
0x2e1: {  	s1 =	ssub.s32 @!p0 $0x0, s1;
	[sflag:s0] =	ssyncset.done @!p0 $0x0  }
0x2e2: {  	[sflag:s0] =	ssyncadd.s32 @!p0 s1  }
0x2e3: {  	[bflag:$0x3] =	sbarrier.arrive $0xFFFF  }
0x2e4: {  	_ =	shalt  }

</sc_bundles>
